<compile_context>
chip_gen: v7x
topology: tpu7x:2x2x1
jax: 0.10.2.dev20260603
libtpu: 0.0.44.dev20260713+nightly
codegen_flags: <defaults>
</compile_context>

<pallas_src>
import functools

import jax
import jax.numpy as jnp
from jax import lax
from jax.experimental import pallas as pl
from jax.experimental.pallas import tpu as pltpu
from jax.experimental.pallas import tpu_sc as plsc

B = 16384
NHALF = 2
BH = B // NHALF
L = 30
TABLE = 640
HIDDEN = 256
W2 = 2 * TABLE
WP = TABLE
HT = TABLE // 2

NC, NS, LANES = 2, 16, 16
NW = NC * NS
ROWS_PER_W = BH // NW
CHUNK = 32
NCHUNK = ROWS_PER_W // CHUNK

B_BLK = 2048
NBLK = BH // B_BLK


def _sc_hist_body(idx_hbm, out_hbm, idx_v, cnt_a, cnt_b, sem_a, sem_b):
    wid = lax.axis_index("s") * NC + lax.axis_index("c")
    base = wid * ROWS_PER_W
    pltpu.sync_copy(idx_hbm.at[:, pl.ds(base * 1, ROWS_PER_W)], idx_v)

    iota16 = lax.broadcasted_iota(jnp.int32, (LANES,), 0)
    one = jnp.full((LANES,), 1, jnp.int32)
    hi_one = jnp.full((LANES,), 1 << 16, jnp.int32)
    zeros16 = jnp.zeros((LANES,), jnp.int32)

    def zero_buf(buf):
        n_per_row = WP // LANES
        unroll = 8

        def body(r, _):
            def inner(k, _):
                for u in range(unroll):
                    buf[r, pl.ds(k * (LANES * unroll) + u * LANES, LANES)] = zeros16
                return 0
            lax.fori_loop(0, n_per_row // unroll, inner, 0)
            return 0

        lax.fori_loop(0, CHUNK, body, 0)

    def scatter_chunk(buf, c):
        def body(l, _):
            val = jnp.where(l < L, one, hi_one)
            for j in range(CHUNK // LANES):
                rowvec = iota16 + j * LANES
                vec = idx_v[l, pl.ds(c * CHUNK + j * LANES, LANES)]
                plsc.addupdate_scatter(buf, [rowvec, vec], val)
            return 0

        lax.fori_loop(0, 2 * L, body, 0)

    pending = [None, None]
    for c in range(NCHUNK):
        buf, sem = (cnt_a, sem_a) if c % 2 == 0 else (cnt_b, sem_b)
        if pending[c % 2] is not None:
            pending[c % 2].wait()
        zero_buf(buf)
        scatter_chunk(buf, c)
        cp = pltpu.make_async_copy(
            buf, out_hbm.at[pl.ds(base + c * CHUNK, CHUNK), :], sem)
        cp.start()
        pending[c % 2] = cp
    pending[0].wait()
    pending[1].wait()


_sc_hist = functools.partial(
    pl.kernel,
    out_type=jax.ShapeDtypeStruct((BH, WP), jnp.int32),
    mesh=plsc.VectorSubcoreMesh(core_axis_name="c", subcore_axis_name="s"),
    compiler_params=pltpu.CompilerParams(needs_layout_passes=False),
    scratch_types=[
        pltpu.VMEM((2 * L, ROWS_PER_W), jnp.int32),
        pltpu.VMEM((CHUNK, WP), jnp.int32),
        pltpu.VMEM((CHUNK, WP), jnp.int32),
        pltpu.SemaphoreType.DMA,
        pltpu.SemaphoreType.DMA,
    ],
)(_sc_hist_body)


def _mlp_block(cnt_ref, wh_ref, wl_ref, fc2_wt_ref, fc2_b_ref,
               fc3_wt_ref, fc3_b_ref, fc4_wt_ref, fc4_b_ref, out_ref):
    cnt = cnt_ref[...]
    lhs0 = jnp.bitwise_and(cnt, 0xFFFF).astype(jnp.bfloat16)
    lhs1 = lax.shift_right_logical(cnt, 16).astype(jnp.bfloat16)
    sum0 = (jnp.dot(lhs0, wh_ref[0], preferred_element_type=jnp.float32)
            + jnp.dot(lhs0, wl_ref[0], preferred_element_type=jnp.float32))
    sum1 = (jnp.dot(lhs1, wh_ref[1], preferred_element_type=jnp.float32)
            + jnp.dot(lhs1, wl_ref[1], preferred_element_type=jnp.float32))
    h = jnp.concatenate([jnp.maximum(sum0, 0.0), jnp.maximum(sum1, 0.0)], axis=1)
    h = jnp.maximum(jnp.dot(h, fc2_wt_ref[...], preferred_element_type=jnp.float32)
                    + fc2_b_ref[...], 0.0)
    h = jnp.maximum(jnp.dot(h, fc3_wt_ref[...], preferred_element_type=jnp.float32)
                    + fc3_b_ref[...], 0.0)
    out = jnp.dot(h, fc4_wt_ref[...], preferred_element_type=jnp.float32) + fc4_b_ref[...]
    out_ref[...] = jnp.reshape(out, (1, 1, B_BLK))


def _mlp_half(counts, wh, wl, fc2_wt, fc2_b, fc3_wt, fc3_b, fc4_wt, fc4_b):
    out = pl.pallas_call(
        _mlp_block,
        grid=(NBLK,),
        in_specs=[
            pl.BlockSpec((B_BLK, WP), lambda i: (i, 0)),
            pl.BlockSpec((2, TABLE, HIDDEN), lambda i: (0, 0, 0)),
            pl.BlockSpec((2, TABLE, HIDDEN), lambda i: (0, 0, 0)),
            pl.BlockSpec((2 * HIDDEN, 32), lambda i: (0, 0)),
            pl.BlockSpec((1, 32), lambda i: (0, 0)),
            pl.BlockSpec((32, 32), lambda i: (0, 0)),
            pl.BlockSpec((1, 32), lambda i: (0, 0)),
            pl.BlockSpec((32, 1), lambda i: (0, 0)),
            pl.BlockSpec((1, 1), lambda i: (0, 0)),
        ],
        out_specs=pl.BlockSpec((1, 1, B_BLK), lambda i: (i, 0, 0)),
        out_shape=jax.ShapeDtypeStruct((NBLK, 1, B_BLK), jnp.float32),
    )(counts, wh, wl, fc2_wt, fc2_b, fc3_wt, fc3_b, fc4_wt, fc4_b)
    return out.reshape(BH)


@jax.jit
def kernel(idx0_batch, idx1_batch, w1, fc2_w, fc2_b, fc3_w, fc3_b, fc4_w, fc4_b):
    idx_t = jnp.concatenate([idx0_batch, idx1_batch], axis=1).T
    w_hi = w1.astype(jnp.bfloat16)
    w_lo = (w1 - w_hi.astype(jnp.float32)).astype(jnp.bfloat16)
    fc2_wt = fc2_w.T
    fc2_bb = fc2_b.reshape(1, 32)
    fc3_wt = fc3_w.T
    fc3_bb = fc3_b.reshape(1, 32)
    fc4_wt = fc4_w.T
    fc4_bb = fc4_b.reshape(1, 1)
    outs = []
    for hf in range(NHALF):
        counts = _sc_hist(idx_t[:, hf * BH:(hf + 1) * BH])
        outs.append(_mlp_half(counts, w_hi, w_lo, fc2_wt, fc2_bb,
                              fc3_wt, fc3_bb, fc4_wt, fc4_bb))
    return jnp.concatenate(outs)

# --- scband reference (transcript-rebuilt; emitter-appended) ---
"""Pipeline reference for scband-half-kp-nnue-2774548873840 (READ-ONLY COPY).

The authoritative reference and input builder live on the scoring server;
editing this copy changes nothing except your own understanding.
"""

import jax, jax.numpy as jnp
import numpy as np

HIDDEN_SIZE = 256
MLP_HIDDEN = 32
TABLE_SIZE = 64 * 10


def setup_inputs(seed: int = 0) -> dict:
    key = jax.random.key(seed)
    k_idx0, k_idx1, k_w1, k_fc2w, k_fc2b, k_fc3w, k_fc3b, k_fc4w, k_fc4b = jax.random.split(key, 9)
    B, L = 16384, 30
    idx0_batch = jax.random.randint(k_idx0, (B, L), 0, TABLE_SIZE, dtype=jnp.int64 if jax.config.jax_enable_x64 else jnp.int32).astype(jnp.int32)
    idx1_batch = jax.random.randint(k_idx1, (B, L), 0, TABLE_SIZE, dtype=jnp.int32)
    w1 = jax.random.normal(k_w1, (2, TABLE_SIZE, HIDDEN_SIZE), dtype=jnp.float32) * 0.01
    # nn.Linear default init: uniform(-1/sqrt(fan_in), 1/sqrt(fan_in))
    b2 = 1.0 / np.sqrt(2 * HIDDEN_SIZE)
    fc2_w = jax.random.uniform(k_fc2w, (MLP_HIDDEN, 2 * HIDDEN_SIZE), minval=-b2, maxval=b2, dtype=jnp.float32)
    fc2_b = jax.random.uniform(k_fc2b, (MLP_HIDDEN,), minval=-b2, maxval=b2, dtype=jnp.float32)
    b3 = 1.0 / np.sqrt(MLP_HIDDEN)
    fc3_w = jax.random.uniform(k_fc3w, (MLP_HIDDEN, MLP_HIDDEN), minval=-b3, maxval=b3, dtype=jnp.float32)
    fc3_b = jax.random.uniform(k_fc3b, (MLP_HIDDEN,), minval=-b3, maxval=b3, dtype=jnp.float32)
    b4 = 1.0 / np.sqrt(MLP_HIDDEN)
    fc4_w = jax.random.uniform(k_fc4w, (1, MLP_HIDDEN), minval=-b4, maxval=b4, dtype=jnp.float32)
    fc4_b = jax.random.uniform(k_fc4b, (1,), minval=-b4, maxval=b4, dtype=jnp.float32)
    return {"idx0_batch": idx0_batch, "idx1_batch": idx1_batch, "w1": w1,
            "fc2_w": fc2_w, "fc2_b": fc2_b, "fc3_w": fc3_w, "fc3_b": fc3_b,
            "fc4_w": fc4_w, "fc4_b": fc4_b}


def reference(idx0_batch, idx1_batch, w1, fc2_w, fc2_b, fc3_w, fc3_b, fc4_w, fc4_b):
    # one_hot(idx) @ w1[i] is mathematically identical to an embedding gather
    emb0 = jnp.take(w1[0], idx0_batch, axis=0)  # [B, L, H]
    emb1 = jnp.take(w1[1], idx1_batch, axis=0)  # [B, L, H]
    sum0 = emb0.sum(axis=1)  # [B, H]
    sum1 = emb1.sum(axis=1)  # [B, H]
    h = jnp.concatenate([jnp.clip(sum0, 0.0, None), jnp.clip(sum1, 0.0, None)], axis=1)
    h = jax.nn.relu(h @ fc2_w.T + fc2_b)
    h = jax.nn.relu(h @ fc3_w.T + fc3_b)
    out = h @ fc4_w.T + fc4_b  # [B, 1]
    return out.squeeze(-1)

if __name__ == "__main__":
    import jax
    _d = setup_inputs()
    print(jax.jit(kernel)(*tuple(_d.values())))

</pallas_src>

<mosaic_0001>
#map = affine_map<(d0, d1) -> (0, 0)>
module attributes {stable_mosaic.version = 14 : i64} {
  func.func @_sc_hist_body(%arg0: i32, %arg1: i32, %arg2: memref<60x8192xi32, #tpu.memory_space<hbm>>, %arg3: memref<8192x640xi32, #tpu.memory_space<hbm>>, %arg4: memref<60x256xi32, #tpu.memory_space<vmem>>, %arg5: memref<32x640xi32, #tpu.memory_space<vmem>>, %arg6: memref<32x640xi32, #tpu.memory_space<vmem>>, %arg7: memref<!tpu.dma_semaphore, #tpu.memory_space<semaphore_mem>>, %arg8: memref<!tpu.dma_semaphore, #tpu.memory_space<semaphore_mem>>) attributes {dimension_semantics = [#tpu.dimension_semantics<core_parallel>, #tpu.dimension_semantics<subcore_parallel>], iteration_bounds = array<i64: 2, 16>, scalar_prefetch = 0 : i64, scratch_operands = 5 : i64, tpu.core_type = #tpu.core_type<sc_vector_subcore>, window_params = [{transform_indices = #map}, {transform_indices = #map}]} {
    %mul3A = arith.constant 2 : i32
    %mul3A_0 = arith.muli %arg1, %mul3A : i32
    %add3A = arith.addi %mul3A_0, %arg0 : i32
    %mul3A_1 = arith.constant 256 : i32
    %mul3A_2 = arith.muli %add3A, %mul3A_1 : i32
    %mul3A_3 = arith.constant 1 : i32
    %mul3A_4 = arith.muli %mul3A_2, %mul3A_3 : i32
    "tpu.region"() ({
      %run_scoped3A = tpu.sem_alloc : memref<!tpu.dma_semaphore, #tpu.memory_space<semaphore_mem>>
      %dma_start3A_199 = arith.constant 0 : i32
      %dma_start3A_200 = tpu.memref_slice %arg2[%dma_start3A_199, %mul3A_4] : memref<60x8192xi32, #tpu.memory_space<hbm>> -> memref<60x256xi32, #tpu.memory_space<hbm>>
      %dma_start3A_201 = arith.constant 0 : i32
      %dma_start3A_202 = tpu.memref_slice %arg2[%dma_start3A_201, %mul3A_4] : memref<60x8192xi32, #tpu.memory_space<hbm>> -> memref<60x256xi32, #tpu.memory_space<hbm>>
      tpu.enqueue_dma source(%dma_start3A_202 : memref<60x256xi32, #tpu.memory_space<hbm>>) target(%arg4 : memref<60x256xi32, #tpu.memory_space<vmem>>) target_semaphore(%run_scoped3A : memref<!tpu.dma_semaphore, #tpu.memory_space<semaphore_mem>>)
      %dma_wait3A_203 = arith.constant 0 : i32
      %dma_wait3A_204 = tpu.memref_slice %arg2[%dma_wait3A_203, %mul3A_4] : memref<60x8192xi32, #tpu.memory_space<hbm>> -> memref<60x256xi32, #tpu.memory_space<hbm>>
      %dma_wait3A_205 = arith.constant 0 : i32
      %dma_wait3A_206 = tpu.memref_slice %arg2[%dma_wait3A_205, %mul3A_4] : memref<60x8192xi32, #tpu.memory_space<hbm>> -> memref<60x256xi32, #tpu.memory_space<hbm>>
      tpu.wait_dma2 semaphore(%run_scoped3A : memref<!tpu.dma_semaphore, #tpu.memory_space<semaphore_mem>>) src(%dma_wait3A_206 : memref<60x256xi32, #tpu.memory_space<hbm>>) dst(%arg4 : memref<60x256xi32, #tpu.memory_space<vmem>>)
      tpu.yield
    }) : () -> ()
    %iota3A = tpu.iota {dimensions = array<i32: 0>} : vector<16xi32>
    %broadcast_in_dim3A = arith.constant 1 : i32
    %broadcast_in_dim3A_5 = vector.broadcast %broadcast_in_dim3A : i32 to vector<16xi32>
    %broadcast_in_dim3A_6 = arith.constant 65536 : i32
    %broadcast_in_dim3A_7 = vector.broadcast %broadcast_in_dim3A_6 : i32 to vector<16xi32>
    %broadcast_in_dim3A_8 = arith.constant 0 : i32
    %broadcast_in_dim3A_9 = vector.broadcast %broadcast_in_dim3A_8 : i32 to vector<16xi32>
    %scan3A = arith.constant 0 : i32
    %scan3A_10 = arith.constant 0 : i32
    %scan3A_11 = arith.constant 32 : i32
    %scan3A_12 = arith.addi %scan3A_10, %scan3A_11 : i32
    %scan3A_13 = arith.constant 1 : i32
    %scan3A_14 = scf.for %scan3A_199 = %scan3A_10 to %scan3A_12 step %scan3A_13 iter_args(%scan3A_200 = %scan3A) -> (i32)  : i32 {
      %scan3A_201 = arith.constant 0 : i32
      %scan3A_202 = arith.constant 0 : i32
      %scan3A_203 = arith.constant 5 : i32
      %scan3A_204 = arith.addi %scan3A_202, %scan3A_203 : i32
      %scan3A_205 = arith.constant 1 : i32
      %scan3A_206 = scf.for %scan3A_209 = %scan3A_202 to %scan3A_204 step %scan3A_205 iter_args(%scan3A_210 = %scan3A_201) -> (i32)  : i32 {
        %mul3A_211 = arith.constant 128 : i32
        %mul3A_212 = arith.muli %scan3A_209, %mul3A_211 : i32
        %add3A_213 = arith.constant 0 : i32
        %add3A_214 = arith.addi %mul3A_212, %add3A_213 : i32
        %swap3A = arith.index_cast %scan3A_199 : i32 to index
        %swap3A_215 = arith.index_cast %add3A_214 : i32 to index
        %swap3A_216 = tpu.vector_load %arg5[%swap3A, %swap3A_215] {strides = array<i32>} : memref<32x640xi32, #tpu.memory_space<vmem>>, vector<16xi32>,
        tpu.vector_store %arg5[%swap3A, %swap3A_215], %broadcast_in_dim3A_9 {strides = array<i32>} : memref<32x640xi32, #tpu.memory_space<vmem>>, vector<16xi32>,
        %mul3A_217 = arith.constant 128 : i32
        %mul3A_218 = arith.muli %scan3A_209, %mul3A_217 : i32
        %add3A_219 = arith.constant 16 : i32
        %add3A_220 = arith.addi %mul3A_218, %add3A_219 : i32
        %swap3A_221 = arith.index_cast %scan3A_199 : i32 to index
        %swap3A_222 = arith.index_cast %add3A_220 : i32 to index
        %swap3A_223 = tpu.vector_load %arg5[%swap3A_221, %swap3A_222] {strides = array<i32>} : memref<32x640xi32, #tpu.memory_space<vmem>>, vector<16xi32>,
        tpu.vector_store %arg5[%swap3A_221, %swap3A_222], %broadcast_in_dim3A_9 {strides = array<i32>} : memref<32x640xi32, #tpu.memory_space<vmem>>, vector<16xi32>,
        %mul3A_224 = arith.constant 128 : i32
        %mul3A_225 = arith.muli %scan3A_209, %mul3A_224 : i32
        %add3A_226 = arith.constant 32 : i32
        %add3A_227 = arith.addi %mul3A_225, %add3A_226 : i32
        %swap3A_228 = arith.index_cast %scan3A_199 : i32 to index
        %swap3A_229 = arith.index_cast %add3A_227 : i32 to index
        %swap3A_230 = tpu.vector_load %arg5[%swap3A_228, %swap3A_229] {strides = array<i32>} : memref<32x640xi32, #tpu.memory_space<vmem>>, vector<16xi32>,
        tpu.vector_store %arg5[%swap3A_228, %swap3A_229], %broadcast_in_dim3A_9 {strides = array<i32>} : memref<32x640xi32, #tpu.memory_space<vmem>>, vector<16xi32>,
        %mul3A_231 = arith.constant 128 : i32
        %mul3A_232 = arith.muli %scan3A_209, %mul3A_231 : i32
        %add3A_233 = arith.constant 48 : i32
        %add3A_234 = arith.addi %mul3A_232, %add3A_233 : i32
        %swap3A_235 = arith.index_cast %scan3A_199 : i32 to index
        %swap3A_236 = arith.index_cast %add3A_234 : i32 to index
        %swap3A_237 = tpu.vector_load %arg5[%swap3A_235, %swap3A_236] {strides = array<i32>} : memref<32x640xi32, #tpu.memory_space<vmem>>, vector<16xi32>,
        tpu.vector_store %arg5[%swap3A_235, %swap3A_236], %broadcast_in_dim3A_9 {strides = array<i32>} : memref<32x640xi32, #tpu.memory_space<vmem>>, vector<16xi32>,
        %mul3A_238 = arith.constant 128 : i32
        %mul3A_239 = arith.muli %scan3A_209, %mul3A_238 : i32
        %add3A_240 = arith.constant 64 : i32
        %add3A_241 = arith.addi %mul3A_239, %add3A_240 : i32
        %swap3A_242 = arith.index_cast %scan3A_199 : i32 to index
        %swap3A_243 = arith.index_cast %add3A_241 : i32 to index
        %swap3A_244 = tpu.vector_load %arg5[%swap3A_242, %swap3A_243] {strides = array<i32>} : memref<32x640xi32, #tpu.memory_space<vmem>>, vector<16xi32>,
        tpu.vector_store %arg5[%swap3A_242, %swap3A_243], %broadcast_in_dim3A_9 {strides = array<i32>} : memref<32x640xi32, #tpu.memory_space<vmem>>, vector<16xi32>,
        %mul3A_245 = arith.constant 128 : i32
        %mul3A_246 = arith.muli %scan3A_209, %mul3A_245 : i32
        %add3A_247 = arith.constant 80 : i32
        %add3A_248 = arith.addi %mul3A_246, %add3A_247 : i32
        %swap3A_249 = arith.index_cast %scan3A_199 : i32 to index
        %swap3A_250 = arith.index_cast %add3A_248 : i32 to index
        %swap3A_251 = tpu.vector_load %arg5[%swap3A_249, %swap3A_250] {strides = array<i32>} : memref<32x640xi32, #tpu.memory_space<vmem>>, vector<16xi32>,
        tpu.vector_store %arg5[%swap3A_249, %swap3A_250], %broadcast_in_dim3A_9 {strides = array<i32>} : memref<32x640xi32, #tpu.memory_space<vmem>>, vector<16xi32>,
        %mul3A_252 = arith.constant 128 : i32
        %mul3A_253 = arith.muli %scan3A_209, %mul3A_252 : i32
        %add3A_254 = arith.constant 96 : i32
        %add3A_255 = arith.addi %mul3A_253, %add3A_254 : i32
        %swap3A_256 = arith.index_cast %scan3A_199 : i32 to index
        %swap3A_257 = arith.index_cast %add3A_255 : i32 to index
        %swap3A_258 = tpu.vector_load %arg5[%swap3A_256, %swap3A_257] {strides = array<i32>} : memref<32x640xi32, #tpu.memory_space<vmem>>, vector<16xi32>,
        tpu.vector_store %arg5[%swap3A_256, %swap3A_257], %broadcast_in_dim3A_9 {strides = array<i32>} : memref<32x640xi32, #tpu.memory_space<vmem>>, vector<16xi32>,
        %mul3A_259 = arith.constant 128 : i32
        %mul3A_260 = arith.muli %scan3A_209, %mul3A_259 : i32
        %add3A_261 = arith.constant 112 : i32
        %add3A_262 = arith.addi %mul3A_260, %add3A_261 : i32
        %swap3A_263 = arith.index_cast %scan3A_199 : i32 to index
        %swap3A_264 = arith.index_cast %add3A_262 : i32 to index
        %swap3A_265 = tpu.vector_load %arg5[%swap3A_263, %swap3A_264] {strides = array<i32>} : memref<32x640xi32, #tpu.memory_space<vmem>>, vector<16xi32>,
        tpu.vector_store %arg5[%swap3A_263, %swap3A_264], %broadcast_in_dim3A_9 {strides = array<i32>} : memref<32x640xi32, #tpu.memory_space<vmem>>, vector<16xi32>,
        %scan3A_266 = arith.constant 0 : i32
        scf.yield %scan3A_266 : i32
      }
      %scan3A_207 = arith.constant 5 : i32
      %scan3A_208 = arith.constant 0 : i32
      scf.yield %scan3A_208 : i32
    }
    %scan3A_15 = arith.constant 32 : i32
    %scan3A_16 = arith.constant 0 : i32
    %scan3A_17 = arith.constant 0 : i32
    %scan3A_18 = arith.constant 60 : i32
    %scan3A_19 = arith.addi %scan3A_17, %scan3A_18 : i32
    %scan3A_20 = arith.constant 1 : i32
    %scan3A_21 = scf.for %scan3A_199 = %scan3A_17 to %scan3A_19 step %scan3A_20 iter_args(%scan3A_200 = %scan3A_16) -> (i32)  : i32 {
      %lt3A = arith.constant 30 : i32
      %lt3A_201 = arith.cmpi slt, %scan3A_199, %lt3A : i32
      %select_n3A = arith.select %lt3A_201, %broadcast_in_dim3A_5, %broadcast_in_dim3A_7 : vector<16xi32>
      %add3A_202 = arith.constant 0 : i32
      %add3A_203 = vector.broadcast %add3A_202 : i32 to vector<16xi32>
      %add3A_204 = arith.addi %iota3A, %add3A_203 : vector<16xi32>
      %get3A = arith.index_cast %scan3A_199 : i32 to index
      %get3A_205 = arith.constant 0 : index
      %get3A_206 = tpu.vector_load %arg4[%get3A, %get3A_205] {strides = array<i32>} : memref<60x256xi32, #tpu.memory_space<vmem>>, vector<16xi32>,
      tpu.vector_store_idx %arg5[%add3A_204, %get3A_206], %select_n3A {add = true} : memref<32x640xi32, #tpu.memory_space<vmem>>[vector<16xi32>, vector<16xi32>], vector<16xi32>,
      %add3A_207 = arith.constant 16 : i32
      %add3A_208 = vector.broadcast %add3A_207 : i32 to vector<16xi32>
      %add3A_209 = arith.addi %iota3A, %add3A_208 : vector<16xi32>
      %get3A_210 = arith.index_cast %scan3A_199 : i32 to index
      %get3A_211 = arith.constant 16 : index
      %get3A_212 = tpu.vector_load %arg4[%get3A_210, %get3A_211] {strides = array<i32>} : memref<60x256xi32, #tpu.memory_space<vmem>>, vector<16xi32>,
      tpu.vector_store_idx %arg5[%add3A_209, %get3A_212], %select_n3A {add = true} : memref<32x640xi32, #tpu.memory_space<vmem>>[vector<16xi32>, vector<16xi32>], vector<16xi32>,
      %scan3A_213 = arith.constant 0 : i32
      scf.yield %scan3A_213 : i32
    }
    %scan3A_22 = arith.constant 60 : i32
    %add3A_23 = arith.constant 0 : i32
    %add3A_24 = arith.addi %mul3A_2, %add3A_23 : i32
    %dma_start3A = arith.constant 0 : i32
    %dma_start3A_25 = tpu.memref_slice %arg3[%add3A_24, %dma_start3A] : memref<8192x640xi32, #tpu.memory_space<hbm>> -> memref<32x640xi32, #tpu.memory_space<hbm>>
    %dma_start3A_26 = arith.constant 0 : i32
    %dma_start3A_27 = tpu.memref_slice %arg3[%add3A_24, %dma_start3A_26] : memref<8192x640xi32, #tpu.memory_space<hbm>> -> memref<32x640xi32, #tpu.memory_space<hbm>>
    tpu.enqueue_dma source(%arg5 : memref<32x640xi32, #tpu.memory_space<vmem>>) target(%dma_start3A_27 : memref<32x640xi32, #tpu.memory_space<hbm>>) target_semaphore(%arg7 : memref<!tpu.dma_semaphore, #tpu.memory_space<semaphore_mem>>)
    %scan3A_28 = arith.constant 0 : i32
    %scan3A_29 = arith.constant 0 : i32
    %scan3A_30 = arith.constant 32 : i32
    %scan3A_31 = arith.addi %scan3A_29, %scan3A_30 : i32
    %scan3A_32 = arith.constant 1 : i32
    %scan3A_33 = scf.for %scan3A_199 = %scan3A_29 to %scan3A_31 step %scan3A_32 iter_args(%scan3A_200 = %scan3A_28) -> (i32)  : i32 {
      %scan3A_201 = arith.constant 0 : i32
      %scan3A_202 = arith.constant 0 : i32
      %scan3A_203 = arith.constant 5 : i32
      %scan3A_204 = arith.addi %scan3A_202, %scan3A_203 : i32
      %scan3A_205 = arith.constant 1 : i32
      %scan3A_206 = scf.for %scan3A_209 = %scan3A_202 to %scan3A_204 step %scan3A_205 iter_args(%scan3A_210 = %scan3A_201) -> (i32)  : i32 {
        %mul3A_211 = arith.constant 128 : i32
        %mul3A_212 = arith.muli %scan3A_209, %mul3A_211 : i32
        %add3A_213 = arith.constant 0 : i32
        %add3A_214 = arith.addi %mul3A_212, %add3A_213 : i32
        %swap3A = arith.index_cast %scan3A_199 : i32 to index
        %swap3A_215 = arith.index_cast %add3A_214 : i32 to index
        %swap3A_216 = tpu.vector_load %arg6[%swap3A, %swap3A_215] {strides = array<i32>} : memref<32x640xi32, #tpu.memory_space<vmem>>, vector<16xi32>,
        tpu.vector_store %arg6[%swap3A, %swap3A_215], %broadcast_in_dim3A_9 {strides = array<i32>} : memref<32x640xi32, #tpu.memory_space<vmem>>, vector<16xi32>,
        %mul3A_217 = arith.constant 128 : i32
        %mul3A_218 = arith.muli %scan3A_209, %mul3A_217 : i32
        %add3A_219 = arith.constant 16 : i32
        %add3A_220 = arith.addi %mul3A_218, %add3A_219 : i32
        %swap3A_221 = arith.index_cast %scan3A_199 : i32 to index
        %swap3A_222 = arith.index_cast %add3A_220 : i32 to index
        %swap3A_223 = tpu.vector_load %arg6[%swap3A_221, %swap3A_222] {strides = array<i32>} : memref<32x640xi32, #tpu.memory_space<vmem>>, vector<16xi32>,
        tpu.vector_store %arg6[%swap3A_221, %swap3A_222], %broadcast_in_dim3A_9 {strides = array<i32>} : memref<32x640xi32, #tpu.memory_space<vmem>>, vector<16xi32>,
        %mul3A_224 = arith.constant 128 : i32
        %mul3A_225 = arith.muli %scan3A_209, %mul3A_224 : i32
        %add3A_226 = arith.constant 32 : i32
        %add3A_227 = arith.addi %mul3A_225, %add3A_226 : i32
        %swap3A_228 = arith.index_cast %scan3A_199 : i32 to index
        %swap3A_229 = arith.index_cast %add3A_227 : i32 to index
        %swap3A_230 = tpu.vector_load %arg6[%swap3A_228, %swap3A_229] {strides = array<i32>} : memref<32x640xi32, #tpu.memory_space<vmem>>, vector<16xi32>,
        tpu.vector_store %arg6[%swap3A_228, %swap3A_229], %broadcast_in_dim3A_9 {strides = array<i32>} : memref<32x640xi32, #tpu.memory_space<vmem>>, vector<16xi32>,
        %mul3A_231 = arith.constant 128 : i32
        %mul3A_232 = arith.muli %scan3A_209, %mul3A_231 : i32
        %add3A_233 = arith.constant 48 : i32
        %add3A_234 = arith.addi %mul3A_232, %add3A_233 : i32
        %swap3A_235 = arith.index_cast %scan3A_199 : i32 to index
        %swap3A_236 = arith.index_cast %add3A_234 : i32 to index
        %swap3A_237 = tpu.vector_load %arg6[%swap3A_235, %swap3A_236] {strides = array<i32>} : memref<32x640xi32, #tpu.memory_space<vmem>>, vector<16xi32>,
        tpu.vector_store %arg6[%swap3A_235, %swap3A_236], %broadcast_in_dim3A_9 {strides = array<i32>} : memref<32x640xi32, #tpu.memory_space<vmem>>, vector<16xi32>,
        %mul3A_238 = arith.constant 128 : i32
        %mul3A_239 = arith.muli %scan3A_209, %mul3A_238 : i32
        %add3A_240 = arith.constant 64 : i32
        %add3A_241 = arith.addi %mul3A_239, %add3A_240 : i32
        %swap3A_242 = arith.index_cast %scan3A_199 : i32 to index
        %swap3A_243 = arith.index_cast %add3A_241 : i32 to index
        %swap3A_244 = tpu.vector_load %arg6[%swap3A_242, %swap3A_243] {strides = array<i32>} : memref<32x640xi32, #tpu.memory_space<vmem>>, vector<16xi32>,
        tpu.vector_store %arg6[%swap3A_242, %swap3A_243], %broadcast_in_dim3A_9 {strides = array<i32>} : memref<32x640xi32, #tpu.memory_space<vmem>>, vector<16xi32>,
        %mul3A_245 = arith.constant 128 : i32
        %mul3A_246 = arith.muli %scan3A_209, %mul3A_245 : i32
        %add3A_247 = arith.constant 80 : i32
        %add3A_248 = arith.addi %mul3A_246, %add3A_247 : i32
        %swap3A_249 = arith.index_cast %scan3A_199 : i32 to index
        %swap3A_250 = arith.index_cast %add3A_248 : i32 to index
        %swap3A_251 = tpu.vector_load %arg6[%swap3A_249, %swap3A_250] {strides = array<i32>} : memref<32x640xi32, #tpu.memory_space<vmem>>, vector<16xi32>,
        tpu.vector_store %arg6[%swap3A_249, %swap3A_250], %broadcast_in_dim3A_9 {strides = array<i32>} : memref<32x640xi32, #tpu.memory_space<vmem>>, vector<16xi32>,
        %mul3A_252 = arith.constant 128 : i32
        %mul3A_253 = arith.muli %scan3A_209, %mul3A_252 : i32
        %add3A_254 = arith.constant 96 : i32
        %add3A_255 = arith.addi %mul3A_253, %add3A_254 : i32
        %swap3A_256 = arith.index_cast %scan3A_199 : i32 to index
        %swap3A_257 = arith.index_cast %add3A_255 : i32 to index
        %swap3A_258 = tpu.vector_load %arg6[%swap3A_256, %swap3A_257] {strides = array<i32>} : memref<32x640xi32, #tpu.memory_space<vmem>>, vector<16xi32>,
        tpu.vector_store %arg6[%swap3A_256, %swap3A_257], %broadcast_in_dim3A_9 {strides = array<i32>} : memref<32x640xi32, #tpu.memory_space<vmem>>, vector<16xi32>,
        %mul3A_259 = arith.constant 128 : i32
        %mul3A_260 = arith.muli %scan3A_209, %mul3A_259 : i32
        %add3A_261 = arith.constant 112 : i32
        %add3A_262 = arith.addi %mul3A_260, %add3A_261 : i32
        %swap3A_263 = arith.index_cast %scan3A_199 : i32 to index
        %swap3A_264 = arith.index_cast %add3A_262 : i32 to index
        %swap3A_265 = tpu.vector_load %arg6[%swap3A_263, %swap3A_264] {strides = array<i32>} : memref<32x640xi32, #tpu.memory_space<vmem>>, vector<16xi32>,
        tpu.vector_store %arg6[%swap3A_263, %swap3A_264], %broadcast_in_dim3A_9 {strides = array<i32>} : memref<32x640xi32, #tpu.memory_space<vmem>>, vector<16xi32>,
        %scan3A_266 = arith.constant 0 : i32
        scf.yield %scan3A_266 : i32
      }
      %scan3A_207 = arith.constant 5 : i32
      %scan3A_208 = arith.constant 0 : i32
      scf.yield %scan3A_208 : i32
    }
    %scan3A_34 = arith.constant 32 : i32
    %scan3A_35 = arith.constant 0 : i32
    %scan3A_36 = arith.constant 0 : i32
    %scan3A_37 = arith.constant 60 : i32
    %scan3A_38 = arith.addi %scan3A_36, %scan3A_37 : i32
    %scan3A_39 = arith.constant 1 : i32
    %scan3A_40 = scf.for %scan3A_199 = %scan3A_36 to %scan3A_38 step %scan3A_39 iter_args(%scan3A_200 = %scan3A_35) -> (i32)  : i32 {
      %lt3A = arith.constant 30 : i32
      %lt3A_201 = arith.cmpi slt, %scan3A_199, %lt3A : i32
      %select_n3A = arith.select %lt3A_201, %broadcast_in_dim3A_5, %broadcast_in_dim3A_7 : vector<16xi32>
      %add3A_202 = arith.constant 0 : i32
      %add3A_203 = vector.broadcast %add3A_202 : i32 to vector<16xi32>
      %add3A_204 = arith.addi %iota3A, %add3A_203 : vector<16xi32>
      %get3A = arith.index_cast %scan3A_199 : i32 to index
      %get3A_205 = arith.constant 32 : index
      %get3A_206 = tpu.vector_load %arg4[%get3A, %get3A_205] {strides = array<i32>} : memref<60x256xi32, #tpu.memory_space<vmem>>, vector<16xi32>,
      tpu.vector_store_idx %arg6[%add3A_204, %get3A_206], %select_n3A {add = true} : memref<32x640xi32, #tpu.memory_space<vmem>>[vector<16xi32>, vector<16xi32>], vector<16xi32>,
      %add3A_207 = arith.constant 16 : i32
      %add3A_208 = vector.broadcast %add3A_207 : i32 to vector<16xi32>
      %add3A_209 = arith.addi %iota3A, %add3A_208 : vector<16xi32>
      %get3A_210 = arith.index_cast %scan3A_199 : i32 to index
      %get3A_211 = arith.constant 48 : index
      %get3A_212 = tpu.vector_load %arg4[%get3A_210, %get3A_211] {strides = array<i32>} : memref<60x256xi32, #tpu.memory_space<vmem>>, vector<16xi32>,
      tpu.vector_store_idx %arg6[%add3A_209, %get3A_212], %select_n3A {add = true} : memref<32x640xi32, #tpu.memory_space<vmem>>[vector<16xi32>, vector<16xi32>], vector<16xi32>,
      %scan3A_213 = arith.constant 0 : i32
      scf.yield %scan3A_213 : i32
    }
    %scan3A_41 = arith.constant 60 : i32
    %add3A_42 = arith.constant 32 : i32
    %add3A_43 = arith.addi %mul3A_2, %add3A_42 : i32
    %dma_start3A_44 = arith.constant 0 : i32
    %dma_start3A_45 = tpu.memref_slice %arg3[%add3A_43, %dma_start3A_44] : memref<8192x640xi32, #tpu.memory_space<hbm>> -> memref<32x640xi32, #tpu.memory_space<hbm>>
    %dma_start3A_46 = arith.constant 0 : i32
    %dma_start3A_47 = tpu.memref_slice %arg3[%add3A_43, %dma_start3A_46] : memref<8192x640xi32, #tpu.memory_space<hbm>> -> memref<32x640xi32, #tpu.memory_space<hbm>>
    tpu.enqueue_dma source(%arg6 : memref<32x640xi32, #tpu.memory_space<vmem>>) target(%dma_start3A_47 : memref<32x640xi32, #tpu.memory_space<hbm>>) target_semaphore(%arg8 : memref<!tpu.dma_semaphore, #tpu.memory_space<semaphore_mem>>)
    %dma_wait3A = arith.constant 0 : i32
    %dma_wait3A_48 = tpu.memref_slice %arg3[%add3A_24, %dma_wait3A] : memref<8192x640xi32, #tpu.memory_space<hbm>> -> memref<32x640xi32, #tpu.memory_space<hbm>>
    %dma_wait3A_49 = arith.constant 0 : i32
    %dma_wait3A_50 = tpu.memref_slice %arg3[%add3A_24, %dma_wait3A_49] : memref<8192x640xi32, #tpu.memory_space<hbm>> -> memref<32x640xi32, #tpu.memory_space<hbm>>
    tpu.wait_dma2 semaphore(%arg7 : memref<!tpu.dma_semaphore, #tpu.memory_space<semaphore_mem>>) src(%arg5 : memref<32x640xi32, #tpu.memory_space<vmem>>) dst(%dma_wait3A_50 : memref<32x640xi32, #tpu.memory_space<hbm>>)
    %scan3A_51 = arith.constant 0 : i32
    %scan3A_52 = arith.constant 0 : i32
    %scan3A_53 = arith.constant 32 : i32
    %scan3A_54 = arith.addi %scan3A_52, %scan3A_53 : i32
    %scan3A_55 = arith.constant 1 : i32
    %scan3A_56 = scf.for %scan3A_199 = %scan3A_52 to %scan3A_54 step %scan3A_55 iter_args(%scan3A_200 = %scan3A_51) -> (i32)  : i32 {
      %scan3A_201 = arith.constant 0 : i32
      %scan3A_202 = arith.constant 0 : i32
      %scan3A_203 = arith.constant 5 : i32
      %scan3A_204 = arith.addi %scan3A_202, %scan3A_203 : i32
      %scan3A_205 = arith.constant 1 : i32
      %scan3A_206 = scf.for %scan3A_209 = %scan3A_202 to %scan3A_204 step %scan3A_205 iter_args(%scan3A_210 = %scan3A_201) -> (i32)  : i32 {
        %mul3A_211 = arith.constant 128 : i32
        %mul3A_212 = arith.muli %scan3A_209, %mul3A_211 : i32
        %add3A_213 = arith.constant 0 : i32
        %add3A_214 = arith.addi %mul3A_212, %add3A_213 : i32
        %swap3A = arith.index_cast %scan3A_199 : i32 to index
        %swap3A_215 = arith.index_cast %add3A_214 : i32 to index
        %swap3A_216 = tpu.vector_load %arg5[%swap3A, %swap3A_215] {strides = array<i32>} : memref<32x640xi32, #tpu.memory_space<vmem>>, vector<16xi32>,
        tpu.vector_store %arg5[%swap3A, %swap3A_215], %broadcast_in_dim3A_9 {strides = array<i32>} : memref<32x640xi32, #tpu.memory_space<vmem>>, vector<16xi32>,
        %mul3A_217 = arith.constant 128 : i32
        %mul3A_218 = arith.muli %scan3A_209, %mul3A_217 : i32
        %add3A_219 = arith.constant 16 : i32
        %add3A_220 = arith.addi %mul3A_218, %add3A_219 : i32
        %swap3A_221 = arith.index_cast %scan3A_199 : i32 to index
        %swap3A_222 = arith.index_cast %add3A_220 : i32 to index
        %swap3A_223 = tpu.vector_load %arg5[%swap3A_221, %swap3A_222] {strides = array<i32>} : memref<32x640xi32, #tpu.memory_space<vmem>>, vector<16xi32>,
        tpu.vector_store %arg5[%swap3A_221, %swap3A_222], %broadcast_in_dim3A_9 {strides = array<i32>} : memref<32x640xi32, #tpu.memory_space<vmem>>, vector<16xi32>,
        %mul3A_224 = arith.constant 128 : i32
        %mul3A_225 = arith.muli %scan3A_209, %mul3A_224 : i32
        %add3A_226 = arith.constant 32 : i32
        %add3A_227 = arith.addi %mul3A_225, %add3A_226 : i32
        %swap3A_228 = arith.index_cast %scan3A_199 : i32 to index
        %swap3A_229 = arith.index_cast %add3A_227 : i32 to index
        %swap3A_230 = tpu.vector_load %arg5[%swap3A_228, %swap3A_229] {strides = array<i32>} : memref<32x640xi32, #tpu.memory_space<vmem>>, vector<16xi32>,
        tpu.vector_store %arg5[%swap3A_228, %swap3A_229], %broadcast_in_dim3A_9 {strides = array<i32>} : memref<32x640xi32, #tpu.memory_space<vmem>>, vector<16xi32>,
        %mul3A_231 = arith.constant 128 : i32
        %mul3A_232 = arith.muli %scan3A_209, %mul3A_231 : i32
        %add3A_233 = arith.constant 48 : i32
        %add3A_234 = arith.addi %mul3A_232, %add3A_233 : i32
        %swap3A_235 = arith.index_cast %scan3A_199 : i32 to index
        %swap3A_236 = arith.index_cast %add3A_234 : i32 to index
        %swap3A_237 = tpu.vector_load %arg5[%swap3A_235, %swap3A_236] {strides = array<i32>} : memref<32x640xi32, #tpu.memory_space<vmem>>, vector<16xi32>,
        tpu.vector_store %arg5[%swap3A_235, %swap3A_236], %broadcast_in_dim3A_9 {strides = array<i32>} : memref<32x640xi32, #tpu.memory_space<vmem>>, vector<16xi32>,
        %mul3A_238 = arith.constant 128 : i32
        %mul3A_239 = arith.muli %scan3A_209, %mul3A_238 : i32
        %add3A_240 = arith.constant 64 : i32
        %add3A_241 = arith.addi %mul3A_239, %add3A_240 : i32
        %swap3A_242 = arith.index_cast %scan3A_199 : i32 to index
        %swap3A_243 = arith.index_cast %add3A_241 : i32 to index
        %swap3A_244 = tpu.vector_load %arg5[%swap3A_242, %swap3A_243] {strides = array<i32>} : memref<32x640xi32, #tpu.memory_space<vmem>>, vector<16xi32>,
        tpu.vector_store %arg5[%swap3A_242, %swap3A_243], %broadcast_in_dim3A_9 {strides = array<i32>} : memref<32x640xi32, #tpu.memory_space<vmem>>, vector<16xi32>,
        %mul3A_245 = arith.constant 128 : i32
        %mul3A_246 = arith.muli %scan3A_209, %mul3A_245 : i32
        %add3A_247 = arith.constant 80 : i32
        %add3A_248 = arith.addi %mul3A_246, %add3A_247 : i32
        %swap3A_249 = arith.index_cast %scan3A_199 : i32 to index
        %swap3A_250 = arith.index_cast %add3A_248 : i32 to index
        %swap3A_251 = tpu.vector_load %arg5[%swap3A_249, %swap3A_250] {strides = array<i32>} : memref<32x640xi32, #tpu.memory_space<vmem>>, vector<16xi32>,
        tpu.vector_store %arg5[%swap3A_249, %swap3A_250], %broadcast_in_dim3A_9 {strides = array<i32>} : memref<32x640xi32, #tpu.memory_space<vmem>>, vector<16xi32>,
        %mul3A_252 = arith.constant 128 : i32
        %mul3A_253 = arith.muli %scan3A_209, %mul3A_252 : i32
        %add3A_254 = arith.constant 96 : i32
        %add3A_255 = arith.addi %mul3A_253, %add3A_254 : i32
        %swap3A_256 = arith.index_cast %scan3A_199 : i32 to index
        %swap3A_257 = arith.index_cast %add3A_255 : i32 to index
        %swap3A_258 = tpu.vector_load %arg5[%swap3A_256, %swap3A_257] {strides = array<i32>} : memref<32x640xi32, #tpu.memory_space<vmem>>, vector<16xi32>,
        tpu.vector_store %arg5[%swap3A_256, %swap3A_257], %broadcast_in_dim3A_9 {strides = array<i32>} : memref<32x640xi32, #tpu.memory_space<vmem>>, vector<16xi32>,
        %mul3A_259 = arith.constant 128 : i32
        %mul3A_260 = arith.muli %scan3A_209, %mul3A_259 : i32
        %add3A_261 = arith.constant 112 : i32
        %add3A_262 = arith.addi %mul3A_260, %add3A_261 : i32
        %swap3A_263 = arith.index_cast %scan3A_199 : i32 to index
        %swap3A_264 = arith.index_cast %add3A_262 : i32 to index
        %swap3A_265 = tpu.vector_load %arg5[%swap3A_263, %swap3A_264] {strides = array<i32>} : memref<32x640xi32, #tpu.memory_space<vmem>>, vector<16xi32>,
        tpu.vector_store %arg5[%swap3A_263, %swap3A_264], %broadcast_in_dim3A_9 {strides = array<i32>} : memref<32x640xi32, #tpu.memory_space<vmem>>, vector<16xi32>,
        %scan3A_266 = arith.constant 0 : i32
        scf.yield %scan3A_266 : i32
      }
      %scan3A_207 = arith.constant 5 : i32
      %scan3A_208 = arith.constant 0 : i32
      scf.yield %scan3A_208 : i32
    }
    %scan3A_57 = arith.constant 32 : i32
    %scan3A_58 = arith.constant 0 : i32
    %scan3A_59 = arith.constant 0 : i32
    %scan3A_60 = arith.constant 60 : i32
    %scan3A_61 = arith.addi %scan3A_59, %scan3A_60 : i32
    %scan3A_62 = arith.constant 1 : i32
    %scan3A_63 = scf.for %scan3A_199 = %scan3A_59 to %scan3A_61 step %scan3A_62 iter_args(%scan3A_200 = %scan3A_58) -> (i32)  : i32 {
      %lt3A = arith.constant 30 : i32
      %lt3A_201 = arith.cmpi slt, %scan3A_199, %lt3A : i32
      %select_n3A = arith.select %lt3A_201, %broadcast_in_dim3A_5, %broadcast_in_dim3A_7 : vector<16xi32>
      %add3A_202 = arith.constant 0 : i32
      %add3A_203 = vector.broadcast %add3A_202 : i32 to vector<16xi32>
      %add3A_204 = arith.addi %iota3A, %add3A_203 : vector<16xi32>
      %get3A = arith.index_cast %scan3A_199 : i32 to index
      %get3A_205 = arith.constant 64 : index
      %get3A_206 = tpu.vector_load %arg4[%get3A, %get3A_205] {strides = array<i32>} : memref<60x256xi32, #tpu.memory_space<vmem>>, vector<16xi32>,
      tpu.vector_store_idx %arg5[%add3A_204, %get3A_206], %select_n3A {add = true} : memref<32x640xi32, #tpu.memory_space<vmem>>[vector<16xi32>, vector<16xi32>], vector<16xi32>,
      %add3A_207 = arith.constant 16 : i32
      %add3A_208 = vector.broadcast %add3A_207 : i32 to vector<16xi32>
      %add3A_209 = arith.addi %iota3A, %add3A_208 : vector<16xi32>
      %get3A_210 = arith.index_cast %scan3A_199 : i32 to index
      %get3A_211 = arith.constant 80 : index
      %get3A_212 = tpu.vector_load %arg4[%get3A_210, %get3A_211] {strides = array<i32>} : memref<60x256xi32, #tpu.memory_space<vmem>>, vector<16xi32>,
      tpu.vector_store_idx %arg5[%add3A_209, %get3A_212], %select_n3A {add = true} : memref<32x640xi32, #tpu.memory_space<vmem>>[vector<16xi32>, vector<16xi32>], vector<16xi32>,
      %scan3A_213 = arith.constant 0 : i32
      scf.yield %scan3A_213 : i32
    }
    %scan3A_64 = arith.constant 60 : i32
    %add3A_65 = arith.constant 64 : i32
    %add3A_66 = arith.addi %mul3A_2, %add3A_65 : i32
    %dma_start3A_67 = arith.constant 0 : i32
    %dma_start3A_68 = tpu.memref_slice %arg3[%add3A_66, %dma_start3A_67] : memref<8192x640xi32, #tpu.memory_space<hbm>> -> memref<32x640xi32, #tpu.memory_space<hbm>>
    %dma_start3A_69 = arith.constant 0 : i32
    %dma_start3A_70 = tpu.memref_slice %arg3[%add3A_66, %dma_start3A_69] : memref<8192x640xi32, #tpu.memory_space<hbm>> -> memref<32x640xi32, #tpu.memory_space<hbm>>
    tpu.enqueue_dma source(%arg5 : memref<32x640xi32, #tpu.memory_space<vmem>>) target(%dma_start3A_70 : memref<32x640xi32, #tpu.memory_space<hbm>>) target_semaphore(%arg7 : memref<!tpu.dma_semaphore, #tpu.memory_space<semaphore_mem>>)
    %dma_wait3A_71 = arith.constant 0 : i32
    %dma_wait3A_72 = tpu.memref_slice %arg3[%add3A_43, %dma_wait3A_71] : memref<8192x640xi32, #tpu.memory_space<hbm>> -> memref<32x640xi32, #tpu.memory_space<hbm>>
    %dma_wait3A_73 = arith.constant 0 : i32
    %dma_wait3A_74 = tpu.memref_slice %arg3[%add3A_43, %dma_wait3A_73] : memref<8192x640xi32, #tpu.memory_space<hbm>> -> memref<32x640xi32, #tpu.memory_space<hbm>>
    tpu.wait_dma2 semaphore(%arg8 : memref<!tpu.dma_semaphore, #tpu.memory_space<semaphore_mem>>) src(%arg6 : memref<32x640xi32, #tpu.memory_space<vmem>>) dst(%dma_wait3A_74 : memref<32x640xi32, #tpu.memory_space<hbm>>)
    %scan3A_75 = arith.constant 0 : i32
    %scan3A_76 = arith.constant 0 : i32
    %scan3A_77 = arith.constant 32 : i32
    %scan3A_78 = arith.addi %scan3A_76, %scan3A_77 : i32
    %scan3A_79 = arith.constant 1 : i32
    %scan3A_80 = scf.for %scan3A_199 = %scan3A_76 to %scan3A_78 step %scan3A_79 iter_args(%scan3A_200 = %scan3A_75) -> (i32)  : i32 {
      %scan3A_201 = arith.constant 0 : i32
      %scan3A_202 = arith.constant 0 : i32
      %scan3A_203 = arith.constant 5 : i32
      %scan3A_204 = arith.addi %scan3A_202, %scan3A_203 : i32
      %scan3A_205 = arith.constant 1 : i32
      %scan3A_206 = scf.for %scan3A_209 = %scan3A_202 to %scan3A_204 step %scan3A_205 iter_args(%scan3A_210 = %scan3A_201) -> (i32)  : i32 {
        %mul3A_211 = arith.constant 128 : i32
        %mul3A_212 = arith.muli %scan3A_209, %mul3A_211 : i32
        %add3A_213 = arith.constant 0 : i32
        %add3A_214 = arith.addi %mul3A_212, %add3A_213 : i32
        %swap3A = arith.index_cast %scan3A_199 : i32 to index
        %swap3A_215 = arith.index_cast %add3A_214 : i32 to index
        %swap3A_216 = tpu.vector_load %arg6[%swap3A, %swap3A_215] {strides = array<i32>} : memref<32x640xi32, #tpu.memory_space<vmem>>, vector<16xi32>,
        tpu.vector_store %arg6[%swap3A, %swap3A_215], %broadcast_in_dim3A_9 {strides = array<i32>} : memref<32x640xi32, #tpu.memory_space<vmem>>, vector<16xi32>,
        %mul3A_217 = arith.constant 128 : i32
        %mul3A_218 = arith.muli %scan3A_209, %mul3A_217 : i32
        %add3A_219 = arith.constant 16 : i32
        %add3A_220 = arith.addi %mul3A_218, %add3A_219 : i32
        %swap3A_221 = arith.index_cast %scan3A_199 : i32 to index
        %swap3A_222 = arith.index_cast %add3A_220 : i32 to index
        %swap3A_223 = tpu.vector_load %arg6[%swap3A_221, %swap3A_222] {strides = array<i32>} : memref<32x640xi32, #tpu.memory_space<vmem>>, vector<16xi32>,
        tpu.vector_store %arg6[%swap3A_221, %swap3A_222], %broadcast_in_dim3A_9 {strides = array<i32>} : memref<32x640xi32, #tpu.memory_space<vmem>>, vector<16xi32>,
        %mul3A_224 = arith.constant 128 : i32
        %mul3A_225 = arith.muli %scan3A_209, %mul3A_224 : i32
        %add3A_226 = arith.constant 32 : i32
        %add3A_227 = arith.addi %mul3A_225, %add3A_226 : i32
        %swap3A_228 = arith.index_cast %scan3A_199 : i32 to index
        %swap3A_229 = arith.index_cast %add3A_227 : i32 to index
        %swap3A_230 = tpu.vector_load %arg6[%swap3A_228, %swap3A_229] {strides = array<i32>} : memref<32x640xi32, #tpu.memory_space<vmem>>, vector<16xi32>,
        tpu.vector_store %arg6[%swap3A_228, %swap3A_229], %broadcast_in_dim3A_9 {strides = array<i32>} : memref<32x640xi32, #tpu.memory_space<vmem>>, vector<16xi32>,
        %mul3A_231 = arith.constant 128 : i32
        %mul3A_232 = arith.muli %scan3A_209, %mul3A_231 : i32
        %add3A_233 = arith.constant 48 : i32
        %add3A_234 = arith.addi %mul3A_232, %add3A_233 : i32
        %swap3A_235 = arith.index_cast %scan3A_199 : i32 to index
        %swap3A_236 = arith.index_cast %add3A_234 : i32 to index
        %swap3A_237 = tpu.vector_load %arg6[%swap3A_235, %swap3A_236] {strides = array<i32>} : memref<32x640xi32, #tpu.memory_space<vmem>>, vector<16xi32>,
        tpu.vector_store %arg6[%swap3A_235, %swap3A_236], %broadcast_in_dim3A_9 {strides = array<i32>} : memref<32x640xi32, #tpu.memory_space<vmem>>, vector<16xi32>,
        %mul3A_238 = arith.constant 128 : i32
        %mul3A_239 = arith.muli %scan3A_209, %mul3A_238 : i32
        %add3A_240 = arith.constant 64 : i32
        %add3A_241 = arith.addi %mul3A_239, %add3A_240 : i32
        %swap3A_242 = arith.index_cast %scan3A_199 : i32 to index
        %swap3A_243 = arith.index_cast %add3A_241 : i32 to index
        %swap3A_244 = tpu.vector_load %arg6[%swap3A_242, %swap3A_243] {strides = array<i32>} : memref<32x640xi32, #tpu.memory_space<vmem>>, vector<16xi32>,
        tpu.vector_store %arg6[%swap3A_242, %swap3A_243], %broadcast_in_dim3A_9 {strides = array<i32>} : memref<32x640xi32, #tpu.memory_space<vmem>>, vector<16xi32>,
        %mul3A_245 = arith.constant 128 : i32
        %mul3A_246 = arith.muli %scan3A_209, %mul3A_245 : i32
        %add3A_247 = arith.constant 80 : i32
        %add3A_248 = arith.addi %mul3A_246, %add3A_247 : i32
        %swap3A_249 = arith.index_cast %scan3A_199 : i32 to index
        %swap3A_250 = arith.index_cast %add3A_248 : i32 to index
        %swap3A_251 = tpu.vector_load %arg6[%swap3A_249, %swap3A_250] {strides = array<i32>} : memref<32x640xi32, #tpu.memory_space<vmem>>, vector<16xi32>,
        tpu.vector_store %arg6[%swap3A_249, %swap3A_250], %broadcast_in_dim3A_9 {strides = array<i32>} : memref<32x640xi32, #tpu.memory_space<vmem>>, vector<16xi32>,
        %mul3A_252 = arith.constant 128 : i32
        %mul3A_253 = arith.muli %scan3A_209, %mul3A_252 : i32
        %add3A_254 = arith.constant 96 : i32
        %add3A_255 = arith.addi %mul3A_253, %add3A_254 : i32
        %swap3A_256 = arith.index_cast %scan3A_199 : i32 to index
        %swap3A_257 = arith.index_cast %add3A_255 : i32 to index
        %swap3A_258 = tpu.vector_load %arg6[%swap3A_256, %swap3A_257] {strides = array<i32>} : memref<32x640xi32, #tpu.memory_space<vmem>>, vector<16xi32>,
        tpu.vector_store %arg6[%swap3A_256, %swap3A_257], %broadcast_in_dim3A_9 {strides = array<i32>} : memref<32x640xi32, #tpu.memory_space<vmem>>, vector<16xi32>,
        %mul3A_259 = arith.constant 128 : i32
        %mul3A_260 = arith.muli %scan3A_209, %mul3A_259 : i32
        %add3A_261 = arith.constant 112 : i32
        %add3A_262 = arith.addi %mul3A_260, %add3A_261 : i32
        %swap3A_263 = arith.index_cast %scan3A_199 : i32 to index
        %swap3A_264 = arith.index_cast %add3A_262 : i32 to index
        %swap3A_265 = tpu.vector_load %arg6[%swap3A_263, %swap3A_264] {strides = array<i32>} : memref<32x640xi32, #tpu.memory_space<vmem>>, vector<16xi32>,
        tpu.vector_store %arg6[%swap3A_263, %swap3A_264], %broadcast_in_dim3A_9 {strides = array<i32>} : memref<32x640xi32, #tpu.memory_space<vmem>>, vector<16xi32>,
        %scan3A_266 = arith.constant 0 : i32
        scf.yield %scan3A_266 : i32
      }
      %scan3A_207 = arith.constant 5 : i32
      %scan3A_208 = arith.constant 0 : i32
      scf.yield %scan3A_208 : i32
    }
    %scan3A_81 = arith.constant 32 : i32
    %scan3A_82 = arith.constant 0 : i32
    %scan3A_83 = arith.constant 0 : i32
    %scan3A_84 = arith.constant 60 : i32
    %scan3A_85 = arith.addi %scan3A_83, %scan3A_84 : i32
    %scan3A_86 = arith.constant 1 : i32
    %scan3A_87 = scf.for %scan3A_199 = %scan3A_83 to %scan3A_85 step %scan3A_86 iter_args(%scan3A_200 = %scan3A_82) -> (i32)  : i32 {
      %lt3A = arith.constant 30 : i32
      %lt3A_201 = arith.cmpi slt, %scan3A_199, %lt3A : i32
      %select_n3A = arith.select %lt3A_201, %broadcast_in_dim3A_5, %broadcast_in_dim3A_7 : vector<16xi32>
      %add3A_202 = arith.constant 0 : i32
      %add3A_203 = vector.broadcast %add3A_202 : i32 to vector<16xi32>
      %add3A_204 = arith.addi %iota3A, %add3A_203 : vector<16xi32>
      %get3A = arith.index_cast %scan3A_199 : i32 to index
      %get3A_205 = arith.constant 96 : index
      %get3A_206 = tpu.vector_load %arg4[%get3A, %get3A_205] {strides = array<i32>} : memref<60x256xi32, #tpu.memory_space<vmem>>, vector<16xi32>,
      tpu.vector_store_idx %arg6[%add3A_204, %get3A_206], %select_n3A {add = true} : memref<32x640xi32, #tpu.memory_space<vmem>>[vector<16xi32>, vector<16xi32>], vector<16xi32>,
      %add3A_207 = arith.constant 16 : i32
      %add3A_208 = vector.broadcast %add3A_207 : i32 to vector<16xi32>
      %add3A_209 = arith.addi %iota3A, %add3A_208 : vector<16xi32>
      %get3A_210 = arith.index_cast %scan3A_199 : i32 to index
      %get3A_211 = arith.constant 112 : index
      %get3A_212 = tpu.vector_load %arg4[%get3A_210, %get3A_211] {strides = array<i32>} : memref<60x256xi32, #tpu.memory_space<vmem>>, vector<16xi32>,
      tpu.vector_store_idx %arg6[%add3A_209, %get3A_212], %select_n3A {add = true} : memref<32x640xi32, #tpu.memory_space<vmem>>[vector<16xi32>, vector<16xi32>], vector<16xi32>,
      %scan3A_213 = arith.constant 0 : i32
      scf.yield %scan3A_213 : i32
    }
    %scan3A_88 = arith.constant 60 : i32
    %add3A_89 = arith.constant 96 : i32
    %add3A_90 = arith.addi %mul3A_2, %add3A_89 : i32
    %dma_start3A_91 = arith.constant 0 : i32
    %dma_start3A_92 = tpu.memref_slice %arg3[%add3A_90, %dma_start3A_91] : memref<8192x640xi32, #tpu.memory_space<hbm>> -> memref<32x640xi32, #tpu.memory_space<hbm>>
    %dma_start3A_93 = arith.constant 0 : i32
    %dma_start3A_94 = tpu.memref_slice %arg3[%add3A_90, %dma_start3A_93] : memref<8192x640xi32, #tpu.memory_space<hbm>> -> memref<32x640xi32, #tpu.memory_space<hbm>>
    tpu.enqueue_dma source(%arg6 : memref<32x640xi32, #tpu.memory_space<vmem>>) target(%dma_start3A_94 : memref<32x640xi32, #tpu.memory_space<hbm>>) target_semaphore(%arg8 : memref<!tpu.dma_semaphore, #tpu.memory_space<semaphore_mem>>)
    %dma_wait3A_95 = arith.constant 0 : i32
    %dma_wait3A_96 = tpu.memref_slice %arg3[%add3A_66, %dma_wait3A_95] : memref<8192x640xi32, #tpu.memory_space<hbm>> -> memref<32x640xi32, #tpu.memory_space<hbm>>
    %dma_wait3A_97 = arith.constant 0 : i32
    %dma_wait3A_98 = tpu.memref_slice %arg3[%add3A_66, %dma_wait3A_97] : memref<8192x640xi32, #tpu.memory_space<hbm>> -> memref<32x640xi32, #tpu.memory_space<hbm>>
    tpu.wait_dma2 semaphore(%arg7 : memref<!tpu.dma_semaphore, #tpu.memory_space<semaphore_mem>>) src(%arg5 : memref<32x640xi32, #tpu.memory_space<vmem>>) dst(%dma_wait3A_98 : memref<32x640xi32, #tpu.memory_space<hbm>>)
    %scan3A_99 = arith.constant 0 : i32
    %scan3A_100 = arith.constant 0 : i32
    %scan3A_101 = arith.constant 32 : i32
    %scan3A_102 = arith.addi %scan3A_100, %scan3A_101 : i32
    %scan3A_103 = arith.constant 1 : i32
    %scan3A_104 = scf.for %scan3A_199 = %scan3A_100 to %scan3A_102 step %scan3A_103 iter_args(%scan3A_200 = %scan3A_99) -> (i32)  : i32 {
      %scan3A_201 = arith.constant 0 : i32
      %scan3A_202 = arith.constant 0 : i32
      %scan3A_203 = arith.constant 5 : i32
      %scan3A_204 = arith.addi %scan3A_202, %scan3A_203 : i32
      %scan3A_205 = arith.constant 1 : i32
      %scan3A_206 = scf.for %scan3A_209 = %scan3A_202 to %scan3A_204 step %scan3A_205 iter_args(%scan3A_210 = %scan3A_201) -> (i32)  : i32 {
        %mul3A_211 = arith.constant 128 : i32
        %mul3A_212 = arith.muli %scan3A_209, %mul3A_211 : i32
        %add3A_213 = arith.constant 0 : i32
        %add3A_214 = arith.addi %mul3A_212, %add3A_213 : i32
        %swap3A = arith.index_cast %scan3A_199 : i32 to index
        %swap3A_215 = arith.index_cast %add3A_214 : i32 to index
        %swap3A_216 = tpu.vector_load %arg5[%swap3A, %swap3A_215] {strides = array<i32>} : memref<32x640xi32, #tpu.memory_space<vmem>>, vector<16xi32>,
        tpu.vector_store %arg5[%swap3A, %swap3A_215], %broadcast_in_dim3A_9 {strides = array<i32>} : memref<32x640xi32, #tpu.memory_space<vmem>>, vector<16xi32>,
        %mul3A_217 = arith.constant 128 : i32
        %mul3A_218 = arith.muli %scan3A_209, %mul3A_217 : i32
        %add3A_219 = arith.constant 16 : i32
        %add3A_220 = arith.addi %mul3A_218, %add3A_219 : i32
        %swap3A_221 = arith.index_cast %scan3A_199 : i32 to index
        %swap3A_222 = arith.index_cast %add3A_220 : i32 to index
        %swap3A_223 = tpu.vector_load %arg5[%swap3A_221, %swap3A_222] {strides = array<i32>} : memref<32x640xi32, #tpu.memory_space<vmem>>, vector<16xi32>,
        tpu.vector_store %arg5[%swap3A_221, %swap3A_222], %broadcast_in_dim3A_9 {strides = array<i32>} : memref<32x640xi32, #tpu.memory_space<vmem>>, vector<16xi32>,
        %mul3A_224 = arith.constant 128 : i32
        %mul3A_225 = arith.muli %scan3A_209, %mul3A_224 : i32
        %add3A_226 = arith.constant 32 : i32
        %add3A_227 = arith.addi %mul3A_225, %add3A_226 : i32
        %swap3A_228 = arith.index_cast %scan3A_199 : i32 to index
        %swap3A_229 = arith.index_cast %add3A_227 : i32 to index
        %swap3A_230 = tpu.vector_load %arg5[%swap3A_228, %swap3A_229] {strides = array<i32>} : memref<32x640xi32, #tpu.memory_space<vmem>>, vector<16xi32>,
        tpu.vector_store %arg5[%swap3A_228, %swap3A_229], %broadcast_in_dim3A_9 {strides = array<i32>} : memref<32x640xi32, #tpu.memory_space<vmem>>, vector<16xi32>,
        %mul3A_231 = arith.constant 128 : i32
        %mul3A_232 = arith.muli %scan3A_209, %mul3A_231 : i32
        %add3A_233 = arith.constant 48 : i32
        %add3A_234 = arith.addi %mul3A_232, %add3A_233 : i32
        %swap3A_235 = arith.index_cast %scan3A_199 : i32 to index
        %swap3A_236 = arith.index_cast %add3A_234 : i32 to index
        %swap3A_237 = tpu.vector_load %arg5[%swap3A_235, %swap3A_236] {strides = array<i32>} : memref<32x640xi32, #tpu.memory_space<vmem>>, vector<16xi32>,
        tpu.vector_store %arg5[%swap3A_235, %swap3A_236], %broadcast_in_dim3A_9 {strides = array<i32>} : memref<32x640xi32, #tpu.memory_space<vmem>>, vector<16xi32>,
        %mul3A_238 = arith.constant 128 : i32
        %mul3A_239 = arith.muli %scan3A_209, %mul3A_238 : i32
        %add3A_240 = arith.constant 64 : i32
        %add3A_241 = arith.addi %mul3A_239, %add3A_240 : i32
        %swap3A_242 = arith.index_cast %scan3A_199 : i32 to index
        %swap3A_243 = arith.index_cast %add3A_241 : i32 to index
        %swap3A_244 = tpu.vector_load %arg5[%swap3A_242, %swap3A_243] {strides = array<i32>} : memref<32x640xi32, #tpu.memory_space<vmem>>, vector<16xi32>,
        tpu.vector_store %arg5[%swap3A_242, %swap3A_243], %broadcast_in_dim3A_9 {strides = array<i32>} : memref<32x640xi32, #tpu.memory_space<vmem>>, vector<16xi32>,
        %mul3A_245 = arith.constant 128 : i32
        %mul3A_246 = arith.muli %scan3A_209, %mul3A_245 : i32
        %add3A_247 = arith.constant 80 : i32
        %add3A_248 = arith.addi %mul3A_246, %add3A_247 : i32
        %swap3A_249 = arith.index_cast %scan3A_199 : i32 to index
        %swap3A_250 = arith.index_cast %add3A_248 : i32 to index
        %swap3A_251 = tpu.vector_load %arg5[%swap3A_249, %swap3A_250] {strides = array<i32>} : memref<32x640xi32, #tpu.memory_space<vmem>>, vector<16xi32>,
        tpu.vector_store %arg5[%swap3A_249, %swap3A_250], %broadcast_in_dim3A_9 {strides = array<i32>} : memref<32x640xi32, #tpu.memory_space<vmem>>, vector<16xi32>,
        %mul3A_252 = arith.constant 128 : i32
        %mul3A_253 = arith.muli %scan3A_209, %mul3A_252 : i32
        %add3A_254 = arith.constant 96 : i32
        %add3A_255 = arith.addi %mul3A_253, %add3A_254 : i32
        %swap3A_256 = arith.index_cast %scan3A_199 : i32 to index
        %swap3A_257 = arith.index_cast %add3A_255 : i32 to index
        %swap3A_258 = tpu.vector_load %arg5[%swap3A_256, %swap3A_257] {strides = array<i32>} : memref<32x640xi32, #tpu.memory_space<vmem>>, vector<16xi32>,
        tpu.vector_store %arg5[%swap3A_256, %swap3A_257], %broadcast_in_dim3A_9 {strides = array<i32>} : memref<32x640xi32, #tpu.memory_space<vmem>>, vector<16xi32>,
        %mul3A_259 = arith.constant 128 : i32
        %mul3A_260 = arith.muli %scan3A_209, %mul3A_259 : i32
        %add3A_261 = arith.constant 112 : i32
        %add3A_262 = arith.addi %mul3A_260, %add3A_261 : i32
        %swap3A_263 = arith.index_cast %scan3A_199 : i32 to index
        %swap3A_264 = arith.index_cast %add3A_262 : i32 to index
        %swap3A_265 = tpu.vector_load %arg5[%swap3A_263, %swap3A_264] {strides = array<i32>} : memref<32x640xi32, #tpu.memory_space<vmem>>, vector<16xi32>,
        tpu.vector_store %arg5[%swap3A_263, %swap3A_264], %broadcast_in_dim3A_9 {strides = array<i32>} : memref<32x640xi32, #tpu.memory_space<vmem>>, vector<16xi32>,
        %scan3A_266 = arith.constant 0 : i32
        scf.yield %scan3A_266 : i32
      }
      %scan3A_207 = arith.constant 5 : i32
      %scan3A_208 = arith.constant 0 : i32
      scf.yield %scan3A_208 : i32
    }
    %scan3A_105 = arith.constant 32 : i32
    %scan3A_106 = arith.constant 0 : i32
    %scan3A_107 = arith.constant 0 : i32
    %scan3A_108 = arith.constant 60 : i32
    %scan3A_109 = arith.addi %scan3A_107, %scan3A_108 : i32
    %scan3A_110 = arith.constant 1 : i32
    %scan3A_111 = scf.for %scan3A_199 = %scan3A_107 to %scan3A_109 step %scan3A_110 iter_args(%scan3A_200 = %scan3A_106) -> (i32)  : i32 {
      %lt3A = arith.constant 30 : i32
      %lt3A_201 = arith.cmpi slt, %scan3A_199, %lt3A : i32
      %select_n3A = arith.select %lt3A_201, %broadcast_in_dim3A_5, %broadcast_in_dim3A_7 : vector<16xi32>
      %add3A_202 = arith.constant 0 : i32
      %add3A_203 = vector.broadcast %add3A_202 : i32 to vector<16xi32>
      %add3A_204 = arith.addi %iota3A, %add3A_203 : vector<16xi32>
      %get3A = arith.index_cast %scan3A_199 : i32 to index
      %get3A_205 = arith.constant 128 : index
      %get3A_206 = tpu.vector_load %arg4[%get3A, %get3A_205] {strides = array<i32>} : memref<60x256xi32, #tpu.memory_space<vmem>>, vector<16xi32>,
      tpu.vector_store_idx %arg5[%add3A_204, %get3A_206], %select_n3A {add = true} : memref<32x640xi32, #tpu.memory_space<vmem>>[vector<16xi32>, vector<16xi32>], vector<16xi32>,
      %add3A_207 = arith.constant 16 : i32
      %add3A_208 = vector.broadcast %add3A_207 : i32 to vector<16xi32>
      %add3A_209 = arith.addi %iota3A, %add3A_208 : vector<16xi32>
      %get3A_210 = arith.index_cast %scan3A_199 : i32 to index
      %get3A_211 = arith.constant 144 : index
      %get3A_212 = tpu.vector_load %arg4[%get3A_210, %get3A_211] {strides = array<i32>} : memref<60x256xi32, #tpu.memory_space<vmem>>, vector<16xi32>,
      tpu.vector_store_idx %arg5[%add3A_209, %get3A_212], %select_n3A {add = true} : memref<32x640xi32, #tpu.memory_space<vmem>>[vector<16xi32>, vector<16xi32>], vector<16xi32>,
      %scan3A_213 = arith.constant 0 : i32
      scf.yield %scan3A_213 : i32
    }
    %scan3A_112 = arith.constant 60 : i32
    %add3A_113 = arith.constant 128 : i32
    %add3A_114 = arith.addi %mul3A_2, %add3A_113 : i32
    %dma_start3A_115 = arith.constant 0 : i32
    %dma_start3A_116 = tpu.memref_slice %arg3[%add3A_114, %dma_start3A_115] : memref<8192x640xi32, #tpu.memory_space<hbm>> -> memref<32x640xi32, #tpu.memory_space<hbm>>
    %dma_start3A_117 = arith.constant 0 : i32
    %dma_start3A_118 = tpu.memref_slice %arg3[%add3A_114, %dma_start3A_117] : memref<8192x640xi32, #tpu.memory_space<hbm>> -> memref<32x640xi32, #tpu.memory_space<hbm>>
    tpu.enqueue_dma source(%arg5 : memref<32x640xi32, #tpu.memory_space<vmem>>) target(%dma_start3A_118 : memref<32x640xi32, #tpu.memory_space<hbm>>) target_semaphore(%arg7 : memref<!tpu.dma_semaphore, #tpu.memory_space<semaphore_mem>>)
    %dma_wait3A_119 = arith.constant 0 : i32
    %dma_wait3A_120 = tpu.memref_slice %arg3[%add3A_90, %dma_wait3A_119] : memref<8192x640xi32, #tpu.memory_space<hbm>> -> memref<32x640xi32, #tpu.memory_space<hbm>>
    %dma_wait3A_121 = arith.constant 0 : i32
    %dma_wait3A_122 = tpu.memref_slice %arg3[%add3A_90, %dma_wait3A_121] : memref<8192x640xi32, #tpu.memory_space<hbm>> -> memref<32x640xi32, #tpu.memory_space<hbm>>
    tpu.wait_dma2 semaphore(%arg8 : memref<!tpu.dma_semaphore, #tpu.memory_space<semaphore_mem>>) src(%arg6 : memref<32x640xi32, #tpu.memory_space<vmem>>) dst(%dma_wait3A_122 : memref<32x640xi32, #tpu.memory_space<hbm>>)
    %scan3A_123 = arith.constant 0 : i32
    %scan3A_124 = arith.constant 0 : i32
    %scan3A_125 = arith.constant 32 : i32
    %scan3A_126 = arith.addi %scan3A_124, %scan3A_125 : i32
    %scan3A_127 = arith.constant 1 : i32
    %scan3A_128 = scf.for %scan3A_199 = %scan3A_124 to %scan3A_126 step %scan3A_127 iter_args(%scan3A_200 = %scan3A_123) -> (i32)  : i32 {
      %scan3A_201 = arith.constant 0 : i32
      %scan3A_202 = arith.constant 0 : i32
      %scan3A_203 = arith.constant 5 : i32
      %scan3A_204 = arith.addi %scan3A_202, %scan3A_203 : i32
      %scan3A_205 = arith.constant 1 : i32
      %scan3A_206 = scf.for %scan3A_209 = %scan3A_202 to %scan3A_204 step %scan3A_205 iter_args(%scan3A_210 = %scan3A_201) -> (i32)  : i32 {
        %mul3A_211 = arith.constant 128 : i32
        %mul3A_212 = arith.muli %scan3A_209, %mul3A_211 : i32
        %add3A_213 = arith.constant 0 : i32
        %add3A_214 = arith.addi %mul3A_212, %add3A_213 : i32
        %swap3A = arith.index_cast %scan3A_199 : i32 to index
        %swap3A_215 = arith.index_cast %add3A_214 : i32 to index
        %swap3A_216 = tpu.vector_load %arg6[%swap3A, %swap3A_215] {strides = array<i32>} : memref<32x640xi32, #tpu.memory_space<vmem>>, vector<16xi32>,
        tpu.vector_store %arg6[%swap3A, %swap3A_215], %broadcast_in_dim3A_9 {strides = array<i32>} : memref<32x640xi32, #tpu.memory_space<vmem>>, vector<16xi32>,
        %mul3A_217 = arith.constant 128 : i32
        %mul3A_218 = arith.muli %scan3A_209, %mul3A_217 : i32
        %add3A_219 = arith.constant 16 : i32
        %add3A_220 = arith.addi %mul3A_218, %add3A_219 : i32
        %swap3A_221 = arith.index_cast %scan3A_199 : i32 to index
        %swap3A_222 = arith.index_cast %add3A_220 : i32 to index
        %swap3A_223 = tpu.vector_load %arg6[%swap3A_221, %swap3A_222] {strides = array<i32>} : memref<32x640xi32, #tpu.memory_space<vmem>>, vector<16xi32>,
        tpu.vector_store %arg6[%swap3A_221, %swap3A_222], %broadcast_in_dim3A_9 {strides = array<i32>} : memref<32x640xi32, #tpu.memory_space<vmem>>, vector<16xi32>,
        %mul3A_224 = arith.constant 128 : i32
        %mul3A_225 = arith.muli %scan3A_209, %mul3A_224 : i32
        %add3A_226 = arith.constant 32 : i32
        %add3A_227 = arith.addi %mul3A_225, %add3A_226 : i32
        %swap3A_228 = arith.index_cast %scan3A_199 : i32 to index
        %swap3A_229 = arith.index_cast %add3A_227 : i32 to index
        %swap3A_230 = tpu.vector_load %arg6[%swap3A_228, %swap3A_229] {strides = array<i32>} : memref<32x640xi32, #tpu.memory_space<vmem>>, vector<16xi32>,
        tpu.vector_store %arg6[%swap3A_228, %swap3A_229], %broadcast_in_dim3A_9 {strides = array<i32>} : memref<32x640xi32, #tpu.memory_space<vmem>>, vector<16xi32>,
        %mul3A_231 = arith.constant 128 : i32
        %mul3A_232 = arith.muli %scan3A_209, %mul3A_231 : i32
        %add3A_233 = arith.constant 48 : i32
        %add3A_234 = arith.addi %mul3A_232, %add3A_233 : i32
        %swap3A_235 = arith.index_cast %scan3A_199 : i32 to index
        %swap3A_236 = arith.index_cast %add3A_234 : i32 to index
        %swap3A_237 = tpu.vector_load %arg6[%swap3A_235, %swap3A_236] {strides = array<i32>} : memref<32x640xi32, #tpu.memory_space<vmem>>, vector<16xi32>,
        tpu.vector_store %arg6[%swap3A_235, %swap3A_236], %broadcast_in_dim3A_9 {strides = array<i32>} : memref<32x640xi32, #tpu.memory_space<vmem>>, vector<16xi32>,
        %mul3A_238 = arith.constant 128 : i32
        %mul3A_239 = arith.muli %scan3A_209, %mul3A_238 : i32
        %add3A_240 = arith.constant 64 : i32
        %add3A_241 = arith.addi %mul3A_239, %add3A_240 : i32
        %swap3A_242 = arith.index_cast %scan3A_199 : i32 to index
        %swap3A_243 = arith.index_cast %add3A_241 : i32 to index
        %swap3A_244 = tpu.vector_load %arg6[%swap3A_242, %swap3A_243] {strides = array<i32>} : memref<32x640xi32, #tpu.memory_space<vmem>>, vector<16xi32>,
        tpu.vector_store %arg6[%swap3A_242, %swap3A_243], %broadcast_in_dim3A_9 {strides = array<i32>} : memref<32x640xi32, #tpu.memory_space<vmem>>, vector<16xi32>,
        %mul3A_245 = arith.constant 128 : i32
        %mul3A_246 = arith.muli %scan3A_209, %mul3A_245 : i32
        %add3A_247 = arith.constant 80 : i32
        %add3A_248 = arith.addi %mul3A_246, %add3A_247 : i32
        %swap3A_249 = arith.index_cast %scan3A_199 : i32 to index
        %swap3A_250 = arith.index_cast %add3A_248 : i32 to index
        %swap3A_251 = tpu.vector_load %arg6[%swap3A_249, %swap3A_250] {strides = array<i32>} : memref<32x640xi32, #tpu.memory_space<vmem>>, vector<16xi32>,
        tpu.vector_store %arg6[%swap3A_249, %swap3A_250], %broadcast_in_dim3A_9 {strides = array<i32>} : memref<32x640xi32, #tpu.memory_space<vmem>>, vector<16xi32>,
        %mul3A_252 = arith.constant 128 : i32
        %mul3A_253 = arith.muli %scan3A_209, %mul3A_252 : i32
        %add3A_254 = arith.constant 96 : i32
        %add3A_255 = arith.addi %mul3A_253, %add3A_254 : i32
        %swap3A_256 = arith.index_cast %scan3A_199 : i32 to index
        %swap3A_257 = arith.index_cast %add3A_255 : i32 to index
        %swap3A_258 = tpu.vector_load %arg6[%swap3A_256, %swap3A_257] {strides = array<i32>} : memref<32x640xi32, #tpu.memory_space<vmem>>, vector<16xi32>,
        tpu.vector_store %arg6[%swap3A_256, %swap3A_257], %broadcast_in_dim3A_9 {strides = array<i32>} : memref<32x640xi32, #tpu.memory_space<vmem>>, vector<16xi32>,
        %mul3A_259 = arith.constant 128 : i32
        %mul3A_260 = arith.muli %scan3A_209, %mul3A_259 : i32
        %add3A_261 = arith.constant 112 : i32
        %add3A_262 = arith.addi %mul3A_260, %add3A_261 : i32
        %swap3A_263 = arith.index_cast %scan3A_199 : i32 to index
        %swap3A_264 = arith.index_cast %add3A_262 : i32 to index
        %swap3A_265 = tpu.vector_load %arg6[%swap3A_263, %swap3A_264] {strides = array<i32>} : memref<32x640xi32, #tpu.memory_space<vmem>>, vector<16xi32>,
        tpu.vector_store %arg6[%swap3A_263, %swap3A_264], %broadcast_in_dim3A_9 {strides = array<i32>} : memref<32x640xi32, #tpu.memory_space<vmem>>, vector<16xi32>,
        %scan3A_266 = arith.constant 0 : i32
        scf.yield %scan3A_266 : i32
      }
      %scan3A_207 = arith.constant 5 : i32
      %scan3A_208 = arith.constant 0 : i32
      scf.yield %scan3A_208 : i32
    }
    %scan3A_129 = arith.constant 32 : i32
    %scan3A_130 = arith.constant 0 : i32
    %scan3A_131 = arith.constant 0 : i32
    %scan3A_132 = arith.constant 60 : i32
    %scan3A_133 = arith.addi %scan3A_131, %scan3A_132 : i32
    %scan3A_134 = arith.constant 1 : i32
    %scan3A_135 = scf.for %scan3A_199 = %scan3A_131 to %scan3A_133 step %scan3A_134 iter_args(%scan3A_200 = %scan3A_130) -> (i32)  : i32 {
      %lt3A = arith.constant 30 : i32
      %lt3A_201 = arith.cmpi slt, %scan3A_199, %lt3A : i32
      %select_n3A = arith.select %lt3A_201, %broadcast_in_dim3A_5, %broadcast_in_dim3A_7 : vector<16xi32>
      %add3A_202 = arith.constant 0 : i32
      %add3A_203 = vector.broadcast %add3A_202 : i32 to vector<16xi32>
      %add3A_204 = arith.addi %iota3A, %add3A_203 : vector<16xi32>
      %get3A = arith.index_cast %scan3A_199 : i32 to index
      %get3A_205 = arith.constant 160 : index
      %get3A_206 = tpu.vector_load %arg4[%get3A, %get3A_205] {strides = array<i32>} : memref<60x256xi32, #tpu.memory_space<vmem>>, vector<16xi32>,
      tpu.vector_store_idx %arg6[%add3A_204, %get3A_206], %select_n3A {add = true} : memref<32x640xi32, #tpu.memory_space<vmem>>[vector<16xi32>, vector<16xi32>], vector<16xi32>,
      %add3A_207 = arith.constant 16 : i32
      %add3A_208 = vector.broadcast %add3A_207 : i32 to vector<16xi32>
      %add3A_209 = arith.addi %iota3A, %add3A_208 : vector<16xi32>
      %get3A_210 = arith.index_cast %scan3A_199 : i32 to index
      %get3A_211 = arith.constant 176 : index
      %get3A_212 = tpu.vector_load %arg4[%get3A_210, %get3A_211] {strides = array<i32>} : memref<60x256xi32, #tpu.memory_space<vmem>>, vector<16xi32>,
      tpu.vector_store_idx %arg6[%add3A_209, %get3A_212], %select_n3A {add = true} : memref<32x640xi32, #tpu.memory_space<vmem>>[vector<16xi32>, vector<16xi32>], vector<16xi32>,
      %scan3A_213 = arith.constant 0 : i32
      scf.yield %scan3A_213 : i32
    }
    %scan3A_136 = arith.constant 60 : i32
    %add3A_137 = arith.constant 160 : i32
    %add3A_138 = arith.addi %mul3A_2, %add3A_137 : i32
    %dma_start3A_139 = arith.constant 0 : i32
    %dma_start3A_140 = tpu.memref_slice %arg3[%add3A_138, %dma_start3A_139] : memref<8192x640xi32, #tpu.memory_space<hbm>> -> memref<32x640xi32, #tpu.memory_space<hbm>>
    %dma_start3A_141 = arith.constant 0 : i32
    %dma_start3A_142 = tpu.memref_slice %arg3[%add3A_138, %dma_start3A_141] : memref<8192x640xi32, #tpu.memory_space<hbm>> -> memref<32x640xi32, #tpu.memory_space<hbm>>
    tpu.enqueue_dma source(%arg6 : memref<32x640xi32, #tpu.memory_space<vmem>>) target(%dma_start3A_142 : memref<32x640xi32, #tpu.memory_space<hbm>>) target_semaphore(%arg8 : memref<!tpu.dma_semaphore, #tpu.memory_space<semaphore_mem>>)
    %dma_wait3A_143 = arith.constant 0 : i32
    %dma_wait3A_144 = tpu.memref_slice %arg3[%add3A_114, %dma_wait3A_143] : memref<8192x640xi32, #tpu.memory_space<hbm>> -> memref<32x640xi32, #tpu.memory_space<hbm>>
    %dma_wait3A_145 = arith.constant 0 : i32
    %dma_wait3A_146 = tpu.memref_slice %arg3[%add3A_114, %dma_wait3A_145] : memref<8192x640xi32, #tpu.memory_space<hbm>> -> memref<32x640xi32, #tpu.memory_space<hbm>>
    tpu.wait_dma2 semaphore(%arg7 : memref<!tpu.dma_semaphore, #tpu.memory_space<semaphore_mem>>) src(%arg5 : memref<32x640xi32, #tpu.memory_space<vmem>>) dst(%dma_wait3A_146 : memref<32x640xi32, #tpu.memory_space<hbm>>)
    %scan3A_147 = arith.constant 0 : i32
    %scan3A_148 = arith.constant 0 : i32
    %scan3A_149 = arith.constant 32 : i32
    %scan3A_150 = arith.addi %scan3A_148, %scan3A_149 : i32
    %scan3A_151 = arith.constant 1 : i32
    %scan3A_152 = scf.for %scan3A_199 = %scan3A_148 to %scan3A_150 step %scan3A_151 iter_args(%scan3A_200 = %scan3A_147) -> (i32)  : i32 {
      %scan3A_201 = arith.constant 0 : i32
      %scan3A_202 = arith.constant 0 : i32
      %scan3A_203 = arith.constant 5 : i32
      %scan3A_204 = arith.addi %scan3A_202, %scan3A_203 : i32
      %scan3A_205 = arith.constant 1 : i32
      %scan3A_206 = scf.for %scan3A_209 = %scan3A_202 to %scan3A_204 step %scan3A_205 iter_args(%scan3A_210 = %scan3A_201) -> (i32)  : i32 {
        %mul3A_211 = arith.constant 128 : i32
        %mul3A_212 = arith.muli %scan3A_209, %mul3A_211 : i32
        %add3A_213 = arith.constant 0 : i32
        %add3A_214 = arith.addi %mul3A_212, %add3A_213 : i32
        %swap3A = arith.index_cast %scan3A_199 : i32 to index
        %swap3A_215 = arith.index_cast %add3A_214 : i32 to index
        %swap3A_216 = tpu.vector_load %arg5[%swap3A, %swap3A_215] {strides = array<i32>} : memref<32x640xi32, #tpu.memory_space<vmem>>, vector<16xi32>,
        tpu.vector_store %arg5[%swap3A, %swap3A_215], %broadcast_in_dim3A_9 {strides = array<i32>} : memref<32x640xi32, #tpu.memory_space<vmem>>, vector<16xi32>,
        %mul3A_217 = arith.constant 128 : i32
        %mul3A_218 = arith.muli %scan3A_209, %mul3A_217 : i32
        %add3A_219 = arith.constant 16 : i32
        %add3A_220 = arith.addi %mul3A_218, %add3A_219 : i32
        %swap3A_221 = arith.index_cast %scan3A_199 : i32 to index
        %swap3A_222 = arith.index_cast %add3A_220 : i32 to index
        %swap3A_223 = tpu.vector_load %arg5[%swap3A_221, %swap3A_222] {strides = array<i32>} : memref<32x640xi32, #tpu.memory_space<vmem>>, vector<16xi32>,
        tpu.vector_store %arg5[%swap3A_221, %swap3A_222], %broadcast_in_dim3A_9 {strides = array<i32>} : memref<32x640xi32, #tpu.memory_space<vmem>>, vector<16xi32>,
        %mul3A_224 = arith.constant 128 : i32
        %mul3A_225 = arith.muli %scan3A_209, %mul3A_224 : i32
        %add3A_226 = arith.constant 32 : i32
        %add3A_227 = arith.addi %mul3A_225, %add3A_226 : i32
        %swap3A_228 = arith.index_cast %scan3A_199 : i32 to index
        %swap3A_229 = arith.index_cast %add3A_227 : i32 to index
        %swap3A_230 = tpu.vector_load %arg5[%swap3A_228, %swap3A_229] {strides = array<i32>} : memref<32x640xi32, #tpu.memory_space<vmem>>, vector<16xi32>,
        tpu.vector_store %arg5[%swap3A_228, %swap3A_229], %broadcast_in_dim3A_9 {strides = array<i32>} : memref<32x640xi32, #tpu.memory_space<vmem>>, vector<16xi32>,
        %mul3A_231 = arith.constant 128 : i32
        %mul3A_232 = arith.muli %scan3A_209, %mul3A_231 : i32
        %add3A_233 = arith.constant 48 : i32
        %add3A_234 = arith.addi %mul3A_232, %add3A_233 : i32
        %swap3A_235 = arith.index_cast %scan3A_199 : i32 to index
        %swap3A_236 = arith.index_cast %add3A_234 : i32 to index
        %swap3A_237 = tpu.vector_load %arg5[%swap3A_235, %swap3A_236] {strides = array<i32>} : memref<32x640xi32, #tpu.memory_space<vmem>>, vector<16xi32>,
        tpu.vector_store %arg5[%swap3A_235, %swap3A_236], %broadcast_in_dim3A_9 {strides = array<i32>} : memref<32x640xi32, #tpu.memory_space<vmem>>, vector<16xi32>,
        %mul3A_238 = arith.constant 128 : i32
        %mul3A_239 = arith.muli %scan3A_209, %mul3A_238 : i32
        %add3A_240 = arith.constant 64 : i32
        %add3A_241 = arith.addi %mul3A_239, %add3A_240 : i32
        %swap3A_242 = arith.index_cast %scan3A_199 : i32 to index
        %swap3A_243 = arith.index_cast %add3A_241 : i32 to index
        %swap3A_244 = tpu.vector_load %arg5[%swap3A_242, %swap3A_243] {strides = array<i32>} : memref<32x640xi32, #tpu.memory_space<vmem>>, vector<16xi32>,
        tpu.vector_store %arg5[%swap3A_242, %swap3A_243], %broadcast_in_dim3A_9 {strides = array<i32>} : memref<32x640xi32, #tpu.memory_space<vmem>>, vector<16xi32>,
        %mul3A_245 = arith.constant 128 : i32
        %mul3A_246 = arith.muli %scan3A_209, %mul3A_245 : i32
        %add3A_247 = arith.constant 80 : i32
        %add3A_248 = arith.addi %mul3A_246, %add3A_247 : i32
        %swap3A_249 = arith.index_cast %scan3A_199 : i32 to index
        %swap3A_250 = arith.index_cast %add3A_248 : i32 to index
        %swap3A_251 = tpu.vector_load %arg5[%swap3A_249, %swap3A_250] {strides = array<i32>} : memref<32x640xi32, #tpu.memory_space<vmem>>, vector<16xi32>,
        tpu.vector_store %arg5[%swap3A_249, %swap3A_250], %broadcast_in_dim3A_9 {strides = array<i32>} : memref<32x640xi32, #tpu.memory_space<vmem>>, vector<16xi32>,
        %mul3A_252 = arith.constant 128 : i32
        %mul3A_253 = arith.muli %scan3A_209, %mul3A_252 : i32
        %add3A_254 = arith.constant 96 : i32
        %add3A_255 = arith.addi %mul3A_253, %add3A_254 : i32
        %swap3A_256 = arith.index_cast %scan3A_199 : i32 to index
        %swap3A_257 = arith.index_cast %add3A_255 : i32 to index
        %swap3A_258 = tpu.vector_load %arg5[%swap3A_256, %swap3A_257] {strides = array<i32>} : memref<32x640xi32, #tpu.memory_space<vmem>>, vector<16xi32>,
        tpu.vector_store %arg5[%swap3A_256, %swap3A_257], %broadcast_in_dim3A_9 {strides = array<i32>} : memref<32x640xi32, #tpu.memory_space<vmem>>, vector<16xi32>,
        %mul3A_259 = arith.constant 128 : i32
        %mul3A_260 = arith.muli %scan3A_209, %mul3A_259 : i32
        %add3A_261 = arith.constant 112 : i32
        %add3A_262 = arith.addi %mul3A_260, %add3A_261 : i32
        %swap3A_263 = arith.index_cast %scan3A_199 : i32 to index
        %swap3A_264 = arith.index_cast %add3A_262 : i32 to index
        %swap3A_265 = tpu.vector_load %arg5[%swap3A_263, %swap3A_264] {strides = array<i32>} : memref<32x640xi32, #tpu.memory_space<vmem>>, vector<16xi32>,
        tpu.vector_store %arg5[%swap3A_263, %swap3A_264], %broadcast_in_dim3A_9 {strides = array<i32>} : memref<32x640xi32, #tpu.memory_space<vmem>>, vector<16xi32>,
        %scan3A_266 = arith.constant 0 : i32
        scf.yield %scan3A_266 : i32
      }
      %scan3A_207 = arith.constant 5 : i32
      %scan3A_208 = arith.constant 0 : i32
      scf.yield %scan3A_208 : i32
    }
    %scan3A_153 = arith.constant 32 : i32
    %scan3A_154 = arith.constant 0 : i32
    %scan3A_155 = arith.constant 0 : i32
    %scan3A_156 = arith.constant 60 : i32
    %scan3A_157 = arith.addi %scan3A_155, %scan3A_156 : i32
    %scan3A_158 = arith.constant 1 : i32
    %scan3A_159 = scf.for %scan3A_199 = %scan3A_155 to %scan3A_157 step %scan3A_158 iter_args(%scan3A_200 = %scan3A_154) -> (i32)  : i32 {
      %lt3A = arith.constant 30 : i32
      %lt3A_201 = arith.cmpi slt, %scan3A_199, %lt3A : i32
      %select_n3A = arith.select %lt3A_201, %broadcast_in_dim3A_5, %broadcast_in_dim3A_7 : vector<16xi32>
      %add3A_202 = arith.constant 0 : i32
      %add3A_203 = vector.broadcast %add3A_202 : i32 to vector<16xi32>
      %add3A_204 = arith.addi %iota3A, %add3A_203 : vector<16xi32>
      %get3A = arith.index_cast %scan3A_199 : i32 to index
      %get3A_205 = arith.constant 192 : index
      %get3A_206 = tpu.vector_load %arg4[%get3A, %get3A_205] {strides = array<i32>} : memref<60x256xi32, #tpu.memory_space<vmem>>, vector<16xi32>,
      tpu.vector_store_idx %arg5[%add3A_204, %get3A_206], %select_n3A {add = true} : memref<32x640xi32, #tpu.memory_space<vmem>>[vector<16xi32>, vector<16xi32>], vector<16xi32>,
      %add3A_207 = arith.constant 16 : i32
      %add3A_208 = vector.broadcast %add3A_207 : i32 to vector<16xi32>
      %add3A_209 = arith.addi %iota3A, %add3A_208 : vector<16xi32>
      %get3A_210 = arith.index_cast %scan3A_199 : i32 to index
      %get3A_211 = arith.constant 208 : index
      %get3A_212 = tpu.vector_load %arg4[%get3A_210, %get3A_211] {strides = array<i32>} : memref<60x256xi32, #tpu.memory_space<vmem>>, vector<16xi32>,
      tpu.vector_store_idx %arg5[%add3A_209, %get3A_212], %select_n3A {add = true} : memref<32x640xi32, #tpu.memory_space<vmem>>[vector<16xi32>, vector<16xi32>], vector<16xi32>,
      %scan3A_213 = arith.constant 0 : i32
      scf.yield %scan3A_213 : i32
    }
    %scan3A_160 = arith.constant 60 : i32
    %add3A_161 = arith.constant 192 : i32
    %add3A_162 = arith.addi %mul3A_2, %add3A_161 : i32
    %dma_start3A_163 = arith.constant 0 : i32
    %dma_start3A_164 = tpu.memref_slice %arg3[%add3A_162, %dma_start3A_163] : memref<8192x640xi32, #tpu.memory_space<hbm>> -> memref<32x640xi32, #tpu.memory_space<hbm>>
    %dma_start3A_165 = arith.constant 0 : i32
    %dma_start3A_166 = tpu.memref_slice %arg3[%add3A_162, %dma_start3A_165] : memref<8192x640xi32, #tpu.memory_space<hbm>> -> memref<32x640xi32, #tpu.memory_space<hbm>>
    tpu.enqueue_dma source(%arg5 : memref<32x640xi32, #tpu.memory_space<vmem>>) target(%dma_start3A_166 : memref<32x640xi32, #tpu.memory_space<hbm>>) target_semaphore(%arg7 : memref<!tpu.dma_semaphore, #tpu.memory_space<semaphore_mem>>)
    %dma_wait3A_167 = arith.constant 0 : i32
    %dma_wait3A_168 = tpu.memref_slice %arg3[%add3A_138, %dma_wait3A_167] : memref<8192x640xi32, #tpu.memory_space<hbm>> -> memref<32x640xi32, #tpu.memory_space<hbm>>
    %dma_wait3A_169 = arith.constant 0 : i32
    %dma_wait3A_170 = tpu.memref_slice %arg3[%add3A_138, %dma_wait3A_169] : memref<8192x640xi32, #tpu.memory_space<hbm>> -> memref<32x640xi32, #tpu.memory_space<hbm>>
    tpu.wait_dma2 semaphore(%arg8 : memref<!tpu.dma_semaphore, #tpu.memory_space<semaphore_mem>>) src(%arg6 : memref<32x640xi32, #tpu.memory_space<vmem>>) dst(%dma_wait3A_170 : memref<32x640xi32, #tpu.memory_space<hbm>>)
    %scan3A_171 = arith.constant 0 : i32
    %scan3A_172 = arith.constant 0 : i32
    %scan3A_173 = arith.constant 32 : i32
    %scan3A_174 = arith.addi %scan3A_172, %scan3A_173 : i32
    %scan3A_175 = arith.constant 1 : i32
    %scan3A_176 = scf.for %scan3A_199 = %scan3A_172 to %scan3A_174 step %scan3A_175 iter_args(%scan3A_200 = %scan3A_171) -> (i32)  : i32 {
      %scan3A_201 = arith.constant 0 : i32
      %scan3A_202 = arith.constant 0 : i32
      %scan3A_203 = arith.constant 5 : i32
      %scan3A_204 = arith.addi %scan3A_202, %scan3A_203 : i32
      %scan3A_205 = arith.constant 1 : i32
      %scan3A_206 = scf.for %scan3A_209 = %scan3A_202 to %scan3A_204 step %scan3A_205 iter_args(%scan3A_210 = %scan3A_201) -> (i32)  : i32 {
        %mul3A_211 = arith.constant 128 : i32
        %mul3A_212 = arith.muli %scan3A_209, %mul3A_211 : i32
        %add3A_213 = arith.constant 0 : i32
        %add3A_214 = arith.addi %mul3A_212, %add3A_213 : i32
        %swap3A = arith.index_cast %scan3A_199 : i32 to index
        %swap3A_215 = arith.index_cast %add3A_214 : i32 to index
        %swap3A_216 = tpu.vector_load %arg6[%swap3A, %swap3A_215] {strides = array<i32>} : memref<32x640xi32, #tpu.memory_space<vmem>>, vector<16xi32>,
        tpu.vector_store %arg6[%swap3A, %swap3A_215], %broadcast_in_dim3A_9 {strides = array<i32>} : memref<32x640xi32, #tpu.memory_space<vmem>>, vector<16xi32>,
        %mul3A_217 = arith.constant 128 : i32
        %mul3A_218 = arith.muli %scan3A_209, %mul3A_217 : i32
        %add3A_219 = arith.constant 16 : i32
        %add3A_220 = arith.addi %mul3A_218, %add3A_219 : i32
        %swap3A_221 = arith.index_cast %scan3A_199 : i32 to index
        %swap3A_222 = arith.index_cast %add3A_220 : i32 to index
        %swap3A_223 = tpu.vector_load %arg6[%swap3A_221, %swap3A_222] {strides = array<i32>} : memref<32x640xi32, #tpu.memory_space<vmem>>, vector<16xi32>,
        tpu.vector_store %arg6[%swap3A_221, %swap3A_222], %broadcast_in_dim3A_9 {strides = array<i32>} : memref<32x640xi32, #tpu.memory_space<vmem>>, vector<16xi32>,
        %mul3A_224 = arith.constant 128 : i32
        %mul3A_225 = arith.muli %scan3A_209, %mul3A_224 : i32
        %add3A_226 = arith.constant 32 : i32
        %add3A_227 = arith.addi %mul3A_225, %add3A_226 : i32
        %swap3A_228 = arith.index_cast %scan3A_199 : i32 to index
        %swap3A_229 = arith.index_cast %add3A_227 : i32 to index
        %swap3A_230 = tpu.vector_load %arg6[%swap3A_228, %swap3A_229] {strides = array<i32>} : memref<32x640xi32, #tpu.memory_space<vmem>>, vector<16xi32>,
        tpu.vector_store %arg6[%swap3A_228, %swap3A_229], %broadcast_in_dim3A_9 {strides = array<i32>} : memref<32x640xi32, #tpu.memory_space<vmem>>, vector<16xi32>,
        %mul3A_231 = arith.constant 128 : i32
        %mul3A_232 = arith.muli %scan3A_209, %mul3A_231 : i32
        %add3A_233 = arith.constant 48 : i32
        %add3A_234 = arith.addi %mul3A_232, %add3A_233 : i32
        %swap3A_235 = arith.index_cast %scan3A_199 : i32 to index
        %swap3A_236 = arith.index_cast %add3A_234 : i32 to index
        %swap3A_237 = tpu.vector_load %arg6[%swap3A_235, %swap3A_236] {strides = array<i32>} : memref<32x640xi32, #tpu.memory_space<vmem>>, vector<16xi32>,
        tpu.vector_store %arg6[%swap3A_235, %swap3A_236], %broadcast_in_dim3A_9 {strides = array<i32>} : memref<32x640xi32, #tpu.memory_space<vmem>>, vector<16xi32>,
        %mul3A_238 = arith.constant 128 : i32
        %mul3A_239 = arith.muli %scan3A_209, %mul3A_238 : i32
        %add3A_240 = arith.constant 64 : i32
        %add3A_241 = arith.addi %mul3A_239, %add3A_240 : i32
        %swap3A_242 = arith.index_cast %scan3A_199 : i32 to index
        %swap3A_243 = arith.index_cast %add3A_241 : i32 to index
        %swap3A_244 = tpu.vector_load %arg6[%swap3A_242, %swap3A_243] {strides = array<i32>} : memref<32x640xi32, #tpu.memory_space<vmem>>, vector<16xi32>,
        tpu.vector_store %arg6[%swap3A_242, %swap3A_243], %broadcast_in_dim3A_9 {strides = array<i32>} : memref<32x640xi32, #tpu.memory_space<vmem>>, vector<16xi32>,
        %mul3A_245 = arith.constant 128 : i32
        %mul3A_246 = arith.muli %scan3A_209, %mul3A_245 : i32
        %add3A_247 = arith.constant 80 : i32
        %add3A_248 = arith.addi %mul3A_246, %add3A_247 : i32
        %swap3A_249 = arith.index_cast %scan3A_199 : i32 to index
        %swap3A_250 = arith.index_cast %add3A_248 : i32 to index
        %swap3A_251 = tpu.vector_load %arg6[%swap3A_249, %swap3A_250] {strides = array<i32>} : memref<32x640xi32, #tpu.memory_space<vmem>>, vector<16xi32>,
        tpu.vector_store %arg6[%swap3A_249, %swap3A_250], %broadcast_in_dim3A_9 {strides = array<i32>} : memref<32x640xi32, #tpu.memory_space<vmem>>, vector<16xi32>,
        %mul3A_252 = arith.constant 128 : i32
        %mul3A_253 = arith.muli %scan3A_209, %mul3A_252 : i32
        %add3A_254 = arith.constant 96 : i32
        %add3A_255 = arith.addi %mul3A_253, %add3A_254 : i32
        %swap3A_256 = arith.index_cast %scan3A_199 : i32 to index
        %swap3A_257 = arith.index_cast %add3A_255 : i32 to index
        %swap3A_258 = tpu.vector_load %arg6[%swap3A_256, %swap3A_257] {strides = array<i32>} : memref<32x640xi32, #tpu.memory_space<vmem>>, vector<16xi32>,
        tpu.vector_store %arg6[%swap3A_256, %swap3A_257], %broadcast_in_dim3A_9 {strides = array<i32>} : memref<32x640xi32, #tpu.memory_space<vmem>>, vector<16xi32>,
        %mul3A_259 = arith.constant 128 : i32
        %mul3A_260 = arith.muli %scan3A_209, %mul3A_259 : i32
        %add3A_261 = arith.constant 112 : i32
        %add3A_262 = arith.addi %mul3A_260, %add3A_261 : i32
        %swap3A_263 = arith.index_cast %scan3A_199 : i32 to index
        %swap3A_264 = arith.index_cast %add3A_262 : i32 to index
        %swap3A_265 = tpu.vector_load %arg6[%swap3A_263, %swap3A_264] {strides = array<i32>} : memref<32x640xi32, #tpu.memory_space<vmem>>, vector<16xi32>,
        tpu.vector_store %arg6[%swap3A_263, %swap3A_264], %broadcast_in_dim3A_9 {strides = array<i32>} : memref<32x640xi32, #tpu.memory_space<vmem>>, vector<16xi32>,
        %scan3A_266 = arith.constant 0 : i32
        scf.yield %scan3A_266 : i32
      }
      %scan3A_207 = arith.constant 5 : i32
      %scan3A_208 = arith.constant 0 : i32
      scf.yield %scan3A_208 : i32
    }
    %scan3A_177 = arith.constant 32 : i32
    %scan3A_178 = arith.constant 0 : i32
    %scan3A_179 = arith.constant 0 : i32
    %scan3A_180 = arith.constant 60 : i32
    %scan3A_181 = arith.addi %scan3A_179, %scan3A_180 : i32
    %scan3A_182 = arith.constant 1 : i32
    %scan3A_183 = scf.for %scan3A_199 = %scan3A_179 to %scan3A_181 step %scan3A_182 iter_args(%scan3A_200 = %scan3A_178) -> (i32)  : i32 {
      %lt3A = arith.constant 30 : i32
      %lt3A_201 = arith.cmpi slt, %scan3A_199, %lt3A : i32
      %select_n3A = arith.select %lt3A_201, %broadcast_in_dim3A_5, %broadcast_in_dim3A_7 : vector<16xi32>
      %add3A_202 = arith.constant 0 : i32
      %add3A_203 = vector.broadcast %add3A_202 : i32 to vector<16xi32>
      %add3A_204 = arith.addi %iota3A, %add3A_203 : vector<16xi32>
      %get3A = arith.index_cast %scan3A_199 : i32 to index
      %get3A_205 = arith.constant 224 : index
      %get3A_206 = tpu.vector_load %arg4[%get3A, %get3A_205] {strides = array<i32>} : memref<60x256xi32, #tpu.memory_space<vmem>>, vector<16xi32>,
      tpu.vector_store_idx %arg6[%add3A_204, %get3A_206], %select_n3A {add = true} : memref<32x640xi32, #tpu.memory_space<vmem>>[vector<16xi32>, vector<16xi32>], vector<16xi32>,
      %add3A_207 = arith.constant 16 : i32
      %add3A_208 = vector.broadcast %add3A_207 : i32 to vector<16xi32>
      %add3A_209 = arith.addi %iota3A, %add3A_208 : vector<16xi32>
      %get3A_210 = arith.index_cast %scan3A_199 : i32 to index
      %get3A_211 = arith.constant 240 : index
      %get3A_212 = tpu.vector_load %arg4[%get3A_210, %get3A_211] {strides = array<i32>} : memref<60x256xi32, #tpu.memory_space<vmem>>, vector<16xi32>,
      tpu.vector_store_idx %arg6[%add3A_209, %get3A_212], %select_n3A {add = true} : memref<32x640xi32, #tpu.memory_space<vmem>>[vector<16xi32>, vector<16xi32>], vector<16xi32>,
      %scan3A_213 = arith.constant 0 : i32
      scf.yield %scan3A_213 : i32
    }
    %scan3A_184 = arith.constant 60 : i32
    %add3A_185 = arith.constant 224 : i32
    %add3A_186 = arith.addi %mul3A_2, %add3A_185 : i32
    %dma_start3A_187 = arith.constant 0 : i32
    %dma_start3A_188 = tpu.memref_slice %arg3[%add3A_186, %dma_start3A_187] : memref<8192x640xi32, #tpu.memory_space<hbm>> -> memref<32x640xi32, #tpu.memory_space<hbm>>
    %dma_start3A_189 = arith.constant 0 : i32
    %dma_start3A_190 = tpu.memref_slice %arg3[%add3A_186, %dma_start3A_189] : memref<8192x640xi32, #tpu.memory_space<hbm>> -> memref<32x640xi32, #tpu.memory_space<hbm>>
    tpu.enqueue_dma source(%arg6 : memref<32x640xi32, #tpu.memory_space<vmem>>) target(%dma_start3A_190 : memref<32x640xi32, #tpu.memory_space<hbm>>) target_semaphore(%arg8 : memref<!tpu.dma_semaphore, #tpu.memory_space<semaphore_mem>>)
    %dma_wait3A_191 = arith.constant 0 : i32
    %dma_wait3A_192 = tpu.memref_slice %arg3[%add3A_162, %dma_wait3A_191] : memref<8192x640xi32, #tpu.memory_space<hbm>> -> memref<32x640xi32, #tpu.memory_space<hbm>>
    %dma_wait3A_193 = arith.constant 0 : i32
    %dma_wait3A_194 = tpu.memref_slice %arg3[%add3A_162, %dma_wait3A_193] : memref<8192x640xi32, #tpu.memory_space<hbm>> -> memref<32x640xi32, #tpu.memory_space<hbm>>
    tpu.wait_dma2 semaphore(%arg7 : memref<!tpu.dma_semaphore, #tpu.memory_space<semaphore_mem>>) src(%arg5 : memref<32x640xi32, #tpu.memory_space<vmem>>) dst(%dma_wait3A_194 : memref<32x640xi32, #tpu.memory_space<hbm>>)
    %dma_wait3A_195 = arith.constant 0 : i32
    %dma_wait3A_196 = tpu.memref_slice %arg3[%add3A_186, %dma_wait3A_195] : memref<8192x640xi32, #tpu.memory_space<hbm>> -> memref<32x640xi32, #tpu.memory_space<hbm>>
    %dma_wait3A_197 = arith.constant 0 : i32
    %dma_wait3A_198 = tpu.memref_slice %arg3[%add3A_186, %dma_wait3A_197] : memref<8192x640xi32, #tpu.memory_space<hbm>> -> memref<32x640xi32, #tpu.memory_space<hbm>>
    tpu.wait_dma2 semaphore(%arg8 : memref<!tpu.dma_semaphore, #tpu.memory_space<semaphore_mem>>) src(%arg6 : memref<32x640xi32, #tpu.memory_space<vmem>>) dst(%dma_wait3A_198 : memref<32x640xi32, #tpu.memory_space<hbm>>)
    return
  }
}

#map = affine_map<(d0, d1) -> (0, 0)>
module attributes {stable_mosaic.version = 14 : i64} {
  func.func @_sc_hist_body(%arg0: i32, %arg1: i32, %arg2: memref<60x8192xi32, #tpu.memory_space<hbm>>, %arg3: memref<8192x640xi32, #tpu.memory_space<hbm>>, %arg4: memref<60x256xi32, #tpu.memory_space<vmem>>, %arg5: memref<32x640xi32, #tpu.memory_space<vmem>>, %arg6: memref<32x640xi32, #tpu.memory_space<vmem>>, %arg7: memref<!tpu.dma_semaphore, #tpu.memory_space<semaphore_mem>>, %arg8: memref<!tpu.dma_semaphore, #tpu.memory_space<semaphore_mem>>) attributes {dimension_semantics = [#tpu.dimension_semantics<core_parallel>, #tpu.dimension_semantics<subcore_parallel>], iteration_bounds = array<i64: 2, 16>, scalar_prefetch = 0 : i64, scratch_operands = 5 : i64, tpu.core_type = #tpu.core_type<sc_vector_subcore>, window_params = [{transform_indices = #map}, {transform_indices = #map}]} {
    %mul3A = arith.constant 2 : i32
    %mul3A_0 = arith.muli %arg1, %mul3A : i32
    %add3A = arith.addi %mul3A_0, %arg0 : i32
    %mul3A_1 = arith.constant 256 : i32
    %mul3A_2 = arith.muli %add3A, %mul3A_1 : i32
    %mul3A_3 = arith.constant 1 : i32
    %mul3A_4 = arith.muli %mul3A_2, %mul3A_3 : i32
    "tpu.region"() ({
      %run_scoped3A = tpu.sem_alloc : memref<!tpu.dma_semaphore, #tpu.memory_space<semaphore_mem>>
      %dma_start3A_199 = arith.constant 0 : i32
      %dma_start3A_200 = tpu.memref_slice %arg2[%dma_start3A_199, %mul3A_4] : memref<60x8192xi32, #tpu.memory_space<hbm>> -> memref<60x256xi32, #tpu.memory_space<hbm>>
      %dma_start3A_201 = arith.constant 0 : i32
      %dma_start3A_202 = tpu.memref_slice %arg2[%dma_start3A_201, %mul3A_4] : memref<60x8192xi32, #tpu.memory_space<hbm>> -> memref<60x256xi32, #tpu.memory_space<hbm>>
      tpu.enqueue_dma source(%dma_start3A_202 : memref<60x256xi32, #tpu.memory_space<hbm>>) target(%arg4 : memref<60x256xi32, #tpu.memory_space<vmem>>) target_semaphore(%run_scoped3A : memref<!tpu.dma_semaphore, #tpu.memory_space<semaphore_mem>>)
      %dma_wait3A_203 = arith.constant 0 : i32
      %dma_wait3A_204 = tpu.memref_slice %arg2[%dma_wait3A_203, %mul3A_4] : memref<60x8192xi32, #tpu.memory_space<hbm>> -> memref<60x256xi32, #tpu.memory_space<hbm>>
      %dma_wait3A_205 = arith.constant 0 : i32
      %dma_wait3A_206 = tpu.memref_slice %arg2[%dma_wait3A_205, %mul3A_4] : memref<60x8192xi32, #tpu.memory_space<hbm>> -> memref<60x256xi32, #tpu.memory_space<hbm>>
      tpu.wait_dma2 semaphore(%run_scoped3A : memref<!tpu.dma_semaphore, #tpu.memory_space<semaphore_mem>>) src(%dma_wait3A_206 : memref<60x256xi32, #tpu.memory_space<hbm>>) dst(%arg4 : memref<60x256xi32, #tpu.memory_space<vmem>>)
      tpu.yield
    }) : () -> ()
    %iota3A = tpu.iota {dimensions = array<i32: 0>} : vector<16xi32>
    %broadcast_in_dim3A = arith.constant 1 : i32
    %broadcast_in_dim3A_5 = vector.broadcast %broadcast_in_dim3A : i32 to vector<16xi32>
    %broadcast_in_dim3A_6 = arith.constant 65536 : i32
    %broadcast_in_dim3A_7 = vector.broadcast %broadcast_in_dim3A_6 : i32 to vector<16xi32>
    %broadcast_in_dim3A_8 = arith.constant 0 : i32
    %broadcast_in_dim3A_9 = vector.broadcast %broadcast_in_dim3A_8 : i32 to vector<16xi32>
    %scan3A = arith.constant 0 : i32
    %scan3A_10 = arith.constant 0 : i32
    %scan3A_11 = arith.constant 32 : i32
    %scan3A_12 = arith.addi %scan3A_10, %scan3A_11 : i32
    %scan3A_13 = arith.constant 1 : i32
    %scan3A_14 = scf.for %scan3A_199 = %scan3A_10 to %scan3A_12 step %scan3A_13 iter_args(%scan3A_200 = %scan3A) -> (i32)  : i32 {
      %scan3A_201 = arith.constant 0 : i32
      %scan3A_202 = arith.constant 0 : i32
      %scan3A_203 = arith.constant 5 : i32
      %scan3A_204 = arith.addi %scan3A_202, %scan3A_203 : i32
      %scan3A_205 = arith.constant 1 : i32
      %scan3A_206 = scf.for %scan3A_209 = %scan3A_202 to %scan3A_204 step %scan3A_205 iter_args(%scan3A_210 = %scan3A_201) -> (i32)  : i32 {
        %mul3A_211 = arith.constant 128 : i32
        %mul3A_212 = arith.muli %scan3A_209, %mul3A_211 : i32
        %add3A_213 = arith.constant 0 : i32
        %add3A_214 = arith.addi %mul3A_212, %add3A_213 : i32
        %swap3A = arith.index_cast %scan3A_199 : i32 to index
        %swap3A_215 = arith.index_cast %add3A_214 : i32 to index
        %swap3A_216 = tpu.vector_load %arg5[%swap3A, %swap3A_215] {strides = array<i32>} : memref<32x640xi32, #tpu.memory_space<vmem>>, vector<16xi32>,
        tpu.vector_store %arg5[%swap3A, %swap3A_215], %broadcast_in_dim3A_9 {strides = array<i32>} : memref<32x640xi32, #tpu.memory_space<vmem>>, vector<16xi32>,
        %mul3A_217 = arith.constant 128 : i32
        %mul3A_218 = arith.muli %scan3A_209, %mul3A_217 : i32
        %add3A_219 = arith.constant 16 : i32
        %add3A_220 = arith.addi %mul3A_218, %add3A_219 : i32
        %swap3A_221 = arith.index_cast %scan3A_199 : i32 to index
        %swap3A_222 = arith.index_cast %add3A_220 : i32 to index
        %swap3A_223 = tpu.vector_load %arg5[%swap3A_221, %swap3A_222] {strides = array<i32>} : memref<32x640xi32, #tpu.memory_space<vmem>>, vector<16xi32>,
        tpu.vector_store %arg5[%swap3A_221, %swap3A_222], %broadcast_in_dim3A_9 {strides = array<i32>} : memref<32x640xi32, #tpu.memory_space<vmem>>, vector<16xi32>,
        %mul3A_224 = arith.constant 128 : i32
        %mul3A_225 = arith.muli %scan3A_209, %mul3A_224 : i32
        %add3A_226 = arith.constant 32 : i32
        %add3A_227 = arith.addi %mul3A_225, %add3A_226 : i32
        %swap3A_228 = arith.index_cast %scan3A_199 : i32 to index
        %swap3A_229 = arith.index_cast %add3A_227 : i32 to index
        %swap3A_230 = tpu.vector_load %arg5[%swap3A_228, %swap3A_229] {strides = array<i32>} : memref<32x640xi32, #tpu.memory_space<vmem>>, vector<16xi32>,
        tpu.vector_store %arg5[%swap3A_228, %swap3A_229], %broadcast_in_dim3A_9 {strides = array<i32>} : memref<32x640xi32, #tpu.memory_space<vmem>>, vector<16xi32>,
        %mul3A_231 = arith.constant 128 : i32
        %mul3A_232 = arith.muli %scan3A_209, %mul3A_231 : i32
        %add3A_233 = arith.constant 48 : i32
        %add3A_234 = arith.addi %mul3A_232, %add3A_233 : i32
        %swap3A_235 = arith.index_cast %scan3A_199 : i32 to index
        %swap3A_236 = arith.index_cast %add3A_234 : i32 to index
        %swap3A_237 = tpu.vector_load %arg5[%swap3A_235, %swap3A_236] {strides = array<i32>} : memref<32x640xi32, #tpu.memory_space<vmem>>, vector<16xi32>,
        tpu.vector_store %arg5[%swap3A_235, %swap3A_236], %broadcast_in_dim3A_9 {strides = array<i32>} : memref<32x640xi32, #tpu.memory_space<vmem>>, vector<16xi32>,
        %mul3A_238 = arith.constant 128 : i32
        %mul3A_239 = arith.muli %scan3A_209, %mul3A_238 : i32
        %add3A_240 = arith.constant 64 : i32
        %add3A_241 = arith.addi %mul3A_239, %add3A_240 : i32
        %swap3A_242 = arith.index_cast %scan3A_199 : i32 to index
        %swap3A_243 = arith.index_cast %add3A_241 : i32 to index
        %swap3A_244 = tpu.vector_load %arg5[%swap3A_242, %swap3A_243] {strides = array<i32>} : memref<32x640xi32, #tpu.memory_space<vmem>>, vector<16xi32>,
        tpu.vector_store %arg5[%swap3A_242, %swap3A_243], %broadcast_in_dim3A_9 {strides = array<i32>} : memref<32x640xi32, #tpu.memory_space<vmem>>, vector<16xi32>,
        %mul3A_245 = arith.constant 128 : i32
        %mul3A_246 = arith.muli %scan3A_209, %mul3A_245 : i32
        %add3A_247 = arith.constant 80 : i32
        %add3A_248 = arith.addi %mul3A_246, %add3A_247 : i32
        %swap3A_249 = arith.index_cast %scan3A_199 : i32 to index
        %swap3A_250 = arith.index_cast %add3A_248 : i32 to index
        %swap3A_251 = tpu.vector_load %arg5[%swap3A_249, %swap3A_250] {strides = array<i32>} : memref<32x640xi32, #tpu.memory_space<vmem>>, vector<16xi32>,
        tpu.vector_store %arg5[%swap3A_249, %swap3A_250], %broadcast_in_dim3A_9 {strides = array<i32>} : memref<32x640xi32, #tpu.memory_space<vmem>>, vector<16xi32>,
        %mul3A_252 = arith.constant 128 : i32
        %mul3A_253 = arith.muli %scan3A_209, %mul3A_252 : i32
        %add3A_254 = arith.constant 96 : i32
        %add3A_255 = arith.addi %mul3A_253, %add3A_254 : i32
        %swap3A_256 = arith.index_cast %scan3A_199 : i32 to index
        %swap3A_257 = arith.index_cast %add3A_255 : i32 to index
        %swap3A_258 = tpu.vector_load %arg5[%swap3A_256, %swap3A_257] {strides = array<i32>} : memref<32x640xi32, #tpu.memory_space<vmem>>, vector<16xi32>,
        tpu.vector_store %arg5[%swap3A_256, %swap3A_257], %broadcast_in_dim3A_9 {strides = array<i32>} : memref<32x640xi32, #tpu.memory_space<vmem>>, vector<16xi32>,
        %mul3A_259 = arith.constant 128 : i32
        %mul3A_260 = arith.muli %scan3A_209, %mul3A_259 : i32
        %add3A_261 = arith.constant 112 : i32
        %add3A_262 = arith.addi %mul3A_260, %add3A_261 : i32
        %swap3A_263 = arith.index_cast %scan3A_199 : i32 to index
        %swap3A_264 = arith.index_cast %add3A_262 : i32 to index
        %swap3A_265 = tpu.vector_load %arg5[%swap3A_263, %swap3A_264] {strides = array<i32>} : memref<32x640xi32, #tpu.memory_space<vmem>>, vector<16xi32>,
        tpu.vector_store %arg5[%swap3A_263, %swap3A_264], %broadcast_in_dim3A_9 {strides = array<i32>} : memref<32x640xi32, #tpu.memory_space<vmem>>, vector<16xi32>,
        %scan3A_266 = arith.constant 0 : i32
        scf.yield %scan3A_266 : i32
      }
      %scan3A_207 = arith.constant 5 : i32
      %scan3A_208 = arith.constant 0 : i32
      scf.yield %scan3A_208 : i32
    }
    %scan3A_15 = arith.constant 32 : i32
    %scan3A_16 = arith.constant 0 : i32
    %scan3A_17 = arith.constant 0 : i32
    %scan3A_18 = arith.constant 60 : i32
    %scan3A_19 = arith.addi %scan3A_17, %scan3A_18 : i32
    %scan3A_20 = arith.constant 1 : i32
    %scan3A_21 = scf.for %scan3A_199 = %scan3A_17 to %scan3A_19 step %scan3A_20 iter_args(%scan3A_200 = %scan3A_16) -> (i32)  : i32 {
      %lt3A = arith.constant 30 : i32
      %lt3A_201 = arith.cmpi slt, %scan3A_199, %lt3A : i32
      %select_n3A = arith.select %lt3A_201, %broadcast_in_dim3A_5, %broadcast_in_dim3A_7 : vector<16xi32>
      %add3A_202 = arith.constant 0 : i32
      %add3A_203 = vector.broadcast %add3A_202 : i32 to vector<16xi32>
      %add3A_204 = arith.addi %iota3A, %add3A_203 : vector<16xi32>
      %get3A = arith.index_cast %scan3A_199 : i32 to index
      %get3A_205 = arith.constant 0 : index
      %get3A_206 = tpu.vector_load %arg4[%get3A, %get3A_205] {strides = array<i32>} : memref<60x256xi32, #tpu.memory_space<vmem>>, vector<16xi32>,
      tpu.vector_store_idx %arg5[%add3A_204, %get3A_206], %select_n3A {add = true} : memref<32x640xi32, #tpu.memory_space<vmem>>[vector<16xi32>, vector<16xi32>], vector<16xi32>,
      %add3A_207 = arith.constant 16 : i32
      %add3A_208 = vector.broadcast %add3A_207 : i32 to vector<16xi32>
      %add3A_209 = arith.addi %iota3A, %add3A_208 : vector<16xi32>
      %get3A_210 = arith.index_cast %scan3A_199 : i32 to index
      %get3A_211 = arith.constant 16 : index
      %get3A_212 = tpu.vector_load %arg4[%get3A_210, %get3A_211] {strides = array<i32>} : memref<60x256xi32, #tpu.memory_space<vmem>>, vector<16xi32>,
      tpu.vector_store_idx %arg5[%add3A_209, %get3A_212], %select_n3A {add = true} : memref<32x640xi32, #tpu.memory_space<vmem>>[vector<16xi32>, vector<16xi32>], vector<16xi32>,
      %scan3A_213 = arith.constant 0 : i32
      scf.yield %scan3A_213 : i32
    }
    %scan3A_22 = arith.constant 60 : i32
    %add3A_23 = arith.constant 0 : i32
    %add3A_24 = arith.addi %mul3A_2, %add3A_23 : i32
    %dma_start3A = arith.constant 0 : i32
    %dma_start3A_25 = tpu.memref_slice %arg3[%add3A_24, %dma_start3A] : memref<8192x640xi32, #tpu.memory_space<hbm>> -> memref<32x640xi32, #tpu.memory_space<hbm>>
    %dma_start3A_26 = arith.constant 0 : i32
    %dma_start3A_27 = tpu.memref_slice %arg3[%add3A_24, %dma_start3A_26] : memref<8192x640xi32, #tpu.memory_space<hbm>> -> memref<32x640xi32, #tpu.memory_space<hbm>>
    tpu.enqueue_dma source(%arg5 : memref<32x640xi32, #tpu.memory_space<vmem>>) target(%dma_start3A_27 : memref<32x640xi32, #tpu.memory_space<hbm>>) target_semaphore(%arg7 : memref<!tpu.dma_semaphore, #tpu.memory_space<semaphore_mem>>)
    %scan3A_28 = arith.constant 0 : i32
    %scan3A_29 = arith.constant 0 : i32
    %scan3A_30 = arith.constant 32 : i32
    %scan3A_31 = arith.addi %scan3A_29, %scan3A_30 : i32
    %scan3A_32 = arith.constant 1 : i32
    %scan3A_33 = scf.for %scan3A_199 = %scan3A_29 to %scan3A_31 step %scan3A_32 iter_args(%scan3A_200 = %scan3A_28) -> (i32)  : i32 {
      %scan3A_201 = arith.constant 0 : i32
      %scan3A_202 = arith.constant 0 : i32
      %scan3A_203 = arith.constant 5 : i32
      %scan3A_204 = arith.addi %scan3A_202, %scan3A_203 : i32
      %scan3A_205 = arith.constant 1 : i32
      %scan3A_206 = scf.for %scan3A_209 = %scan3A_202 to %scan3A_204 step %scan3A_205 iter_args(%scan3A_210 = %scan3A_201) -> (i32)  : i32 {
        %mul3A_211 = arith.constant 128 : i32
        %mul3A_212 = arith.muli %scan3A_209, %mul3A_211 : i32
        %add3A_213 = arith.constant 0 : i32
        %add3A_214 = arith.addi %mul3A_212, %add3A_213 : i32
        %swap3A = arith.index_cast %scan3A_199 : i32 to index
        %swap3A_215 = arith.index_cast %add3A_214 : i32 to index
        %swap3A_216 = tpu.vector_load %arg6[%swap3A, %swap3A_215] {strides = array<i32>} : memref<32x640xi32, #tpu.memory_space<vmem>>, vector<16xi32>,
        tpu.vector_store %arg6[%swap3A, %swap3A_215], %broadcast_in_dim3A_9 {strides = array<i32>} : memref<32x640xi32, #tpu.memory_space<vmem>>, vector<16xi32>,
        %mul3A_217 = arith.constant 128 : i32
        %mul3A_218 = arith.muli %scan3A_209, %mul3A_217 : i32
        %add3A_219 = arith.constant 16 : i32
        %add3A_220 = arith.addi %mul3A_218, %add3A_219 : i32
        %swap3A_221 = arith.index_cast %scan3A_199 : i32 to index
        %swap3A_222 = arith.index_cast %add3A_220 : i32 to index
        %swap3A_223 = tpu.vector_load %arg6[%swap3A_221, %swap3A_222] {strides = array<i32>} : memref<32x640xi32, #tpu.memory_space<vmem>>, vector<16xi32>,
        tpu.vector_store %arg6[%swap3A_221, %swap3A_222], %broadcast_in_dim3A_9 {strides = array<i32>} : memref<32x640xi32, #tpu.memory_space<vmem>>, vector<16xi32>,
        %mul3A_224 = arith.constant 128 : i32
        %mul3A_225 = arith.muli %scan3A_209, %mul3A_224 : i32
        %add3A_226 = arith.constant 32 : i32
        %add3A_227 = arith.addi %mul3A_225, %add3A_226 : i32
        %swap3A_228 = arith.index_cast %scan3A_199 : i32 to index
        %swap3A_229 = arith.index_cast %add3A_227 : i32 to index
        %swap3A_230 = tpu.vector_load %arg6[%swap3A_228, %swap3A_229] {strides = array<i32>} : memref<32x640xi32, #tpu.memory_space<vmem>>, vector<16xi32>,
        tpu.vector_store %arg6[%swap3A_228, %swap3A_229], %broadcast_in_dim3A_9 {strides = array<i32>} : memref<32x640xi32, #tpu.memory_space<vmem>>, vector<16xi32>,
        %mul3A_231 = arith.constant 128 : i32
        %mul3A_232 = arith.muli %scan3A_209, %mul3A_231 : i32
        %add3A_233 = arith.constant 48 : i32
        %add3A_234 = arith.addi %mul3A_232, %add3A_233 : i32
        %swap3A_235 = arith.index_cast %scan3A_199 : i32 to index
        %swap3A_236 = arith.index_cast %add3A_234 : i32 to index
        %swap3A_237 = tpu.vector_load %arg6[%swap3A_235, %swap3A_236] {strides = array<i32>} : memref<32x640xi32, #tpu.memory_space<vmem>>, vector<16xi32>,
        tpu.vector_store %arg6[%swap3A_235, %swap3A_236], %broadcast_in_dim3A_9 {strides = array<i32>} : memref<32x640xi32, #tpu.memory_space<vmem>>, vector<16xi32>,
        %mul3A_238 = arith.constant 128 : i32
        %mul3A_239 = arith.muli %scan3A_209, %mul3A_238 : i32
        %add3A_240 = arith.constant 64 : i32
        %add3A_241 = arith.addi %mul3A_239, %add3A_240 : i32
        %swap3A_242 = arith.index_cast %scan3A_199 : i32 to index
        %swap3A_243 = arith.index_cast %add3A_241 : i32 to index
        %swap3A_244 = tpu.vector_load %arg6[%swap3A_242, %swap3A_243] {strides = array<i32>} : memref<32x640xi32, #tpu.memory_space<vmem>>, vector<16xi32>,
        tpu.vector_store %arg6[%swap3A_242, %swap3A_243], %broadcast_in_dim3A_9 {strides = array<i32>} : memref<32x640xi32, #tpu.memory_space<vmem>>, vector<16xi32>,
        %mul3A_245 = arith.constant 128 : i32
        %mul3A_246 = arith.muli %scan3A_209, %mul3A_245 : i32
        %add3A_247 = arith.constant 80 : i32
        %add3A_248 = arith.addi %mul3A_246, %add3A_247 : i32
        %swap3A_249 = arith.index_cast %scan3A_199 : i32 to index
        %swap3A_250 = arith.index_cast %add3A_248 : i32 to index
        %swap3A_251 = tpu.vector_load %arg6[%swap3A_249, %swap3A_250] {strides = array<i32>} : memref<32x640xi32, #tpu.memory_space<vmem>>, vector<16xi32>,
        tpu.vector_store %arg6[%swap3A_249, %swap3A_250], %broadcast_in_dim3A_9 {strides = array<i32>} : memref<32x640xi32, #tpu.memory_space<vmem>>, vector<16xi32>,
        %mul3A_252 = arith.constant 128 : i32
        %mul3A_253 = arith.muli %scan3A_209, %mul3A_252 : i32
        %add3A_254 = arith.constant 96 : i32
        %add3A_255 = arith.addi %mul3A_253, %add3A_254 : i32
        %swap3A_256 = arith.index_cast %scan3A_199 : i32 to index
        %swap3A_257 = arith.index_cast %add3A_255 : i32 to index
        %swap3A_258 = tpu.vector_load %arg6[%swap3A_256, %swap3A_257] {strides = array<i32>} : memref<32x640xi32, #tpu.memory_space<vmem>>, vector<16xi32>,
        tpu.vector_store %arg6[%swap3A_256, %swap3A_257], %broadcast_in_dim3A_9 {strides = array<i32>} : memref<32x640xi32, #tpu.memory_space<vmem>>, vector<16xi32>,
        %mul3A_259 = arith.constant 128 : i32
        %mul3A_260 = arith.muli %scan3A_209, %mul3A_259 : i32
        %add3A_261 = arith.constant 112 : i32
        %add3A_262 = arith.addi %mul3A_260, %add3A_261 : i32
        %swap3A_263 = arith.index_cast %scan3A_199 : i32 to index
        %swap3A_264 = arith.index_cast %add3A_262 : i32 to index
        %swap3A_265 = tpu.vector_load %arg6[%swap3A_263, %swap3A_264] {strides = array<i32>} : memref<32x640xi32, #tpu.memory_space<vmem>>, vector<16xi32>,
        tpu.vector_store %arg6[%swap3A_263, %swap3A_264], %broadcast_in_dim3A_9 {strides = array<i32>} : memref<32x640xi32, #tpu.memory_space<vmem>>, vector<16xi32>,
        %scan3A_266 = arith.constant 0 : i32
        scf.yield %scan3A_266 : i32
      }
      %scan3A_207 = arith.constant 5 : i32
      %scan3A_208 = arith.constant 0 : i32
      scf.yield %scan3A_208 : i32
    }
    %scan3A_34 = arith.constant 32 : i32
    %scan3A_35 = arith.constant 0 : i32
    %scan3A_36 = arith.constant 0 : i32
    %scan3A_37 = arith.constant 60 : i32
    %scan3A_38 = arith.addi %scan3A_36, %scan3A_37 : i32
    %scan3A_39 = arith.constant 1 : i32
    %scan3A_40 = scf.for %scan3A_199 = %scan3A_36 to %scan3A_38 step %scan3A_39 iter_args(%scan3A_200 = %scan3A_35) -> (i32)  : i32 {
      %lt3A = arith.constant 30 : i32
      %lt3A_201 = arith.cmpi slt, %scan3A_199, %lt3A : i32
      %select_n3A = arith.select %lt3A_201, %broadcast_in_dim3A_5, %broadcast_in_dim3A_7 : vector<16xi32>
      %add3A_202 = arith.constant 0 : i32
      %add3A_203 = vector.broadcast %add3A_202 : i32 to vector<16xi32>
      %add3A_204 = arith.addi %iota3A, %add3A_203 : vector<16xi32>
      %get3A = arith.index_cast %scan3A_199 : i32 to index
      %get3A_205 = arith.constant 32 : index
      %get3A_206 = tpu.vector_load %arg4[%get3A, %get3A_205] {strides = array<i32>} : memref<60x256xi32, #tpu.memory_space<vmem>>, vector<16xi32>,
      tpu.vector_store_idx %arg6[%add3A_204, %get3A_206], %select_n3A {add = true} : memref<32x640xi32, #tpu.memory_space<vmem>>[vector<16xi32>, vector<16xi32>], vector<16xi32>,
      %add3A_207 = arith.constant 16 : i32
      %add3A_208 = vector.broadcast %add3A_207 : i32 to vector<16xi32>
      %add3A_209 = arith.addi %iota3A, %add3A_208 : vector<16xi32>
      %get3A_210 = arith.index_cast %scan3A_199 : i32 to index
      %get3A_211 = arith.constant 48 : index
      %get3A_212 = tpu.vector_load %arg4[%get3A_210, %get3A_211] {strides = array<i32>} : memref<60x256xi32, #tpu.memory_space<vmem>>, vector<16xi32>,
      tpu.vector_store_idx %arg6[%add3A_209, %get3A_212], %select_n3A {add = true} : memref<32x640xi32, #tpu.memory_space<vmem>>[vector<16xi32>, vector<16xi32>], vector<16xi32>,
      %scan3A_213 = arith.constant 0 : i32
      scf.yield %scan3A_213 : i32
    }
    %scan3A_41 = arith.constant 60 : i32
    %add3A_42 = arith.constant 32 : i32
    %add3A_43 = arith.addi %mul3A_2, %add3A_42 : i32
    %dma_start3A_44 = arith.constant 0 : i32
    %dma_start3A_45 = tpu.memref_slice %arg3[%add3A_43, %dma_start3A_44] : memref<8192x640xi32, #tpu.memory_space<hbm>> -> memref<32x640xi32, #tpu.memory_space<hbm>>
    %dma_start3A_46 = arith.constant 0 : i32
    %dma_start3A_47 = tpu.memref_slice %arg3[%add3A_43, %dma_start3A_46] : memref<8192x640xi32, #tpu.memory_space<hbm>> -> memref<32x640xi32, #tpu.memory_space<hbm>>
    tpu.enqueue_dma source(%arg6 : memref<32x640xi32, #tpu.memory_space<vmem>>) target(%dma_start3A_47 : memref<32x640xi32, #tpu.memory_space<hbm>>) target_semaphore(%arg8 : memref<!tpu.dma_semaphore, #tpu.memory_space<semaphore_mem>>)
    %dma_wait3A = arith.constant 0 : i32
    %dma_wait3A_48 = tpu.memref_slice %arg3[%add3A_24, %dma_wait3A] : memref<8192x640xi32, #tpu.memory_space<hbm>> -> memref<32x640xi32, #tpu.memory_space<hbm>>
    %dma_wait3A_49 = arith.constant 0 : i32
    %dma_wait3A_50 = tpu.memref_slice %arg3[%add3A_24, %dma_wait3A_49] : memref<8192x640xi32, #tpu.memory_space<hbm>> -> memref<32x640xi32, #tpu.memory_space<hbm>>
    tpu.wait_dma2 semaphore(%arg7 : memref<!tpu.dma_semaphore, #tpu.memory_space<semaphore_mem>>) src(%arg5 : memref<32x640xi32, #tpu.memory_space<vmem>>) dst(%dma_wait3A_50 : memref<32x640xi32, #tpu.memory_space<hbm>>)
    %scan3A_51 = arith.constant 0 : i32
    %scan3A_52 = arith.constant 0 : i32
    %scan3A_53 = arith.constant 32 : i32
    %scan3A_54 = arith.addi %scan3A_52, %scan3A_53 : i32
    %scan3A_55 = arith.constant 1 : i32
    %scan3A_56 = scf.for %scan3A_199 = %scan3A_52 to %scan3A_54 step %scan3A_55 iter_args(%scan3A_200 = %scan3A_51) -> (i32)  : i32 {
      %scan3A_201 = arith.constant 0 : i32
      %scan3A_202 = arith.constant 0 : i32
      %scan3A_203 = arith.constant 5 : i32
      %scan3A_204 = arith.addi %scan3A_202, %scan3A_203 : i32
      %scan3A_205 = arith.constant 1 : i32
      %scan3A_206 = scf.for %scan3A_209 = %scan3A_202 to %scan3A_204 step %scan3A_205 iter_args(%scan3A_210 = %scan3A_201) -> (i32)  : i32 {
        %mul3A_211 = arith.constant 128 : i32
        %mul3A_212 = arith.muli %scan3A_209, %mul3A_211 : i32
        %add3A_213 = arith.constant 0 : i32
        %add3A_214 = arith.addi %mul3A_212, %add3A_213 : i32
        %swap3A = arith.index_cast %scan3A_199 : i32 to index
        %swap3A_215 = arith.index_cast %add3A_214 : i32 to index
        %swap3A_216 = tpu.vector_load %arg5[%swap3A, %swap3A_215] {strides = array<i32>} : memref<32x640xi32, #tpu.memory_space<vmem>>, vector<16xi32>,
        tpu.vector_store %arg5[%swap3A, %swap3A_215], %broadcast_in_dim3A_9 {strides = array<i32>} : memref<32x640xi32, #tpu.memory_space<vmem>>, vector<16xi32>,
        %mul3A_217 = arith.constant 128 : i32
        %mul3A_218 = arith.muli %scan3A_209, %mul3A_217 : i32
        %add3A_219 = arith.constant 16 : i32
        %add3A_220 = arith.addi %mul3A_218, %add3A_219 : i32
        %swap3A_221 = arith.index_cast %scan3A_199 : i32 to index
        %swap3A_222 = arith.index_cast %add3A_220 : i32 to index
        %swap3A_223 = tpu.vector_load %arg5[%swap3A_221, %swap3A_222] {strides = array<i32>} : memref<32x640xi32, #tpu.memory_space<vmem>>, vector<16xi32>,
        tpu.vector_store %arg5[%swap3A_221, %swap3A_222], %broadcast_in_dim3A_9 {strides = array<i32>} : memref<32x640xi32, #tpu.memory_space<vmem>>, vector<16xi32>,
        %mul3A_224 = arith.constant 128 : i32
        %mul3A_225 = arith.muli %scan3A_209, %mul3A_224 : i32
        %add3A_226 = arith.constant 32 : i32
        %add3A_227 = arith.addi %mul3A_225, %add3A_226 : i32
        %swap3A_228 = arith.index_cast %scan3A_199 : i32 to index
        %swap3A_229 = arith.index_cast %add3A_227 : i32 to index
        %swap3A_230 = tpu.vector_load %arg5[%swap3A_228, %swap3A_229] {strides = array<i32>} : memref<32x640xi32, #tpu.memory_space<vmem>>, vector<16xi32>,
        tpu.vector_store %arg5[%swap3A_228, %swap3A_229], %broadcast_in_dim3A_9 {strides = array<i32>} : memref<32x640xi32, #tpu.memory_space<vmem>>, vector<16xi32>,
        %mul3A_231 = arith.constant 128 : i32
        %mul3A_232 = arith.muli %scan3A_209, %mul3A_231 : i32
        %add3A_233 = arith.constant 48 : i32
        %add3A_234 = arith.addi %mul3A_232, %add3A_233 : i32
        %swap3A_235 = arith.index_cast %scan3A_199 : i32 to index
        %swap3A_236 = arith.index_cast %add3A_234 : i32 to index
        %swap3A_237 = tpu.vector_load %arg5[%swap3A_235, %swap3A_236] {strides = array<i32>} : memref<32x640xi32, #tpu.memory_space<vmem>>, vector<16xi32>,
        tpu.vector_store %arg5[%swap3A_235, %swap3A_236], %broadcast_in_dim3A_9 {strides = array<i32>} : memref<32x640xi32, #tpu.memory_space<vmem>>, vector<16xi32>,
        %mul3A_238 = arith.constant 128 : i32
        %mul3A_239 = arith.muli %scan3A_209, %mul3A_238 : i32
        %add3A_240 = arith.constant 64 : i32
        %add3A_241 = arith.addi %mul3A_239, %add3A_240 : i32
        %swap3A_242 = arith.index_cast %scan3A_199 : i32 to index
        %swap3A_243 = arith.index_cast %add3A_241 : i32 to index
        %swap3A_244 = tpu.vector_load %arg5[%swap3A_242, %swap3A_243] {strides = array<i32>} : memref<32x640xi32, #tpu.memory_space<vmem>>, vector<16xi32>,
        tpu.vector_store %arg5[%swap3A_242, %swap3A_243], %broadcast_in_dim3A_9 {strides = array<i32>} : memref<32x640xi32, #tpu.memory_space<vmem>>, vector<16xi32>,
        %mul3A_245 = arith.constant 128 : i32
        %mul3A_246 = arith.muli %scan3A_209, %mul3A_245 : i32
        %add3A_247 = arith.constant 80 : i32
        %add3A_248 = arith.addi %mul3A_246, %add3A_247 : i32
        %swap3A_249 = arith.index_cast %scan3A_199 : i32 to index
        %swap3A_250 = arith.index_cast %add3A_248 : i32 to index
        %swap3A_251 = tpu.vector_load %arg5[%swap3A_249, %swap3A_250] {strides = array<i32>} : memref<32x640xi32, #tpu.memory_space<vmem>>, vector<16xi32>,
        tpu.vector_store %arg5[%swap3A_249, %swap3A_250], %broadcast_in_dim3A_9 {strides = array<i32>} : memref<32x640xi32, #tpu.memory_space<vmem>>, vector<16xi32>,
        %mul3A_252 = arith.constant 128 : i32
        %mul3A_253 = arith.muli %scan3A_209, %mul3A_252 : i32
        %add3A_254 = arith.constant 96 : i32
        %add3A_255 = arith.addi %mul3A_253, %add3A_254 : i32
        %swap3A_256 = arith.index_cast %scan3A_199 : i32 to index
        %swap3A_257 = arith.index_cast %add3A_255 : i32 to index
        %swap3A_258 = tpu.vector_load %arg5[%swap3A_256, %swap3A_257] {strides = array<i32>} : memref<32x640xi32, #tpu.memory_space<vmem>>, vector<16xi32>,
        tpu.vector_store %arg5[%swap3A_256, %swap3A_257], %broadcast_in_dim3A_9 {strides = array<i32>} : memref<32x640xi32, #tpu.memory_space<vmem>>, vector<16xi32>,
        %mul3A_259 = arith.constant 128 : i32
        %mul3A_260 = arith.muli %scan3A_209, %mul3A_259 : i32
        %add3A_261 = arith.constant 112 : i32
        %add3A_262 = arith.addi %mul3A_260, %add3A_261 : i32
        %swap3A_263 = arith.index_cast %scan3A_199 : i32 to index
        %swap3A_264 = arith.index_cast %add3A_262 : i32 to index
        %swap3A_265 = tpu.vector_load %arg5[%swap3A_263, %swap3A_264] {strides = array<i32>} : memref<32x640xi32, #tpu.memory_space<vmem>>, vector<16xi32>,
        tpu.vector_store %arg5[%swap3A_263, %swap3A_264], %broadcast_in_dim3A_9 {strides = array<i32>} : memref<32x640xi32, #tpu.memory_space<vmem>>, vector<16xi32>,
        %scan3A_266 = arith.constant 0 : i32
        scf.yield %scan3A_266 : i32
      }
      %scan3A_207 = arith.constant 5 : i32
      %scan3A_208 = arith.constant 0 : i32
      scf.yield %scan3A_208 : i32
    }
    %scan3A_57 = arith.constant 32 : i32
    %scan3A_58 = arith.constant 0 : i32
    %scan3A_59 = arith.constant 0 : i32
    %scan3A_60 = arith.constant 60 : i32
    %scan3A_61 = arith.addi %scan3A_59, %scan3A_60 : i32
    %scan3A_62 = arith.constant 1 : i32
    %scan3A_63 = scf.for %scan3A_199 = %scan3A_59 to %scan3A_61 step %scan3A_62 iter_args(%scan3A_200 = %scan3A_58) -> (i32)  : i32 {
      %lt3A = arith.constant 30 : i32
      %lt3A_201 = arith.cmpi slt, %scan3A_199, %lt3A : i32
      %select_n3A = arith.select %lt3A_201, %broadcast_in_dim3A_5, %broadcast_in_dim3A_7 : vector<16xi32>
      %add3A_202 = arith.constant 0 : i32
      %add3A_203 = vector.broadcast %add3A_202 : i32 to vector<16xi32>
      %add3A_204 = arith.addi %iota3A, %add3A_203 : vector<16xi32>
      %get3A = arith.index_cast %scan3A_199 : i32 to index
      %get3A_205 = arith.constant 64 : index
      %get3A_206 = tpu.vector_load %arg4[%get3A, %get3A_205] {strides = array<i32>} : memref<60x256xi32, #tpu.memory_space<vmem>>, vector<16xi32>,
      tpu.vector_store_idx %arg5[%add3A_204, %get3A_206], %select_n3A {add = true} : memref<32x640xi32, #tpu.memory_space<vmem>>[vector<16xi32>, vector<16xi32>], vector<16xi32>,
      %add3A_207 = arith.constant 16 : i32
      %add3A_208 = vector.broadcast %add3A_207 : i32 to vector<16xi32>
      %add3A_209 = arith.addi %iota3A, %add3A_208 : vector<16xi32>
      %get3A_210 = arith.index_cast %scan3A_199 : i32 to index
      %get3A_211 = arith.constant 80 : index
      %get3A_212 = tpu.vector_load %arg4[%get3A_210, %get3A_211] {strides = array<i32>} : memref<60x256xi32, #tpu.memory_space<vmem>>, vector<16xi32>,
      tpu.vector_store_idx %arg5[%add3A_209, %get3A_212], %select_n3A {add = true} : memref<32x640xi32, #tpu.memory_space<vmem>>[vector<16xi32>, vector<16xi32>], vector<16xi32>,
      %scan3A_213 = arith.constant 0 : i32
      scf.yield %scan3A_213 : i32
    }
    %scan3A_64 = arith.constant 60 : i32
    %add3A_65 = arith.constant 64 : i32
    %add3A_66 = arith.addi %mul3A_2, %add3A_65 : i32
    %dma_start3A_67 = arith.constant 0 : i32
    %dma_start3A_68 = tpu.memref_slice %arg3[%add3A_66, %dma_start3A_67] : memref<8192x640xi32, #tpu.memory_space<hbm>> -> memref<32x640xi32, #tpu.memory_space<hbm>>
    %dma_start3A_69 = arith.constant 0 : i32
    %dma_start3A_70 = tpu.memref_slice %arg3[%add3A_66, %dma_start3A_69] : memref<8192x640xi32, #tpu.memory_space<hbm>> -> memref<32x640xi32, #tpu.memory_space<hbm>>
    tpu.enqueue_dma source(%arg5 : memref<32x640xi32, #tpu.memory_space<vmem>>) target(%dma_start3A_70 : memref<32x640xi32, #tpu.memory_space<hbm>>) target_semaphore(%arg7 : memref<!tpu.dma_semaphore, #tpu.memory_space<semaphore_mem>>)
    %dma_wait3A_71 = arith.constant 0 : i32
    %dma_wait3A_72 = tpu.memref_slice %arg3[%add3A_43, %dma_wait3A_71] : memref<8192x640xi32, #tpu.memory_space<hbm>> -> memref<32x640xi32, #tpu.memory_space<hbm>>
    %dma_wait3A_73 = arith.constant 0 : i32
    %dma_wait3A_74 = tpu.memref_slice %arg3[%add3A_43, %dma_wait3A_73] : memref<8192x640xi32, #tpu.memory_space<hbm>> -> memref<32x640xi32, #tpu.memory_space<hbm>>
    tpu.wait_dma2 semaphore(%arg8 : memref<!tpu.dma_semaphore, #tpu.memory_space<semaphore_mem>>) src(%arg6 : memref<32x640xi32, #tpu.memory_space<vmem>>) dst(%dma_wait3A_74 : memref<32x640xi32, #tpu.memory_space<hbm>>)
    %scan3A_75 = arith.constant 0 : i32
    %scan3A_76 = arith.constant 0 : i32
    %scan3A_77 = arith.constant 32 : i32
    %scan3A_78 = arith.addi %scan3A_76, %scan3A_77 : i32
    %scan3A_79 = arith.constant 1 : i32
    %scan3A_80 = scf.for %scan3A_199 = %scan3A_76 to %scan3A_78 step %scan3A_79 iter_args(%scan3A_200 = %scan3A_75) -> (i32)  : i32 {
      %scan3A_201 = arith.constant 0 : i32
      %scan3A_202 = arith.constant 0 : i32
      %scan3A_203 = arith.constant 5 : i32
      %scan3A_204 = arith.addi %scan3A_202, %scan3A_203 : i32
      %scan3A_205 = arith.constant 1 : i32
      %scan3A_206 = scf.for %scan3A_209 = %scan3A_202 to %scan3A_204 step %scan3A_205 iter_args(%scan3A_210 = %scan3A_201) -> (i32)  : i32 {
        %mul3A_211 = arith.constant 128 : i32
        %mul3A_212 = arith.muli %scan3A_209, %mul3A_211 : i32
        %add3A_213 = arith.constant 0 : i32
        %add3A_214 = arith.addi %mul3A_212, %add3A_213 : i32
        %swap3A = arith.index_cast %scan3A_199 : i32 to index
        %swap3A_215 = arith.index_cast %add3A_214 : i32 to index
        %swap3A_216 = tpu.vector_load %arg6[%swap3A, %swap3A_215] {strides = array<i32>} : memref<32x640xi32, #tpu.memory_space<vmem>>, vector<16xi32>,
        tpu.vector_store %arg6[%swap3A, %swap3A_215], %broadcast_in_dim3A_9 {strides = array<i32>} : memref<32x640xi32, #tpu.memory_space<vmem>>, vector<16xi32>,
        %mul3A_217 = arith.constant 128 : i32
        %mul3A_218 = arith.muli %scan3A_209, %mul3A_217 : i32
        %add3A_219 = arith.constant 16 : i32
        %add3A_220 = arith.addi %mul3A_218, %add3A_219 : i32
        %swap3A_221 = arith.index_cast %scan3A_199 : i32 to index
        %swap3A_222 = arith.index_cast %add3A_220 : i32 to index
        %swap3A_223 = tpu.vector_load %arg6[%swap3A_221, %swap3A_222] {strides = array<i32>} : memref<32x640xi32, #tpu.memory_space<vmem>>, vector<16xi32>,
        tpu.vector_store %arg6[%swap3A_221, %swap3A_222], %broadcast_in_dim3A_9 {strides = array<i32>} : memref<32x640xi32, #tpu.memory_space<vmem>>, vector<16xi32>,
        %mul3A_224 = arith.constant 128 : i32
        %mul3A_225 = arith.muli %scan3A_209, %mul3A_224 : i32
        %add3A_226 = arith.constant 32 : i32
        %add3A_227 = arith.addi %mul3A_225, %add3A_226 : i32
        %swap3A_228 = arith.index_cast %scan3A_199 : i32 to index
        %swap3A_229 = arith.index_cast %add3A_227 : i32 to index
        %swap3A_230 = tpu.vector_load %arg6[%swap3A_228, %swap3A_229] {strides = array<i32>} : memref<32x640xi32, #tpu.memory_space<vmem>>, vector<16xi32>,
        tpu.vector_store %arg6[%swap3A_228, %swap3A_229], %broadcast_in_dim3A_9 {strides = array<i32>} : memref<32x640xi32, #tpu.memory_space<vmem>>, vector<16xi32>,
        %mul3A_231 = arith.constant 128 : i32
        %mul3A_232 = arith.muli %scan3A_209, %mul3A_231 : i32
        %add3A_233 = arith.constant 48 : i32
        %add3A_234 = arith.addi %mul3A_232, %add3A_233 : i32
        %swap3A_235 = arith.index_cast %scan3A_199 : i32 to index
        %swap3A_236 = arith.index_cast %add3A_234 : i32 to index
        %swap3A_237 = tpu.vector_load %arg6[%swap3A_235, %swap3A_236] {strides = array<i32>} : memref<32x640xi32, #tpu.memory_space<vmem>>, vector<16xi32>,
        tpu.vector_store %arg6[%swap3A_235, %swap3A_236], %broadcast_in_dim3A_9 {strides = array<i32>} : memref<32x640xi32, #tpu.memory_space<vmem>>, vector<16xi32>,
        %mul3A_238 = arith.constant 128 : i32
        %mul3A_239 = arith.muli %scan3A_209, %mul3A_238 : i32
        %add3A_240 = arith.constant 64 : i32
        %add3A_241 = arith.addi %mul3A_239, %add3A_240 : i32
        %swap3A_242 = arith.index_cast %scan3A_199 : i32 to index
        %swap3A_243 = arith.index_cast %add3A_241 : i32 to index
        %swap3A_244 = tpu.vector_load %arg6[%swap3A_242, %swap3A_243] {strides = array<i32>} : memref<32x640xi32, #tpu.memory_space<vmem>>, vector<16xi32>,
        tpu.vector_store %arg6[%swap3A_242, %swap3A_243], %broadcast_in_dim3A_9 {strides = array<i32>} : memref<32x640xi32, #tpu.memory_space<vmem>>, vector<16xi32>,
        %mul3A_245 = arith.constant 128 : i32
        %mul3A_246 = arith.muli %scan3A_209, %mul3A_245 : i32
        %add3A_247 = arith.constant 80 : i32
        %add3A_248 = arith.addi %mul3A_246, %add3A_247 : i32
        %swap3A_249 = arith.index_cast %scan3A_199 : i32 to index
        %swap3A_250 = arith.index_cast %add3A_248 : i32 to index
        %swap3A_251 = tpu.vector_load %arg6[%swap3A_249, %swap3A_250] {strides = array<i32>} : memref<32x640xi32, #tpu.memory_space<vmem>>, vector<16xi32>,
        tpu.vector_store %arg6[%swap3A_249, %swap3A_250], %broadcast_in_dim3A_9 {strides = array<i32>} : memref<32x640xi32, #tpu.memory_space<vmem>>, vector<16xi32>,
        %mul3A_252 = arith.constant 128 : i32
        %mul3A_253 = arith.muli %scan3A_209, %mul3A_252 : i32
        %add3A_254 = arith.constant 96 : i32
        %add3A_255 = arith.addi %mul3A_253, %add3A_254 : i32
        %swap3A_256 = arith.index_cast %scan3A_199 : i32 to index
        %swap3A_257 = arith.index_cast %add3A_255 : i32 to index
        %swap3A_258 = tpu.vector_load %arg6[%swap3A_256, %swap3A_257] {strides = array<i32>} : memref<32x640xi32, #tpu.memory_space<vmem>>, vector<16xi32>,
        tpu.vector_store %arg6[%swap3A_256, %swap3A_257], %broadcast_in_dim3A_9 {strides = array<i32>} : memref<32x640xi32, #tpu.memory_space<vmem>>, vector<16xi32>,
        %mul3A_259 = arith.constant 128 : i32
        %mul3A_260 = arith.muli %scan3A_209, %mul3A_259 : i32
        %add3A_261 = arith.constant 112 : i32
        %add3A_262 = arith.addi %mul3A_260, %add3A_261 : i32
        %swap3A_263 = arith.index_cast %scan3A_199 : i32 to index
        %swap3A_264 = arith.index_cast %add3A_262 : i32 to index
        %swap3A_265 = tpu.vector_load %arg6[%swap3A_263, %swap3A_264] {strides = array<i32>} : memref<32x640xi32, #tpu.memory_space<vmem>>, vector<16xi32>,
        tpu.vector_store %arg6[%swap3A_263, %swap3A_264], %broadcast_in_dim3A_9 {strides = array<i32>} : memref<32x640xi32, #tpu.memory_space<vmem>>, vector<16xi32>,
        %scan3A_266 = arith.constant 0 : i32
        scf.yield %scan3A_266 : i32
      }
      %scan3A_207 = arith.constant 5 : i32
      %scan3A_208 = arith.constant 0 : i32
      scf.yield %scan3A_208 : i32
    }
    %scan3A_81 = arith.constant 32 : i32
    %scan3A_82 = arith.constant 0 : i32
    %scan3A_83 = arith.constant 0 : i32
    %scan3A_84 = arith.constant 60 : i32
    %scan3A_85 = arith.addi %scan3A_83, %scan3A_84 : i32
    %scan3A_86 = arith.constant 1 : i32
    %scan3A_87 = scf.for %scan3A_199 = %scan3A_83 to %scan3A_85 step %scan3A_86 iter_args(%scan3A_200 = %scan3A_82) -> (i32)  : i32 {
      %lt3A = arith.constant 30 : i32
      %lt3A_201 = arith.cmpi slt, %scan3A_199, %lt3A : i32
      %select_n3A = arith.select %lt3A_201, %broadcast_in_dim3A_5, %broadcast_in_dim3A_7 : vector<16xi32>
      %add3A_202 = arith.constant 0 : i32
      %add3A_203 = vector.broadcast %add3A_202 : i32 to vector<16xi32>
      %add3A_204 = arith.addi %iota3A, %add3A_203 : vector<16xi32>
      %get3A = arith.index_cast %scan3A_199 : i32 to index
      %get3A_205 = arith.constant 96 : index
      %get3A_206 = tpu.vector_load %arg4[%get3A, %get3A_205] {strides = array<i32>} : memref<60x256xi32, #tpu.memory_space<vmem>>, vector<16xi32>,
      tpu.vector_store_idx %arg6[%add3A_204, %get3A_206], %select_n3A {add = true} : memref<32x640xi32, #tpu.memory_space<vmem>>[vector<16xi32>, vector<16xi32>], vector<16xi32>,
      %add3A_207 = arith.constant 16 : i32
      %add3A_208 = vector.broadcast %add3A_207 : i32 to vector<16xi32>
      %add3A_209 = arith.addi %iota3A, %add3A_208 : vector<16xi32>
      %get3A_210 = arith.index_cast %scan3A_199 : i32 to index
      %get3A_211 = arith.constant 112 : index
      %get3A_212 = tpu.vector_load %arg4[%get3A_210, %get3A_211] {strides = array<i32>} : memref<60x256xi32, #tpu.memory_space<vmem>>, vector<16xi32>,
      tpu.vector_store_idx %arg6[%add3A_209, %get3A_212], %select_n3A {add = true} : memref<32x640xi32, #tpu.memory_space<vmem>>[vector<16xi32>, vector<16xi32>], vector<16xi32>,
      %scan3A_213 = arith.constant 0 : i32
      scf.yield %scan3A_213 : i32
    }
    %scan3A_88 = arith.constant 60 : i32
    %add3A_89 = arith.constant 96 : i32
    %add3A_90 = arith.addi %mul3A_2, %add3A_89 : i32
    %dma_start3A_91 = arith.constant 0 : i32
    %dma_start3A_92 = tpu.memref_slice %arg3[%add3A_90, %dma_start3A_91] : memref<8192x640xi32, #tpu.memory_space<hbm>> -> memref<32x640xi32, #tpu.memory_space<hbm>>
    %dma_start3A_93 = arith.constant 0 : i32
    %dma_start3A_94 = tpu.memref_slice %arg3[%add3A_90, %dma_start3A_93] : memref<8192x640xi32, #tpu.memory_space<hbm>> -> memref<32x640xi32, #tpu.memory_space<hbm>>
    tpu.enqueue_dma source(%arg6 : memref<32x640xi32, #tpu.memory_space<vmem>>) target(%dma_start3A_94 : memref<32x640xi32, #tpu.memory_space<hbm>>) target_semaphore(%arg8 : memref<!tpu.dma_semaphore, #tpu.memory_space<semaphore_mem>>)
    %dma_wait3A_95 = arith.constant 0 : i32
    %dma_wait3A_96 = tpu.memref_slice %arg3[%add3A_66, %dma_wait3A_95] : memref<8192x640xi32, #tpu.memory_space<hbm>> -> memref<32x640xi32, #tpu.memory_space<hbm>>
    %dma_wait3A_97 = arith.constant 0 : i32
    %dma_wait3A_98 = tpu.memref_slice %arg3[%add3A_66, %dma_wait3A_97] : memref<8192x640xi32, #tpu.memory_space<hbm>> -> memref<32x640xi32, #tpu.memory_space<hbm>>
    tpu.wait_dma2 semaphore(%arg7 : memref<!tpu.dma_semaphore, #tpu.memory_space<semaphore_mem>>) src(%arg5 : memref<32x640xi32, #tpu.memory_space<vmem>>) dst(%dma_wait3A_98 : memref<32x640xi32, #tpu.memory_space<hbm>>)
    %scan3A_99 = arith.constant 0 : i32
    %scan3A_100 = arith.constant 0 : i32
    %scan3A_101 = arith.constant 32 : i32
    %scan3A_102 = arith.addi %scan3A_100, %scan3A_101 : i32
    %scan3A_103 = arith.constant 1 : i32
    %scan3A_104 = scf.for %scan3A_199 = %scan3A_100 to %scan3A_102 step %scan3A_103 iter_args(%scan3A_200 = %scan3A_99) -> (i32)  : i32 {
      %scan3A_201 = arith.constant 0 : i32
      %scan3A_202 = arith.constant 0 : i32
      %scan3A_203 = arith.constant 5 : i32
      %scan3A_204 = arith.addi %scan3A_202, %scan3A_203 : i32
      %scan3A_205 = arith.constant 1 : i32
      %scan3A_206 = scf.for %scan3A_209 = %scan3A_202 to %scan3A_204 step %scan3A_205 iter_args(%scan3A_210 = %scan3A_201) -> (i32)  : i32 {
        %mul3A_211 = arith.constant 128 : i32
        %mul3A_212 = arith.muli %scan3A_209, %mul3A_211 : i32
        %add3A_213 = arith.constant 0 : i32
        %add3A_214 = arith.addi %mul3A_212, %add3A_213 : i32
        %swap3A = arith.index_cast %scan3A_199 : i32 to index
        %swap3A_215 = arith.index_cast %add3A_214 : i32 to index
        %swap3A_216 = tpu.vector_load %arg5[%swap3A, %swap3A_215] {strides = array<i32>} : memref<32x640xi32, #tpu.memory_space<vmem>>, vector<16xi32>,
        tpu.vector_store %arg5[%swap3A, %swap3A_215], %broadcast_in_dim3A_9 {strides = array<i32>} : memref<32x640xi32, #tpu.memory_space<vmem>>, vector<16xi32>,
        %mul3A_217 = arith.constant 128 : i32
        %mul3A_218 = arith.muli %scan3A_209, %mul3A_217 : i32
        %add3A_219 = arith.constant 16 : i32
        %add3A_220 = arith.addi %mul3A_218, %add3A_219 : i32
        %swap3A_221 = arith.index_cast %scan3A_199 : i32 to index
        %swap3A_222 = arith.index_cast %add3A_220 : i32 to index
        %swap3A_223 = tpu.vector_load %arg5[%swap3A_221, %swap3A_222] {strides = array<i32>} : memref<32x640xi32, #tpu.memory_space<vmem>>, vector<16xi32>,
        tpu.vector_store %arg5[%swap3A_221, %swap3A_222], %broadcast_in_dim3A_9 {strides = array<i32>} : memref<32x640xi32, #tpu.memory_space<vmem>>, vector<16xi32>,
        %mul3A_224 = arith.constant 128 : i32
        %mul3A_225 = arith.muli %scan3A_209, %mul3A_224 : i32
        %add3A_226 = arith.constant 32 : i32
        %add3A_227 = arith.addi %mul3A_225, %add3A_226 : i32
        %swap3A_228 = arith.index_cast %scan3A_199 : i32 to index
        %swap3A_229 = arith.index_cast %add3A_227 : i32 to index
        %swap3A_230 = tpu.vector_load %arg5[%swap3A_228, %swap3A_229] {strides = array<i32>} : memref<32x640xi32, #tpu.memory_space<vmem>>, vector<16xi32>,
        tpu.vector_store %arg5[%swap3A_228, %swap3A_229], %broadcast_in_dim3A_9 {strides = array<i32>} : memref<32x640xi32, #tpu.memory_space<vmem>>, vector<16xi32>,
        %mul3A_231 = arith.constant 128 : i32
        %mul3A_232 = arith.muli %scan3A_209, %mul3A_231 : i32
        %add3A_233 = arith.constant 48 : i32
        %add3A_234 = arith.addi %mul3A_232, %add3A_233 : i32
        %swap3A_235 = arith.index_cast %scan3A_199 : i32 to index
        %swap3A_236 = arith.index_cast %add3A_234 : i32 to index
        %swap3A_237 = tpu.vector_load %arg5[%swap3A_235, %swap3A_236] {strides = array<i32>} : memref<32x640xi32, #tpu.memory_space<vmem>>, vector<16xi32>,
        tpu.vector_store %arg5[%swap3A_235, %swap3A_236], %broadcast_in_dim3A_9 {strides = array<i32>} : memref<32x640xi32, #tpu.memory_space<vmem>>, vector<16xi32>,
        %mul3A_238 = arith.constant 128 : i32
        %mul3A_239 = arith.muli %scan3A_209, %mul3A_238 : i32
        %add3A_240 = arith.constant 64 : i32
        %add3A_241 = arith.addi %mul3A_239, %add3A_240 : i32
        %swap3A_242 = arith.index_cast %scan3A_199 : i32 to index
        %swap3A_243 = arith.index_cast %add3A_241 : i32 to index
        %swap3A_244 = tpu.vector_load %arg5[%swap3A_242, %swap3A_243] {strides = array<i32>} : memref<32x640xi32, #tpu.memory_space<vmem>>, vector<16xi32>,
        tpu.vector_store %arg5[%swap3A_242, %swap3A_243], %broadcast_in_dim3A_9 {strides = array<i32>} : memref<32x640xi32, #tpu.memory_space<vmem>>, vector<16xi32>,
        %mul3A_245 = arith.constant 128 : i32
        %mul3A_246 = arith.muli %scan3A_209, %mul3A_245 : i32
        %add3A_247 = arith.constant 80 : i32
        %add3A_248 = arith.addi %mul3A_246, %add3A_247 : i32
        %swap3A_249 = arith.index_cast %scan3A_199 : i32 to index
        %swap3A_250 = arith.index_cast %add3A_248 : i32 to index
        %swap3A_251 = tpu.vector_load %arg5[%swap3A_249, %swap3A_250] {strides = array<i32>} : memref<32x640xi32, #tpu.memory_space<vmem>>, vector<16xi32>,
        tpu.vector_store %arg5[%swap3A_249, %swap3A_250], %broadcast_in_dim3A_9 {strides = array<i32>} : memref<32x640xi32, #tpu.memory_space<vmem>>, vector<16xi32>,
        %mul3A_252 = arith.constant 128 : i32
        %mul3A_253 = arith.muli %scan3A_209, %mul3A_252 : i32
        %add3A_254 = arith.constant 96 : i32
        %add3A_255 = arith.addi %mul3A_253, %add3A_254 : i32
        %swap3A_256 = arith.index_cast %scan3A_199 : i32 to index
        %swap3A_257 = arith.index_cast %add3A_255 : i32 to index
        %swap3A_258 = tpu.vector_load %arg5[%swap3A_256, %swap3A_257] {strides = array<i32>} : memref<32x640xi32, #tpu.memory_space<vmem>>, vector<16xi32>,
        tpu.vector_store %arg5[%swap3A_256, %swap3A_257], %broadcast_in_dim3A_9 {strides = array<i32>} : memref<32x640xi32, #tpu.memory_space<vmem>>, vector<16xi32>,
        %mul3A_259 = arith.constant 128 : i32
        %mul3A_260 = arith.muli %scan3A_209, %mul3A_259 : i32
        %add3A_261 = arith.constant 112 : i32
        %add3A_262 = arith.addi %mul3A_260, %add3A_261 : i32
        %swap3A_263 = arith.index_cast %scan3A_199 : i32 to index
        %swap3A_264 = arith.index_cast %add3A_262 : i32 to index
        %swap3A_265 = tpu.vector_load %arg5[%swap3A_263, %swap3A_264] {strides = array<i32>} : memref<32x640xi32, #tpu.memory_space<vmem>>, vector<16xi32>,
        tpu.vector_store %arg5[%swap3A_263, %swap3A_264], %broadcast_in_dim3A_9 {strides = array<i32>} : memref<32x640xi32, #tpu.memory_space<vmem>>, vector<16xi32>,
        %scan3A_266 = arith.constant 0 : i32
        scf.yield %scan3A_266 : i32
      }
      %scan3A_207 = arith.constant 5 : i32
      %scan3A_208 = arith.constant 0 : i32
      scf.yield %scan3A_208 : i32
    }
    %scan3A_105 = arith.constant 32 : i32
    %scan3A_106 = arith.constant 0 : i32
    %scan3A_107 = arith.constant 0 : i32
    %scan3A_108 = arith.constant 60 : i32
    %scan3A_109 = arith.addi %scan3A_107, %scan3A_108 : i32
    %scan3A_110 = arith.constant 1 : i32
    %scan3A_111 = scf.for %scan3A_199 = %scan3A_107 to %scan3A_109 step %scan3A_110 iter_args(%scan3A_200 = %scan3A_106) -> (i32)  : i32 {
      %lt3A = arith.constant 30 : i32
      %lt3A_201 = arith.cmpi slt, %scan3A_199, %lt3A : i32
      %select_n3A = arith.select %lt3A_201, %broadcast_in_dim3A_5, %broadcast_in_dim3A_7 : vector<16xi32>
      %add3A_202 = arith.constant 0 : i32
      %add3A_203 = vector.broadcast %add3A_202 : i32 to vector<16xi32>
      %add3A_204 = arith.addi %iota3A, %add3A_203 : vector<16xi32>
      %get3A = arith.index_cast %scan3A_199 : i32 to index
      %get3A_205 = arith.constant 128 : index
      %get3A_206 = tpu.vector_load %arg4[%get3A, %get3A_205] {strides = array<i32>} : memref<60x256xi32, #tpu.memory_space<vmem>>, vector<16xi32>,
      tpu.vector_store_idx %arg5[%add3A_204, %get3A_206], %select_n3A {add = true} : memref<32x640xi32, #tpu.memory_space<vmem>>[vector<16xi32>, vector<16xi32>], vector<16xi32>,
      %add3A_207 = arith.constant 16 : i32
      %add3A_208 = vector.broadcast %add3A_207 : i32 to vector<16xi32>
      %add3A_209 = arith.addi %iota3A, %add3A_208 : vector<16xi32>
      %get3A_210 = arith.index_cast %scan3A_199 : i32 to index
      %get3A_211 = arith.constant 144 : index
      %get3A_212 = tpu.vector_load %arg4[%get3A_210, %get3A_211] {strides = array<i32>} : memref<60x256xi32, #tpu.memory_space<vmem>>, vector<16xi32>,
      tpu.vector_store_idx %arg5[%add3A_209, %get3A_212], %select_n3A {add = true} : memref<32x640xi32, #tpu.memory_space<vmem>>[vector<16xi32>, vector<16xi32>], vector<16xi32>,
      %scan3A_213 = arith.constant 0 : i32
      scf.yield %scan3A_213 : i32
    }
    %scan3A_112 = arith.constant 60 : i32
    %add3A_113 = arith.constant 128 : i32
    %add3A_114 = arith.addi %mul3A_2, %add3A_113 : i32
    %dma_start3A_115 = arith.constant 0 : i32
    %dma_start3A_116 = tpu.memref_slice %arg3[%add3A_114, %dma_start3A_115] : memref<8192x640xi32, #tpu.memory_space<hbm>> -> memref<32x640xi32, #tpu.memory_space<hbm>>
    %dma_start3A_117 = arith.constant 0 : i32
    %dma_start3A_118 = tpu.memref_slice %arg3[%add3A_114, %dma_start3A_117] : memref<8192x640xi32, #tpu.memory_space<hbm>> -> memref<32x640xi32, #tpu.memory_space<hbm>>
    tpu.enqueue_dma source(%arg5 : memref<32x640xi32, #tpu.memory_space<vmem>>) target(%dma_start3A_118 : memref<32x640xi32, #tpu.memory_space<hbm>>) target_semaphore(%arg7 : memref<!tpu.dma_semaphore, #tpu.memory_space<semaphore_mem>>)
    %dma_wait3A_119 = arith.constant 0 : i32
    %dma_wait3A_120 = tpu.memref_slice %arg3[%add3A_90, %dma_wait3A_119] : memref<8192x640xi32, #tpu.memory_space<hbm>> -> memref<32x640xi32, #tpu.memory_space<hbm>>
    %dma_wait3A_121 = arith.constant 0 : i32
    %dma_wait3A_122 = tpu.memref_slice %arg3[%add3A_90, %dma_wait3A_121] : memref<8192x640xi32, #tpu.memory_space<hbm>> -> memref<32x640xi32, #tpu.memory_space<hbm>>
    tpu.wait_dma2 semaphore(%arg8 : memref<!tpu.dma_semaphore, #tpu.memory_space<semaphore_mem>>) src(%arg6 : memref<32x640xi32, #tpu.memory_space<vmem>>) dst(%dma_wait3A_122 : memref<32x640xi32, #tpu.memory_space<hbm>>)
    %scan3A_123 = arith.constant 0 : i32
    %scan3A_124 = arith.constant 0 : i32
    %scan3A_125 = arith.constant 32 : i32
    %scan3A_126 = arith.addi %scan3A_124, %scan3A_125 : i32
    %scan3A_127 = arith.constant 1 : i32
    %scan3A_128 = scf.for %scan3A_199 = %scan3A_124 to %scan3A_126 step %scan3A_127 iter_args(%scan3A_200 = %scan3A_123) -> (i32)  : i32 {
      %scan3A_201 = arith.constant 0 : i32
      %scan3A_202 = arith.constant 0 : i32
      %scan3A_203 = arith.constant 5 : i32
      %scan3A_204 = arith.addi %scan3A_202, %scan3A_203 : i32
      %scan3A_205 = arith.constant 1 : i32
      %scan3A_206 = scf.for %scan3A_209 = %scan3A_202 to %scan3A_204 step %scan3A_205 iter_args(%scan3A_210 = %scan3A_201) -> (i32)  : i32 {
        %mul3A_211 = arith.constant 128 : i32
        %mul3A_212 = arith.muli %scan3A_209, %mul3A_211 : i32
        %add3A_213 = arith.constant 0 : i32
        %add3A_214 = arith.addi %mul3A_212, %add3A_213 : i32
        %swap3A = arith.index_cast %scan3A_199 : i32 to index
        %swap3A_215 = arith.index_cast %add3A_214 : i32 to index
        %swap3A_216 = tpu.vector_load %arg6[%swap3A, %swap3A_215] {strides = array<i32>} : memref<32x640xi32, #tpu.memory_space<vmem>>, vector<16xi32>,
        tpu.vector_store %arg6[%swap3A, %swap3A_215], %broadcast_in_dim3A_9 {strides = array<i32>} : memref<32x640xi32, #tpu.memory_space<vmem>>, vector<16xi32>,
        %mul3A_217 = arith.constant 128 : i32
        %mul3A_218 = arith.muli %scan3A_209, %mul3A_217 : i32
        %add3A_219 = arith.constant 16 : i32
        %add3A_220 = arith.addi %mul3A_218, %add3A_219 : i32
        %swap3A_221 = arith.index_cast %scan3A_199 : i32 to index
        %swap3A_222 = arith.index_cast %add3A_220 : i32 to index
        %swap3A_223 = tpu.vector_load %arg6[%swap3A_221, %swap3A_222] {strides = array<i32>} : memref<32x640xi32, #tpu.memory_space<vmem>>, vector<16xi32>,
        tpu.vector_store %arg6[%swap3A_221, %swap3A_222], %broadcast_in_dim3A_9 {strides = array<i32>} : memref<32x640xi32, #tpu.memory_space<vmem>>, vector<16xi32>,
        %mul3A_224 = arith.constant 128 : i32
        %mul3A_225 = arith.muli %scan3A_209, %mul3A_224 : i32
        %add3A_226 = arith.constant 32 : i32
        %add3A_227 = arith.addi %mul3A_225, %add3A_226 : i32
        %swap3A_228 = arith.index_cast %scan3A_199 : i32 to index
        %swap3A_229 = arith.index_cast %add3A_227 : i32 to index
        %swap3A_230 = tpu.vector_load %arg6[%swap3A_228, %swap3A_229] {strides = array<i32>} : memref<32x640xi32, #tpu.memory_space<vmem>>, vector<16xi32>,
        tpu.vector_store %arg6[%swap3A_228, %swap3A_229], %broadcast_in_dim3A_9 {strides = array<i32>} : memref<32x640xi32, #tpu.memory_space<vmem>>, vector<16xi32>,
        %mul3A_231 = arith.constant 128 : i32
        %mul3A_232 = arith.muli %scan3A_209, %mul3A_231 : i32
        %add3A_233 = arith.constant 48 : i32
        %add3A_234 = arith.addi %mul3A_232, %add3A_233 : i32
        %swap3A_235 = arith.index_cast %scan3A_199 : i32 to index
        %swap3A_236 = arith.index_cast %add3A_234 : i32 to index
        %swap3A_237 = tpu.vector_load %arg6[%swap3A_235, %swap3A_236] {strides = array<i32>} : memref<32x640xi32, #tpu.memory_space<vmem>>, vector<16xi32>,
        tpu.vector_store %arg6[%swap3A_235, %swap3A_236], %broadcast_in_dim3A_9 {strides = array<i32>} : memref<32x640xi32, #tpu.memory_space<vmem>>, vector<16xi32>,
        %mul3A_238 = arith.constant 128 : i32
        %mul3A_239 = arith.muli %scan3A_209, %mul3A_238 : i32
        %add3A_240 = arith.constant 64 : i32
        %add3A_241 = arith.addi %mul3A_239, %add3A_240 : i32
        %swap3A_242 = arith.index_cast %scan3A_199 : i32 to index
        %swap3A_243 = arith.index_cast %add3A_241 : i32 to index
        %swap3A_244 = tpu.vector_load %arg6[%swap3A_242, %swap3A_243] {strides = array<i32>} : memref<32x640xi32, #tpu.memory_space<vmem>>, vector<16xi32>,
        tpu.vector_store %arg6[%swap3A_242, %swap3A_243], %broadcast_in_dim3A_9 {strides = array<i32>} : memref<32x640xi32, #tpu.memory_space<vmem>>, vector<16xi32>,
        %mul3A_245 = arith.constant 128 : i32
        %mul3A_246 = arith.muli %scan3A_209, %mul3A_245 : i32
        %add3A_247 = arith.constant 80 : i32
        %add3A_248 = arith.addi %mul3A_246, %add3A_247 : i32
        %swap3A_249 = arith.index_cast %scan3A_199 : i32 to index
        %swap3A_250 = arith.index_cast %add3A_248 : i32 to index
        %swap3A_251 = tpu.vector_load %arg6[%swap3A_249, %swap3A_250] {strides = array<i32>} : memref<32x640xi32, #tpu.memory_space<vmem>>, vector<16xi32>,
        tpu.vector_store %arg6[%swap3A_249, %swap3A_250], %broadcast_in_dim3A_9 {strides = array<i32>} : memref<32x640xi32, #tpu.memory_space<vmem>>, vector<16xi32>,
        %mul3A_252 = arith.constant 128 : i32
        %mul3A_253 = arith.muli %scan3A_209, %mul3A_252 : i32
        %add3A_254 = arith.constant 96 : i32
        %add3A_255 = arith.addi %mul3A_253, %add3A_254 : i32
        %swap3A_256 = arith.index_cast %scan3A_199 : i32 to index
        %swap3A_257 = arith.index_cast %add3A_255 : i32 to index
        %swap3A_258 = tpu.vector_load %arg6[%swap3A_256, %swap3A_257] {strides = array<i32>} : memref<32x640xi32, #tpu.memory_space<vmem>>, vector<16xi32>,
        tpu.vector_store %arg6[%swap3A_256, %swap3A_257], %broadcast_in_dim3A_9 {strides = array<i32>} : memref<32x640xi32, #tpu.memory_space<vmem>>, vector<16xi32>,
        %mul3A_259 = arith.constant 128 : i32
        %mul3A_260 = arith.muli %scan3A_209, %mul3A_259 : i32
        %add3A_261 = arith.constant 112 : i32
        %add3A_262 = arith.addi %mul3A_260, %add3A_261 : i32
        %swap3A_263 = arith.index_cast %scan3A_199 : i32 to index
        %swap3A_264 = arith.index_cast %add3A_262 : i32 to index
        %swap3A_265 = tpu.vector_load %arg6[%swap3A_263, %swap3A_264] {strides = array<i32>} : memref<32x640xi32, #tpu.memory_space<vmem>>, vector<16xi32>,
        tpu.vector_store %arg6[%swap3A_263, %swap3A_264], %broadcast_in_dim3A_9 {strides = array<i32>} : memref<32x640xi32, #tpu.memory_space<vmem>>, vector<16xi32>,
        %scan3A_266 = arith.constant 0 : i32
        scf.yield %scan3A_266 : i32
      }
      %scan3A_207 = arith.constant 5 : i32
      %scan3A_208 = arith.constant 0 : i32
      scf.yield %scan3A_208 : i32
    }
    %scan3A_129 = arith.constant 32 : i32
    %scan3A_130 = arith.constant 0 : i32
    %scan3A_131 = arith.constant 0 : i32
    %scan3A_132 = arith.constant 60 : i32
    %scan3A_133 = arith.addi %scan3A_131, %scan3A_132 : i32
    %scan3A_134 = arith.constant 1 : i32
    %scan3A_135 = scf.for %scan3A_199 = %scan3A_131 to %scan3A_133 step %scan3A_134 iter_args(%scan3A_200 = %scan3A_130) -> (i32)  : i32 {
      %lt3A = arith.constant 30 : i32
      %lt3A_201 = arith.cmpi slt, %scan3A_199, %lt3A : i32
      %select_n3A = arith.select %lt3A_201, %broadcast_in_dim3A_5, %broadcast_in_dim3A_7 : vector<16xi32>
      %add3A_202 = arith.constant 0 : i32
      %add3A_203 = vector.broadcast %add3A_202 : i32 to vector<16xi32>
      %add3A_204 = arith.addi %iota3A, %add3A_203 : vector<16xi32>
      %get3A = arith.index_cast %scan3A_199 : i32 to index
      %get3A_205 = arith.constant 160 : index
      %get3A_206 = tpu.vector_load %arg4[%get3A, %get3A_205] {strides = array<i32>} : memref<60x256xi32, #tpu.memory_space<vmem>>, vector<16xi32>,
      tpu.vector_store_idx %arg6[%add3A_204, %get3A_206], %select_n3A {add = true} : memref<32x640xi32, #tpu.memory_space<vmem>>[vector<16xi32>, vector<16xi32>], vector<16xi32>,
      %add3A_207 = arith.constant 16 : i32
      %add3A_208 = vector.broadcast %add3A_207 : i32 to vector<16xi32>
      %add3A_209 = arith.addi %iota3A, %add3A_208 : vector<16xi32>
      %get3A_210 = arith.index_cast %scan3A_199 : i32 to index
      %get3A_211 = arith.constant 176 : index
      %get3A_212 = tpu.vector_load %arg4[%get3A_210, %get3A_211] {strides = array<i32>} : memref<60x256xi32, #tpu.memory_space<vmem>>, vector<16xi32>,
      tpu.vector_store_idx %arg6[%add3A_209, %get3A_212], %select_n3A {add = true} : memref<32x640xi32, #tpu.memory_space<vmem>>[vector<16xi32>, vector<16xi32>], vector<16xi32>,
      %scan3A_213 = arith.constant 0 : i32
      scf.yield %scan3A_213 : i32
    }
    %scan3A_136 = arith.constant 60 : i32
    %add3A_137 = arith.constant 160 : i32
    %add3A_138 = arith.addi %mul3A_2, %add3A_137 : i32
    %dma_start3A_139 = arith.constant 0 : i32
    %dma_start3A_140 = tpu.memref_slice %arg3[%add3A_138, %dma_start3A_139] : memref<8192x640xi32, #tpu.memory_space<hbm>> -> memref<32x640xi32, #tpu.memory_space<hbm>>
    %dma_start3A_141 = arith.constant 0 : i32
    %dma_start3A_142 = tpu.memref_slice %arg3[%add3A_138, %dma_start3A_141] : memref<8192x640xi32, #tpu.memory_space<hbm>> -> memref<32x640xi32, #tpu.memory_space<hbm>>
    tpu.enqueue_dma source(%arg6 : memref<32x640xi32, #tpu.memory_space<vmem>>) target(%dma_start3A_142 : memref<32x640xi32, #tpu.memory_space<hbm>>) target_semaphore(%arg8 : memref<!tpu.dma_semaphore, #tpu.memory_space<semaphore_mem>>)
    %dma_wait3A_143 = arith.constant 0 : i32
    %dma_wait3A_144 = tpu.memref_slice %arg3[%add3A_114, %dma_wait3A_143] : memref<8192x640xi32, #tpu.memory_space<hbm>> -> memref<32x640xi32, #tpu.memory_space<hbm>>
    %dma_wait3A_145 = arith.constant 0 : i32
    %dma_wait3A_146 = tpu.memref_slice %arg3[%add3A_114, %dma_wait3A_145] : memref<8192x640xi32, #tpu.memory_space<hbm>> -> memref<32x640xi32, #tpu.memory_space<hbm>>
    tpu.wait_dma2 semaphore(%arg7 : memref<!tpu.dma_semaphore, #tpu.memory_space<semaphore_mem>>) src(%arg5 : memref<32x640xi32, #tpu.memory_space<vmem>>) dst(%dma_wait3A_146 : memref<32x640xi32, #tpu.memory_space<hbm>>)
    %scan3A_147 = arith.constant 0 : i32
    %scan3A_148 = arith.constant 0 : i32
    %scan3A_149 = arith.constant 32 : i32
    %scan3A_150 = arith.addi %scan3A_148, %scan3A_149 : i32
    %scan3A_151 = arith.constant 1 : i32
    %scan3A_152 = scf.for %scan3A_199 = %scan3A_148 to %scan3A_150 step %scan3A_151 iter_args(%scan3A_200 = %scan3A_147) -> (i32)  : i32 {
      %scan3A_201 = arith.constant 0 : i32
      %scan3A_202 = arith.constant 0 : i32
      %scan3A_203 = arith.constant 5 : i32
      %scan3A_204 = arith.addi %scan3A_202, %scan3A_203 : i32
      %scan3A_205 = arith.constant 1 : i32
      %scan3A_206 = scf.for %scan3A_209 = %scan3A_202 to %scan3A_204 step %scan3A_205 iter_args(%scan3A_210 = %scan3A_201) -> (i32)  : i32 {
        %mul3A_211 = arith.constant 128 : i32
        %mul3A_212 = arith.muli %scan3A_209, %mul3A_211 : i32
        %add3A_213 = arith.constant 0 : i32
        %add3A_214 = arith.addi %mul3A_212, %add3A_213 : i32
        %swap3A = arith.index_cast %scan3A_199 : i32 to index
        %swap3A_215 = arith.index_cast %add3A_214 : i32 to index
        %swap3A_216 = tpu.vector_load %arg5[%swap3A, %swap3A_215] {strides = array<i32>} : memref<32x640xi32, #tpu.memory_space<vmem>>, vector<16xi32>,
        tpu.vector_store %arg5[%swap3A, %swap3A_215], %broadcast_in_dim3A_9 {strides = array<i32>} : memref<32x640xi32, #tpu.memory_space<vmem>>, vector<16xi32>,
        %mul3A_217 = arith.constant 128 : i32
        %mul3A_218 = arith.muli %scan3A_209, %mul3A_217 : i32
        %add3A_219 = arith.constant 16 : i32
        %add3A_220 = arith.addi %mul3A_218, %add3A_219 : i32
        %swap3A_221 = arith.index_cast %scan3A_199 : i32 to index
        %swap3A_222 = arith.index_cast %add3A_220 : i32 to index
        %swap3A_223 = tpu.vector_load %arg5[%swap3A_221, %swap3A_222] {strides = array<i32>} : memref<32x640xi32, #tpu.memory_space<vmem>>, vector<16xi32>,
        tpu.vector_store %arg5[%swap3A_221, %swap3A_222], %broadcast_in_dim3A_9 {strides = array<i32>} : memref<32x640xi32, #tpu.memory_space<vmem>>, vector<16xi32>,
        %mul3A_224 = arith.constant 128 : i32
        %mul3A_225 = arith.muli %scan3A_209, %mul3A_224 : i32
        %add3A_226 = arith.constant 32 : i32
        %add3A_227 = arith.addi %mul3A_225, %add3A_226 : i32
        %swap3A_228 = arith.index_cast %scan3A_199 : i32 to index
        %swap3A_229 = arith.index_cast %add3A_227 : i32 to index
        %swap3A_230 = tpu.vector_load %arg5[%swap3A_228, %swap3A_229] {strides = array<i32>} : memref<32x640xi32, #tpu.memory_space<vmem>>, vector<16xi32>,
        tpu.vector_store %arg5[%swap3A_228, %swap3A_229], %broadcast_in_dim3A_9 {strides = array<i32>} : memref<32x640xi32, #tpu.memory_space<vmem>>, vector<16xi32>,
        %mul3A_231 = arith.constant 128 : i32
        %mul3A_232 = arith.muli %scan3A_209, %mul3A_231 : i32
        %add3A_233 = arith.constant 48 : i32
        %add3A_234 = arith.addi %mul3A_232, %add3A_233 : i32
        %swap3A_235 = arith.index_cast %scan3A_199 : i32 to index
        %swap3A_236 = arith.index_cast %add3A_234 : i32 to index
        %swap3A_237 = tpu.vector_load %arg5[%swap3A_235, %swap3A_236] {strides = array<i32>} : memref<32x640xi32, #tpu.memory_space<vmem>>, vector<16xi32>,
        tpu.vector_store %arg5[%swap3A_235, %swap3A_236], %broadcast_in_dim3A_9 {strides = array<i32>} : memref<32x640xi32, #tpu.memory_space<vmem>>, vector<16xi32>,
        %mul3A_238 = arith.constant 128 : i32
        %mul3A_239 = arith.muli %scan3A_209, %mul3A_238 : i32
        %add3A_240 = arith.constant 64 : i32
        %add3A_241 = arith.addi %mul3A_239, %add3A_240 : i32
        %swap3A_242 = arith.index_cast %scan3A_199 : i32 to index
        %swap3A_243 = arith.index_cast %add3A_241 : i32 to index
        %swap3A_244 = tpu.vector_load %arg5[%swap3A_242, %swap3A_243] {strides = array<i32>} : memref<32x640xi32, #tpu.memory_space<vmem>>, vector<16xi32>,
        tpu.vector_store %arg5[%swap3A_242, %swap3A_243], %broadcast_in_dim3A_9 {strides = array<i32>} : memref<32x640xi32, #tpu.memory_space<vmem>>, vector<16xi32>,
        %mul3A_245 = arith.constant 128 : i32
        %mul3A_246 = arith.muli %scan3A_209, %mul3A_245 : i32
        %add3A_247 = arith.constant 80 : i32
        %add3A_248 = arith.addi %mul3A_246, %add3A_247 : i32
        %swap3A_249 = arith.index_cast %scan3A_199 : i32 to index
        %swap3A_250 = arith.index_cast %add3A_248 : i32 to index
        %swap3A_251 = tpu.vector_load %arg5[%swap3A_249, %swap3A_250] {strides = array<i32>} : memref<32x640xi32, #tpu.memory_space<vmem>>, vector<16xi32>,
        tpu.vector_store %arg5[%swap3A_249, %swap3A_250], %broadcast_in_dim3A_9 {strides = array<i32>} : memref<32x640xi32, #tpu.memory_space<vmem>>, vector<16xi32>,
        %mul3A_252 = arith.constant 128 : i32
        %mul3A_253 = arith.muli %scan3A_209, %mul3A_252 : i32
        %add3A_254 = arith.constant 96 : i32
        %add3A_255 = arith.addi %mul3A_253, %add3A_254 : i32
        %swap3A_256 = arith.index_cast %scan3A_199 : i32 to index
        %swap3A_257 = arith.index_cast %add3A_255 : i32 to index
        %swap3A_258 = tpu.vector_load %arg5[%swap3A_256, %swap3A_257] {strides = array<i32>} : memref<32x640xi32, #tpu.memory_space<vmem>>, vector<16xi32>,
        tpu.vector_store %arg5[%swap3A_256, %swap3A_257], %broadcast_in_dim3A_9 {strides = array<i32>} : memref<32x640xi32, #tpu.memory_space<vmem>>, vector<16xi32>,
        %mul3A_259 = arith.constant 128 : i32
        %mul3A_260 = arith.muli %scan3A_209, %mul3A_259 : i32
        %add3A_261 = arith.constant 112 : i32
        %add3A_262 = arith.addi %mul3A_260, %add3A_261 : i32
        %swap3A_263 = arith.index_cast %scan3A_199 : i32 to index
        %swap3A_264 = arith.index_cast %add3A_262 : i32 to index
        %swap3A_265 = tpu.vector_load %arg5[%swap3A_263, %swap3A_264] {strides = array<i32>} : memref<32x640xi32, #tpu.memory_space<vmem>>, vector<16xi32>,
        tpu.vector_store %arg5[%swap3A_263, %swap3A_264], %broadcast_in_dim3A_9 {strides = array<i32>} : memref<32x640xi32, #tpu.memory_space<vmem>>, vector<16xi32>,
        %scan3A_266 = arith.constant 0 : i32
        scf.yield %scan3A_266 : i32
      }
      %scan3A_207 = arith.constant 5 : i32
      %scan3A_208 = arith.constant 0 : i32
      scf.yield %scan3A_208 : i32
    }
    %scan3A_153 = arith.constant 32 : i32
    %scan3A_154 = arith.constant 0 : i32
    %scan3A_155 = arith.constant 0 : i32
    %scan3A_156 = arith.constant 60 : i32
    %scan3A_157 = arith.addi %scan3A_155, %scan3A_156 : i32
    %scan3A_158 = arith.constant 1 : i32
    %scan3A_159 = scf.for %scan3A_199 = %scan3A_155 to %scan3A_157 step %scan3A_158 iter_args(%scan3A_200 = %scan3A_154) -> (i32)  : i32 {
      %lt3A = arith.constant 30 : i32
      %lt3A_201 = arith.cmpi slt, %scan3A_199, %lt3A : i32
      %select_n3A = arith.select %lt3A_201, %broadcast_in_dim3A_5, %broadcast_in_dim3A_7 : vector<16xi32>
      %add3A_202 = arith.constant 0 : i32
      %add3A_203 = vector.broadcast %add3A_202 : i32 to vector<16xi32>
      %add3A_204 = arith.addi %iota3A, %add3A_203 : vector<16xi32>
      %get3A = arith.index_cast %scan3A_199 : i32 to index
      %get3A_205 = arith.constant 192 : index
      %get3A_206 = tpu.vector_load %arg4[%get3A, %get3A_205] {strides = array<i32>} : memref<60x256xi32, #tpu.memory_space<vmem>>, vector<16xi32>,
      tpu.vector_store_idx %arg5[%add3A_204, %get3A_206], %select_n3A {add = true} : memref<32x640xi32, #tpu.memory_space<vmem>>[vector<16xi32>, vector<16xi32>], vector<16xi32>,
      %add3A_207 = arith.constant 16 : i32
      %add3A_208 = vector.broadcast %add3A_207 : i32 to vector<16xi32>
      %add3A_209 = arith.addi %iota3A, %add3A_208 : vector<16xi32>
      %get3A_210 = arith.index_cast %scan3A_199 : i32 to index
      %get3A_211 = arith.constant 208 : index
      %get3A_212 = tpu.vector_load %arg4[%get3A_210, %get3A_211] {strides = array<i32>} : memref<60x256xi32, #tpu.memory_space<vmem>>, vector<16xi32>,
      tpu.vector_store_idx %arg5[%add3A_209, %get3A_212], %select_n3A {add = true} : memref<32x640xi32, #tpu.memory_space<vmem>>[vector<16xi32>, vector<16xi32>], vector<16xi32>,
      %scan3A_213 = arith.constant 0 : i32
      scf.yield %scan3A_213 : i32
    }
    %scan3A_160 = arith.constant 60 : i32
    %add3A_161 = arith.constant 192 : i32
    %add3A_162 = arith.addi %mul3A_2, %add3A_161 : i32
    %dma_start3A_163 = arith.constant 0 : i32
    %dma_start3A_164 = tpu.memref_slice %arg3[%add3A_162, %dma_start3A_163] : memref<8192x640xi32, #tpu.memory_space<hbm>> -> memref<32x640xi32, #tpu.memory_space<hbm>>
    %dma_start3A_165 = arith.constant 0 : i32
    %dma_start3A_166 = tpu.memref_slice %arg3[%add3A_162, %dma_start3A_165] : memref<8192x640xi32, #tpu.memory_space<hbm>> -> memref<32x640xi32, #tpu.memory_space<hbm>>
    tpu.enqueue_dma source(%arg5 : memref<32x640xi32, #tpu.memory_space<vmem>>) target(%dma_start3A_166 : memref<32x640xi32, #tpu.memory_space<hbm>>) target_semaphore(%arg7 : memref<!tpu.dma_semaphore, #tpu.memory_space<semaphore_mem>>)
    %dma_wait3A_167 = arith.constant 0 : i32
    %dma_wait3A_168 = tpu.memref_slice %arg3[%add3A_138, %dma_wait3A_167] : memref<8192x640xi32, #tpu.memory_space<hbm>> -> memref<32x640xi32, #tpu.memory_space<hbm>>
    %dma_wait3A_169 = arith.constant 0 : i32
    %dma_wait3A_170 = tpu.memref_slice %arg3[%add3A_138, %dma_wait3A_169] : memref<8192x640xi32, #tpu.memory_space<hbm>> -> memref<32x640xi32, #tpu.memory_space<hbm>>
    tpu.wait_dma2 semaphore(%arg8 : memref<!tpu.dma_semaphore, #tpu.memory_space<semaphore_mem>>) src(%arg6 : memref<32x640xi32, #tpu.memory_space<vmem>>) dst(%dma_wait3A_170 : memref<32x640xi32, #tpu.memory_space<hbm>>)
    %scan3A_171 = arith.constant 0 : i32
    %scan3A_172 = arith.constant 0 : i32
    %scan3A_173 = arith.constant 32 : i32
    %scan3A_174 = arith.addi %scan3A_172, %scan3A_173 : i32
    %scan3A_175 = arith.constant 1 : i32
    %scan3A_176 = scf.for %scan3A_199 = %scan3A_172 to %scan3A_174 step %scan3A_175 iter_args(%scan3A_200 = %scan3A_171) -> (i32)  : i32 {
      %scan3A_201 = arith.constant 0 : i32
      %scan3A_202 = arith.constant 0 : i32
      %scan3A_203 = arith.constant 5 : i32
      %scan3A_204 = arith.addi %scan3A_202, %scan3A_203 : i32
      %scan3A_205 = arith.constant 1 : i32
      %scan3A_206 = scf.for %scan3A_209 = %scan3A_202 to %scan3A_204 step %scan3A_205 iter_args(%scan3A_210 = %scan3A_201) -> (i32)  : i32 {
        %mul3A_211 = arith.constant 128 : i32
        %mul3A_212 = arith.muli %scan3A_209, %mul3A_211 : i32
        %add3A_213 = arith.constant 0 : i32
        %add3A_214 = arith.addi %mul3A_212, %add3A_213 : i32
        %swap3A = arith.index_cast %scan3A_199 : i32 to index
        %swap3A_215 = arith.index_cast %add3A_214 : i32 to index
        %swap3A_216 = tpu.vector_load %arg6[%swap3A, %swap3A_215] {strides = array<i32>} : memref<32x640xi32, #tpu.memory_space<vmem>>, vector<16xi32>,
        tpu.vector_store %arg6[%swap3A, %swap3A_215], %broadcast_in_dim3A_9 {strides = array<i32>} : memref<32x640xi32, #tpu.memory_space<vmem>>, vector<16xi32>,
        %mul3A_217 = arith.constant 128 : i32
        %mul3A_218 = arith.muli %scan3A_209, %mul3A_217 : i32
        %add3A_219 = arith.constant 16 : i32
        %add3A_220 = arith.addi %mul3A_218, %add3A_219 : i32
        %swap3A_221 = arith.index_cast %scan3A_199 : i32 to index
        %swap3A_222 = arith.index_cast %add3A_220 : i32 to index
        %swap3A_223 = tpu.vector_load %arg6[%swap3A_221, %swap3A_222] {strides = array<i32>} : memref<32x640xi32, #tpu.memory_space<vmem>>, vector<16xi32>,
        tpu.vector_store %arg6[%swap3A_221, %swap3A_222], %broadcast_in_dim3A_9 {strides = array<i32>} : memref<32x640xi32, #tpu.memory_space<vmem>>, vector<16xi32>,
        %mul3A_224 = arith.constant 128 : i32
        %mul3A_225 = arith.muli %scan3A_209, %mul3A_224 : i32
        %add3A_226 = arith.constant 32 : i32
        %add3A_227 = arith.addi %mul3A_225, %add3A_226 : i32
        %swap3A_228 = arith.index_cast %scan3A_199 : i32 to index
        %swap3A_229 = arith.index_cast %add3A_227 : i32 to index
        %swap3A_230 = tpu.vector_load %arg6[%swap3A_228, %swap3A_229] {strides = array<i32>} : memref<32x640xi32, #tpu.memory_space<vmem>>, vector<16xi32>,
        tpu.vector_store %arg6[%swap3A_228, %swap3A_229], %broadcast_in_dim3A_9 {strides = array<i32>} : memref<32x640xi32, #tpu.memory_space<vmem>>, vector<16xi32>,
        %mul3A_231 = arith.constant 128 : i32
        %mul3A_232 = arith.muli %scan3A_209, %mul3A_231 : i32
        %add3A_233 = arith.constant 48 : i32
        %add3A_234 = arith.addi %mul3A_232, %add3A_233 : i32
        %swap3A_235 = arith.index_cast %scan3A_199 : i32 to index
        %swap3A_236 = arith.index_cast %add3A_234 : i32 to index
        %swap3A_237 = tpu.vector_load %arg6[%swap3A_235, %swap3A_236] {strides = array<i32>} : memref<32x640xi32, #tpu.memory_space<vmem>>, vector<16xi32>,
        tpu.vector_store %arg6[%swap3A_235, %swap3A_236], %broadcast_in_dim3A_9 {strides = array<i32>} : memref<32x640xi32, #tpu.memory_space<vmem>>, vector<16xi32>,
        %mul3A_238 = arith.constant 128 : i32
        %mul3A_239 = arith.muli %scan3A_209, %mul3A_238 : i32
        %add3A_240 = arith.constant 64 : i32
        %add3A_241 = arith.addi %mul3A_239, %add3A_240 : i32
        %swap3A_242 = arith.index_cast %scan3A_199 : i32 to index
        %swap3A_243 = arith.index_cast %add3A_241 : i32 to index
        %swap3A_244 = tpu.vector_load %arg6[%swap3A_242, %swap3A_243] {strides = array<i32>} : memref<32x640xi32, #tpu.memory_space<vmem>>, vector<16xi32>,
        tpu.vector_store %arg6[%swap3A_242, %swap3A_243], %broadcast_in_dim3A_9 {strides = array<i32>} : memref<32x640xi32, #tpu.memory_space<vmem>>, vector<16xi32>,
        %mul3A_245 = arith.constant 128 : i32
        %mul3A_246 = arith.muli %scan3A_209, %mul3A_245 : i32
        %add3A_247 = arith.constant 80 : i32
        %add3A_248 = arith.addi %mul3A_246, %add3A_247 : i32
        %swap3A_249 = arith.index_cast %scan3A_199 : i32 to index
        %swap3A_250 = arith.index_cast %add3A_248 : i32 to index
        %swap3A_251 = tpu.vector_load %arg6[%swap3A_249, %swap3A_250] {strides = array<i32>} : memref<32x640xi32, #tpu.memory_space<vmem>>, vector<16xi32>,
        tpu.vector_store %arg6[%swap3A_249, %swap3A_250], %broadcast_in_dim3A_9 {strides = array<i32>} : memref<32x640xi32, #tpu.memory_space<vmem>>, vector<16xi32>,
        %mul3A_252 = arith.constant 128 : i32
        %mul3A_253 = arith.muli %scan3A_209, %mul3A_252 : i32
        %add3A_254 = arith.constant 96 : i32
        %add3A_255 = arith.addi %mul3A_253, %add3A_254 : i32
        %swap3A_256 = arith.index_cast %scan3A_199 : i32 to index
        %swap3A_257 = arith.index_cast %add3A_255 : i32 to index
        %swap3A_258 = tpu.vector_load %arg6[%swap3A_256, %swap3A_257] {strides = array<i32>} : memref<32x640xi32, #tpu.memory_space<vmem>>, vector<16xi32>,
        tpu.vector_store %arg6[%swap3A_256, %swap3A_257], %broadcast_in_dim3A_9 {strides = array<i32>} : memref<32x640xi32, #tpu.memory_space<vmem>>, vector<16xi32>,
        %mul3A_259 = arith.constant 128 : i32
        %mul3A_260 = arith.muli %scan3A_209, %mul3A_259 : i32
        %add3A_261 = arith.constant 112 : i32
        %add3A_262 = arith.addi %mul3A_260, %add3A_261 : i32
        %swap3A_263 = arith.index_cast %scan3A_199 : i32 to index
        %swap3A_264 = arith.index_cast %add3A_262 : i32 to index
        %swap3A_265 = tpu.vector_load %arg6[%swap3A_263, %swap3A_264] {strides = array<i32>} : memref<32x640xi32, #tpu.memory_space<vmem>>, vector<16xi32>,
        tpu.vector_store %arg6[%swap3A_263, %swap3A_264], %broadcast_in_dim3A_9 {strides = array<i32>} : memref<32x640xi32, #tpu.memory_space<vmem>>, vector<16xi32>,
        %scan3A_266 = arith.constant 0 : i32
        scf.yield %scan3A_266 : i32
      }
      %scan3A_207 = arith.constant 5 : i32
      %scan3A_208 = arith.constant 0 : i32
      scf.yield %scan3A_208 : i32
    }
    %scan3A_177 = arith.constant 32 : i32
    %scan3A_178 = arith.constant 0 : i32
    %scan3A_179 = arith.constant 0 : i32
    %scan3A_180 = arith.constant 60 : i32
    %scan3A_181 = arith.addi %scan3A_179, %scan3A_180 : i32
    %scan3A_182 = arith.constant 1 : i32
    %scan3A_183 = scf.for %scan3A_199 = %scan3A_179 to %scan3A_181 step %scan3A_182 iter_args(%scan3A_200 = %scan3A_178) -> (i32)  : i32 {
      %lt3A = arith.constant 30 : i32
      %lt3A_201 = arith.cmpi slt, %scan3A_199, %lt3A : i32
      %select_n3A = arith.select %lt3A_201, %broadcast_in_dim3A_5, %broadcast_in_dim3A_7 : vector<16xi32>
      %add3A_202 = arith.constant 0 : i32
      %add3A_203 = vector.broadcast %add3A_202 : i32 to vector<16xi32>
      %add3A_204 = arith.addi %iota3A, %add3A_203 : vector<16xi32>
      %get3A = arith.index_cast %scan3A_199 : i32 to index
      %get3A_205 = arith.constant 224 : index
      %get3A_206 = tpu.vector_load %arg4[%get3A, %get3A_205] {strides = array<i32>} : memref<60x256xi32, #tpu.memory_space<vmem>>, vector<16xi32>,
      tpu.vector_store_idx %arg6[%add3A_204, %get3A_206], %select_n3A {add = true} : memref<32x640xi32, #tpu.memory_space<vmem>>[vector<16xi32>, vector<16xi32>], vector<16xi32>,
      %add3A_207 = arith.constant 16 : i32
      %add3A_208 = vector.broadcast %add3A_207 : i32 to vector<16xi32>
      %add3A_209 = arith.addi %iota3A, %add3A_208 : vector<16xi32>
      %get3A_210 = arith.index_cast %scan3A_199 : i32 to index
      %get3A_211 = arith.constant 240 : index
      %get3A_212 = tpu.vector_load %arg4[%get3A_210, %get3A_211] {strides = array<i32>} : memref<60x256xi32, #tpu.memory_space<vmem>>, vector<16xi32>,
      tpu.vector_store_idx %arg6[%add3A_209, %get3A_212], %select_n3A {add = true} : memref<32x640xi32, #tpu.memory_space<vmem>>[vector<16xi32>, vector<16xi32>], vector<16xi32>,
      %scan3A_213 = arith.constant 0 : i32
      scf.yield %scan3A_213 : i32
    }
    %scan3A_184 = arith.constant 60 : i32
    %add3A_185 = arith.constant 224 : i32
    %add3A_186 = arith.addi %mul3A_2, %add3A_185 : i32
    %dma_start3A_187 = arith.constant 0 : i32
    %dma_start3A_188 = tpu.memref_slice %arg3[%add3A_186, %dma_start3A_187] : memref<8192x640xi32, #tpu.memory_space<hbm>> -> memref<32x640xi32, #tpu.memory_space<hbm>>
    %dma_start3A_189 = arith.constant 0 : i32
    %dma_start3A_190 = tpu.memref_slice %arg3[%add3A_186, %dma_start3A_189] : memref<8192x640xi32, #tpu.memory_space<hbm>> -> memref<32x640xi32, #tpu.memory_space<hbm>>
    tpu.enqueue_dma source(%arg6 : memref<32x640xi32, #tpu.memory_space<vmem>>) target(%dma_start3A_190 : memref<32x640xi32, #tpu.memory_space<hbm>>) target_semaphore(%arg8 : memref<!tpu.dma_semaphore, #tpu.memory_space<semaphore_mem>>)
    %dma_wait3A_191 = arith.constant 0 : i32
    %dma_wait3A_192 = tpu.memref_slice %arg3[%add3A_162, %dma_wait3A_191] : memref<8192x640xi32, #tpu.memory_space<hbm>> -> memref<32x640xi32, #tpu.memory_space<hbm>>
    %dma_wait3A_193 = arith.constant 0 : i32
    %dma_wait3A_194 = tpu.memref_slice %arg3[%add3A_162, %dma_wait3A_193] : memref<8192x640xi32, #tpu.memory_space<hbm>> -> memref<32x640xi32, #tpu.memory_space<hbm>>
    tpu.wait_dma2 semaphore(%arg7 : memref<!tpu.dma_semaphore, #tpu.memory_space<semaphore_mem>>) src(%arg5 : memref<32x640xi32, #tpu.memory_space<vmem>>) dst(%dma_wait3A_194 : memref<32x640xi32, #tpu.memory_space<hbm>>)
    %dma_wait3A_195 = arith.constant 0 : i32
    %dma_wait3A_196 = tpu.memref_slice %arg3[%add3A_186, %dma_wait3A_195] : memref<8192x640xi32, #tpu.memory_space<hbm>> -> memref<32x640xi32, #tpu.memory_space<hbm>>
    %dma_wait3A_197 = arith.constant 0 : i32
    %dma_wait3A_198 = tpu.memref_slice %arg3[%add3A_186, %dma_wait3A_197] : memref<8192x640xi32, #tpu.memory_space<hbm>> -> memref<32x640xi32, #tpu.memory_space<hbm>>
    tpu.wait_dma2 semaphore(%arg8 : memref<!tpu.dma_semaphore, #tpu.memory_space<semaphore_mem>>) src(%arg6 : memref<32x640xi32, #tpu.memory_space<vmem>>) dst(%dma_wait3A_198 : memref<32x640xi32, #tpu.memory_space<hbm>>)
    return
  }
}

module attributes {stable_mosaic.version = 14 : i64} {
  func.func @_mlp_block(%arg0: i32, %arg1: memref<2048x640xi32, #tpu.memory_space<vmem>>, %arg2: memref<2x640x256xbf16, #tpu.memory_space<vmem>>, %arg3: memref<2x640x256xbf16, #tpu.memory_space<vmem>>, %arg4: memref<512x32xf32, #tpu.memory_space<vmem>>, %arg5: memref<1x32xf32, #tpu.memory_space<vmem>>, %arg6: memref<32x32xf32, #tpu.memory_space<vmem>>, %arg7: memref<1x32xf32, #tpu.memory_space<vmem>>, %arg8: memref<32x1xf32, #tpu.memory_space<vmem>>, %arg9: memref<1x1xf32, #tpu.memory_space<vmem>>, %arg10: memref<1x1x2048xf32, #tpu.memory_space<vmem>>) attributes {dimension_semantics = [#tpu.dimension_semantics<arbitrary>], iteration_bounds = array<i64: 4>, scalar_prefetch = 0 : i64, scratch_operands = 0 : i64, tpu.core_type = #tpu.core_type<tc>, window_params = [{transform_indices = @transform_0, window_bounds = array<i64: 2048, 640>}, {pipeline_mode = #tpu.pipeline_mode<synchronous>, transform_indices = @transform_1, window_bounds = array<i64: 2, 640, 256>}, {pipeline_mode = #tpu.pipeline_mode<synchronous>, transform_indices = @transform_2, window_bounds = array<i64: 2, 640, 256>}, {pipeline_mode = #tpu.pipeline_mode<synchronous>, transform_indices = @transform_3, window_bounds = array<i64: 512, 32>}, {pipeline_mode = #tpu.pipeline_mode<synchronous>, transform_indices = @transform_4, window_bounds = array<i64: 1, 32>}, {pipeline_mode = #tpu.pipeline_mode<synchronous>, transform_indices = @transform_5, window_bounds = array<i64: 32, 32>}, {pipeline_mode = #tpu.pipeline_mode<synchronous>, transform_indices = @transform_6, window_bounds = array<i64: 1, 32>}, {pipeline_mode = #tpu.pipeline_mode<synchronous>, transform_indices = @transform_7, window_bounds = array<i64: 32, 1>}, {pipeline_mode = #tpu.pipeline_mode<synchronous>, transform_indices = @transform_8, window_bounds = array<i64: 1, 1>}, {transform_indices = @transform_9, window_bounds = array<i64: 1, 1, 2048>}]} {
    %get3A = arith.constant 0 : index
    %get3A_0 = arith.constant 0 : index
    %get3A_1 = vector.load %arg1[%get3A, %get3A_0] : memref<2048x640xi32, #tpu.memory_space<vmem>>, vector<2048x640xi32>
    %and3A = arith.constant 65535 : i32
    %and3A_2 = vector.broadcast %and3A : i32 to vector<2048x640xi32>
    %and3A_3 = arith.andi %get3A_1, %and3A_2 : vector<2048x640xi32>
    %convert_element_type3A = arith.sitofp %and3A_3 : vector<2048x640xi32> to vector<2048x640xbf16>
    %shift_right_logical3A = arith.constant 16 : i32
    %shift_right_logical3A_4 = vector.broadcast %shift_right_logical3A : i32 to vector<2048x640xi32>
    %shift_right_logical3A_5 = arith.shrui %get3A_1, %shift_right_logical3A_4 : vector<2048x640xi32>
    %convert_element_type3A_6 = arith.sitofp %shift_right_logical3A_5 : vector<2048x640xi32> to vector<2048x640xbf16>
    %get3A_7 = arith.constant 0 : index
    %get3A_8 = arith.constant 0 : index
    %get3A_9 = arith.constant 0 : index
    %get3A_10 = vector.load %arg2[%get3A_7, %get3A_8, %get3A_9] : memref<2x640x256xbf16, #tpu.memory_space<vmem>>, vector<1x640x256xbf16>
    %get3A_11 = vector.shape_cast %get3A_10 : vector<1x640x256xbf16> to vector<640x256xbf16>
    %dot_general3A = arith.constant dense<0.000000e+00> : vector<2048x256xf32>
    %dot_general3A_12 = tpu.matmul %convert_element_type3A, %get3A_11, %dot_general3A {dimension_numbers = #tpu.dot_dimension_numbers<[1], [0], [0], [1], [0, 0, 1, 1], [], []>, transpose_lhs_hint = false} : vector<2048x640xbf16>, vector<640x256xbf16>, vector<2048x256xf32> -> vector<2048x256xf32>
    %get3A_13 = arith.constant 0 : index
    %get3A_14 = arith.constant 0 : index
    %get3A_15 = arith.constant 0 : index
    %get3A_16 = vector.load %arg3[%get3A_13, %get3A_14, %get3A_15] : memref<2x640x256xbf16, #tpu.memory_space<vmem>>, vector<1x640x256xbf16>
    %get3A_17 = vector.shape_cast %get3A_16 : vector<1x640x256xbf16> to vector<640x256xbf16>
    %dot_general3A_18 = arith.constant dense<0.000000e+00> : vector<2048x256xf32>
    %dot_general3A_19 = tpu.matmul %convert_element_type3A, %get3A_17, %dot_general3A_18 {dimension_numbers = #tpu.dot_dimension_numbers<[1], [0], [0], [1], [0, 0, 1, 1], [], []>, transpose_lhs_hint = false} : vector<2048x640xbf16>, vector<640x256xbf16>, vector<2048x256xf32> -> vector<2048x256xf32>
    %add3A = arith.addf %dot_general3A_12, %dot_general3A_19 : vector<2048x256xf32>
    %get3A_20 = arith.constant 1 : index
    %get3A_21 = arith.constant 0 : index
    %get3A_22 = arith.constant 0 : index
    %get3A_23 = vector.load %arg2[%get3A_20, %get3A_21, %get3A_22] : memref<2x640x256xbf16, #tpu.memory_space<vmem>>, vector<1x640x256xbf16>
    %get3A_24 = vector.shape_cast %get3A_23 : vector<1x640x256xbf16> to vector<640x256xbf16>
    %dot_general3A_25 = arith.constant dense<0.000000e+00> : vector<2048x256xf32>
    %dot_general3A_26 = tpu.matmul %convert_element_type3A_6, %get3A_24, %dot_general3A_25 {dimension_numbers = #tpu.dot_dimension_numbers<[1], [0], [0], [1], [0, 0, 1, 1], [], []>, transpose_lhs_hint = false} : vector<2048x640xbf16>, vector<640x256xbf16>, vector<2048x256xf32> -> vector<2048x256xf32>
    %get3A_27 = arith.constant 1 : index
    %get3A_28 = arith.constant 0 : index
    %get3A_29 = arith.constant 0 : index
    %get3A_30 = vector.load %arg3[%get3A_27, %get3A_28, %get3A_29] : memref<2x640x256xbf16, #tpu.memory_space<vmem>>, vector<1x640x256xbf16>
    %get3A_31 = vector.shape_cast %get3A_30 : vector<1x640x256xbf16> to vector<640x256xbf16>
    %dot_general3A_32 = arith.constant dense<0.000000e+00> : vector<2048x256xf32>
    %dot_general3A_33 = tpu.matmul %convert_element_type3A_6, %get3A_31, %dot_general3A_32 {dimension_numbers = #tpu.dot_dimension_numbers<[1], [0], [0], [1], [0, 0, 1, 1], [], []>, transpose_lhs_hint = false} : vector<2048x640xbf16>, vector<640x256xbf16>, vector<2048x256xf32> -> vector<2048x256xf32>
    %add3A_34 = arith.addf %dot_general3A_26, %dot_general3A_33 : vector<2048x256xf32>
    %max3A = arith.constant 0.000000e+00 : f32
    %max3A_35 = vector.broadcast %max3A : f32 to vector<2048x256xf32>
    %max3A_36 = arith.maximumf %add3A, %max3A_35 : vector<2048x256xf32>
    %max3A_37 = arith.constant 0.000000e+00 : f32
    %max3A_38 = vector.broadcast %max3A_37 : f32 to vector<2048x256xf32>
    %max3A_39 = arith.maximumf %add3A_34, %max3A_38 : vector<2048x256xf32>
    %concatenate3A = tpu.concatenate %max3A_36, %max3A_39 in 1 : vector<2048x256xf32>, vector<2048x256xf32> -> vector<2048x512xf32>
    %get3A_40 = arith.constant 0 : index
    %get3A_41 = arith.constant 0 : index
    %get3A_42 = vector.load %arg4[%get3A_40, %get3A_41] : memref<512x32xf32, #tpu.memory_space<vmem>>, vector<512x32xf32>
    %dot_general3A_43 = arith.constant dense<0.000000e+00> : vector<2048x32xf32>
    %dot_general3A_44 = tpu.matmul %concatenate3A, %get3A_42, %dot_general3A_43 {dimension_numbers = #tpu.dot_dimension_numbers<[1], [0], [0], [1], [0, 0, 1, 1], [], []>, transpose_lhs_hint = false} : vector<2048x512xf32>, vector<512x32xf32>, vector<2048x32xf32> -> vector<2048x32xf32>
    %get3A_45 = arith.constant 0 : index
    %get3A_46 = arith.constant 0 : index
    %get3A_47 = vector.load %arg5[%get3A_45, %get3A_46] : memref<1x32xf32, #tpu.memory_space<vmem>>, vector<1x32xf32>
    %add3A_48 = vector.broadcast %get3A_47 : vector<1x32xf32> to vector<2048x32xf32>
    %add3A_49 = arith.addf %dot_general3A_44, %add3A_48 : vector<2048x32xf32>
    %max3A_50 = arith.constant 0.000000e+00 : f32
    %max3A_51 = vector.broadcast %max3A_50 : f32 to vector<2048x32xf32>
    %max3A_52 = arith.maximumf %add3A_49, %max3A_51 : vector<2048x32xf32>
    %get3A_53 = arith.constant 0 : index
    %get3A_54 = arith.constant 0 : index
    %get3A_55 = vector.load %arg6[%get3A_53, %get3A_54] : memref<32x32xf32, #tpu.memory_space<vmem>>, vector<32x32xf32>
    %dot_general3A_56 = arith.constant dense<0.000000e+00> : vector<2048x32xf32>
    %dot_general3A_57 = tpu.matmul %max3A_52, %get3A_55, %dot_general3A_56 {dimension_numbers = #tpu.dot_dimension_numbers<[1], [0], [0], [1], [0, 0, 1, 1], [], []>, transpose_lhs_hint = false} : vector<2048x32xf32>, vector<32x32xf32>, vector<2048x32xf32> -> vector<2048x32xf32>
    %get3A_58 = arith.constant 0 : index
    %get3A_59 = arith.constant 0 : index
    %get3A_60 = vector.load %arg7[%get3A_58, %get3A_59] : memref<1x32xf32, #tpu.memory_space<vmem>>, vector<1x32xf32>
    %add3A_61 = vector.broadcast %get3A_60 : vector<1x32xf32> to vector<2048x32xf32>
    %add3A_62 = arith.addf %dot_general3A_57, %add3A_61 : vector<2048x32xf32>
    %max3A_63 = arith.constant 0.000000e+00 : f32
    %max3A_64 = vector.broadcast %max3A_63 : f32 to vector<2048x32xf32>
    %max3A_65 = arith.maximumf %add3A_62, %max3A_64 : vector<2048x32xf32>
    %get3A_66 = arith.constant 0 : index
    %get3A_67 = arith.constant 0 : index
    %get3A_68 = vector.load %arg8[%get3A_66, %get3A_67] : memref<32x1xf32, #tpu.memory_space<vmem>>, vector<32x1xf32>
    %dot_general3A_69 = arith.constant dense<0.000000e+00> : vector<2048x1xf32>
    %dot_general3A_70 = tpu.matmul %max3A_65, %get3A_68, %dot_general3A_69 {dimension_numbers = #tpu.dot_dimension_numbers<[1], [0], [0], [1], [0, 0, 1, 1], [], []>, transpose_lhs_hint = false} : vector<2048x32xf32>, vector<32x1xf32>, vector<2048x1xf32> -> vector<2048x1xf32>
    %get3A_71 = arith.constant 0 : index
    %get3A_72 = arith.constant 0 : index
    %get3A_73 = vector.load %arg9[%get3A_71, %get3A_72] : memref<1x1xf32, #tpu.memory_space<vmem>>, vector<1x1xf32>
    %add3A_74 = vector.broadcast %get3A_73 : vector<1x1xf32> to vector<2048x1xf32>
    %add3A_75 = arith.addf %dot_general3A_70, %add3A_74 : vector<2048x1xf32>
    %reshape3A = vector.shape_cast %add3A_75 : vector<2048x1xf32> to vector<1x1x2048xf32>
    %swap3A = arith.constant 0 : index
    %swap3A_76 = arith.constant 0 : index
    %swap3A_77 = arith.constant 0 : index
    %swap3A_78 = vector.load %arg10[%swap3A, %swap3A_76, %swap3A_77] : memref<1x1x2048xf32, #tpu.memory_space<vmem>>, vector<1x1x2048xf32>
    tpu.vector_store %arg10[%swap3A, %swap3A_76, %swap3A_77], %reshape3A {strides = array<i32>} : memref<1x1x2048xf32, #tpu.memory_space<vmem>>, vector<1x1x2048xf32>,
    return
  }
  func.func @transform_0(%arg0: i32) -> (i32, i32) {
    %c0_i32 = arith.constant 0 : i32
    %c0_i32_0 = arith.constant 0 : i32
    return %arg0, %c0_i32 : i32, i32
  }
  func.func @transform_1(%arg0: i32) -> (i32, i32, i32) {
    %c0_i32 = arith.constant 0 : i32
    %c0_i32_0 = arith.constant 0 : i32
    %c0_i32_1 = arith.constant 0 : i32
    %c0_i32_2 = arith.constant 0 : i32
    return %c0_i32, %c0_i32_0, %c0_i32_1 : i32, i32, i32
  }
  func.func @transform_2(%arg0: i32) -> (i32, i32, i32) {
    %c0_i32 = arith.constant 0 : i32
    %c0_i32_0 = arith.constant 0 : i32
    %c0_i32_1 = arith.constant 0 : i32
    %c0_i32_2 = arith.constant 0 : i32
    return %c0_i32, %c0_i32_0, %c0_i32_1 : i32, i32, i32
  }
  func.func @transform_3(%arg0: i32) -> (i32, i32) {
    %c0_i32 = arith.constant 0 : i32
    %c0_i32_0 = arith.constant 0 : i32
    %c0_i32_1 = arith.constant 0 : i32
    return %c0_i32, %c0_i32_0 : i32, i32
  }
  func.func @transform_4(%arg0: i32) -> (i32, i32) {
    %c0_i32 = arith.constant 0 : i32
    %c0_i32_0 = arith.constant 0 : i32
    %c0_i32_1 = arith.constant 0 : i32
    return %c0_i32, %c0_i32_0 : i32, i32
  }
  func.func @transform_5(%arg0: i32) -> (i32, i32) {
    %c0_i32 = arith.constant 0 : i32
    %c0_i32_0 = arith.constant 0 : i32
    %c0_i32_1 = arith.constant 0 : i32
    return %c0_i32, %c0_i32_0 : i32, i32
  }
  func.func @transform_6(%arg0: i32) -> (i32, i32) {
    %c0_i32 = arith.constant 0 : i32
    %c0_i32_0 = arith.constant 0 : i32
    %c0_i32_1 = arith.constant 0 : i32
    return %c0_i32, %c0_i32_0 : i32, i32
  }
  func.func @transform_7(%arg0: i32) -> (i32, i32) {
    %c0_i32 = arith.constant 0 : i32
    %c0_i32_0 = arith.constant 0 : i32
    %c0_i32_1 = arith.constant 0 : i32
    return %c0_i32, %c0_i32_0 : i32, i32
  }
  func.func @transform_8(%arg0: i32) -> (i32, i32) {
    %c0_i32 = arith.constant 0 : i32
    %c0_i32_0 = arith.constant 0 : i32
    %c0_i32_1 = arith.constant 0 : i32
    return %c0_i32, %c0_i32_0 : i32, i32
  }
  func.func @transform_9(%arg0: i32) -> (i32, i32, i32) {
    %c0_i32 = arith.constant 0 : i32
    %c0_i32_0 = arith.constant 0 : i32
    %c0_i32_1 = arith.constant 0 : i32
    return %arg0, %c0_i32, %c0_i32_0 : i32, i32, i32
  }
}

</mosaic_0001>

<sc_bundles>
// kernel: kernel.6.cloned.1.call-start
scs
__scs_entry_jumppad:
0x0: {  	(pc) =	sbr.rel $0x88, $3  }
0x1: {  	(tag) =	ssettag $0x0;
	lr =	simm.s32 $0x1  }
0x2: {  	[smem:$0x3F98] =	sst lr;
	_ =	strace $0xD0000000  }
0x3: {  	_ = 	snop  }
0x4: {  	_ = 	snop  }
0x5: {  	_ = 	snop  }
0x6: {  	_ = 	snop  }
0x7: {  	_ = 	snop  }
__scs_overlays_trampoline_lowered:
0x8: {  	[smem:$0x3FA7] =	sst s0  }
0x9: {  	[smem:$0x3FA8] =	sst s1  }
0xa: {  	[smem:$0x3FA9] =	sst s2  }
0xb: {  	[smem:$0x3FAA] =	sst s3  }
0xc: {  	[smem:$0x3FAB] =	sst s4  }
0xd: {  	[smem:$0x3FAC] =	sst s5  }
0xe: {  	[smem:$0x3FAD] =	sst s6  }
0xf: {  	[smem:$0x3FAE] =	sst s7  }
0x10: {  	[smem:$0x3FAF] =	sst s8  }
0x11: {  	[smem:$0x3FB0] =	sst s9;
	s0 =	simm.s32 @!p0 $0x0  }
0x12: {  	s1 =	sld [smem:$0x3F96];
	s0 =	simm.s32 @p0 $0x1  }
0x13: {  	[smem:$0x3FB1] =	sst s0;
	s0 =	simm.s32 @!p1 $0x0  }
0x14: {  	s2 =	sld [smem:$0x3F95];
	s0 =	simm.s32 @p1 $0x1  }
0x15: {  	[smem:$0x3FB2] =	sst s0;
	s0 =	simm.s32 @!p2 $0x0  }
0x16: {  	s3 =	sld [smem:$0x3FDB];
	s0 =	simm.s32 @p2 $0x1  }
0x17: {  	s4 =	simm.s32 $0x1BF5;
	[smem:$0x3FB4] =	sst s0  }
0x18: {  	s0 =	sld [smem:$0x3F97];
	_ =	swait.ge [sflag:s4], $0x0  }
0x19: {  	s7 =	sld [smem:$0x3F98]  }
0x1a: {  	s8 =	sadd.s32 $0xFFFFE003, lr  }
0x1b: {  	s9 =	sadd.s32 $0xFFFFFEF7, lr;
	s5 =	simm.s32 $0xFFFFFFFF;
	p2 =	slt.u32 s8, $0xFFFFF086  }
0x1c: {  	p1 =	slt.u32 s9, $0xF7A;
	s5 =	simm.s32 @!p2 $0x0  }
0x1d: {  	s5 =	simm.s32 @p1 $0x1;
	p0 =	seq.s32 s7, s2  }
0x1e: {  	s7 =	smul.u32 @!p0 $0xF7A, s2;
	p2 =	seq.s32 @!p0 s5, $0x0  }
0x1f: {  	s9 =	smul.u32 $0xF7A, s1;
	s8 =	simm.s32 @!p0 $0x1BF5;
	p2 =	por !p2, p0  }
0x20: {  	[sflag:s8] =	ssyncset.s32 @!p0 $0xFFFFF086;
	s6 =	sadd.s32 @!p0 s3, s7;
	s7 =	simm.s32 @!p0 $0x108  }
0x21: {  	s3 =	sadd.s32 s3, s9;
	s6 =	sadd.s32 @!p0 $0x88, s6;
	s7 =	simm.s32 @p2 $0x1082  }
0x22: {  	[simem:s7], [sflag:s8] =	dma.local @!p0 [hbm:s6], $0xF7A  }
0x23: {  	s9 =	sor.u32 $0xD0000000, s2;
	s6 =	simm.s32 $0x108;
	_ =	swait.ge @!p0 [sflag:s8], $0x0  }
0x24: {  	s3 =	sadd.s32 $0x88, s3;
	s6 =	simm.s32 @!p1 $0x1082;
	[sflag:s4] =	ssyncset.s32 $0xFFFFF086  }
0x25: {  	[simem:s6], [sflag:s4] =	dma.local [hbm:s3], $0xF7A  }
0x26: {  	[smem:$0x3F98] =	sst s1;
	(tag) =	ssettag s2;
	_ =	strace s9  }
0x27: {  	s1 =	sld [smem:$0x3FA8]  }
0x28: {  	s2 =	sld [smem:$0x3FA9]  }
0x29: {  	s4 =	sld [smem:$0x3FAB]  }
0x2a: {  	p0 =	seq.s32 s5, $0x0;
	s5 =	sld [smem:$0x3FAC]  }
0x2b: {  	s6 =	sld [smem:$0x3FAD]  }
0x2c: {  	s7 =	sld [smem:$0x3FAE]  }
0x2d: {  	s3 =	simm.s32 $0x108;
	s8 =	sld [smem:$0x3FAF]  }
0x2e: {  	s3 =	simm.s32 @!p0 $0x1082;
	s9 =	sld [smem:$0x3FB0]  }
0x2f: {  	lr =	sadd.s32 s0, s3;
	s0 =	sld [smem:$0x3FA7]  }
0x30: {  	s3 =	sld [smem:$0x3FAA]  }
0x31: {  	[smem:$0x3FB3] =	sst s10  }
0x32: {  	s10 =	sld [smem:$0x3FB1];
	_ =	sdelay $0x3  }
0x33: {  	p0 =	seq.s32 s10, $0x1;
	s10 =	sld [smem:$0x3FB3];
	_ =	sdelay $0x3  }
0x34: {  	[smem:$0x3FB3] =	sst s10  }
0x35: {  	s10 =	sld [smem:$0x3FB2];
	_ =	sdelay $0x3  }
0x36: {  	p1 =	seq.s32 s10, $0x1;
	s10 =	sld [smem:$0x3FB3];
	_ =	sdelay $0x3  }
0x37: {  	[smem:$0x3FB3] =	sst s10  }
0x38: {  	s10 =	sld [smem:$0x3FB4]  }
0x39: {  	_ = 	snop;
	(pc) =	sbr.ind lr, $3  }
0x3a: {  	_ = 	snop  }
0x3b: {  	_ = 	snop  }
0x3c: {  	p2 =	seq.s32 s10, $0x1;
	s10 =	sld [smem:$0x3FB3]  }
0x3d: {  	_ =	shalt  }
0x3e: {  	_ =	shalt  }
0x3f: {  	_ =	shalt  }
0x40: {  	_ =	shalt  }
0x41: {  	_ =	shalt  }
0x42: {  	_ =	shalt  }
0x43: {  	_ =	shalt  }
0x44: {  	_ =	shalt  }
0x45: {  	_ =	shalt  }
0x46: {  	_ =	shalt  }
0x47: {  	_ =	shalt  }
0x48: {  	_ =	shalt  }
0x49: {  	_ =	shalt  }
0x4a: {  	_ =	shalt  }
0x4b: {  	_ =	shalt  }
0x4c: {  	_ =	shalt  }
0x4d: {  	_ =	shalt  }
0x4e: {  	_ =	shalt  }
0x4f: {  	_ =	shalt  }
0x50: {  	_ =	shalt  }
0x51: {  	_ =	shalt  }
0x52: {  	_ =	shalt  }
0x53: {  	_ =	shalt  }
0x54: {  	_ =	shalt  }
0x55: {  	_ =	shalt  }
0x56: {  	_ =	shalt  }
0x57: {  	_ =	shalt  }
0x58: {  	_ =	shalt  }
0x59: {  	_ =	shalt  }
0x5a: {  	_ =	shalt  }
0x5b: {  	_ =	shalt  }
0x5c: {  	_ =	shalt  }
0x5d: {  	_ =	shalt  }
0x5e: {  	_ =	shalt  }
0x5f: {  	_ =	shalt  }
0x60: {  	_ =	shalt  }
0x61: {  	_ =	shalt  }
0x62: {  	_ =	shalt  }
0x63: {  	_ =	shalt  }
0x64: {  	_ =	shalt  }
0x65: {  	_ =	shalt  }
0x66: {  	_ =	shalt  }
0x67: {  	_ =	shalt  }
0x68: {  	_ =	shalt  }
0x69: {  	_ =	shalt  }
0x6a: {  	_ =	shalt  }
0x6b: {  	_ =	shalt  }
0x6c: {  	_ =	shalt  }
0x6d: {  	_ =	shalt  }
0x6e: {  	_ =	shalt  }
0x6f: {  	_ =	shalt  }
0x70: {  	_ =	shalt  }
0x71: {  	_ =	shalt  }
0x72: {  	_ =	shalt  }
0x73: {  	_ =	shalt  }
0x74: {  	_ =	shalt  }
0x75: {  	_ =	shalt  }
0x76: {  	_ =	shalt  }
0x77: {  	_ =	shalt  }
0x78: {  	_ =	shalt  }
0x79: {  	_ =	shalt  }
0x7a: {  	_ =	shalt  }
0x7b: {  	_ =	shalt  }
0x7c: {  	_ =	shalt  }
0x7d: {  	_ =	shalt  }
0x7e: {  	_ =	shalt  }
0x7f: {  	_ =	shalt  }
0x80: {  	_ =	shalt  }
0x81: {  	_ =	shalt  }
0x82: {  	_ =	shalt  }
0x83: {  	_ =	shalt  }
0x84: {  	_ =	shalt  }
0x85: {  	_ =	shalt  }
0x86: {  	_ =	shalt  }
0x87: {  	_ =	shalt  }
.Lfunc_end0:
.L_simem_size_0:
called_computation_lowered:
.L_overlay_start_0:
0x88: {  	s2 =	sld [smem:$0x3FD9]  }
0x89: {  	s3 =	sld [smem:$0x3FFE];
	_ =	sdelay $0x1  }
0x8a: {  	s1 =	srdreg.scid  }
0x8b: {  	s0 =	sand.u32 $0x1, s1  }
0x8c: {  	s17 =	sshll.u32 s0, $0xA;
	s2 =	sadd.s32 s3, s2  }
0x8d: {  	s2 =	sadd.s32 s2, s17  }
0x8e: {  	[smem:$0x3FBF] =	sst s2  }
0x8f: {  	_ = 	snop  }
0x90: {  	(tm) =	ssettm $0x1  }
0x91: {  	s18 =	sld [smem:$0x3FFB];
	_ =	sdelay $0x3  }
0x92: {  	_ =	strace s18  }
0x93: {  	s2 =	sld [smem:$0x3FFC];
	_ =	sdelay $0x3  }
0x94: {  	_ =	strace s2  }
0x95: {  	s2 =	sld [smem:$0x3FFD];
	_ =	sdelay $0x3  }
0x96: {  	_ =	strace s2  }
0x97: {  	_ =	strace $0x8FFFFFFF  }
0x98: {  	s19 =	sld [smem:$0x3FDB];
	_ =	sdelay $0x1  }
0x99: {  	s20 =	simm.s32 $_scs_section_size  }
0x9a: {  	s4 =	simm.s32 $_size__tile_overlayer_lowered;
	s5 =	simm.s32 $_tile_overlayer_lowered  }
0x9b: {  	s6 =	simm.s32 $0x1BFF;
	s21 =	sshll.u32 s5, $0x1;
	s3 =	sadd.s32 s20, s19  }
0x9c: {  	s22 =	simm.s32 $0x0;
	s4 =	sshll.u32 s4, $0x1;
	s5 =	sadd.s32 s21, s3  }
0x9d: {  	[timem:s22], [sflag:s6] =	dma.local [hbm:s5], s4  }
0x9e: {  	_ =	swait.ge [sflag:s6], s4  }
0x9f: {  	s4 =	ssub.s32 $0x0, s4;
	[sflag:s6] =	ssyncset.done $0x0  }
0xa0: {  	[sflag:s6] =	ssyncadd.s32 s4;
	_ =	sdelay $0x1  }
0xa1: {  	s23 =	simm.s32 $0x1B8B  }
0xa2: {  	_ =	swait.ge [sflag:s23], $0x1  }
0xa3: {  	[sflag:s23] =	ssyncset.done $0x0  }
0xa4: {  	[sflag:s23] =	ssyncadd.s32 $0xFFFFFFFF  }
0xa5: {  	s4 =	sld [smem:$0x0]  }
0xa6: {  	s5 =	sand.u32 $0xFFFFFFFE, s1  }
0xa7: {  	p0 =	sne.s32 s1, s5  }
0xa8: {  	s5 =	sshll.u32 @p0 s5, $0xE  }
0xa9: {  	s5 =	sadd.s32 @p0 $0x11B8D, s5;
	s6 =	sshll.u32 @p0 s4, $0x11  }
0xaa: {  	s5 =	sor.u32 @p0 s6, s5  }
0xab: {  	[sflag:s5] =	ssyncadd.remote.s32 @p0 $0x1;
	_ =	sdelay $0x1  }
0xac: {  	s5 =	simm.s32 @p0 $0x1B8D  }
0xad: {  	_ =	swait.eq @p0 [sflag:s5], $0x1  }
0xae: {  	[sflag:s5] =	ssyncadd.s32 @p0 $0xFFFFFFFF  }
0xaf: {  	s6 =	sshll.u32 @!p0 s1, $0xE  }
0xb0: {  	s6 =	sor.u32 @!p0 $0x4000, s6;
	s5 =	simm.s32 @!p0 $0x1B8D  }
0xb1: {  	s4 =	sshll.u32 @!p0 s4, $0x11;
	s6 =	sadd.s32 @!p0 $0x11B8D, s6;
	_ =	swait.eq @!p0 [sflag:s5], $0x1  }
0xb2: {  	s4 =	sor.u32 @!p0 s4, s6;
	[sflag:s5] =	ssyncadd.s32 @!p0 $0xFFFFFFFF  }
0xb3: {  	s25 =	simm.s32 $0x1B8E;
	s24 =	sld [smem:$0x3FFE];
	[sflag:s4] =	ssyncadd.remote.s32 @!p0 $0x1  }
0xb4: {  	s26 =	simm.s32 $execute0_lowered;
	[smem:$0x3FD2] =	sst s25  }
0xb5: {  	s5 =	sshll.u32 s26, $0x1;
	_ =	strace $0x80000049;
	[dreg:$0x1] =	wrdreg $0xFFFFFFFF  }
0xb6: {  	s28 =	simm.s32 $_size_execute0_lowered;
	s3 =	sadd.s32 s3, s5;
	[dreg:$0x0] =	wrdreg $0x0  }
0xb7: {  	s5 =	sshll.u32 s28, $0x1;
	[dreg:$0x2] =	wrdreg s3  }
0xb8: {  	[dreg:$0x3] =	wrdreg s5  }
0xb9: {  	[dreg:$0x4] =	wrdreg $0xC0  }
0xba: {  	_ =	task [dreg:s22], $0x5FFFF  }
0xbb: {  	[dreg:$0x1] =	wrdreg $0xFFFFFFFF  }
0xbc: {  	[dreg:$0x0] =	wrdreg $0x60  }
0xbd: {  	[dreg:$0x2] =	wrdreg s24  }
0xbe: {  	[dreg:$0x3] =	wrdreg $0x9  }
0xbf: {  	_ =	task.clear_ibuf [dreg:s22], $0x4FFFF;
	_ =	strace $0x90000049  }
0xc0: {  	s29 =	simm.s32 $0x9;
	_ =	strace $0x8000004B  }
0xc1: {  	_ =	swait.ge [sflag:s29], $0x1  }
0xc2: {  	[sflag:s29] =	ssyncadd.s32 $0xFFFFFFFF  }
0xc3: {  	_ =	strace $0x9000004B  }
0xc4: {  	_ =	sfence  }
0xc5: {  	s30 =	sld [smem:$0x0];
	_ =	sdelay $0x2  }
0xc6: {  	s31 =	sshll.u32 s1, $0xD;
	s1 =	sshrl.u32 s1, $0x2  }
0xc7: {  	s4 =	sand.u32 $0x4000, s31;
	s1 =	sadd.s32 s1, s30  }
0xc8: {  	s0 =	sor.u32 s4, s0;
	s1 =	sshll.u32 s1, $0x11  }
0xc9: {  	s0 =	sor.u32 s1, s0  }
0xca: {  	s0 =	sadd.s32 $0x8F2B, s0  }
0xcb: {  	[sflag:s0] =	ssyncadd.remote.s32 $0x1  }
0xcc: {  	_ =	sfence.sel $0xFFFF  }
0xcd: {  	[dreg:$0x0] =	wrdreg $0xFFFFFFFF;
	(pc) =	sbr.abs _section_cstart, $3  }
0xce: {  	[dreg:$0x1] =	wrdreg $0xFFFFFFFF  }
0xcf: {  	_ =	task.clear_ibuf [dreg:s22], $0x2FFFF;
	_ =	strace $0x9FFFFFFF  }
0xd0: {  	(tm) =	ssettm $0x7FFFFFFF  }
0xd1: {  	_ =	shalt  }
tec
execute0_lowered:
.L_overlay_start_1:
0x0: {  	(tag) =	ssettag $0x1  }
0x1: {  	v0 =	vimm.s32 $0x0  }
0x2: {  	v1 =	vimm.s32 $0x1780;
	vm0 =	vcmask $0x300;
	v2 =	vimm.s32 $0x3F80  }
0x3: {  	vm1 =	vcmask $0x704;
	v1 =	vsel vm0, $0x0, v1;
	v2 =	vsel vm0, $0x2800, v2  }
0x4: {  	s1 =	srdreg.scid;
	vm15 =	vcmask $0xB08;
	v1 =	vsel vm1, $0x80, v1;
	v2 =	vsel vm1, $0x2880, v2  }
0x5: {  	s0 =	stileid.u32;
	vm4 =	vcmask $0xF0C;
	s4 =	rddreg [dreg:$0x0];
	v1 =	vsel vm15, $0x100, v1;
	v2 =	vsel vm15, $0x2900, v2  }
0x6: {  	vm5 =	vcmask $0x1310;
	s13 =	simm.s32 $0x800;
	s14 =	simm.s32 $0x10000;
	s15 =	simm.s32 $0x3;
	v1 =	vsel vm4, $0x180, v1;
	v2 =	vsel vm4, $0x2980, v2  }
0x7: {  	vm6 =	vcmask $0x1714;
	s16 =	simm.s32 $0x4000;
	s17 =	simm.s32 $0x9000;
	s3 =	sand.u32 $0x1, s1;
	v1 =	vsel vm5, $0x200, v1;
	v2 =	vsel vm5, $0x2A00, v2  }
0x8: {  	vm7 =	vcmask $0x1B18;
	s18 =	simm.s32 $0x1;
	s30 =	sshll.u32 s0, $0x9;
	s2 =	sshll.u32 s3, $0x8;
	v1 =	vsel vm6, $0x280, v1;
	v2 =	vsel vm6, $0x2A80, v2  }
0x9: {  	vm8 =	vcmask $0x1F1C;
	s19 =	simm.s32 $0x2;
	s20 =	simm.s32 $0x0;
	s5 =	sor.u32 s2, s30;
	v1 =	vsel vm7, $0x300, v1;
	v2 =	vsel vm7, $0x2B00, v2  }
0xa: {  	vm9 =	vcmask $0x2320;
	s1 =	rddreg [dreg:$0x1];
	s8 =	sadd.s32 $0xC1C00, s4;
	s6 =	sshrl.u32 s5, $0x3;
	v1 =	vsel vm8, $0x380, v1;
	v2 =	vsel vm8, $0x2B80, v2  }
0xb: {  	vm10 =	vcmask $0x2724;
	s3 =	ssub.s32 $0x2, s3;
	s2 =	simm.s32 $0x0;
	s7 =	smul.u32 $0x280, s6;
	v1 =	vsel vm9, $0x1400, v1;
	v2 =	vsel vm9, $0x3C00, v2  }
0xc: {  	vm11 =	vcmask $0x2B28;
	s31 =	sshrl.u32 s3, $0x1;
	[smem:$0x7FF] =	sst s2;
	s6 =	smul.u32 $0x1400, s6;
	v1 =	vsel vm10, $0x1480, v1;
	v2 =	vsel vm10, $0x3C80, v2  }
0xd: {  	vm12 =	vcmask $0x2F2C;
	s5 =	sadd.s32 s5, s4;
	s12 =	ssub.s32 s3, s31;
	_ =	strace $0x8000004A;
	v1 =	vsel vm11, $0x1500, v1;
	v2 =	vsel vm11, $0x3D00, v2  }
0xe: {  	vm13 =	vcmask $0x3330;
	s4 =	sadd.s32 $0x11C00, s5;
	s3 =	sadd.s32 s8, s7;
	s6 =	sshrl.u32 s6, $0x3;
	v1 =	vsel vm12, $0x1580, v1;
	v2 =	vsel vm12, $0x3D80, v2  }
0xf: {  	vm14 =	vcmask $0x3734;
	s12 =	smax.u32 s12, $0x1;
	s5 =	sadd.s32 $0xA00, s3;
	s11 =	sadd.s32 s8, s6;
	v1 =	vsel vm13, $0x1600, v1;
	v2 =	vsel vm13, $0x3E00, v2  }
0x10: {  	vm15 =	vcmask $0x3B38;
	s6 =	sadd.s32 $0x1400, s11;
	s7 =	sadd.s32 $0x1E00, s11;
	s8 =	sadd.s32 $0x2800, s11;
	v3 =	vsel vm14, $0x1680, v1;
	v4 =	vsel vm14, $0x3E80, v2  }
0x11: {  	s9 =	sadd.s32 $0x3200, s11;
	s10 =	sadd.s32 $0x3C00, s11;
	s11 =	sadd.s32 $0x4600, s11;
	v1 =	vimm.s32 $0x1;
	v2 =	vsel vm15, $0x1700, v3;
	v3 =	vsel vm15, $0x3F00, v4  }
.LBB2_1:
0x12: {  	[tilespmem:s2], [sflag:$0x3] =	stream.strided.gather [hbm4b:s4+s13], $0x4000, s14, s13, $0x38;
	[tilespmem:$0xE000] =	vst v63  }
0x13: {  	s21 =	simm.s32 $0x0  }
0x14: {  	s21 =	smul.u32 $0x5000, s21  }
0x15: {  	_ =	swait.ge [sflag:s15], $0x4000  }
0x16: {  	s22 =	sand.u32 $0x380, s2;
	[sflag:s15] =	ssyncset.done $0x0;
	s21 =	sshra.s32 s21, $0x2  }
0x17: {  	[sflag:s15] =	ssyncadd.s32 $0xFFFFC000;
	s21 =	sor.u32 s22, s21  }
0x18: {  	[tilespmem:s21+$0x5070] =	vst v0  }
0x19: {  	[tilespmem:s21+$0x4000] =	vst v0  }
0x1a: {  	[tilespmem:s21+$0x4010] =	vst v0  }
0x1b: {  	[tilespmem:s21+$0x4020] =	vst v0  }
0x1c: {  	[tilespmem:s21+$0x4030] =	vst v0  }
0x1d: {  	[tilespmem:s21+$0x4040] =	vst v0  }
0x1e: {  	[tilespmem:s21+$0x4050] =	vst v0  }
0x1f: {  	[tilespmem:s21+$0x4060] =	vst v0  }
0x20: {  	[tilespmem:s21+$0x4070] =	vst v0  }
0x21: {  	[tilespmem:s21+$0x4400] =	vst v0  }
0x22: {  	[tilespmem:s21+$0x4410] =	vst v0  }
0x23: {  	[tilespmem:s21+$0x4420] =	vst v0  }
0x24: {  	[tilespmem:s21+$0x4430] =	vst v0  }
0x25: {  	[tilespmem:s21+$0x4440] =	vst v0  }
0x26: {  	[tilespmem:s21+$0x4450] =	vst v0  }
0x27: {  	[tilespmem:s21+$0x4460] =	vst v0  }
0x28: {  	[tilespmem:s21+$0x4470] =	vst v0  }
0x29: {  	[tilespmem:s21+$0x4800] =	vst v0  }
0x2a: {  	[tilespmem:s21+$0x4810] =	vst v0  }
0x2b: {  	[tilespmem:s21+$0x4820] =	vst v0  }
0x2c: {  	[tilespmem:s21+$0x4830] =	vst v0  }
0x2d: {  	[tilespmem:s21+$0x4840] =	vst v0  }
0x2e: {  	[tilespmem:s21+$0x4850] =	vst v0  }
0x2f: {  	[tilespmem:s21+$0x4860] =	vst v0  }
0x30: {  	[tilespmem:s21+$0x4870] =	vst v0  }
0x31: {  	[tilespmem:s21+$0x4C00] =	vst v0  }
0x32: {  	[tilespmem:s21+$0x4C10] =	vst v0  }
0x33: {  	[tilespmem:s21+$0x4C20] =	vst v0  }
0x34: {  	[tilespmem:s21+$0x4C30] =	vst v0  }
0x35: {  	[tilespmem:s21+$0x4C40] =	vst v0  }
0x36: {  	[tilespmem:s21+$0x4C50] =	vst v0  }
0x37: {  	[tilespmem:s21+$0x4C60] =	vst v0  }
0x38: {  	[tilespmem:s21+$0x4C70] =	vst v0  }
0x39: {  	[tilespmem:s21+$0x5000] =	vst v0  }
0x3a: {  	[tilespmem:s21+$0x5010] =	vst v0  }
0x3b: {  	s24 =	simm.s32 $0x0;
	s23 =	simm.s32 $0x2;
	s22 =	simm.s32 $0x0;
	[tilespmem:s21+$0x5020] =	vst v0  }
.LBB2_2:
0x3c: {  	p0 =	sne.s32 s23, $0x1F;
	s24 =	smul.u32 $0x5000, s24;
	[tilespmem:s21+$0x5030] =	vst v0  }
0x3d: {  	s22 =	sadd.s32 $0x80, s22;
	[tilespmem:s21+$0x5040] =	vst v0  }
0x3e: {  	s25 =	sand.u32 $0x380, s22;
	s24 =	sshra.s32 s24, $0x2;
	[tilespmem:s21+$0x5050] =	vst v0  }
0x3f: {  	[tilespmem:s21+$0x5060] =	vst v0;
	s21 =	sor.u32 s25, s24  }
0x40: {  	[tilespmem:s21+$0x5070] =	vst v0  }
0x41: {  	[tilespmem:s21+$0x4000] =	vst v0  }
0x42: {  	[tilespmem:s21+$0x4010] =	vst v0  }
0x43: {  	[tilespmem:s21+$0x4020] =	vst v0  }
0x44: {  	[tilespmem:s21+$0x4030] =	vst v0  }
0x45: {  	[tilespmem:s21+$0x4040] =	vst v0  }
0x46: {  	[tilespmem:s21+$0x4050] =	vst v0  }
0x47: {  	[tilespmem:s21+$0x4060] =	vst v0  }
0x48: {  	[tilespmem:s21+$0x4070] =	vst v0  }
0x49: {  	[tilespmem:s21+$0x4400] =	vst v0  }
0x4a: {  	[tilespmem:s21+$0x4410] =	vst v0  }
0x4b: {  	[tilespmem:s21+$0x4420] =	vst v0  }
0x4c: {  	[tilespmem:s21+$0x4430] =	vst v0  }
0x4d: {  	[tilespmem:s21+$0x4440] =	vst v0  }
0x4e: {  	[tilespmem:s21+$0x4450] =	vst v0  }
0x4f: {  	[tilespmem:s21+$0x4460] =	vst v0  }
0x50: {  	[tilespmem:s21+$0x4470] =	vst v0  }
0x51: {  	[tilespmem:s21+$0x4800] =	vst v0  }
0x52: {  	[tilespmem:s21+$0x4810] =	vst v0  }
0x53: {  	[tilespmem:s21+$0x4820] =	vst v0  }
0x54: {  	[tilespmem:s21+$0x4830] =	vst v0  }
0x55: {  	[tilespmem:s21+$0x4840] =	vst v0  }
0x56: {  	[tilespmem:s21+$0x4850] =	vst v0  }
0x57: {  	[tilespmem:s21+$0x4860] =	vst v0  }
0x58: {  	[tilespmem:s21+$0x4870] =	vst v0  }
0x59: {  	[tilespmem:s21+$0x4C00] =	vst v0  }
0x5a: {  	[tilespmem:s21+$0x4C10] =	vst v0  }
0x5b: {  	[tilespmem:s21+$0x4C20] =	vst v0  }
0x5c: {  	[tilespmem:s21+$0x4C30] =	vst v0  }
0x5d: {  	[tilespmem:s21+$0x4C40] =	vst v0  }
0x5e: {  	[tilespmem:s21+$0x4C50] =	vst v0  }
.Ltmp0:
0x5f: {  	[tilespmem:s21+$0x4C60] =	vst v0;
	(pc) =	sbr.rel @p0 .LBB2_2-.Ltmp0, $4  }
0x60: {  	[tilespmem:s21+$0x4C70] =	vst v0  }
0x61: {  	[tilespmem:s21+$0x5000] =	vst v0  }
0x62: {  	[tilespmem:s21+$0x5010] =	vst v0  }
0x63: {  	s24 =	sshrl.u32 s23, $0x3;
	s23 =	sadd.s32 $0x1, s23;
	[tilespmem:s21+$0x5020] =	vst v0  }
0x64: {  	s23 =	smul.u32 $0x5000, s24;
	[tilespmem:s21+$0x5030] =	vst v0  }
0x65: {  	[tilespmem:s21+$0x5040] =	vst v0;
	s22 =	sadd.s32 $0x80, s22  }
0x66: {  	[tilespmem:s21+$0x5050] =	vst v0;
	s22 =	sand.u32 $0x380, s22;
	s23 =	sshra.s32 s23, $0x2  }
0x67: {  	[tilespmem:s21+$0x5060] =	vst v0;
	s22 =	sor.u32 s22, s23  }
0x68: {  	[tilespmem:s22+$0x5070] =	vst v0  }
0x69: {  	[tilespmem:s22+$0x4000] =	vst v0  }
0x6a: {  	[tilespmem:s22+$0x4010] =	vst v0  }
0x6b: {  	[tilespmem:s22+$0x4020] =	vst v0  }
0x6c: {  	[tilespmem:s22+$0x4030] =	vst v0  }
0x6d: {  	[tilespmem:s22+$0x4040] =	vst v0  }
0x6e: {  	[tilespmem:s22+$0x4050] =	vst v0  }
0x6f: {  	[tilespmem:s22+$0x4060] =	vst v0  }
0x70: {  	[tilespmem:s22+$0x4070] =	vst v0  }
0x71: {  	[tilespmem:s22+$0x4400] =	vst v0  }
0x72: {  	[tilespmem:s22+$0x4410] =	vst v0  }
0x73: {  	[tilespmem:s22+$0x4420] =	vst v0  }
0x74: {  	[tilespmem:s22+$0x4430] =	vst v0  }
0x75: {  	[tilespmem:s22+$0x4440] =	vst v0  }
0x76: {  	[tilespmem:s22+$0x4450] =	vst v0  }
0x77: {  	[tilespmem:s22+$0x4460] =	vst v0  }
0x78: {  	[tilespmem:s22+$0x4470] =	vst v0  }
0x79: {  	[tilespmem:s22+$0x4800] =	vst v0  }
0x7a: {  	[tilespmem:s22+$0x4810] =	vst v0  }
0x7b: {  	[tilespmem:s22+$0x4820] =	vst v0  }
0x7c: {  	[tilespmem:s22+$0x4830] =	vst v0  }
0x7d: {  	[tilespmem:s22+$0x4840] =	vst v0  }
0x7e: {  	[tilespmem:s22+$0x4850] =	vst v0  }
0x7f: {  	[tilespmem:s22+$0x4860] =	vst v0  }
0x80: {  	[tilespmem:s22+$0x4870] =	vst v0  }
0x81: {  	[tilespmem:s22+$0x4C00] =	vst v0  }
0x82: {  	[tilespmem:s22+$0x4C10] =	vst v0  }
0x83: {  	[tilespmem:s22+$0x4C20] =	vst v0  }
0x84: {  	[tilespmem:s22+$0x4C30] =	vst v0  }
0x85: {  	[tilespmem:s22+$0x4C40] =	vst v0  }
0x86: {  	[tilespmem:s22+$0x4C50] =	vst v0  }
0x87: {  	[tilespmem:s22+$0x4C60] =	vst v0  }
0x88: {  	[tilespmem:s22+$0x4C70] =	vst v0  }
0x89: {  	[tilespmem:s22+$0x5000] =	vst v0  }
0x8a: {  	[tilespmem:s22+$0x5010] =	vst v0  }
0x8b: {  	[tilespmem:s22+$0x5020] =	vst v0  }
0x8c: {  	[tilespmem:s22+$0x5030] =	vst v0  }
0x8d: {  	[tilespmem:s22+$0x5040] =	vst v0  }
0x8e: {  	[tilespmem:s22+$0x5050] =	vst v0  }
0x8f: {  	s21 =	simm.s32 $0x0;
	s23 =	simm.s32 $0x0;
	[tilespmem:s22+$0x5060] =	vst v0;
	s22 =	simm.s32 $0x0  }
.LBB2_4:
0x90: {  	s24 =	sand.u32 $0x3800, s21;
	s25 =	sand.u32 $0x380, s22  }
0x91: {  	s24 =	sor.u32 s25, s24  }
0x92: {  	v4 =	vld [tilespmem:s24+$0x0];
	_ =	sdelay $0x4  }
0x93: {  	v5 =	vshll.u32 v4, $0x3  }
0x94: {  	v4 =	vand.u32 $0x7F, v4;
	v5 =	vand.u32 $0xFFFFFC00, v5  }
0x95: {  	v4 =	vor.u32 v4, v5  }
0x96: {  	v4 =	vadd.s32 v2, v4;
	_ =	sdelay $0x2  }
0x97: {  	p0 =	slt.u32 s23, $0x1E  }
0x98: {  	v5 =	vpsel !p0, $0x10000, v1  }
0x99: {  	[tilespmem:v4+s16+$0x0] =	vst.idx.add.s32.msk $0xffff, v5  }
0x9a: {  	v4 =	vld [tilespmem:s24+$0x10];
	_ =	sdelay $0x4  }
0x9b: {  	v6 =	vshll.u32 v4, $0x3  }
0x9c: {  	v4 =	vand.u32 $0x7F, v4;
	v6 =	vand.u32 $0xFFFFFC00, v6  }
0x9d: {  	v4 =	vor.u32 v4, v6  }
0x9e: {  	p0 =	sne.s32 s23, $0x3B;
	v4 =	vadd.s32 v3, v4  }
.Ltmp1:
0x9f: {  	_ = 	snop;
	(pc) =	sbr.rel @p0 .LBB2_4-.Ltmp1, $2  }
0xa0: {  	_ =	sdelay $0x2  }
0xa1: {  	s22 =	sadd.s32 $0x80, s22;
	s21 =	sadd.s32 $0x100, s21;
	s23 =	sadd.s32 $0x1, s23;
	[tilespmem:v4+s16+$0x0] =	vst.idx.add.s32.msk $0xffff, v5  }
0xa2: {  	s22 =	simm.s32 $0x0  }
0xa3: {  	s21 =	simm.s32 $0x0;
	s22 =	smul.u32 $0x5000, s22  }
0xa4: {  	[hbm4b:s3+s21] =	stream.linear.scatter [tilespmem:s16], [sflag:$0x1], $0x5000, $0x38;
	[tilespmem:$0xE000] =	vst v63  }
0xa5: {  	s23 =	sand.u32 $0x380, s21;
	s22 =	sshra.s32 s22, $0x2  }
0xa6: {  	s22 =	sor.u32 s23, s22  }
0xa7: {  	[tilespmem:s22+$0xA070] =	vst v0  }
0xa8: {  	[tilespmem:s22+$0x9000] =	vst v0  }
0xa9: {  	[tilespmem:s22+$0x9010] =	vst v0  }
0xaa: {  	[tilespmem:s22+$0x9020] =	vst v0  }
0xab: {  	[tilespmem:s22+$0x9030] =	vst v0  }
0xac: {  	[tilespmem:s22+$0x9040] =	vst v0  }
0xad: {  	[tilespmem:s22+$0x9050] =	vst v0  }
0xae: {  	[tilespmem:s22+$0x9060] =	vst v0  }
0xaf: {  	[tilespmem:s22+$0x9070] =	vst v0  }
0xb0: {  	[tilespmem:s22+$0x9400] =	vst v0  }
0xb1: {  	[tilespmem:s22+$0x9410] =	vst v0  }
0xb2: {  	[tilespmem:s22+$0x9420] =	vst v0  }
0xb3: {  	[tilespmem:s22+$0x9430] =	vst v0  }
0xb4: {  	[tilespmem:s22+$0x9440] =	vst v0  }
0xb5: {  	[tilespmem:s22+$0x9450] =	vst v0  }
0xb6: {  	[tilespmem:s22+$0x9460] =	vst v0  }
0xb7: {  	[tilespmem:s22+$0x9470] =	vst v0  }
0xb8: {  	[tilespmem:s22+$0x9800] =	vst v0  }
0xb9: {  	[tilespmem:s22+$0x9810] =	vst v0  }
0xba: {  	[tilespmem:s22+$0x9820] =	vst v0  }
0xbb: {  	[tilespmem:s22+$0x9830] =	vst v0  }
0xbc: {  	[tilespmem:s22+$0x9840] =	vst v0  }
0xbd: {  	[tilespmem:s22+$0x9850] =	vst v0  }
0xbe: {  	[tilespmem:s22+$0x9860] =	vst v0  }
0xbf: {  	[tilespmem:s22+$0x9870] =	vst v0  }
0xc0: {  	[tilespmem:s22+$0x9C00] =	vst v0  }
0xc1: {  	[tilespmem:s22+$0x9C10] =	vst v0  }
0xc2: {  	[tilespmem:s22+$0x9C20] =	vst v0  }
0xc3: {  	[tilespmem:s22+$0x9C30] =	vst v0  }
0xc4: {  	[tilespmem:s22+$0x9C40] =	vst v0  }
0xc5: {  	[tilespmem:s22+$0x9C50] =	vst v0  }
0xc6: {  	[tilespmem:s22+$0x9C60] =	vst v0  }
0xc7: {  	[tilespmem:s22+$0x9C70] =	vst v0  }
0xc8: {  	[tilespmem:s22+$0xA000] =	vst v0  }
0xc9: {  	[tilespmem:s22+$0xA010] =	vst v0  }
0xca: {  	s25 =	simm.s32 $0x0;
	s24 =	simm.s32 $0x2;
	s23 =	simm.s32 $0x0;
	[tilespmem:s22+$0xA020] =	vst v0  }
.LBB2_6:
0xcb: {  	p0 =	sne.s32 s24, $0x1F;
	s25 =	smul.u32 $0x5000, s25;
	[tilespmem:s22+$0xA030] =	vst v0  }
0xcc: {  	s23 =	sadd.s32 $0x80, s23;
	[tilespmem:s22+$0xA040] =	vst v0  }
0xcd: {  	s26 =	sand.u32 $0x380, s23;
	s25 =	sshra.s32 s25, $0x2;
	[tilespmem:s22+$0xA050] =	vst v0  }
0xce: {  	[tilespmem:s22+$0xA060] =	vst v0;
	s22 =	sor.u32 s26, s25  }
0xcf: {  	[tilespmem:s22+$0xA070] =	vst v0  }
0xd0: {  	[tilespmem:s22+$0x9000] =	vst v0  }
0xd1: {  	[tilespmem:s22+$0x9010] =	vst v0  }
0xd2: {  	[tilespmem:s22+$0x9020] =	vst v0  }
0xd3: {  	[tilespmem:s22+$0x9030] =	vst v0  }
0xd4: {  	[tilespmem:s22+$0x9040] =	vst v0  }
0xd5: {  	[tilespmem:s22+$0x9050] =	vst v0  }
0xd6: {  	[tilespmem:s22+$0x9060] =	vst v0  }
0xd7: {  	[tilespmem:s22+$0x9070] =	vst v0  }
0xd8: {  	[tilespmem:s22+$0x9400] =	vst v0  }
0xd9: {  	[tilespmem:s22+$0x9410] =	vst v0  }
0xda: {  	[tilespmem:s22+$0x9420] =	vst v0  }
0xdb: {  	[tilespmem:s22+$0x9430] =	vst v0  }
0xdc: {  	[tilespmem:s22+$0x9440] =	vst v0  }
0xdd: {  	[tilespmem:s22+$0x9450] =	vst v0  }
0xde: {  	[tilespmem:s22+$0x9460] =	vst v0  }
0xdf: {  	[tilespmem:s22+$0x9470] =	vst v0  }
0xe0: {  	[tilespmem:s22+$0x9800] =	vst v0  }
0xe1: {  	[tilespmem:s22+$0x9810] =	vst v0  }
0xe2: {  	[tilespmem:s22+$0x9820] =	vst v0  }
0xe3: {  	[tilespmem:s22+$0x9830] =	vst v0  }
0xe4: {  	[tilespmem:s22+$0x9840] =	vst v0  }
0xe5: {  	[tilespmem:s22+$0x9850] =	vst v0  }
0xe6: {  	[tilespmem:s22+$0x9860] =	vst v0  }
0xe7: {  	[tilespmem:s22+$0x9870] =	vst v0  }
0xe8: {  	[tilespmem:s22+$0x9C00] =	vst v0  }
0xe9: {  	[tilespmem:s22+$0x9C10] =	vst v0  }
0xea: {  	[tilespmem:s22+$0x9C20] =	vst v0  }
0xeb: {  	[tilespmem:s22+$0x9C30] =	vst v0  }
0xec: {  	[tilespmem:s22+$0x9C40] =	vst v0  }
0xed: {  	[tilespmem:s22+$0x9C50] =	vst v0  }
.Ltmp2:
0xee: {  	[tilespmem:s22+$0x9C60] =	vst v0;
	(pc) =	sbr.rel @p0 .LBB2_6-.Ltmp2, $4  }
0xef: {  	[tilespmem:s22+$0x9C70] =	vst v0  }
0xf0: {  	[tilespmem:s22+$0xA000] =	vst v0  }
0xf1: {  	[tilespmem:s22+$0xA010] =	vst v0  }
0xf2: {  	s25 =	sshrl.u32 s24, $0x3;
	s24 =	sadd.s32 $0x1, s24;
	[tilespmem:s22+$0xA020] =	vst v0  }
0xf3: {  	s24 =	smul.u32 $0x5000, s25;
	[tilespmem:s22+$0xA030] =	vst v0  }
0xf4: {  	[tilespmem:s22+$0xA040] =	vst v0;
	s23 =	sadd.s32 $0x80, s23  }
0xf5: {  	[tilespmem:s22+$0xA050] =	vst v0;
	s23 =	sand.u32 $0x380, s23;
	s24 =	sshra.s32 s24, $0x2  }
0xf6: {  	[tilespmem:s22+$0xA060] =	vst v0;
	s23 =	sor.u32 s23, s24  }
0xf7: {  	[tilespmem:s23+$0xA070] =	vst v0  }
0xf8: {  	[tilespmem:s23+$0x9000] =	vst v0  }
0xf9: {  	[tilespmem:s23+$0x9010] =	vst v0  }
0xfa: {  	[tilespmem:s23+$0x9020] =	vst v0  }
0xfb: {  	[tilespmem:s23+$0x9030] =	vst v0  }
0xfc: {  	[tilespmem:s23+$0x9040] =	vst v0  }
0xfd: {  	[tilespmem:s23+$0x9050] =	vst v0  }
0xfe: {  	[tilespmem:s23+$0x9060] =	vst v0  }
0xff: {  	[tilespmem:s23+$0x9070] =	vst v0  }
0x100: {  	[tilespmem:s23+$0x9400] =	vst v0  }
0x101: {  	[tilespmem:s23+$0x9410] =	vst v0  }
0x102: {  	[tilespmem:s23+$0x9420] =	vst v0  }
0x103: {  	[tilespmem:s23+$0x9430] =	vst v0  }
0x104: {  	[tilespmem:s23+$0x9440] =	vst v0  }
0x105: {  	[tilespmem:s23+$0x9450] =	vst v0  }
0x106: {  	[tilespmem:s23+$0x9460] =	vst v0  }
0x107: {  	[tilespmem:s23+$0x9470] =	vst v0  }
0x108: {  	[tilespmem:s23+$0x9800] =	vst v0  }
0x109: {  	[tilespmem:s23+$0x9810] =	vst v0  }
0x10a: {  	[tilespmem:s23+$0x9820] =	vst v0  }
0x10b: {  	[tilespmem:s23+$0x9830] =	vst v0  }
0x10c: {  	[tilespmem:s23+$0x9840] =	vst v0  }
0x10d: {  	[tilespmem:s23+$0x9850] =	vst v0  }
0x10e: {  	[tilespmem:s23+$0x9860] =	vst v0  }
0x10f: {  	[tilespmem:s23+$0x9870] =	vst v0  }
0x110: {  	[tilespmem:s23+$0x9C00] =	vst v0  }
0x111: {  	[tilespmem:s23+$0x9C10] =	vst v0  }
0x112: {  	[tilespmem:s23+$0x9C20] =	vst v0  }
0x113: {  	[tilespmem:s23+$0x9C30] =	vst v0  }
0x114: {  	[tilespmem:s23+$0x9C40] =	vst v0  }
0x115: {  	[tilespmem:s23+$0x9C50] =	vst v0  }
0x116: {  	[tilespmem:s23+$0x9C60] =	vst v0  }
0x117: {  	[tilespmem:s23+$0x9C70] =	vst v0  }
0x118: {  	[tilespmem:s23+$0xA000] =	vst v0  }
0x119: {  	[tilespmem:s23+$0xA010] =	vst v0  }
0x11a: {  	[tilespmem:s23+$0xA020] =	vst v0  }
0x11b: {  	[tilespmem:s23+$0xA030] =	vst v0  }
0x11c: {  	[tilespmem:s23+$0xA040] =	vst v0  }
0x11d: {  	[tilespmem:s23+$0xA050] =	vst v0  }
0x11e: {  	s22 =	simm.s32 $0x0;
	[tilespmem:s23+$0xA060] =	vst v0;
	s23 =	simm.s32 $0x0  }
.LBB2_8:
0x11f: {  	s24 =	sand.u32 $0x3800, s21;
	s25 =	sand.u32 $0x380, s22  }
0x120: {  	s24 =	sor.u32 s25, s24  }
0x121: {  	v4 =	vld [tilespmem:s24+$0x20];
	_ =	sdelay $0x4  }
0x122: {  	v5 =	vshll.u32 v4, $0x3  }
0x123: {  	v4 =	vand.u32 $0x7F, v4;
	v5 =	vand.u32 $0xFFFFFC00, v5  }
0x124: {  	v4 =	vor.u32 v4, v5  }
0x125: {  	v4 =	vadd.s32 v2, v4;
	_ =	sdelay $0x2  }
0x126: {  	p0 =	slt.u32 s23, $0x1E  }
0x127: {  	v5 =	vpsel !p0, $0x10000, v1  }
0x128: {  	[tilespmem:v4+s17+$0x0] =	vst.idx.add.s32.msk $0xffff, v5  }
0x129: {  	v4 =	vld [tilespmem:s24+$0x30];
	_ =	sdelay $0x4  }
0x12a: {  	v6 =	vshll.u32 v4, $0x3  }
0x12b: {  	v4 =	vand.u32 $0x7F, v4;
	v6 =	vand.u32 $0xFFFFFC00, v6  }
0x12c: {  	v4 =	vor.u32 v4, v6  }
0x12d: {  	p0 =	sne.s32 s23, $0x3B;
	v4 =	vadd.s32 v3, v4  }
.Ltmp3:
0x12e: {  	_ = 	snop;
	(pc) =	sbr.rel @p0 .LBB2_8-.Ltmp3, $2  }
0x12f: {  	_ =	sdelay $0x2  }
0x130: {  	s22 =	sadd.s32 $0x80, s22;
	s21 =	sadd.s32 $0x100, s21;
	s23 =	sadd.s32 $0x1, s23;
	[tilespmem:v4+s17+$0x0] =	vst.idx.add.s32.msk $0xffff, v5  }
0x131: {  	s21 =	simm.s32 $0x0;
	s22 =	simm.s32 $0x0  }
0x132: {  	[hbm4b:s5+s21] =	stream.linear.scatter [tilespmem:s17], [sflag:$0x2], $0x5000, $0x38;
	[tilespmem:$0xE000] =	vst v63  }
0x133: {  	s22 =	smul.u32 $0x5000, s22  }
0x134: {  	_ =	swait.ge [sflag:s18], $0x5000  }
0x135: {  	s23 =	sand.u32 $0x380, s21;
	[sflag:s18] =	ssyncset.done $0x0;
	s22 =	sshra.s32 s22, $0x2  }
0x136: {  	[sflag:s18] =	ssyncadd.s32 $0xFFFFB000;
	s22 =	sor.u32 s23, s22  }
0x137: {  	[tilespmem:s22+$0x5070] =	vst v0  }
0x138: {  	[tilespmem:s22+$0x4000] =	vst v0  }
0x139: {  	[tilespmem:s22+$0x4010] =	vst v0  }
0x13a: {  	[tilespmem:s22+$0x4020] =	vst v0  }
0x13b: {  	[tilespmem:s22+$0x4030] =	vst v0  }
0x13c: {  	[tilespmem:s22+$0x4040] =	vst v0  }
0x13d: {  	[tilespmem:s22+$0x4050] =	vst v0  }
0x13e: {  	[tilespmem:s22+$0x4060] =	vst v0  }
0x13f: {  	[tilespmem:s22+$0x4070] =	vst v0  }
0x140: {  	[tilespmem:s22+$0x4400] =	vst v0  }
0x141: {  	[tilespmem:s22+$0x4410] =	vst v0  }
0x142: {  	[tilespmem:s22+$0x4420] =	vst v0  }
0x143: {  	[tilespmem:s22+$0x4430] =	vst v0  }
0x144: {  	[tilespmem:s22+$0x4440] =	vst v0  }
0x145: {  	[tilespmem:s22+$0x4450] =	vst v0  }
0x146: {  	[tilespmem:s22+$0x4460] =	vst v0  }
0x147: {  	[tilespmem:s22+$0x4470] =	vst v0  }
0x148: {  	[tilespmem:s22+$0x4800] =	vst v0  }
0x149: {  	[tilespmem:s22+$0x4810] =	vst v0  }
0x14a: {  	[tilespmem:s22+$0x4820] =	vst v0  }
0x14b: {  	[tilespmem:s22+$0x4830] =	vst v0  }
0x14c: {  	[tilespmem:s22+$0x4840] =	vst v0  }
0x14d: {  	[tilespmem:s22+$0x4850] =	vst v0  }
0x14e: {  	[tilespmem:s22+$0x4860] =	vst v0  }
0x14f: {  	[tilespmem:s22+$0x4870] =	vst v0  }
0x150: {  	[tilespmem:s22+$0x4C00] =	vst v0  }
0x151: {  	[tilespmem:s22+$0x4C10] =	vst v0  }
0x152: {  	[tilespmem:s22+$0x4C20] =	vst v0  }
0x153: {  	[tilespmem:s22+$0x4C30] =	vst v0  }
0x154: {  	[tilespmem:s22+$0x4C40] =	vst v0  }
0x155: {  	[tilespmem:s22+$0x4C50] =	vst v0  }
0x156: {  	[tilespmem:s22+$0x4C60] =	vst v0  }
0x157: {  	[tilespmem:s22+$0x4C70] =	vst v0  }
0x158: {  	[tilespmem:s22+$0x5000] =	vst v0  }
0x159: {  	[tilespmem:s22+$0x5010] =	vst v0  }
0x15a: {  	s25 =	simm.s32 $0x0;
	s24 =	simm.s32 $0x2;
	s23 =	simm.s32 $0x0;
	[tilespmem:s22+$0x5020] =	vst v0  }
.LBB2_10:
0x15b: {  	p0 =	sne.s32 s24, $0x1F;
	s25 =	smul.u32 $0x5000, s25;
	[tilespmem:s22+$0x5030] =	vst v0  }
0x15c: {  	s23 =	sadd.s32 $0x80, s23;
	[tilespmem:s22+$0x5040] =	vst v0  }
0x15d: {  	s26 =	sand.u32 $0x380, s23;
	s25 =	sshra.s32 s25, $0x2;
	[tilespmem:s22+$0x5050] =	vst v0  }
0x15e: {  	[tilespmem:s22+$0x5060] =	vst v0;
	s22 =	sor.u32 s26, s25  }
0x15f: {  	[tilespmem:s22+$0x5070] =	vst v0  }
0x160: {  	[tilespmem:s22+$0x4000] =	vst v0  }
0x161: {  	[tilespmem:s22+$0x4010] =	vst v0  }
0x162: {  	[tilespmem:s22+$0x4020] =	vst v0  }
0x163: {  	[tilespmem:s22+$0x4030] =	vst v0  }
0x164: {  	[tilespmem:s22+$0x4040] =	vst v0  }
0x165: {  	[tilespmem:s22+$0x4050] =	vst v0  }
0x166: {  	[tilespmem:s22+$0x4060] =	vst v0  }
0x167: {  	[tilespmem:s22+$0x4070] =	vst v0  }
0x168: {  	[tilespmem:s22+$0x4400] =	vst v0  }
0x169: {  	[tilespmem:s22+$0x4410] =	vst v0  }
0x16a: {  	[tilespmem:s22+$0x4420] =	vst v0  }
0x16b: {  	[tilespmem:s22+$0x4430] =	vst v0  }
0x16c: {  	[tilespmem:s22+$0x4440] =	vst v0  }
0x16d: {  	[tilespmem:s22+$0x4450] =	vst v0  }
0x16e: {  	[tilespmem:s22+$0x4460] =	vst v0  }
0x16f: {  	[tilespmem:s22+$0x4470] =	vst v0  }
0x170: {  	[tilespmem:s22+$0x4800] =	vst v0  }
0x171: {  	[tilespmem:s22+$0x4810] =	vst v0  }
0x172: {  	[tilespmem:s22+$0x4820] =	vst v0  }
0x173: {  	[tilespmem:s22+$0x4830] =	vst v0  }
0x174: {  	[tilespmem:s22+$0x4840] =	vst v0  }
0x175: {  	[tilespmem:s22+$0x4850] =	vst v0  }
0x176: {  	[tilespmem:s22+$0x4860] =	vst v0  }
0x177: {  	[tilespmem:s22+$0x4870] =	vst v0  }
0x178: {  	[tilespmem:s22+$0x4C00] =	vst v0  }
0x179: {  	[tilespmem:s22+$0x4C10] =	vst v0  }
0x17a: {  	[tilespmem:s22+$0x4C20] =	vst v0  }
0x17b: {  	[tilespmem:s22+$0x4C30] =	vst v0  }
0x17c: {  	[tilespmem:s22+$0x4C40] =	vst v0  }
0x17d: {  	[tilespmem:s22+$0x4C50] =	vst v0  }
.Ltmp4:
0x17e: {  	[tilespmem:s22+$0x4C60] =	vst v0;
	(pc) =	sbr.rel @p0 .LBB2_10-.Ltmp4, $4  }
0x17f: {  	[tilespmem:s22+$0x4C70] =	vst v0  }
0x180: {  	[tilespmem:s22+$0x5000] =	vst v0  }
0x181: {  	[tilespmem:s22+$0x5010] =	vst v0  }
0x182: {  	s25 =	sshrl.u32 s24, $0x3;
	s24 =	sadd.s32 $0x1, s24;
	[tilespmem:s22+$0x5020] =	vst v0  }
0x183: {  	s24 =	smul.u32 $0x5000, s25;
	[tilespmem:s22+$0x5030] =	vst v0  }
0x184: {  	[tilespmem:s22+$0x5040] =	vst v0;
	s23 =	sadd.s32 $0x80, s23  }
0x185: {  	[tilespmem:s22+$0x5050] =	vst v0;
	s23 =	sand.u32 $0x380, s23;
	s24 =	sshra.s32 s24, $0x2  }
0x186: {  	[tilespmem:s22+$0x5060] =	vst v0;
	s23 =	sor.u32 s23, s24  }
0x187: {  	[tilespmem:s23+$0x5070] =	vst v0  }
0x188: {  	[tilespmem:s23+$0x4000] =	vst v0  }
0x189: {  	[tilespmem:s23+$0x4010] =	vst v0  }
0x18a: {  	[tilespmem:s23+$0x4020] =	vst v0  }
0x18b: {  	[tilespmem:s23+$0x4030] =	vst v0  }
0x18c: {  	[tilespmem:s23+$0x4040] =	vst v0  }
0x18d: {  	[tilespmem:s23+$0x4050] =	vst v0  }
0x18e: {  	[tilespmem:s23+$0x4060] =	vst v0  }
0x18f: {  	[tilespmem:s23+$0x4070] =	vst v0  }
0x190: {  	[tilespmem:s23+$0x4400] =	vst v0  }
0x191: {  	[tilespmem:s23+$0x4410] =	vst v0  }
0x192: {  	[tilespmem:s23+$0x4420] =	vst v0  }
0x193: {  	[tilespmem:s23+$0x4430] =	vst v0  }
0x194: {  	[tilespmem:s23+$0x4440] =	vst v0  }
0x195: {  	[tilespmem:s23+$0x4450] =	vst v0  }
0x196: {  	[tilespmem:s23+$0x4460] =	vst v0  }
0x197: {  	[tilespmem:s23+$0x4470] =	vst v0  }
0x198: {  	[tilespmem:s23+$0x4800] =	vst v0  }
0x199: {  	[tilespmem:s23+$0x4810] =	vst v0  }
0x19a: {  	[tilespmem:s23+$0x4820] =	vst v0  }
0x19b: {  	[tilespmem:s23+$0x4830] =	vst v0  }
0x19c: {  	[tilespmem:s23+$0x4840] =	vst v0  }
0x19d: {  	[tilespmem:s23+$0x4850] =	vst v0  }
0x19e: {  	[tilespmem:s23+$0x4860] =	vst v0  }
0x19f: {  	[tilespmem:s23+$0x4870] =	vst v0  }
0x1a0: {  	[tilespmem:s23+$0x4C00] =	vst v0  }
0x1a1: {  	[tilespmem:s23+$0x4C10] =	vst v0  }
0x1a2: {  	[tilespmem:s23+$0x4C20] =	vst v0  }
0x1a3: {  	[tilespmem:s23+$0x4C30] =	vst v0  }
0x1a4: {  	[tilespmem:s23+$0x4C40] =	vst v0  }
0x1a5: {  	[tilespmem:s23+$0x4C50] =	vst v0  }
0x1a6: {  	[tilespmem:s23+$0x4C60] =	vst v0  }
0x1a7: {  	[tilespmem:s23+$0x4C70] =	vst v0  }
0x1a8: {  	[tilespmem:s23+$0x5000] =	vst v0  }
0x1a9: {  	[tilespmem:s23+$0x5010] =	vst v0  }
0x1aa: {  	[tilespmem:s23+$0x5020] =	vst v0  }
0x1ab: {  	[tilespmem:s23+$0x5030] =	vst v0  }
0x1ac: {  	[tilespmem:s23+$0x5040] =	vst v0  }
0x1ad: {  	[tilespmem:s23+$0x5050] =	vst v0  }
0x1ae: {  	s22 =	simm.s32 $0x0;
	[tilespmem:s23+$0x5060] =	vst v0;
	s23 =	simm.s32 $0x0  }
.LBB2_12:
0x1af: {  	s24 =	sand.u32 $0x3800, s21;
	s25 =	sand.u32 $0x380, s22  }
0x1b0: {  	s24 =	sor.u32 s25, s24  }
0x1b1: {  	v4 =	vld [tilespmem:s24+$0x40];
	_ =	sdelay $0x4  }
0x1b2: {  	v5 =	vshll.u32 v4, $0x3  }
0x1b3: {  	v4 =	vand.u32 $0x7F, v4;
	v5 =	vand.u32 $0xFFFFFC00, v5  }
0x1b4: {  	v4 =	vor.u32 v4, v5  }
0x1b5: {  	v4 =	vadd.s32 v2, v4;
	_ =	sdelay $0x2  }
0x1b6: {  	p0 =	slt.u32 s23, $0x1E  }
0x1b7: {  	v5 =	vpsel !p0, $0x10000, v1  }
0x1b8: {  	[tilespmem:v4+s16+$0x0] =	vst.idx.add.s32.msk $0xffff, v5  }
0x1b9: {  	v4 =	vld [tilespmem:s24+$0x50];
	_ =	sdelay $0x4  }
0x1ba: {  	v6 =	vshll.u32 v4, $0x3  }
0x1bb: {  	v4 =	vand.u32 $0x7F, v4;
	v6 =	vand.u32 $0xFFFFFC00, v6  }
0x1bc: {  	v4 =	vor.u32 v4, v6  }
0x1bd: {  	p0 =	sne.s32 s23, $0x3B;
	v4 =	vadd.s32 v3, v4  }
.Ltmp5:
0x1be: {  	_ = 	snop;
	(pc) =	sbr.rel @p0 .LBB2_12-.Ltmp5, $2  }
0x1bf: {  	_ =	sdelay $0x2  }
0x1c0: {  	s22 =	sadd.s32 $0x80, s22;
	s21 =	sadd.s32 $0x100, s21;
	s23 =	sadd.s32 $0x1, s23;
	[tilespmem:v4+s16+$0x0] =	vst.idx.add.s32.msk $0xffff, v5  }
0x1c1: {  	s21 =	simm.s32 $0x0;
	s22 =	simm.s32 $0x0  }
0x1c2: {  	[hbm4b:s6+s21] =	stream.linear.scatter [tilespmem:s16], [sflag:$0x1], $0x5000, $0x38;
	[tilespmem:$0xE000] =	vst v63  }
0x1c3: {  	s22 =	smul.u32 $0x5000, s22  }
0x1c4: {  	_ =	swait.ge [sflag:s19], $0x5000  }
0x1c5: {  	s23 =	sand.u32 $0x380, s21;
	[sflag:s19] =	ssyncset.done $0x0;
	s22 =	sshra.s32 s22, $0x2  }
0x1c6: {  	[sflag:s19] =	ssyncadd.s32 $0xFFFFB000;
	s22 =	sor.u32 s23, s22  }
0x1c7: {  	[tilespmem:s22+$0xA070] =	vst v0  }
0x1c8: {  	[tilespmem:s22+$0x9000] =	vst v0  }
0x1c9: {  	[tilespmem:s22+$0x9010] =	vst v0  }
0x1ca: {  	[tilespmem:s22+$0x9020] =	vst v0  }
0x1cb: {  	[tilespmem:s22+$0x9030] =	vst v0  }
0x1cc: {  	[tilespmem:s22+$0x9040] =	vst v0  }
0x1cd: {  	[tilespmem:s22+$0x9050] =	vst v0  }
0x1ce: {  	[tilespmem:s22+$0x9060] =	vst v0  }
0x1cf: {  	[tilespmem:s22+$0x9070] =	vst v0  }
0x1d0: {  	[tilespmem:s22+$0x9400] =	vst v0  }
0x1d1: {  	[tilespmem:s22+$0x9410] =	vst v0  }
0x1d2: {  	[tilespmem:s22+$0x9420] =	vst v0  }
0x1d3: {  	[tilespmem:s22+$0x9430] =	vst v0  }
0x1d4: {  	[tilespmem:s22+$0x9440] =	vst v0  }
0x1d5: {  	[tilespmem:s22+$0x9450] =	vst v0  }
0x1d6: {  	[tilespmem:s22+$0x9460] =	vst v0  }
0x1d7: {  	[tilespmem:s22+$0x9470] =	vst v0  }
0x1d8: {  	[tilespmem:s22+$0x9800] =	vst v0  }
0x1d9: {  	[tilespmem:s22+$0x9810] =	vst v0  }
0x1da: {  	[tilespmem:s22+$0x9820] =	vst v0  }
0x1db: {  	[tilespmem:s22+$0x9830] =	vst v0  }
0x1dc: {  	[tilespmem:s22+$0x9840] =	vst v0  }
0x1dd: {  	[tilespmem:s22+$0x9850] =	vst v0  }
0x1de: {  	[tilespmem:s22+$0x9860] =	vst v0  }
0x1df: {  	[tilespmem:s22+$0x9870] =	vst v0  }
0x1e0: {  	[tilespmem:s22+$0x9C00] =	vst v0  }
0x1e1: {  	[tilespmem:s22+$0x9C10] =	vst v0  }
0x1e2: {  	[tilespmem:s22+$0x9C20] =	vst v0  }
0x1e3: {  	[tilespmem:s22+$0x9C30] =	vst v0  }
0x1e4: {  	[tilespmem:s22+$0x9C40] =	vst v0  }
0x1e5: {  	[tilespmem:s22+$0x9C50] =	vst v0  }
0x1e6: {  	[tilespmem:s22+$0x9C60] =	vst v0  }
0x1e7: {  	[tilespmem:s22+$0x9C70] =	vst v0  }
0x1e8: {  	[tilespmem:s22+$0xA000] =	vst v0  }
0x1e9: {  	[tilespmem:s22+$0xA010] =	vst v0  }
0x1ea: {  	s25 =	simm.s32 $0x0;
	s24 =	simm.s32 $0x2;
	s23 =	simm.s32 $0x0;
	[tilespmem:s22+$0xA020] =	vst v0  }
.LBB2_14:
0x1eb: {  	p0 =	sne.s32 s24, $0x1F;
	s25 =	smul.u32 $0x5000, s25;
	[tilespmem:s22+$0xA030] =	vst v0  }
0x1ec: {  	s23 =	sadd.s32 $0x80, s23;
	[tilespmem:s22+$0xA040] =	vst v0  }
0x1ed: {  	s26 =	sand.u32 $0x380, s23;
	s25 =	sshra.s32 s25, $0x2;
	[tilespmem:s22+$0xA050] =	vst v0  }
0x1ee: {  	[tilespmem:s22+$0xA060] =	vst v0;
	s22 =	sor.u32 s26, s25  }
0x1ef: {  	[tilespmem:s22+$0xA070] =	vst v0  }
0x1f0: {  	[tilespmem:s22+$0x9000] =	vst v0  }
0x1f1: {  	[tilespmem:s22+$0x9010] =	vst v0  }
0x1f2: {  	[tilespmem:s22+$0x9020] =	vst v0  }
0x1f3: {  	[tilespmem:s22+$0x9030] =	vst v0  }
0x1f4: {  	[tilespmem:s22+$0x9040] =	vst v0  }
0x1f5: {  	[tilespmem:s22+$0x9050] =	vst v0  }
0x1f6: {  	[tilespmem:s22+$0x9060] =	vst v0  }
0x1f7: {  	[tilespmem:s22+$0x9070] =	vst v0  }
0x1f8: {  	[tilespmem:s22+$0x9400] =	vst v0  }
0x1f9: {  	[tilespmem:s22+$0x9410] =	vst v0  }
0x1fa: {  	[tilespmem:s22+$0x9420] =	vst v0  }
0x1fb: {  	[tilespmem:s22+$0x9430] =	vst v0  }
0x1fc: {  	[tilespmem:s22+$0x9440] =	vst v0  }
0x1fd: {  	[tilespmem:s22+$0x9450] =	vst v0  }
0x1fe: {  	[tilespmem:s22+$0x9460] =	vst v0  }
0x1ff: {  	[tilespmem:s22+$0x9470] =	vst v0  }
0x200: {  	[tilespmem:s22+$0x9800] =	vst v0  }
0x201: {  	[tilespmem:s22+$0x9810] =	vst v0  }
0x202: {  	[tilespmem:s22+$0x9820] =	vst v0  }
0x203: {  	[tilespmem:s22+$0x9830] =	vst v0  }
0x204: {  	[tilespmem:s22+$0x9840] =	vst v0  }
0x205: {  	[tilespmem:s22+$0x9850] =	vst v0  }
0x206: {  	[tilespmem:s22+$0x9860] =	vst v0  }
0x207: {  	[tilespmem:s22+$0x9870] =	vst v0  }
0x208: {  	[tilespmem:s22+$0x9C00] =	vst v0  }
0x209: {  	[tilespmem:s22+$0x9C10] =	vst v0  }
0x20a: {  	[tilespmem:s22+$0x9C20] =	vst v0  }
0x20b: {  	[tilespmem:s22+$0x9C30] =	vst v0  }
0x20c: {  	[tilespmem:s22+$0x9C40] =	vst v0  }
0x20d: {  	[tilespmem:s22+$0x9C50] =	vst v0  }
.Ltmp6:
0x20e: {  	[tilespmem:s22+$0x9C60] =	vst v0;
	(pc) =	sbr.rel @p0 .LBB2_14-.Ltmp6, $4  }
0x20f: {  	[tilespmem:s22+$0x9C70] =	vst v0  }
0x210: {  	[tilespmem:s22+$0xA000] =	vst v0  }
0x211: {  	[tilespmem:s22+$0xA010] =	vst v0  }
0x212: {  	s25 =	sshrl.u32 s24, $0x3;
	s24 =	sadd.s32 $0x1, s24;
	[tilespmem:s22+$0xA020] =	vst v0  }
0x213: {  	s24 =	smul.u32 $0x5000, s25;
	[tilespmem:s22+$0xA030] =	vst v0  }
0x214: {  	[tilespmem:s22+$0xA040] =	vst v0;
	s23 =	sadd.s32 $0x80, s23  }
0x215: {  	[tilespmem:s22+$0xA050] =	vst v0;
	s23 =	sand.u32 $0x380, s23;
	s24 =	sshra.s32 s24, $0x2  }
0x216: {  	[tilespmem:s22+$0xA060] =	vst v0;
	s23 =	sor.u32 s23, s24  }
0x217: {  	[tilespmem:s23+$0xA070] =	vst v0  }
0x218: {  	[tilespmem:s23+$0x9000] =	vst v0  }
0x219: {  	[tilespmem:s23+$0x9010] =	vst v0  }
0x21a: {  	[tilespmem:s23+$0x9020] =	vst v0  }
0x21b: {  	[tilespmem:s23+$0x9030] =	vst v0  }
0x21c: {  	[tilespmem:s23+$0x9040] =	vst v0  }
0x21d: {  	[tilespmem:s23+$0x9050] =	vst v0  }
0x21e: {  	[tilespmem:s23+$0x9060] =	vst v0  }
0x21f: {  	[tilespmem:s23+$0x9070] =	vst v0  }
0x220: {  	[tilespmem:s23+$0x9400] =	vst v0  }
0x221: {  	[tilespmem:s23+$0x9410] =	vst v0  }
0x222: {  	[tilespmem:s23+$0x9420] =	vst v0  }
0x223: {  	[tilespmem:s23+$0x9430] =	vst v0  }
0x224: {  	[tilespmem:s23+$0x9440] =	vst v0  }
0x225: {  	[tilespmem:s23+$0x9450] =	vst v0  }
0x226: {  	[tilespmem:s23+$0x9460] =	vst v0  }
0x227: {  	[tilespmem:s23+$0x9470] =	vst v0  }
0x228: {  	[tilespmem:s23+$0x9800] =	vst v0  }
0x229: {  	[tilespmem:s23+$0x9810] =	vst v0  }
0x22a: {  	[tilespmem:s23+$0x9820] =	vst v0  }
0x22b: {  	[tilespmem:s23+$0x9830] =	vst v0  }
0x22c: {  	[tilespmem:s23+$0x9840] =	vst v0  }
0x22d: {  	[tilespmem:s23+$0x9850] =	vst v0  }
0x22e: {  	[tilespmem:s23+$0x9860] =	vst v0  }
0x22f: {  	[tilespmem:s23+$0x9870] =	vst v0  }
0x230: {  	[tilespmem:s23+$0x9C00] =	vst v0  }
0x231: {  	[tilespmem:s23+$0x9C10] =	vst v0  }
0x232: {  	[tilespmem:s23+$0x9C20] =	vst v0  }
0x233: {  	[tilespmem:s23+$0x9C30] =	vst v0  }
0x234: {  	[tilespmem:s23+$0x9C40] =	vst v0  }
0x235: {  	[tilespmem:s23+$0x9C50] =	vst v0  }
0x236: {  	[tilespmem:s23+$0x9C60] =	vst v0  }
0x237: {  	[tilespmem:s23+$0x9C70] =	vst v0  }
0x238: {  	[tilespmem:s23+$0xA000] =	vst v0  }
0x239: {  	[tilespmem:s23+$0xA010] =	vst v0  }
0x23a: {  	[tilespmem:s23+$0xA020] =	vst v0  }
0x23b: {  	[tilespmem:s23+$0xA030] =	vst v0  }
0x23c: {  	[tilespmem:s23+$0xA040] =	vst v0  }
0x23d: {  	[tilespmem:s23+$0xA050] =	vst v0  }
0x23e: {  	s22 =	simm.s32 $0x0;
	[tilespmem:s23+$0xA060] =	vst v0;
	s23 =	simm.s32 $0x0  }
.LBB2_16:
0x23f: {  	s24 =	sand.u32 $0x3800, s21;
	s25 =	sand.u32 $0x380, s22  }
0x240: {  	s24 =	sor.u32 s25, s24  }
0x241: {  	v4 =	vld [tilespmem:s24+$0x60];
	_ =	sdelay $0x4  }
0x242: {  	v5 =	vshll.u32 v4, $0x3  }
0x243: {  	v4 =	vand.u32 $0x7F, v4;
	v5 =	vand.u32 $0xFFFFFC00, v5  }
0x244: {  	v4 =	vor.u32 v4, v5  }
0x245: {  	v4 =	vadd.s32 v2, v4;
	_ =	sdelay $0x2  }
0x246: {  	p0 =	slt.u32 s23, $0x1E  }
0x247: {  	v5 =	vpsel !p0, $0x10000, v1  }
0x248: {  	[tilespmem:v4+s17+$0x0] =	vst.idx.add.s32.msk $0xffff, v5  }
0x249: {  	v4 =	vld [tilespmem:s24+$0x70];
	_ =	sdelay $0x4  }
0x24a: {  	v6 =	vshll.u32 v4, $0x3  }
0x24b: {  	v4 =	vand.u32 $0x7F, v4;
	v6 =	vand.u32 $0xFFFFFC00, v6  }
0x24c: {  	v4 =	vor.u32 v4, v6  }
0x24d: {  	p0 =	sne.s32 s23, $0x3B;
	v4 =	vadd.s32 v3, v4  }
.Ltmp7:
0x24e: {  	_ = 	snop;
	(pc) =	sbr.rel @p0 .LBB2_16-.Ltmp7, $2  }
0x24f: {  	_ =	sdelay $0x2  }
0x250: {  	s22 =	sadd.s32 $0x80, s22;
	s21 =	sadd.s32 $0x100, s21;
	s23 =	sadd.s32 $0x1, s23;
	[tilespmem:v4+s17+$0x0] =	vst.idx.add.s32.msk $0xffff, v5  }
0x251: {  	s21 =	simm.s32 $0x0;
	s22 =	simm.s32 $0x0  }
0x252: {  	[hbm4b:s7+s21] =	stream.linear.scatter [tilespmem:s17], [sflag:$0x2], $0x5000, $0x38;
	[tilespmem:$0xE000] =	vst v63  }
0x253: {  	s22 =	smul.u32 $0x5000, s22  }
0x254: {  	_ =	swait.ge [sflag:s18], $0x5000  }
0x255: {  	s23 =	sand.u32 $0x380, s21;
	[sflag:s18] =	ssyncset.done $0x0;
	s22 =	sshra.s32 s22, $0x2  }
0x256: {  	[sflag:s18] =	ssyncadd.s32 $0xFFFFB000;
	s22 =	sor.u32 s23, s22  }
0x257: {  	[tilespmem:s22+$0x5070] =	vst v0  }
0x258: {  	[tilespmem:s22+$0x4000] =	vst v0  }
0x259: {  	[tilespmem:s22+$0x4010] =	vst v0  }
0x25a: {  	[tilespmem:s22+$0x4020] =	vst v0  }
0x25b: {  	[tilespmem:s22+$0x4030] =	vst v0  }
0x25c: {  	[tilespmem:s22+$0x4040] =	vst v0  }
0x25d: {  	[tilespmem:s22+$0x4050] =	vst v0  }
0x25e: {  	[tilespmem:s22+$0x4060] =	vst v0  }
0x25f: {  	[tilespmem:s22+$0x4070] =	vst v0  }
0x260: {  	[tilespmem:s22+$0x4400] =	vst v0  }
0x261: {  	[tilespmem:s22+$0x4410] =	vst v0  }
0x262: {  	[tilespmem:s22+$0x4420] =	vst v0  }
0x263: {  	[tilespmem:s22+$0x4430] =	vst v0  }
0x264: {  	[tilespmem:s22+$0x4440] =	vst v0  }
0x265: {  	[tilespmem:s22+$0x4450] =	vst v0  }
0x266: {  	[tilespmem:s22+$0x4460] =	vst v0  }
0x267: {  	[tilespmem:s22+$0x4470] =	vst v0  }
0x268: {  	[tilespmem:s22+$0x4800] =	vst v0  }
0x269: {  	[tilespmem:s22+$0x4810] =	vst v0  }
0x26a: {  	[tilespmem:s22+$0x4820] =	vst v0  }
0x26b: {  	[tilespmem:s22+$0x4830] =	vst v0  }
0x26c: {  	[tilespmem:s22+$0x4840] =	vst v0  }
0x26d: {  	[tilespmem:s22+$0x4850] =	vst v0  }
0x26e: {  	[tilespmem:s22+$0x4860] =	vst v0  }
0x26f: {  	[tilespmem:s22+$0x4870] =	vst v0  }
0x270: {  	[tilespmem:s22+$0x4C00] =	vst v0  }
0x271: {  	[tilespmem:s22+$0x4C10] =	vst v0  }
0x272: {  	[tilespmem:s22+$0x4C20] =	vst v0  }
0x273: {  	[tilespmem:s22+$0x4C30] =	vst v0  }
0x274: {  	[tilespmem:s22+$0x4C40] =	vst v0  }
0x275: {  	[tilespmem:s22+$0x4C50] =	vst v0  }
0x276: {  	[tilespmem:s22+$0x4C60] =	vst v0  }
0x277: {  	[tilespmem:s22+$0x4C70] =	vst v0  }
0x278: {  	[tilespmem:s22+$0x5000] =	vst v0  }
0x279: {  	[tilespmem:s22+$0x5010] =	vst v0  }
0x27a: {  	s25 =	simm.s32 $0x0;
	s24 =	simm.s32 $0x2;
	s23 =	simm.s32 $0x0;
	[tilespmem:s22+$0x5020] =	vst v0  }
.LBB2_18:
0x27b: {  	p0 =	sne.s32 s24, $0x1F;
	s25 =	smul.u32 $0x5000, s25;
	[tilespmem:s22+$0x5030] =	vst v0  }
0x27c: {  	s23 =	sadd.s32 $0x80, s23;
	[tilespmem:s22+$0x5040] =	vst v0  }
0x27d: {  	s26 =	sand.u32 $0x380, s23;
	s25 =	sshra.s32 s25, $0x2;
	[tilespmem:s22+$0x5050] =	vst v0  }
0x27e: {  	[tilespmem:s22+$0x5060] =	vst v0;
	s22 =	sor.u32 s26, s25  }
0x27f: {  	[tilespmem:s22+$0x5070] =	vst v0  }
0x280: {  	[tilespmem:s22+$0x4000] =	vst v0  }
0x281: {  	[tilespmem:s22+$0x4010] =	vst v0  }
0x282: {  	[tilespmem:s22+$0x4020] =	vst v0  }
0x283: {  	[tilespmem:s22+$0x4030] =	vst v0  }
0x284: {  	[tilespmem:s22+$0x4040] =	vst v0  }
0x285: {  	[tilespmem:s22+$0x4050] =	vst v0  }
0x286: {  	[tilespmem:s22+$0x4060] =	vst v0  }
0x287: {  	[tilespmem:s22+$0x4070] =	vst v0  }
0x288: {  	[tilespmem:s22+$0x4400] =	vst v0  }
0x289: {  	[tilespmem:s22+$0x4410] =	vst v0  }
0x28a: {  	[tilespmem:s22+$0x4420] =	vst v0  }
0x28b: {  	[tilespmem:s22+$0x4430] =	vst v0  }
0x28c: {  	[tilespmem:s22+$0x4440] =	vst v0  }
0x28d: {  	[tilespmem:s22+$0x4450] =	vst v0  }
0x28e: {  	[tilespmem:s22+$0x4460] =	vst v0  }
0x28f: {  	[tilespmem:s22+$0x4470] =	vst v0  }
0x290: {  	[tilespmem:s22+$0x4800] =	vst v0  }
0x291: {  	[tilespmem:s22+$0x4810] =	vst v0  }
0x292: {  	[tilespmem:s22+$0x4820] =	vst v0  }
0x293: {  	[tilespmem:s22+$0x4830] =	vst v0  }
0x294: {  	[tilespmem:s22+$0x4840] =	vst v0  }
0x295: {  	[tilespmem:s22+$0x4850] =	vst v0  }
0x296: {  	[tilespmem:s22+$0x4860] =	vst v0  }
0x297: {  	[tilespmem:s22+$0x4870] =	vst v0  }
0x298: {  	[tilespmem:s22+$0x4C00] =	vst v0  }
0x299: {  	[tilespmem:s22+$0x4C10] =	vst v0  }
0x29a: {  	[tilespmem:s22+$0x4C20] =	vst v0  }
0x29b: {  	[tilespmem:s22+$0x4C30] =	vst v0  }
0x29c: {  	[tilespmem:s22+$0x4C40] =	vst v0  }
0x29d: {  	[tilespmem:s22+$0x4C50] =	vst v0  }
.Ltmp8:
0x29e: {  	[tilespmem:s22+$0x4C60] =	vst v0;
	(pc) =	sbr.rel @p0 .LBB2_18-.Ltmp8, $4  }
0x29f: {  	[tilespmem:s22+$0x4C70] =	vst v0  }
0x2a0: {  	[tilespmem:s22+$0x5000] =	vst v0  }
0x2a1: {  	[tilespmem:s22+$0x5010] =	vst v0  }
0x2a2: {  	s25 =	sshrl.u32 s24, $0x3;
	s24 =	sadd.s32 $0x1, s24;
	[tilespmem:s22+$0x5020] =	vst v0  }
0x2a3: {  	s24 =	smul.u32 $0x5000, s25;
	[tilespmem:s22+$0x5030] =	vst v0  }
0x2a4: {  	[tilespmem:s22+$0x5040] =	vst v0;
	s23 =	sadd.s32 $0x80, s23  }
0x2a5: {  	[tilespmem:s22+$0x5050] =	vst v0;
	s23 =	sand.u32 $0x380, s23;
	s24 =	sshra.s32 s24, $0x2  }
0x2a6: {  	[tilespmem:s22+$0x5060] =	vst v0;
	s23 =	sor.u32 s23, s24  }
0x2a7: {  	[tilespmem:s23+$0x5070] =	vst v0  }
0x2a8: {  	[tilespmem:s23+$0x4000] =	vst v0  }
0x2a9: {  	[tilespmem:s23+$0x4010] =	vst v0  }
0x2aa: {  	[tilespmem:s23+$0x4020] =	vst v0  }
0x2ab: {  	[tilespmem:s23+$0x4030] =	vst v0  }
0x2ac: {  	[tilespmem:s23+$0x4040] =	vst v0  }
0x2ad: {  	[tilespmem:s23+$0x4050] =	vst v0  }
0x2ae: {  	[tilespmem:s23+$0x4060] =	vst v0  }
0x2af: {  	[tilespmem:s23+$0x4070] =	vst v0  }
0x2b0: {  	[tilespmem:s23+$0x4400] =	vst v0  }
0x2b1: {  	[tilespmem:s23+$0x4410] =	vst v0  }
0x2b2: {  	[tilespmem:s23+$0x4420] =	vst v0  }
0x2b3: {  	[tilespmem:s23+$0x4430] =	vst v0  }
0x2b4: {  	[tilespmem:s23+$0x4440] =	vst v0  }
0x2b5: {  	[tilespmem:s23+$0x4450] =	vst v0  }
0x2b6: {  	[tilespmem:s23+$0x4460] =	vst v0  }
0x2b7: {  	[tilespmem:s23+$0x4470] =	vst v0  }
0x2b8: {  	[tilespmem:s23+$0x4800] =	vst v0  }
0x2b9: {  	[tilespmem:s23+$0x4810] =	vst v0  }
0x2ba: {  	[tilespmem:s23+$0x4820] =	vst v0  }
0x2bb: {  	[tilespmem:s23+$0x4830] =	vst v0  }
0x2bc: {  	[tilespmem:s23+$0x4840] =	vst v0  }
0x2bd: {  	[tilespmem:s23+$0x4850] =	vst v0  }
0x2be: {  	[tilespmem:s23+$0x4860] =	vst v0  }
0x2bf: {  	[tilespmem:s23+$0x4870] =	vst v0  }
0x2c0: {  	[tilespmem:s23+$0x4C00] =	vst v0  }
0x2c1: {  	[tilespmem:s23+$0x4C10] =	vst v0  }
0x2c2: {  	[tilespmem:s23+$0x4C20] =	vst v0  }
0x2c3: {  	[tilespmem:s23+$0x4C30] =	vst v0  }
0x2c4: {  	[tilespmem:s23+$0x4C40] =	vst v0  }
0x2c5: {  	[tilespmem:s23+$0x4C50] =	vst v0  }
0x2c6: {  	[tilespmem:s23+$0x4C60] =	vst v0  }
0x2c7: {  	[tilespmem:s23+$0x4C70] =	vst v0  }
0x2c8: {  	[tilespmem:s23+$0x5000] =	vst v0  }
0x2c9: {  	[tilespmem:s23+$0x5010] =	vst v0  }
0x2ca: {  	[tilespmem:s23+$0x5020] =	vst v0  }
0x2cb: {  	[tilespmem:s23+$0x5030] =	vst v0  }
0x2cc: {  	[tilespmem:s23+$0x5040] =	vst v0  }
0x2cd: {  	[tilespmem:s23+$0x5050] =	vst v0  }
0x2ce: {  	s22 =	simm.s32 $0x0;
	[tilespmem:s23+$0x5060] =	vst v0;
	s23 =	simm.s32 $0x0  }
.LBB2_20:
0x2cf: {  	s24 =	sand.u32 $0x3800, s21;
	s25 =	sand.u32 $0x380, s22  }
0x2d0: {  	s24 =	sor.u32 s25, s24  }
0x2d1: {  	v4 =	vld [tilespmem:s24+$0x400];
	_ =	sdelay $0x4  }
0x2d2: {  	v5 =	vshll.u32 v4, $0x3  }
0x2d3: {  	v4 =	vand.u32 $0x7F, v4;
	v5 =	vand.u32 $0xFFFFFC00, v5  }
0x2d4: {  	v4 =	vor.u32 v4, v5  }
0x2d5: {  	v4 =	vadd.s32 v2, v4;
	_ =	sdelay $0x2  }
0x2d6: {  	p0 =	slt.u32 s23, $0x1E  }
0x2d7: {  	v5 =	vpsel !p0, $0x10000, v1  }
0x2d8: {  	[tilespmem:v4+s16+$0x0] =	vst.idx.add.s32.msk $0xffff, v5  }
0x2d9: {  	v4 =	vld [tilespmem:s24+$0x410];
	_ =	sdelay $0x4  }
0x2da: {  	v6 =	vshll.u32 v4, $0x3  }
0x2db: {  	v4 =	vand.u32 $0x7F, v4;
	v6 =	vand.u32 $0xFFFFFC00, v6  }
0x2dc: {  	v4 =	vor.u32 v4, v6  }
0x2dd: {  	p0 =	sne.s32 s23, $0x3B;
	v4 =	vadd.s32 v3, v4  }
.Ltmp9:
0x2de: {  	_ = 	snop;
	(pc) =	sbr.rel @p0 .LBB2_20-.Ltmp9, $2  }
0x2df: {  	_ =	sdelay $0x2  }
0x2e0: {  	s22 =	sadd.s32 $0x80, s22;
	s21 =	sadd.s32 $0x100, s21;
	s23 =	sadd.s32 $0x1, s23;
	[tilespmem:v4+s16+$0x0] =	vst.idx.add.s32.msk $0xffff, v5  }
0x2e1: {  	s21 =	simm.s32 $0x0;
	s22 =	simm.s32 $0x0  }
0x2e2: {  	[hbm4b:s8+s21] =	stream.linear.scatter [tilespmem:s16], [sflag:$0x1], $0x5000, $0x38;
	[tilespmem:$0xE000] =	vst v63  }
0x2e3: {  	s22 =	smul.u32 $0x5000, s22  }
0x2e4: {  	_ =	swait.ge [sflag:s19], $0x5000  }
0x2e5: {  	s23 =	sand.u32 $0x380, s21;
	[sflag:s19] =	ssyncset.done $0x0;
	s22 =	sshra.s32 s22, $0x2  }
0x2e6: {  	[sflag:s19] =	ssyncadd.s32 $0xFFFFB000;
	s22 =	sor.u32 s23, s22  }
0x2e7: {  	[tilespmem:s22+$0xA070] =	vst v0  }
0x2e8: {  	[tilespmem:s22+$0x9000] =	vst v0  }
0x2e9: {  	[tilespmem:s22+$0x9010] =	vst v0  }
0x2ea: {  	[tilespmem:s22+$0x9020] =	vst v0  }
0x2eb: {  	[tilespmem:s22+$0x9030] =	vst v0  }
0x2ec: {  	[tilespmem:s22+$0x9040] =	vst v0  }
0x2ed: {  	[tilespmem:s22+$0x9050] =	vst v0  }
0x2ee: {  	[tilespmem:s22+$0x9060] =	vst v0  }
0x2ef: {  	[tilespmem:s22+$0x9070] =	vst v0  }
0x2f0: {  	[tilespmem:s22+$0x9400] =	vst v0  }
0x2f1: {  	[tilespmem:s22+$0x9410] =	vst v0  }
0x2f2: {  	[tilespmem:s22+$0x9420] =	vst v0  }
0x2f3: {  	[tilespmem:s22+$0x9430] =	vst v0  }
0x2f4: {  	[tilespmem:s22+$0x9440] =	vst v0  }
0x2f5: {  	[tilespmem:s22+$0x9450] =	vst v0  }
0x2f6: {  	[tilespmem:s22+$0x9460] =	vst v0  }
0x2f7: {  	[tilespmem:s22+$0x9470] =	vst v0  }
0x2f8: {  	[tilespmem:s22+$0x9800] =	vst v0  }
0x2f9: {  	[tilespmem:s22+$0x9810] =	vst v0  }
0x2fa: {  	[tilespmem:s22+$0x9820] =	vst v0  }
0x2fb: {  	[tilespmem:s22+$0x9830] =	vst v0  }
0x2fc: {  	[tilespmem:s22+$0x9840] =	vst v0  }
0x2fd: {  	[tilespmem:s22+$0x9850] =	vst v0  }
0x2fe: {  	[tilespmem:s22+$0x9860] =	vst v0  }
0x2ff: {  	[tilespmem:s22+$0x9870] =	vst v0  }
0x300: {  	[tilespmem:s22+$0x9C00] =	vst v0  }
0x301: {  	[tilespmem:s22+$0x9C10] =	vst v0  }
0x302: {  	[tilespmem:s22+$0x9C20] =	vst v0  }
0x303: {  	[tilespmem:s22+$0x9C30] =	vst v0  }
0x304: {  	[tilespmem:s22+$0x9C40] =	vst v0  }
0x305: {  	[tilespmem:s22+$0x9C50] =	vst v0  }
0x306: {  	[tilespmem:s22+$0x9C60] =	vst v0  }
0x307: {  	[tilespmem:s22+$0x9C70] =	vst v0  }
0x308: {  	[tilespmem:s22+$0xA000] =	vst v0  }
0x309: {  	[tilespmem:s22+$0xA010] =	vst v0  }
0x30a: {  	s25 =	simm.s32 $0x0;
	s24 =	simm.s32 $0x2;
	s23 =	simm.s32 $0x0;
	[tilespmem:s22+$0xA020] =	vst v0  }
.LBB2_22:
0x30b: {  	p0 =	sne.s32 s24, $0x1F;
	s25 =	smul.u32 $0x5000, s25;
	[tilespmem:s22+$0xA030] =	vst v0  }
0x30c: {  	s23 =	sadd.s32 $0x80, s23;
	[tilespmem:s22+$0xA040] =	vst v0  }
0x30d: {  	s26 =	sand.u32 $0x380, s23;
	s25 =	sshra.s32 s25, $0x2;
	[tilespmem:s22+$0xA050] =	vst v0  }
0x30e: {  	[tilespmem:s22+$0xA060] =	vst v0;
	s22 =	sor.u32 s26, s25  }
0x30f: {  	[tilespmem:s22+$0xA070] =	vst v0  }
0x310: {  	[tilespmem:s22+$0x9000] =	vst v0  }
0x311: {  	[tilespmem:s22+$0x9010] =	vst v0  }
0x312: {  	[tilespmem:s22+$0x9020] =	vst v0  }
0x313: {  	[tilespmem:s22+$0x9030] =	vst v0  }
0x314: {  	[tilespmem:s22+$0x9040] =	vst v0  }
0x315: {  	[tilespmem:s22+$0x9050] =	vst v0  }
0x316: {  	[tilespmem:s22+$0x9060] =	vst v0  }
0x317: {  	[tilespmem:s22+$0x9070] =	vst v0  }
0x318: {  	[tilespmem:s22+$0x9400] =	vst v0  }
0x319: {  	[tilespmem:s22+$0x9410] =	vst v0  }
0x31a: {  	[tilespmem:s22+$0x9420] =	vst v0  }
0x31b: {  	[tilespmem:s22+$0x9430] =	vst v0  }
0x31c: {  	[tilespmem:s22+$0x9440] =	vst v0  }
0x31d: {  	[tilespmem:s22+$0x9450] =	vst v0  }
0x31e: {  	[tilespmem:s22+$0x9460] =	vst v0  }
0x31f: {  	[tilespmem:s22+$0x9470] =	vst v0  }
0x320: {  	[tilespmem:s22+$0x9800] =	vst v0  }
0x321: {  	[tilespmem:s22+$0x9810] =	vst v0  }
0x322: {  	[tilespmem:s22+$0x9820] =	vst v0  }
0x323: {  	[tilespmem:s22+$0x9830] =	vst v0  }
0x324: {  	[tilespmem:s22+$0x9840] =	vst v0  }
0x325: {  	[tilespmem:s22+$0x9850] =	vst v0  }
0x326: {  	[tilespmem:s22+$0x9860] =	vst v0  }
0x327: {  	[tilespmem:s22+$0x9870] =	vst v0  }
0x328: {  	[tilespmem:s22+$0x9C00] =	vst v0  }
0x329: {  	[tilespmem:s22+$0x9C10] =	vst v0  }
0x32a: {  	[tilespmem:s22+$0x9C20] =	vst v0  }
0x32b: {  	[tilespmem:s22+$0x9C30] =	vst v0  }
0x32c: {  	[tilespmem:s22+$0x9C40] =	vst v0  }
0x32d: {  	[tilespmem:s22+$0x9C50] =	vst v0  }
.Ltmp10:
0x32e: {  	[tilespmem:s22+$0x9C60] =	vst v0;
	(pc) =	sbr.rel @p0 .LBB2_22-.Ltmp10, $4  }
0x32f: {  	[tilespmem:s22+$0x9C70] =	vst v0  }
0x330: {  	[tilespmem:s22+$0xA000] =	vst v0  }
0x331: {  	[tilespmem:s22+$0xA010] =	vst v0  }
0x332: {  	s25 =	sshrl.u32 s24, $0x3;
	s24 =	sadd.s32 $0x1, s24;
	[tilespmem:s22+$0xA020] =	vst v0  }
0x333: {  	s24 =	smul.u32 $0x5000, s25;
	[tilespmem:s22+$0xA030] =	vst v0  }
0x334: {  	[tilespmem:s22+$0xA040] =	vst v0;
	s23 =	sadd.s32 $0x80, s23  }
0x335: {  	[tilespmem:s22+$0xA050] =	vst v0;
	s23 =	sand.u32 $0x380, s23;
	s24 =	sshra.s32 s24, $0x2  }
0x336: {  	[tilespmem:s22+$0xA060] =	vst v0;
	s23 =	sor.u32 s23, s24  }
0x337: {  	[tilespmem:s23+$0xA070] =	vst v0  }
0x338: {  	[tilespmem:s23+$0x9000] =	vst v0  }
0x339: {  	[tilespmem:s23+$0x9010] =	vst v0  }
0x33a: {  	[tilespmem:s23+$0x9020] =	vst v0  }
0x33b: {  	[tilespmem:s23+$0x9030] =	vst v0  }
0x33c: {  	[tilespmem:s23+$0x9040] =	vst v0  }
0x33d: {  	[tilespmem:s23+$0x9050] =	vst v0  }
0x33e: {  	[tilespmem:s23+$0x9060] =	vst v0  }
0x33f: {  	[tilespmem:s23+$0x9070] =	vst v0  }
0x340: {  	[tilespmem:s23+$0x9400] =	vst v0  }
0x341: {  	[tilespmem:s23+$0x9410] =	vst v0  }
0x342: {  	[tilespmem:s23+$0x9420] =	vst v0  }
0x343: {  	[tilespmem:s23+$0x9430] =	vst v0  }
0x344: {  	[tilespmem:s23+$0x9440] =	vst v0  }
0x345: {  	[tilespmem:s23+$0x9450] =	vst v0  }
0x346: {  	[tilespmem:s23+$0x9460] =	vst v0  }
0x347: {  	[tilespmem:s23+$0x9470] =	vst v0  }
0x348: {  	[tilespmem:s23+$0x9800] =	vst v0  }
0x349: {  	[tilespmem:s23+$0x9810] =	vst v0  }
0x34a: {  	[tilespmem:s23+$0x9820] =	vst v0  }
0x34b: {  	[tilespmem:s23+$0x9830] =	vst v0  }
0x34c: {  	[tilespmem:s23+$0x9840] =	vst v0  }
0x34d: {  	[tilespmem:s23+$0x9850] =	vst v0  }
0x34e: {  	[tilespmem:s23+$0x9860] =	vst v0  }
0x34f: {  	[tilespmem:s23+$0x9870] =	vst v0  }
0x350: {  	[tilespmem:s23+$0x9C00] =	vst v0  }
0x351: {  	[tilespmem:s23+$0x9C10] =	vst v0  }
0x352: {  	[tilespmem:s23+$0x9C20] =	vst v0  }
0x353: {  	[tilespmem:s23+$0x9C30] =	vst v0  }
0x354: {  	[tilespmem:s23+$0x9C40] =	vst v0  }
0x355: {  	[tilespmem:s23+$0x9C50] =	vst v0  }
0x356: {  	[tilespmem:s23+$0x9C60] =	vst v0  }
0x357: {  	[tilespmem:s23+$0x9C70] =	vst v0  }
0x358: {  	[tilespmem:s23+$0xA000] =	vst v0  }
0x359: {  	[tilespmem:s23+$0xA010] =	vst v0  }
0x35a: {  	[tilespmem:s23+$0xA020] =	vst v0  }
0x35b: {  	[tilespmem:s23+$0xA030] =	vst v0  }
0x35c: {  	[tilespmem:s23+$0xA040] =	vst v0  }
0x35d: {  	[tilespmem:s23+$0xA050] =	vst v0  }
0x35e: {  	s22 =	simm.s32 $0x0;
	[tilespmem:s23+$0xA060] =	vst v0;
	s23 =	simm.s32 $0x0  }
.LBB2_24:
0x35f: {  	s24 =	sand.u32 $0x3800, s21;
	s25 =	sand.u32 $0x380, s22  }
0x360: {  	s24 =	sor.u32 s25, s24  }
0x361: {  	v4 =	vld [tilespmem:s24+$0x420];
	_ =	sdelay $0x4  }
0x362: {  	v5 =	vshll.u32 v4, $0x3  }
0x363: {  	v4 =	vand.u32 $0x7F, v4;
	v5 =	vand.u32 $0xFFFFFC00, v5  }
0x364: {  	v4 =	vor.u32 v4, v5  }
0x365: {  	v4 =	vadd.s32 v2, v4;
	_ =	sdelay $0x2  }
0x366: {  	p0 =	slt.u32 s23, $0x1E  }
0x367: {  	v5 =	vpsel !p0, $0x10000, v1  }
0x368: {  	[tilespmem:v4+s17+$0x0] =	vst.idx.add.s32.msk $0xffff, v5  }
0x369: {  	v4 =	vld [tilespmem:s24+$0x430];
	_ =	sdelay $0x4  }
0x36a: {  	v6 =	vshll.u32 v4, $0x3  }
0x36b: {  	v4 =	vand.u32 $0x7F, v4;
	v6 =	vand.u32 $0xFFFFFC00, v6  }
0x36c: {  	v4 =	vor.u32 v4, v6  }
0x36d: {  	p0 =	sne.s32 s23, $0x3B;
	v4 =	vadd.s32 v3, v4  }
.Ltmp11:
0x36e: {  	_ = 	snop;
	(pc) =	sbr.rel @p0 .LBB2_24-.Ltmp11, $2  }
0x36f: {  	_ =	sdelay $0x2  }
0x370: {  	s22 =	sadd.s32 $0x80, s22;
	s21 =	sadd.s32 $0x100, s21;
	s23 =	sadd.s32 $0x1, s23;
	[tilespmem:v4+s17+$0x0] =	vst.idx.add.s32.msk $0xffff, v5  }
0x371: {  	s21 =	simm.s32 $0x0;
	s22 =	simm.s32 $0x0  }
0x372: {  	[hbm4b:s9+s21] =	stream.linear.scatter [tilespmem:s17], [sflag:$0x2], $0x5000, $0x38;
	[tilespmem:$0xE000] =	vst v63  }
0x373: {  	s22 =	smul.u32 $0x5000, s22  }
0x374: {  	_ =	swait.ge [sflag:s18], $0x5000  }
0x375: {  	s23 =	sand.u32 $0x380, s21;
	[sflag:s18] =	ssyncset.done $0x0;
	s22 =	sshra.s32 s22, $0x2  }
0x376: {  	[sflag:s18] =	ssyncadd.s32 $0xFFFFB000;
	s22 =	sor.u32 s23, s22  }
0x377: {  	[tilespmem:s22+$0x5070] =	vst v0  }
0x378: {  	[tilespmem:s22+$0x4000] =	vst v0  }
0x379: {  	[tilespmem:s22+$0x4010] =	vst v0  }
0x37a: {  	[tilespmem:s22+$0x4020] =	vst v0  }
0x37b: {  	[tilespmem:s22+$0x4030] =	vst v0  }
0x37c: {  	[tilespmem:s22+$0x4040] =	vst v0  }
0x37d: {  	[tilespmem:s22+$0x4050] =	vst v0  }
0x37e: {  	[tilespmem:s22+$0x4060] =	vst v0  }
0x37f: {  	[tilespmem:s22+$0x4070] =	vst v0  }
0x380: {  	[tilespmem:s22+$0x4400] =	vst v0  }
0x381: {  	[tilespmem:s22+$0x4410] =	vst v0  }
0x382: {  	[tilespmem:s22+$0x4420] =	vst v0  }
0x383: {  	[tilespmem:s22+$0x4430] =	vst v0  }
0x384: {  	[tilespmem:s22+$0x4440] =	vst v0  }
0x385: {  	[tilespmem:s22+$0x4450] =	vst v0  }
0x386: {  	[tilespmem:s22+$0x4460] =	vst v0  }
0x387: {  	[tilespmem:s22+$0x4470] =	vst v0  }
0x388: {  	[tilespmem:s22+$0x4800] =	vst v0  }
0x389: {  	[tilespmem:s22+$0x4810] =	vst v0  }
0x38a: {  	[tilespmem:s22+$0x4820] =	vst v0  }
0x38b: {  	[tilespmem:s22+$0x4830] =	vst v0  }
0x38c: {  	[tilespmem:s22+$0x4840] =	vst v0  }
0x38d: {  	[tilespmem:s22+$0x4850] =	vst v0  }
0x38e: {  	[tilespmem:s22+$0x4860] =	vst v0  }
0x38f: {  	[tilespmem:s22+$0x4870] =	vst v0  }
0x390: {  	[tilespmem:s22+$0x4C00] =	vst v0  }
0x391: {  	[tilespmem:s22+$0x4C10] =	vst v0  }
0x392: {  	[tilespmem:s22+$0x4C20] =	vst v0  }
0x393: {  	[tilespmem:s22+$0x4C30] =	vst v0  }
0x394: {  	[tilespmem:s22+$0x4C40] =	vst v0  }
0x395: {  	[tilespmem:s22+$0x4C50] =	vst v0  }
0x396: {  	[tilespmem:s22+$0x4C60] =	vst v0  }
0x397: {  	[tilespmem:s22+$0x4C70] =	vst v0  }
0x398: {  	[tilespmem:s22+$0x5000] =	vst v0  }
0x399: {  	[tilespmem:s22+$0x5010] =	vst v0  }
0x39a: {  	s25 =	simm.s32 $0x0;
	s24 =	simm.s32 $0x2;
	s23 =	simm.s32 $0x0;
	[tilespmem:s22+$0x5020] =	vst v0  }
.LBB2_26:
0x39b: {  	p0 =	sne.s32 s24, $0x1F;
	s25 =	smul.u32 $0x5000, s25;
	[tilespmem:s22+$0x5030] =	vst v0  }
0x39c: {  	s23 =	sadd.s32 $0x80, s23;
	[tilespmem:s22+$0x5040] =	vst v0  }
0x39d: {  	s26 =	sand.u32 $0x380, s23;
	s25 =	sshra.s32 s25, $0x2;
	[tilespmem:s22+$0x5050] =	vst v0  }
0x39e: {  	[tilespmem:s22+$0x5060] =	vst v0;
	s22 =	sor.u32 s26, s25  }
0x39f: {  	[tilespmem:s22+$0x5070] =	vst v0  }
0x3a0: {  	[tilespmem:s22+$0x4000] =	vst v0  }
0x3a1: {  	[tilespmem:s22+$0x4010] =	vst v0  }
0x3a2: {  	[tilespmem:s22+$0x4020] =	vst v0  }
0x3a3: {  	[tilespmem:s22+$0x4030] =	vst v0  }
0x3a4: {  	[tilespmem:s22+$0x4040] =	vst v0  }
0x3a5: {  	[tilespmem:s22+$0x4050] =	vst v0  }
0x3a6: {  	[tilespmem:s22+$0x4060] =	vst v0  }
0x3a7: {  	[tilespmem:s22+$0x4070] =	vst v0  }
0x3a8: {  	[tilespmem:s22+$0x4400] =	vst v0  }
0x3a9: {  	[tilespmem:s22+$0x4410] =	vst v0  }
0x3aa: {  	[tilespmem:s22+$0x4420] =	vst v0  }
0x3ab: {  	[tilespmem:s22+$0x4430] =	vst v0  }
0x3ac: {  	[tilespmem:s22+$0x4440] =	vst v0  }
0x3ad: {  	[tilespmem:s22+$0x4450] =	vst v0  }
0x3ae: {  	[tilespmem:s22+$0x4460] =	vst v0  }
0x3af: {  	[tilespmem:s22+$0x4470] =	vst v0  }
0x3b0: {  	[tilespmem:s22+$0x4800] =	vst v0  }
0x3b1: {  	[tilespmem:s22+$0x4810] =	vst v0  }
0x3b2: {  	[tilespmem:s22+$0x4820] =	vst v0  }
0x3b3: {  	[tilespmem:s22+$0x4830] =	vst v0  }
0x3b4: {  	[tilespmem:s22+$0x4840] =	vst v0  }
0x3b5: {  	[tilespmem:s22+$0x4850] =	vst v0  }
0x3b6: {  	[tilespmem:s22+$0x4860] =	vst v0  }
0x3b7: {  	[tilespmem:s22+$0x4870] =	vst v0  }
0x3b8: {  	[tilespmem:s22+$0x4C00] =	vst v0  }
0x3b9: {  	[tilespmem:s22+$0x4C10] =	vst v0  }
0x3ba: {  	[tilespmem:s22+$0x4C20] =	vst v0  }
0x3bb: {  	[tilespmem:s22+$0x4C30] =	vst v0  }
0x3bc: {  	[tilespmem:s22+$0x4C40] =	vst v0  }
0x3bd: {  	[tilespmem:s22+$0x4C50] =	vst v0  }
.Ltmp12:
0x3be: {  	[tilespmem:s22+$0x4C60] =	vst v0;
	(pc) =	sbr.rel @p0 .LBB2_26-.Ltmp12, $4  }
0x3bf: {  	[tilespmem:s22+$0x4C70] =	vst v0  }
0x3c0: {  	[tilespmem:s22+$0x5000] =	vst v0  }
0x3c1: {  	[tilespmem:s22+$0x5010] =	vst v0  }
0x3c2: {  	s25 =	sshrl.u32 s24, $0x3;
	s24 =	sadd.s32 $0x1, s24;
	[tilespmem:s22+$0x5020] =	vst v0  }
0x3c3: {  	s24 =	smul.u32 $0x5000, s25;
	[tilespmem:s22+$0x5030] =	vst v0  }
0x3c4: {  	[tilespmem:s22+$0x5040] =	vst v0;
	s23 =	sadd.s32 $0x80, s23  }
0x3c5: {  	[tilespmem:s22+$0x5050] =	vst v0;
	s23 =	sand.u32 $0x380, s23;
	s24 =	sshra.s32 s24, $0x2  }
0x3c6: {  	[tilespmem:s22+$0x5060] =	vst v0;
	s23 =	sor.u32 s23, s24  }
0x3c7: {  	[tilespmem:s23+$0x5070] =	vst v0  }
0x3c8: {  	[tilespmem:s23+$0x4000] =	vst v0  }
0x3c9: {  	[tilespmem:s23+$0x4010] =	vst v0  }
0x3ca: {  	[tilespmem:s23+$0x4020] =	vst v0  }
0x3cb: {  	[tilespmem:s23+$0x4030] =	vst v0  }
0x3cc: {  	[tilespmem:s23+$0x4040] =	vst v0  }
0x3cd: {  	[tilespmem:s23+$0x4050] =	vst v0  }
0x3ce: {  	[tilespmem:s23+$0x4060] =	vst v0  }
0x3cf: {  	[tilespmem:s23+$0x4070] =	vst v0  }
0x3d0: {  	[tilespmem:s23+$0x4400] =	vst v0  }
0x3d1: {  	[tilespmem:s23+$0x4410] =	vst v0  }
0x3d2: {  	[tilespmem:s23+$0x4420] =	vst v0  }
0x3d3: {  	[tilespmem:s23+$0x4430] =	vst v0  }
0x3d4: {  	[tilespmem:s23+$0x4440] =	vst v0  }
0x3d5: {  	[tilespmem:s23+$0x4450] =	vst v0  }
0x3d6: {  	[tilespmem:s23+$0x4460] =	vst v0  }
0x3d7: {  	[tilespmem:s23+$0x4470] =	vst v0  }
0x3d8: {  	[tilespmem:s23+$0x4800] =	vst v0  }
0x3d9: {  	[tilespmem:s23+$0x4810] =	vst v0  }
0x3da: {  	[tilespmem:s23+$0x4820] =	vst v0  }
0x3db: {  	[tilespmem:s23+$0x4830] =	vst v0  }
0x3dc: {  	[tilespmem:s23+$0x4840] =	vst v0  }
0x3dd: {  	[tilespmem:s23+$0x4850] =	vst v0  }
0x3de: {  	[tilespmem:s23+$0x4860] =	vst v0  }
0x3df: {  	[tilespmem:s23+$0x4870] =	vst v0  }
0x3e0: {  	[tilespmem:s23+$0x4C00] =	vst v0  }
0x3e1: {  	[tilespmem:s23+$0x4C10] =	vst v0  }
0x3e2: {  	[tilespmem:s23+$0x4C20] =	vst v0  }
0x3e3: {  	[tilespmem:s23+$0x4C30] =	vst v0  }
0x3e4: {  	[tilespmem:s23+$0x4C40] =	vst v0  }
0x3e5: {  	[tilespmem:s23+$0x4C50] =	vst v0  }
0x3e6: {  	[tilespmem:s23+$0x4C60] =	vst v0  }
0x3e7: {  	[tilespmem:s23+$0x4C70] =	vst v0  }
0x3e8: {  	[tilespmem:s23+$0x5000] =	vst v0  }
0x3e9: {  	[tilespmem:s23+$0x5010] =	vst v0  }
0x3ea: {  	[tilespmem:s23+$0x5020] =	vst v0  }
0x3eb: {  	[tilespmem:s23+$0x5030] =	vst v0  }
0x3ec: {  	[tilespmem:s23+$0x5040] =	vst v0  }
0x3ed: {  	[tilespmem:s23+$0x5050] =	vst v0  }
0x3ee: {  	s22 =	simm.s32 $0x0;
	[tilespmem:s23+$0x5060] =	vst v0;
	s23 =	simm.s32 $0x0  }
.LBB2_28:
0x3ef: {  	s24 =	sand.u32 $0x3800, s21;
	s25 =	sand.u32 $0x380, s22  }
0x3f0: {  	s24 =	sor.u32 s25, s24  }
0x3f1: {  	v4 =	vld [tilespmem:s24+$0x440];
	_ =	sdelay $0x4  }
0x3f2: {  	v5 =	vshll.u32 v4, $0x3  }
0x3f3: {  	v4 =	vand.u32 $0x7F, v4;
	v5 =	vand.u32 $0xFFFFFC00, v5  }
0x3f4: {  	v4 =	vor.u32 v4, v5  }
0x3f5: {  	v4 =	vadd.s32 v2, v4;
	_ =	sdelay $0x2  }
0x3f6: {  	p0 =	slt.u32 s23, $0x1E  }
0x3f7: {  	v5 =	vpsel !p0, $0x10000, v1  }
0x3f8: {  	[tilespmem:v4+s16+$0x0] =	vst.idx.add.s32.msk $0xffff, v5  }
0x3f9: {  	v4 =	vld [tilespmem:s24+$0x450];
	_ =	sdelay $0x4  }
0x3fa: {  	v6 =	vshll.u32 v4, $0x3  }
0x3fb: {  	v4 =	vand.u32 $0x7F, v4;
	v6 =	vand.u32 $0xFFFFFC00, v6  }
0x3fc: {  	v4 =	vor.u32 v4, v6  }
0x3fd: {  	p0 =	sne.s32 s23, $0x3B;
	v4 =	vadd.s32 v3, v4  }
.Ltmp13:
0x3fe: {  	_ = 	snop;
	(pc) =	sbr.rel @p0 .LBB2_28-.Ltmp13, $2  }
0x3ff: {  	_ =	sdelay $0x2  }
0x400: {  	s22 =	sadd.s32 $0x80, s22;
	s21 =	sadd.s32 $0x100, s21;
	s23 =	sadd.s32 $0x1, s23;
	[tilespmem:v4+s16+$0x0] =	vst.idx.add.s32.msk $0xffff, v5  }
0x401: {  	s21 =	simm.s32 $0x0;
	s22 =	simm.s32 $0x0  }
0x402: {  	[hbm4b:s10+s21] =	stream.linear.scatter [tilespmem:s16], [sflag:$0x1], $0x5000, $0x38;
	[tilespmem:$0xE000] =	vst v63  }
0x403: {  	s22 =	smul.u32 $0x5000, s22  }
0x404: {  	_ =	swait.ge [sflag:s19], $0x5000  }
0x405: {  	s23 =	sand.u32 $0x380, s21;
	[sflag:s19] =	ssyncset.done $0x0;
	s22 =	sshra.s32 s22, $0x2  }
0x406: {  	[sflag:s19] =	ssyncadd.s32 $0xFFFFB000;
	s22 =	sor.u32 s23, s22  }
0x407: {  	[tilespmem:s22+$0xA070] =	vst v0  }
0x408: {  	[tilespmem:s22+$0x9000] =	vst v0  }
0x409: {  	[tilespmem:s22+$0x9010] =	vst v0  }
0x40a: {  	[tilespmem:s22+$0x9020] =	vst v0  }
0x40b: {  	[tilespmem:s22+$0x9030] =	vst v0  }
0x40c: {  	[tilespmem:s22+$0x9040] =	vst v0  }
0x40d: {  	[tilespmem:s22+$0x9050] =	vst v0  }
0x40e: {  	[tilespmem:s22+$0x9060] =	vst v0  }
0x40f: {  	[tilespmem:s22+$0x9070] =	vst v0  }
0x410: {  	[tilespmem:s22+$0x9400] =	vst v0  }
0x411: {  	[tilespmem:s22+$0x9410] =	vst v0  }
0x412: {  	[tilespmem:s22+$0x9420] =	vst v0  }
0x413: {  	[tilespmem:s22+$0x9430] =	vst v0  }
0x414: {  	[tilespmem:s22+$0x9440] =	vst v0  }
0x415: {  	[tilespmem:s22+$0x9450] =	vst v0  }
0x416: {  	[tilespmem:s22+$0x9460] =	vst v0  }
0x417: {  	[tilespmem:s22+$0x9470] =	vst v0  }
0x418: {  	[tilespmem:s22+$0x9800] =	vst v0  }
0x419: {  	[tilespmem:s22+$0x9810] =	vst v0  }
0x41a: {  	[tilespmem:s22+$0x9820] =	vst v0  }
0x41b: {  	[tilespmem:s22+$0x9830] =	vst v0  }
0x41c: {  	[tilespmem:s22+$0x9840] =	vst v0  }
0x41d: {  	[tilespmem:s22+$0x9850] =	vst v0  }
0x41e: {  	[tilespmem:s22+$0x9860] =	vst v0  }
0x41f: {  	[tilespmem:s22+$0x9870] =	vst v0  }
0x420: {  	[tilespmem:s22+$0x9C00] =	vst v0  }
0x421: {  	[tilespmem:s22+$0x9C10] =	vst v0  }
0x422: {  	[tilespmem:s22+$0x9C20] =	vst v0  }
0x423: {  	[tilespmem:s22+$0x9C30] =	vst v0  }
0x424: {  	[tilespmem:s22+$0x9C40] =	vst v0  }
0x425: {  	[tilespmem:s22+$0x9C50] =	vst v0  }
0x426: {  	[tilespmem:s22+$0x9C60] =	vst v0  }
0x427: {  	[tilespmem:s22+$0x9C70] =	vst v0  }
0x428: {  	[tilespmem:s22+$0xA000] =	vst v0  }
0x429: {  	[tilespmem:s22+$0xA010] =	vst v0  }
0x42a: {  	s25 =	simm.s32 $0x0;
	s24 =	simm.s32 $0x2;
	s23 =	simm.s32 $0x0;
	[tilespmem:s22+$0xA020] =	vst v0  }
.LBB2_30:
0x42b: {  	p0 =	sne.s32 s24, $0x1F;
	s25 =	smul.u32 $0x5000, s25;
	[tilespmem:s22+$0xA030] =	vst v0  }
0x42c: {  	s23 =	sadd.s32 $0x80, s23;
	[tilespmem:s22+$0xA040] =	vst v0  }
0x42d: {  	s26 =	sand.u32 $0x380, s23;
	s25 =	sshra.s32 s25, $0x2;
	[tilespmem:s22+$0xA050] =	vst v0  }
0x42e: {  	[tilespmem:s22+$0xA060] =	vst v0;
	s22 =	sor.u32 s26, s25  }
0x42f: {  	[tilespmem:s22+$0xA070] =	vst v0  }
0x430: {  	[tilespmem:s22+$0x9000] =	vst v0  }
0x431: {  	[tilespmem:s22+$0x9010] =	vst v0  }
0x432: {  	[tilespmem:s22+$0x9020] =	vst v0  }
0x433: {  	[tilespmem:s22+$0x9030] =	vst v0  }
0x434: {  	[tilespmem:s22+$0x9040] =	vst v0  }
0x435: {  	[tilespmem:s22+$0x9050] =	vst v0  }
0x436: {  	[tilespmem:s22+$0x9060] =	vst v0  }
0x437: {  	[tilespmem:s22+$0x9070] =	vst v0  }
0x438: {  	[tilespmem:s22+$0x9400] =	vst v0  }
0x439: {  	[tilespmem:s22+$0x9410] =	vst v0  }
0x43a: {  	[tilespmem:s22+$0x9420] =	vst v0  }
0x43b: {  	[tilespmem:s22+$0x9430] =	vst v0  }
0x43c: {  	[tilespmem:s22+$0x9440] =	vst v0  }
0x43d: {  	[tilespmem:s22+$0x9450] =	vst v0  }
0x43e: {  	[tilespmem:s22+$0x9460] =	vst v0  }
0x43f: {  	[tilespmem:s22+$0x9470] =	vst v0  }
0x440: {  	[tilespmem:s22+$0x9800] =	vst v0  }
0x441: {  	[tilespmem:s22+$0x9810] =	vst v0  }
0x442: {  	[tilespmem:s22+$0x9820] =	vst v0  }
0x443: {  	[tilespmem:s22+$0x9830] =	vst v0  }
0x444: {  	[tilespmem:s22+$0x9840] =	vst v0  }
0x445: {  	[tilespmem:s22+$0x9850] =	vst v0  }
0x446: {  	[tilespmem:s22+$0x9860] =	vst v0  }
0x447: {  	[tilespmem:s22+$0x9870] =	vst v0  }
0x448: {  	[tilespmem:s22+$0x9C00] =	vst v0  }
0x449: {  	[tilespmem:s22+$0x9C10] =	vst v0  }
0x44a: {  	[tilespmem:s22+$0x9C20] =	vst v0  }
0x44b: {  	[tilespmem:s22+$0x9C30] =	vst v0  }
0x44c: {  	[tilespmem:s22+$0x9C40] =	vst v0  }
0x44d: {  	[tilespmem:s22+$0x9C50] =	vst v0  }
.Ltmp14:
0x44e: {  	[tilespmem:s22+$0x9C60] =	vst v0;
	(pc) =	sbr.rel @p0 .LBB2_30-.Ltmp14, $4  }
0x44f: {  	[tilespmem:s22+$0x9C70] =	vst v0  }
0x450: {  	[tilespmem:s22+$0xA000] =	vst v0  }
0x451: {  	[tilespmem:s22+$0xA010] =	vst v0  }
0x452: {  	s25 =	sshrl.u32 s24, $0x3;
	s24 =	sadd.s32 $0x1, s24;
	[tilespmem:s22+$0xA020] =	vst v0  }
0x453: {  	s24 =	smul.u32 $0x5000, s25;
	[tilespmem:s22+$0xA030] =	vst v0  }
0x454: {  	[tilespmem:s22+$0xA040] =	vst v0;
	s23 =	sadd.s32 $0x80, s23  }
0x455: {  	[tilespmem:s22+$0xA050] =	vst v0;
	s23 =	sand.u32 $0x380, s23;
	s24 =	sshra.s32 s24, $0x2  }
0x456: {  	[tilespmem:s22+$0xA060] =	vst v0;
	s23 =	sor.u32 s23, s24  }
0x457: {  	[tilespmem:s23+$0xA070] =	vst v0  }
0x458: {  	[tilespmem:s23+$0x9000] =	vst v0  }
0x459: {  	[tilespmem:s23+$0x9010] =	vst v0  }
0x45a: {  	[tilespmem:s23+$0x9020] =	vst v0  }
0x45b: {  	[tilespmem:s23+$0x9030] =	vst v0  }
0x45c: {  	[tilespmem:s23+$0x9040] =	vst v0  }
0x45d: {  	[tilespmem:s23+$0x9050] =	vst v0  }
0x45e: {  	[tilespmem:s23+$0x9060] =	vst v0  }
0x45f: {  	[tilespmem:s23+$0x9070] =	vst v0  }
0x460: {  	[tilespmem:s23+$0x9400] =	vst v0  }
0x461: {  	[tilespmem:s23+$0x9410] =	vst v0  }
0x462: {  	[tilespmem:s23+$0x9420] =	vst v0  }
0x463: {  	[tilespmem:s23+$0x9430] =	vst v0  }
0x464: {  	[tilespmem:s23+$0x9440] =	vst v0  }
0x465: {  	[tilespmem:s23+$0x9450] =	vst v0  }
0x466: {  	[tilespmem:s23+$0x9460] =	vst v0  }
0x467: {  	[tilespmem:s23+$0x9470] =	vst v0  }
0x468: {  	[tilespmem:s23+$0x9800] =	vst v0  }
0x469: {  	[tilespmem:s23+$0x9810] =	vst v0  }
0x46a: {  	[tilespmem:s23+$0x9820] =	vst v0  }
0x46b: {  	[tilespmem:s23+$0x9830] =	vst v0  }
0x46c: {  	[tilespmem:s23+$0x9840] =	vst v0  }
0x46d: {  	[tilespmem:s23+$0x9850] =	vst v0  }
0x46e: {  	[tilespmem:s23+$0x9860] =	vst v0  }
0x46f: {  	[tilespmem:s23+$0x9870] =	vst v0  }
0x470: {  	[tilespmem:s23+$0x9C00] =	vst v0  }
0x471: {  	[tilespmem:s23+$0x9C10] =	vst v0  }
0x472: {  	[tilespmem:s23+$0x9C20] =	vst v0  }
0x473: {  	[tilespmem:s23+$0x9C30] =	vst v0  }
0x474: {  	[tilespmem:s23+$0x9C40] =	vst v0  }
0x475: {  	[tilespmem:s23+$0x9C50] =	vst v0  }
0x476: {  	[tilespmem:s23+$0x9C60] =	vst v0  }
0x477: {  	[tilespmem:s23+$0x9C70] =	vst v0  }
0x478: {  	[tilespmem:s23+$0xA000] =	vst v0  }
0x479: {  	[tilespmem:s23+$0xA010] =	vst v0  }
0x47a: {  	[tilespmem:s23+$0xA020] =	vst v0  }
0x47b: {  	[tilespmem:s23+$0xA030] =	vst v0  }
0x47c: {  	[tilespmem:s23+$0xA040] =	vst v0  }
0x47d: {  	[tilespmem:s23+$0xA050] =	vst v0  }
0x47e: {  	s22 =	simm.s32 $0x0;
	[tilespmem:s23+$0xA060] =	vst v0;
	s23 =	simm.s32 $0x0  }
.LBB2_32:
0x47f: {  	s24 =	sand.u32 $0x3800, s21;
	s25 =	sand.u32 $0x380, s22  }
0x480: {  	s24 =	sor.u32 s25, s24  }
0x481: {  	v4 =	vld [tilespmem:s24+$0x460];
	_ =	sdelay $0x4  }
0x482: {  	v5 =	vshll.u32 v4, $0x3  }
0x483: {  	v4 =	vand.u32 $0x7F, v4;
	v5 =	vand.u32 $0xFFFFFC00, v5  }
0x484: {  	v4 =	vor.u32 v4, v5  }
0x485: {  	v4 =	vadd.s32 v2, v4;
	_ =	sdelay $0x2  }
0x486: {  	p0 =	slt.u32 s23, $0x1E  }
0x487: {  	v5 =	vpsel !p0, $0x10000, v1  }
0x488: {  	[tilespmem:v4+s17+$0x0] =	vst.idx.add.s32.msk $0xffff, v5  }
0x489: {  	v4 =	vld [tilespmem:s24+$0x470];
	_ =	sdelay $0x4  }
0x48a: {  	v6 =	vshll.u32 v4, $0x3  }
0x48b: {  	v4 =	vand.u32 $0x7F, v4;
	v6 =	vand.u32 $0xFFFFFC00, v6  }
0x48c: {  	v4 =	vor.u32 v4, v6  }
0x48d: {  	p0 =	sne.s32 s23, $0x3B;
	v4 =	vadd.s32 v3, v4  }
.Ltmp15:
0x48e: {  	_ = 	snop;
	(pc) =	sbr.rel @p0 .LBB2_32-.Ltmp15, $2  }
0x48f: {  	_ =	sdelay $0x2  }
0x490: {  	s22 =	sadd.s32 $0x80, s22;
	s21 =	sadd.s32 $0x100, s21;
	s23 =	sadd.s32 $0x1, s23;
	[tilespmem:v4+s17+$0x0] =	vst.idx.add.s32.msk $0xffff, v5  }
0x491: {  	[hbm4b:s11+s2] =	stream.linear.scatter [tilespmem:s17], [sflag:$0x2], $0x5000, $0x38;
	[tilespmem:$0xE000] =	vst v63  }
0x492: {  	s20 =	sadd.s32 $0x1, s20  }
0x493: {  	_ =	swait.ge [sflag:s18], $0x5000;
	p0 =	sne.s32 s20, s12  }
.Ltmp16:
0x494: {  	[sflag:s18] =	ssyncset.done $0x0;
	(pc) =	sbr.rel @p0 .LBB2_1-.Ltmp16, $4  }
0x495: {  	[sflag:s18] =	ssyncadd.s32 $0xFFFFB000  }
0x496: {  	_ =	swait.ge [sflag:s19], $0x5000  }
0x497: {  	[sflag:s19] =	ssyncset.done $0x0  }
0x498: {  	[sflag:s19] =	ssyncadd.s32 $0xFFFFB000  }
0x499: {  	_ =	sfence.sel $0x180000  }
0x49a: {  	[bflag:$0x0] =	sbarrier.arrive $0xFFFF  }
0x49b: {  	p0 =	sne.s32 s0, $0x0;
	_ =	strace $0x9000004A  }
0x49c: {  	s0 =	sadd.s32 @!p0 $0x100000, s1;
	[bflag:$0x2] =	sbarrier.arrive $0xFFFF  }
0x49d: {  	[sflag:s0] =	ssyncadd.tile.s32 @!p0 $0x1;
	_ =	shalt  }
.Lfunc_end2:
_tile_overlayer_lowered:
.L_overlay_start_2:
0x49e: {  	(tag) =	ssettag $0x2  }
0x49f: {  	s0 =	rddreg [dreg:$0x0];
	s2 =	stileid.u32  }
0x4a0: {  	s1 =	rddreg [dreg:$0x1];
	p0 =	sne.s32 s2, $0x0  }
0x4a1: {  	s3 =	rddreg [dreg:$0x2];
	[bflag:$0x3] =	sbarrier.arrive $0xFFFF;
	s2 =	simm.s32 @!p0 $0x1C03  }
0x4a2: {  	[timem:s3], [sflag:s2] =	dma.local @!p0 [hbm:s0], s1  }
0x4a3: {  	s0 =	simm.s32 @!p0 $0x3  }
0x4a4: {  	_ =	swait.ge @!p0 [sflag:s0], s1  }
0x4a5: {  	s1 =	ssub.s32 @!p0 $0x0, s1;
	[sflag:s0] =	ssyncset.done @!p0 $0x0  }
0x4a6: {  	[sflag:s0] =	ssyncadd.s32 @!p0 s1  }
0x4a7: {  	[bflag:$0x3] =	sbarrier.arrive $0xFFFF  }
0x4a8: {  	_ =	shalt  }

// kernel: kernel.9.cloned.1.call-start
scs
__scs_entry_jumppad:
0x0: {  	(pc) =	sbr.rel $0x88, $3  }
0x1: {  	(tag) =	ssettag $0x0;
	lr =	simm.s32 $0x1  }
0x2: {  	[smem:$0x3F98] =	sst lr;
	_ =	strace $0xD0000000  }
0x3: {  	_ = 	snop  }
0x4: {  	_ = 	snop  }
0x5: {  	_ = 	snop  }
0x6: {  	_ = 	snop  }
0x7: {  	_ = 	snop  }
__scs_overlays_trampoline_lowered:
0x8: {  	[smem:$0x3FA7] =	sst s0  }
0x9: {  	[smem:$0x3FA8] =	sst s1  }
0xa: {  	[smem:$0x3FA9] =	sst s2  }
0xb: {  	[smem:$0x3FAA] =	sst s3  }
0xc: {  	[smem:$0x3FAB] =	sst s4  }
0xd: {  	[smem:$0x3FAC] =	sst s5  }
0xe: {  	[smem:$0x3FAD] =	sst s6  }
0xf: {  	[smem:$0x3FAE] =	sst s7  }
0x10: {  	[smem:$0x3FAF] =	sst s8  }
0x11: {  	[smem:$0x3FB0] =	sst s9;
	s0 =	simm.s32 @!p0 $0x0  }
0x12: {  	s1 =	sld [smem:$0x3F96];
	s0 =	simm.s32 @p0 $0x1  }
0x13: {  	[smem:$0x3FB1] =	sst s0;
	s0 =	simm.s32 @!p1 $0x0  }
0x14: {  	s2 =	sld [smem:$0x3F95];
	s0 =	simm.s32 @p1 $0x1  }
0x15: {  	[smem:$0x3FB2] =	sst s0;
	s0 =	simm.s32 @!p2 $0x0  }
0x16: {  	s3 =	sld [smem:$0x3FDB];
	s0 =	simm.s32 @p2 $0x1  }
0x17: {  	s4 =	simm.s32 $0x1BF5;
	[smem:$0x3FB4] =	sst s0  }
0x18: {  	s0 =	sld [smem:$0x3F97];
	_ =	swait.ge [sflag:s4], $0x0  }
0x19: {  	s7 =	sld [smem:$0x3F98]  }
0x1a: {  	s8 =	sadd.s32 $0xFFFFE003, lr  }
0x1b: {  	s9 =	sadd.s32 $0xFFFFFEF7, lr;
	s5 =	simm.s32 $0xFFFFFFFF;
	p2 =	slt.u32 s8, $0xFFFFF086  }
0x1c: {  	p1 =	slt.u32 s9, $0xF7A;
	s5 =	simm.s32 @!p2 $0x0  }
0x1d: {  	s5 =	simm.s32 @p1 $0x1;
	p0 =	seq.s32 s7, s2  }
0x1e: {  	s7 =	smul.u32 @!p0 $0xF7A, s2;
	p2 =	seq.s32 @!p0 s5, $0x0  }
0x1f: {  	s9 =	smul.u32 $0xF7A, s1;
	s8 =	simm.s32 @!p0 $0x1BF5;
	p2 =	por !p2, p0  }
0x20: {  	[sflag:s8] =	ssyncset.s32 @!p0 $0xFFFFF086;
	s6 =	sadd.s32 @!p0 s3, s7;
	s7 =	simm.s32 @!p0 $0x108  }
0x21: {  	s3 =	sadd.s32 s3, s9;
	s6 =	sadd.s32 @!p0 $0x88, s6;
	s7 =	simm.s32 @p2 $0x1082  }
0x22: {  	[simem:s7], [sflag:s8] =	dma.local @!p0 [hbm:s6], $0xF7A  }
0x23: {  	s9 =	sor.u32 $0xD0000000, s2;
	s6 =	simm.s32 $0x108;
	_ =	swait.ge @!p0 [sflag:s8], $0x0  }
0x24: {  	s3 =	sadd.s32 $0x88, s3;
	s6 =	simm.s32 @!p1 $0x1082;
	[sflag:s4] =	ssyncset.s32 $0xFFFFF086  }
0x25: {  	[simem:s6], [sflag:s4] =	dma.local [hbm:s3], $0xF7A  }
0x26: {  	[smem:$0x3F98] =	sst s1;
	(tag) =	ssettag s2;
	_ =	strace s9  }
0x27: {  	s1 =	sld [smem:$0x3FA8]  }
0x28: {  	s2 =	sld [smem:$0x3FA9]  }
0x29: {  	s4 =	sld [smem:$0x3FAB]  }
0x2a: {  	p0 =	seq.s32 s5, $0x0;
	s5 =	sld [smem:$0x3FAC]  }
0x2b: {  	s6 =	sld [smem:$0x3FAD]  }
0x2c: {  	s7 =	sld [smem:$0x3FAE]  }
0x2d: {  	s3 =	simm.s32 $0x108;
	s8 =	sld [smem:$0x3FAF]  }
0x2e: {  	s3 =	simm.s32 @!p0 $0x1082;
	s9 =	sld [smem:$0x3FB0]  }
0x2f: {  	lr =	sadd.s32 s0, s3;
	s0 =	sld [smem:$0x3FA7]  }
0x30: {  	s3 =	sld [smem:$0x3FAA]  }
0x31: {  	[smem:$0x3FB3] =	sst s10  }
0x32: {  	s10 =	sld [smem:$0x3FB1];
	_ =	sdelay $0x3  }
0x33: {  	p0 =	seq.s32 s10, $0x1;
	s10 =	sld [smem:$0x3FB3];
	_ =	sdelay $0x3  }
0x34: {  	[smem:$0x3FB3] =	sst s10  }
0x35: {  	s10 =	sld [smem:$0x3FB2];
	_ =	sdelay $0x3  }
0x36: {  	p1 =	seq.s32 s10, $0x1;
	s10 =	sld [smem:$0x3FB3];
	_ =	sdelay $0x3  }
0x37: {  	[smem:$0x3FB3] =	sst s10  }
0x38: {  	s10 =	sld [smem:$0x3FB4]  }
0x39: {  	_ = 	snop;
	(pc) =	sbr.ind lr, $3  }
0x3a: {  	_ = 	snop  }
0x3b: {  	_ = 	snop  }
0x3c: {  	p2 =	seq.s32 s10, $0x1;
	s10 =	sld [smem:$0x3FB3]  }
0x3d: {  	_ =	shalt  }
0x3e: {  	_ =	shalt  }
0x3f: {  	_ =	shalt  }
0x40: {  	_ =	shalt  }
0x41: {  	_ =	shalt  }
0x42: {  	_ =	shalt  }
0x43: {  	_ =	shalt  }
0x44: {  	_ =	shalt  }
0x45: {  	_ =	shalt  }
0x46: {  	_ =	shalt  }
0x47: {  	_ =	shalt  }
0x48: {  	_ =	shalt  }
0x49: {  	_ =	shalt  }
0x4a: {  	_ =	shalt  }
0x4b: {  	_ =	shalt  }
0x4c: {  	_ =	shalt  }
0x4d: {  	_ =	shalt  }
0x4e: {  	_ =	shalt  }
0x4f: {  	_ =	shalt  }
0x50: {  	_ =	shalt  }
0x51: {  	_ =	shalt  }
0x52: {  	_ =	shalt  }
0x53: {  	_ =	shalt  }
0x54: {  	_ =	shalt  }
0x55: {  	_ =	shalt  }
0x56: {  	_ =	shalt  }
0x57: {  	_ =	shalt  }
0x58: {  	_ =	shalt  }
0x59: {  	_ =	shalt  }
0x5a: {  	_ =	shalt  }
0x5b: {  	_ =	shalt  }
0x5c: {  	_ =	shalt  }
0x5d: {  	_ =	shalt  }
0x5e: {  	_ =	shalt  }
0x5f: {  	_ =	shalt  }
0x60: {  	_ =	shalt  }
0x61: {  	_ =	shalt  }
0x62: {  	_ =	shalt  }
0x63: {  	_ =	shalt  }
0x64: {  	_ =	shalt  }
0x65: {  	_ =	shalt  }
0x66: {  	_ =	shalt  }
0x67: {  	_ =	shalt  }
0x68: {  	_ =	shalt  }
0x69: {  	_ =	shalt  }
0x6a: {  	_ =	shalt  }
0x6b: {  	_ =	shalt  }
0x6c: {  	_ =	shalt  }
0x6d: {  	_ =	shalt  }
0x6e: {  	_ =	shalt  }
0x6f: {  	_ =	shalt  }
0x70: {  	_ =	shalt  }
0x71: {  	_ =	shalt  }
0x72: {  	_ =	shalt  }
0x73: {  	_ =	shalt  }
0x74: {  	_ =	shalt  }
0x75: {  	_ =	shalt  }
0x76: {  	_ =	shalt  }
0x77: {  	_ =	shalt  }
0x78: {  	_ =	shalt  }
0x79: {  	_ =	shalt  }
0x7a: {  	_ =	shalt  }
0x7b: {  	_ =	shalt  }
0x7c: {  	_ =	shalt  }
0x7d: {  	_ =	shalt  }
0x7e: {  	_ =	shalt  }
0x7f: {  	_ =	shalt  }
0x80: {  	_ =	shalt  }
0x81: {  	_ =	shalt  }
0x82: {  	_ =	shalt  }
0x83: {  	_ =	shalt  }
0x84: {  	_ =	shalt  }
0x85: {  	_ =	shalt  }
0x86: {  	_ =	shalt  }
0x87: {  	_ =	shalt  }
.Lfunc_end0:
.L_simem_size_0:
called_computation.1_lowered:
.L_overlay_start_0:
0x88: {  	s2 =	sld [smem:$0x3FD9]  }
0x89: {  	s3 =	sld [smem:$0x3FFE];
	_ =	sdelay $0x1  }
0x8a: {  	s1 =	srdreg.scid  }
0x8b: {  	s0 =	sand.u32 $0x1, s1  }
0x8c: {  	s16 =	sshll.u32 s0, $0xA;
	s2 =	sadd.s32 s3, s2  }
0x8d: {  	s2 =	sadd.s32 s2, s16  }
0x8e: {  	[smem:$0x3FBF] =	sst s2  }
0x8f: {  	_ = 	snop  }
0x90: {  	(tm) =	ssettm $0x1  }
0x91: {  	s17 =	sld [smem:$0x3FFB];
	_ =	sdelay $0x3  }
0x92: {  	_ =	strace s17  }
0x93: {  	s2 =	sld [smem:$0x3FFC];
	_ =	sdelay $0x3  }
0x94: {  	_ =	strace s2  }
0x95: {  	s2 =	sld [smem:$0x3FFD];
	_ =	sdelay $0x3  }
0x96: {  	_ =	strace s2  }
0x97: {  	_ =	strace $0x8FFFFFFF  }
0x98: {  	s18 =	sld [smem:$0x3FDB];
	_ =	sdelay $0x1  }
0x99: {  	s19 =	simm.s32 $_scs_section_size  }
0x9a: {  	s4 =	simm.s32 $_size__tile_overlayer_lowered;
	s5 =	simm.s32 $_tile_overlayer_lowered  }
0x9b: {  	s22 =	simm.s32 $0x1BFF;
	s21 =	sshll.u32 s5, $0x1;
	s2 =	sadd.s32 s19, s18  }
0x9c: {  	s6 =	simm.s32 $0x0;
	s20 =	sshll.u32 s4, $0x1;
	s4 =	sadd.s32 s21, s2  }
0x9d: {  	[timem:s6], [sflag:s22] =	dma.local [hbm:s4], s20  }
0x9e: {  	_ =	swait.ge [sflag:s22], s20  }
0x9f: {  	s3 =	ssub.s32 $0x0, s20;
	[sflag:s22] =	ssyncset.done $0x0  }
0xa0: {  	[sflag:s22] =	ssyncadd.s32 s3;
	_ =	sdelay $0x1  }
0xa1: {  	s23 =	simm.s32 $0x1B8B  }
0xa2: {  	_ =	swait.ge [sflag:s23], $0x1  }
0xa3: {  	[sflag:s23] =	ssyncset.done $0x0  }
0xa4: {  	s25 =	simm.s32 $0x1B8E;
	s24 =	sld [smem:$0x3FFE];
	[sflag:s23] =	ssyncadd.s32 $0xFFFFFFFF  }
0xa5: {  	s26 =	simm.s32 $execute0_lowered;
	[smem:$0x3FD2] =	sst s25  }
0xa6: {  	s4 =	sshll.u32 s26, $0x1;
	_ =	strace $0x80000046;
	[dreg:$0x1] =	wrdreg $0xFFFFFFFF  }
0xa7: {  	s28 =	simm.s32 $_size_execute0_lowered;
	s2 =	sadd.s32 s2, s4;
	[dreg:$0x0] =	wrdreg $0x0  }
0xa8: {  	s4 =	sshll.u32 s28, $0x1;
	[dreg:$0x2] =	wrdreg s2  }
0xa9: {  	[dreg:$0x3] =	wrdreg s4  }
0xaa: {  	[dreg:$0x4] =	wrdreg $0xC0  }
0xab: {  	_ =	task [dreg:s6], $0x5FFFF  }
0xac: {  	[dreg:$0x1] =	wrdreg $0xFFFFFFFF  }
0xad: {  	[dreg:$0x0] =	wrdreg $0x60  }
0xae: {  	[dreg:$0x2] =	wrdreg s24  }
0xaf: {  	[dreg:$0x3] =	wrdreg $0xA  }
0xb0: {  	_ =	task.clear_ibuf [dreg:s6], $0x4FFFF;
	_ =	strace $0x90000046  }
0xb1: {  	s29 =	simm.s32 $0xA;
	_ =	strace $0x80000048  }
0xb2: {  	_ =	swait.ge [sflag:s29], $0x1  }
0xb3: {  	[sflag:s29] =	ssyncadd.s32 $0xFFFFFFFF  }
0xb4: {  	_ =	strace $0x90000048  }
0xb5: {  	_ =	sfence  }
0xb6: {  	s30 =	sld [smem:$0x0];
	_ =	sdelay $0x2  }
0xb7: {  	s31 =	sshll.u32 s1, $0xD;
	s1 =	sshrl.u32 s1, $0x2  }
0xb8: {  	s3 =	sand.u32 $0x4000, s31;
	s1 =	sadd.s32 s1, s30  }
0xb9: {  	s0 =	sor.u32 s3, s0;
	s1 =	sshll.u32 s1, $0x11  }
0xba: {  	s0 =	sor.u32 s1, s0  }
0xbb: {  	s0 =	sadd.s32 $0x8F2B, s0  }
0xbc: {  	[sflag:s0] =	ssyncadd.remote.s32 $0x1  }
0xbd: {  	_ =	sfence.sel $0xFFFF  }
0xbe: {  	[dreg:$0x0] =	wrdreg $0xFFFFFFFF;
	(pc) =	sbr.abs _section_cstart, $3  }
0xbf: {  	[dreg:$0x1] =	wrdreg $0xFFFFFFFF  }
0xc0: {  	_ =	task.clear_ibuf [dreg:s6], $0x2FFFF;
	_ =	strace $0x9FFFFFFF  }
0xc1: {  	(tm) =	ssettm $0x7FFFFFFF  }
tec
execute0_lowered:
.L_overlay_start_1:
0x0: {  	(tag) =	ssettag $0x1  }
0x1: {  	v0 =	vimm.s32 $0x0  }
0x2: {  	v1 =	vimm.s32 $0x1780;
	vm0 =	vcmask $0x300;
	v2 =	vimm.s32 $0x3F80  }
0x3: {  	vm1 =	vcmask $0x704;
	v1 =	vsel vm0, $0x0, v1;
	v2 =	vsel vm0, $0x2800, v2  }
0x4: {  	s1 =	srdreg.scid;
	vm15 =	vcmask $0xB08;
	v1 =	vsel vm1, $0x80, v1;
	v2 =	vsel vm1, $0x2880, v2  }
0x5: {  	s0 =	stileid.u32;
	vm4 =	vcmask $0xF0C;
	s4 =	rddreg [dreg:$0x0];
	v1 =	vsel vm15, $0x100, v1;
	v2 =	vsel vm15, $0x2900, v2  }
0x6: {  	vm5 =	vcmask $0x1310;
	s13 =	simm.s32 $0x800;
	s14 =	simm.s32 $0x10000;
	s15 =	simm.s32 $0x3;
	v1 =	vsel vm4, $0x180, v1;
	v2 =	vsel vm4, $0x2980, v2  }
0x7: {  	vm6 =	vcmask $0x1714;
	s16 =	simm.s32 $0x4000;
	s17 =	simm.s32 $0x9000;
	s3 =	sand.u32 $0x1, s1;
	v1 =	vsel vm5, $0x200, v1;
	v2 =	vsel vm5, $0x2A00, v2  }
0x8: {  	vm7 =	vcmask $0x1B18;
	s18 =	simm.s32 $0x1;
	s30 =	sshll.u32 s0, $0x9;
	s2 =	sshll.u32 s3, $0x8;
	v1 =	vsel vm6, $0x280, v1;
	v2 =	vsel vm6, $0x2A80, v2  }
0x9: {  	vm8 =	vcmask $0x1F1C;
	s19 =	simm.s32 $0x2;
	s20 =	simm.s32 $0x0;
	s5 =	sor.u32 s2, s30;
	v1 =	vsel vm7, $0x300, v1;
	v2 =	vsel vm7, $0x2B00, v2  }
0xa: {  	vm9 =	vcmask $0x2320;
	s1 =	rddreg [dreg:$0x1];
	s8 =	sadd.s32 $0x21C00, s4;
	s6 =	sshrl.u32 s5, $0x3;
	v1 =	vsel vm8, $0x380, v1;
	v2 =	vsel vm8, $0x2B80, v2  }
0xb: {  	vm10 =	vcmask $0x2724;
	s3 =	ssub.s32 $0x2, s3;
	s2 =	simm.s32 $0x0;
	s7 =	smul.u32 $0x280, s6;
	v1 =	vsel vm9, $0x1400, v1;
	v2 =	vsel vm9, $0x3C00, v2  }
0xc: {  	vm11 =	vcmask $0x2B28;
	s31 =	sshrl.u32 s3, $0x1;
	[smem:$0x7FF] =	sst s2;
	s6 =	smul.u32 $0x1400, s6;
	v1 =	vsel vm10, $0x1480, v1;
	v2 =	vsel vm10, $0x3C80, v2  }
0xd: {  	vm12 =	vcmask $0x2F2C;
	s5 =	sadd.s32 s5, s4;
	s12 =	ssub.s32 s3, s31;
	_ =	strace $0x80000047;
	v1 =	vsel vm11, $0x1500, v1;
	v2 =	vsel vm11, $0x3D00, v2  }
0xe: {  	vm13 =	vcmask $0x3330;
	s4 =	sadd.s32 $0x1C00, s5;
	s3 =	sadd.s32 s8, s7;
	s6 =	sshrl.u32 s6, $0x3;
	v1 =	vsel vm12, $0x1580, v1;
	v2 =	vsel vm12, $0x3D80, v2  }
0xf: {  	vm14 =	vcmask $0x3734;
	s12 =	smax.u32 s12, $0x1;
	s5 =	sadd.s32 $0xA00, s3;
	s11 =	sadd.s32 s8, s6;
	v1 =	vsel vm13, $0x1600, v1;
	v2 =	vsel vm13, $0x3E00, v2  }
0x10: {  	vm15 =	vcmask $0x3B38;
	s6 =	sadd.s32 $0x1400, s11;
	s7 =	sadd.s32 $0x1E00, s11;
	s8 =	sadd.s32 $0x2800, s11;
	v3 =	vsel vm14, $0x1680, v1;
	v4 =	vsel vm14, $0x3E80, v2  }
0x11: {  	s9 =	sadd.s32 $0x3200, s11;
	s10 =	sadd.s32 $0x3C00, s11;
	s11 =	sadd.s32 $0x4600, s11;
	v1 =	vimm.s32 $0x1;
	v2 =	vsel vm15, $0x1700, v3;
	v3 =	vsel vm15, $0x3F00, v4  }
.LBB2_1:
0x12: {  	[tilespmem:s2], [sflag:$0x3] =	stream.strided.gather [hbm4b:s4+s13], $0x4000, s14, s13, $0x38;
	[tilespmem:$0xE000] =	vst v63  }
0x13: {  	s21 =	simm.s32 $0x0  }
0x14: {  	s21 =	smul.u32 $0x5000, s21  }
0x15: {  	_ =	swait.ge [sflag:s15], $0x4000  }
0x16: {  	s22 =	sand.u32 $0x380, s2;
	[sflag:s15] =	ssyncset.done $0x0;
	s21 =	sshra.s32 s21, $0x2  }
0x17: {  	[sflag:s15] =	ssyncadd.s32 $0xFFFFC000;
	s21 =	sor.u32 s22, s21  }
0x18: {  	[tilespmem:s21+$0x5070] =	vst v0  }
0x19: {  	[tilespmem:s21+$0x4000] =	vst v0  }
0x1a: {  	[tilespmem:s21+$0x4010] =	vst v0  }
0x1b: {  	[tilespmem:s21+$0x4020] =	vst v0  }
0x1c: {  	[tilespmem:s21+$0x4030] =	vst v0  }
0x1d: {  	[tilespmem:s21+$0x4040] =	vst v0  }
0x1e: {  	[tilespmem:s21+$0x4050] =	vst v0  }
0x1f: {  	[tilespmem:s21+$0x4060] =	vst v0  }
0x20: {  	[tilespmem:s21+$0x4070] =	vst v0  }
0x21: {  	[tilespmem:s21+$0x4400] =	vst v0  }
0x22: {  	[tilespmem:s21+$0x4410] =	vst v0  }
0x23: {  	[tilespmem:s21+$0x4420] =	vst v0  }
0x24: {  	[tilespmem:s21+$0x4430] =	vst v0  }
0x25: {  	[tilespmem:s21+$0x4440] =	vst v0  }
0x26: {  	[tilespmem:s21+$0x4450] =	vst v0  }
0x27: {  	[tilespmem:s21+$0x4460] =	vst v0  }
0x28: {  	[tilespmem:s21+$0x4470] =	vst v0  }
0x29: {  	[tilespmem:s21+$0x4800] =	vst v0  }
0x2a: {  	[tilespmem:s21+$0x4810] =	vst v0  }
0x2b: {  	[tilespmem:s21+$0x4820] =	vst v0  }
0x2c: {  	[tilespmem:s21+$0x4830] =	vst v0  }
0x2d: {  	[tilespmem:s21+$0x4840] =	vst v0  }
0x2e: {  	[tilespmem:s21+$0x4850] =	vst v0  }
0x2f: {  	[tilespmem:s21+$0x4860] =	vst v0  }
0x30: {  	[tilespmem:s21+$0x4870] =	vst v0  }
0x31: {  	[tilespmem:s21+$0x4C00] =	vst v0  }
0x32: {  	[tilespmem:s21+$0x4C10] =	vst v0  }
0x33: {  	[tilespmem:s21+$0x4C20] =	vst v0  }
0x34: {  	[tilespmem:s21+$0x4C30] =	vst v0  }
0x35: {  	[tilespmem:s21+$0x4C40] =	vst v0  }
0x36: {  	[tilespmem:s21+$0x4C50] =	vst v0  }
0x37: {  	[tilespmem:s21+$0x4C60] =	vst v0  }
0x38: {  	[tilespmem:s21+$0x4C70] =	vst v0  }
0x39: {  	[tilespmem:s21+$0x5000] =	vst v0  }
0x3a: {  	[tilespmem:s21+$0x5010] =	vst v0  }
0x3b: {  	s24 =	simm.s32 $0x0;
	s23 =	simm.s32 $0x2;
	s22 =	simm.s32 $0x0;
	[tilespmem:s21+$0x5020] =	vst v0  }
.LBB2_2:
0x3c: {  	p0 =	sne.s32 s23, $0x1F;
	s24 =	smul.u32 $0x5000, s24;
	[tilespmem:s21+$0x5030] =	vst v0  }
0x3d: {  	s22 =	sadd.s32 $0x80, s22;
	[tilespmem:s21+$0x5040] =	vst v0  }
0x3e: {  	s25 =	sand.u32 $0x380, s22;
	s24 =	sshra.s32 s24, $0x2;
	[tilespmem:s21+$0x5050] =	vst v0  }
0x3f: {  	[tilespmem:s21+$0x5060] =	vst v0;
	s21 =	sor.u32 s25, s24  }
0x40: {  	[tilespmem:s21+$0x5070] =	vst v0  }
0x41: {  	[tilespmem:s21+$0x4000] =	vst v0  }
0x42: {  	[tilespmem:s21+$0x4010] =	vst v0  }
0x43: {  	[tilespmem:s21+$0x4020] =	vst v0  }
0x44: {  	[tilespmem:s21+$0x4030] =	vst v0  }
0x45: {  	[tilespmem:s21+$0x4040] =	vst v0  }
0x46: {  	[tilespmem:s21+$0x4050] =	vst v0  }
0x47: {  	[tilespmem:s21+$0x4060] =	vst v0  }
0x48: {  	[tilespmem:s21+$0x4070] =	vst v0  }
0x49: {  	[tilespmem:s21+$0x4400] =	vst v0  }
0x4a: {  	[tilespmem:s21+$0x4410] =	vst v0  }
0x4b: {  	[tilespmem:s21+$0x4420] =	vst v0  }
0x4c: {  	[tilespmem:s21+$0x4430] =	vst v0  }
0x4d: {  	[tilespmem:s21+$0x4440] =	vst v0  }
0x4e: {  	[tilespmem:s21+$0x4450] =	vst v0  }
0x4f: {  	[tilespmem:s21+$0x4460] =	vst v0  }
0x50: {  	[tilespmem:s21+$0x4470] =	vst v0  }
0x51: {  	[tilespmem:s21+$0x4800] =	vst v0  }
0x52: {  	[tilespmem:s21+$0x4810] =	vst v0  }
0x53: {  	[tilespmem:s21+$0x4820] =	vst v0  }
0x54: {  	[tilespmem:s21+$0x4830] =	vst v0  }
0x55: {  	[tilespmem:s21+$0x4840] =	vst v0  }
0x56: {  	[tilespmem:s21+$0x4850] =	vst v0  }
0x57: {  	[tilespmem:s21+$0x4860] =	vst v0  }
0x58: {  	[tilespmem:s21+$0x4870] =	vst v0  }
0x59: {  	[tilespmem:s21+$0x4C00] =	vst v0  }
0x5a: {  	[tilespmem:s21+$0x4C10] =	vst v0  }
0x5b: {  	[tilespmem:s21+$0x4C20] =	vst v0  }
0x5c: {  	[tilespmem:s21+$0x4C30] =	vst v0  }
0x5d: {  	[tilespmem:s21+$0x4C40] =	vst v0  }
0x5e: {  	[tilespmem:s21+$0x4C50] =	vst v0  }
.Ltmp0:
0x5f: {  	[tilespmem:s21+$0x4C60] =	vst v0;
	(pc) =	sbr.rel @p0 .LBB2_2-.Ltmp0, $4  }
0x60: {  	[tilespmem:s21+$0x4C70] =	vst v0  }
0x61: {  	[tilespmem:s21+$0x5000] =	vst v0  }
0x62: {  	[tilespmem:s21+$0x5010] =	vst v0  }
0x63: {  	s24 =	sshrl.u32 s23, $0x3;
	s23 =	sadd.s32 $0x1, s23;
	[tilespmem:s21+$0x5020] =	vst v0  }
0x64: {  	s23 =	smul.u32 $0x5000, s24;
	[tilespmem:s21+$0x5030] =	vst v0  }
0x65: {  	[tilespmem:s21+$0x5040] =	vst v0;
	s22 =	sadd.s32 $0x80, s22  }
0x66: {  	[tilespmem:s21+$0x5050] =	vst v0;
	s22 =	sand.u32 $0x380, s22;
	s23 =	sshra.s32 s23, $0x2  }
0x67: {  	[tilespmem:s21+$0x5060] =	vst v0;
	s22 =	sor.u32 s22, s23  }
0x68: {  	[tilespmem:s22+$0x5070] =	vst v0  }
0x69: {  	[tilespmem:s22+$0x4000] =	vst v0  }
0x6a: {  	[tilespmem:s22+$0x4010] =	vst v0  }
0x6b: {  	[tilespmem:s22+$0x4020] =	vst v0  }
0x6c: {  	[tilespmem:s22+$0x4030] =	vst v0  }
0x6d: {  	[tilespmem:s22+$0x4040] =	vst v0  }
0x6e: {  	[tilespmem:s22+$0x4050] =	vst v0  }
0x6f: {  	[tilespmem:s22+$0x4060] =	vst v0  }
0x70: {  	[tilespmem:s22+$0x4070] =	vst v0  }
0x71: {  	[tilespmem:s22+$0x4400] =	vst v0  }
0x72: {  	[tilespmem:s22+$0x4410] =	vst v0  }
0x73: {  	[tilespmem:s22+$0x4420] =	vst v0  }
0x74: {  	[tilespmem:s22+$0x4430] =	vst v0  }
0x75: {  	[tilespmem:s22+$0x4440] =	vst v0  }
0x76: {  	[tilespmem:s22+$0x4450] =	vst v0  }
0x77: {  	[tilespmem:s22+$0x4460] =	vst v0  }
0x78: {  	[tilespmem:s22+$0x4470] =	vst v0  }
0x79: {  	[tilespmem:s22+$0x4800] =	vst v0  }
0x7a: {  	[tilespmem:s22+$0x4810] =	vst v0  }
0x7b: {  	[tilespmem:s22+$0x4820] =	vst v0  }
0x7c: {  	[tilespmem:s22+$0x4830] =	vst v0  }
0x7d: {  	[tilespmem:s22+$0x4840] =	vst v0  }
0x7e: {  	[tilespmem:s22+$0x4850] =	vst v0  }
0x7f: {  	[tilespmem:s22+$0x4860] =	vst v0  }
0x80: {  	[tilespmem:s22+$0x4870] =	vst v0  }
0x81: {  	[tilespmem:s22+$0x4C00] =	vst v0  }
0x82: {  	[tilespmem:s22+$0x4C10] =	vst v0  }
0x83: {  	[tilespmem:s22+$0x4C20] =	vst v0  }
0x84: {  	[tilespmem:s22+$0x4C30] =	vst v0  }
0x85: {  	[tilespmem:s22+$0x4C40] =	vst v0  }
0x86: {  	[tilespmem:s22+$0x4C50] =	vst v0  }
0x87: {  	[tilespmem:s22+$0x4C60] =	vst v0  }
0x88: {  	[tilespmem:s22+$0x4C70] =	vst v0  }
0x89: {  	[tilespmem:s22+$0x5000] =	vst v0  }
0x8a: {  	[tilespmem:s22+$0x5010] =	vst v0  }
0x8b: {  	[tilespmem:s22+$0x5020] =	vst v0  }
0x8c: {  	[tilespmem:s22+$0x5030] =	vst v0  }
0x8d: {  	[tilespmem:s22+$0x5040] =	vst v0  }
0x8e: {  	[tilespmem:s22+$0x5050] =	vst v0  }
0x8f: {  	s21 =	simm.s32 $0x0;
	s23 =	simm.s32 $0x0;
	[tilespmem:s22+$0x5060] =	vst v0;
	s22 =	simm.s32 $0x0  }
.LBB2_4:
0x90: {  	s24 =	sand.u32 $0x3800, s21;
	s25 =	sand.u32 $0x380, s22  }
0x91: {  	s24 =	sor.u32 s25, s24  }
0x92: {  	v4 =	vld [tilespmem:s24+$0x0];
	_ =	sdelay $0x4  }
0x93: {  	v5 =	vshll.u32 v4, $0x3  }
0x94: {  	v4 =	vand.u32 $0x7F, v4;
	v5 =	vand.u32 $0xFFFFFC00, v5  }
0x95: {  	v4 =	vor.u32 v4, v5  }
0x96: {  	v4 =	vadd.s32 v2, v4;
	_ =	sdelay $0x2  }
0x97: {  	p0 =	slt.u32 s23, $0x1E  }
0x98: {  	v5 =	vpsel !p0, $0x10000, v1  }
0x99: {  	[tilespmem:v4+s16+$0x0] =	vst.idx.add.s32.msk $0xffff, v5  }
0x9a: {  	v4 =	vld [tilespmem:s24+$0x10];
	_ =	sdelay $0x4  }
0x9b: {  	v6 =	vshll.u32 v4, $0x3  }
0x9c: {  	v4 =	vand.u32 $0x7F, v4;
	v6 =	vand.u32 $0xFFFFFC00, v6  }
0x9d: {  	v4 =	vor.u32 v4, v6  }
0x9e: {  	p0 =	sne.s32 s23, $0x3B;
	v4 =	vadd.s32 v3, v4  }
.Ltmp1:
0x9f: {  	_ = 	snop;
	(pc) =	sbr.rel @p0 .LBB2_4-.Ltmp1, $2  }
0xa0: {  	_ =	sdelay $0x2  }
0xa1: {  	s22 =	sadd.s32 $0x80, s22;
	s21 =	sadd.s32 $0x100, s21;
	s23 =	sadd.s32 $0x1, s23;
	[tilespmem:v4+s16+$0x0] =	vst.idx.add.s32.msk $0xffff, v5  }
0xa2: {  	s22 =	simm.s32 $0x0  }
0xa3: {  	s21 =	simm.s32 $0x0;
	s22 =	smul.u32 $0x5000, s22  }
0xa4: {  	[hbm4b:s3+s21] =	stream.linear.scatter [tilespmem:s16], [sflag:$0x1], $0x5000, $0x38;
	[tilespmem:$0xE000] =	vst v63  }
0xa5: {  	s23 =	sand.u32 $0x380, s21;
	s22 =	sshra.s32 s22, $0x2  }
0xa6: {  	s22 =	sor.u32 s23, s22  }
0xa7: {  	[tilespmem:s22+$0xA070] =	vst v0  }
0xa8: {  	[tilespmem:s22+$0x9000] =	vst v0  }
0xa9: {  	[tilespmem:s22+$0x9010] =	vst v0  }
0xaa: {  	[tilespmem:s22+$0x9020] =	vst v0  }
0xab: {  	[tilespmem:s22+$0x9030] =	vst v0  }
0xac: {  	[tilespmem:s22+$0x9040] =	vst v0  }
0xad: {  	[tilespmem:s22+$0x9050] =	vst v0  }
0xae: {  	[tilespmem:s22+$0x9060] =	vst v0  }
0xaf: {  	[tilespmem:s22+$0x9070] =	vst v0  }
0xb0: {  	[tilespmem:s22+$0x9400] =	vst v0  }
0xb1: {  	[tilespmem:s22+$0x9410] =	vst v0  }
0xb2: {  	[tilespmem:s22+$0x9420] =	vst v0  }
0xb3: {  	[tilespmem:s22+$0x9430] =	vst v0  }
0xb4: {  	[tilespmem:s22+$0x9440] =	vst v0  }
0xb5: {  	[tilespmem:s22+$0x9450] =	vst v0  }
0xb6: {  	[tilespmem:s22+$0x9460] =	vst v0  }
0xb7: {  	[tilespmem:s22+$0x9470] =	vst v0  }
0xb8: {  	[tilespmem:s22+$0x9800] =	vst v0  }
0xb9: {  	[tilespmem:s22+$0x9810] =	vst v0  }
0xba: {  	[tilespmem:s22+$0x9820] =	vst v0  }
0xbb: {  	[tilespmem:s22+$0x9830] =	vst v0  }
0xbc: {  	[tilespmem:s22+$0x9840] =	vst v0  }
0xbd: {  	[tilespmem:s22+$0x9850] =	vst v0  }
0xbe: {  	[tilespmem:s22+$0x9860] =	vst v0  }
0xbf: {  	[tilespmem:s22+$0x9870] =	vst v0  }
0xc0: {  	[tilespmem:s22+$0x9C00] =	vst v0  }
0xc1: {  	[tilespmem:s22+$0x9C10] =	vst v0  }
0xc2: {  	[tilespmem:s22+$0x9C20] =	vst v0  }
0xc3: {  	[tilespmem:s22+$0x9C30] =	vst v0  }
0xc4: {  	[tilespmem:s22+$0x9C40] =	vst v0  }
0xc5: {  	[tilespmem:s22+$0x9C50] =	vst v0  }
0xc6: {  	[tilespmem:s22+$0x9C60] =	vst v0  }
0xc7: {  	[tilespmem:s22+$0x9C70] =	vst v0  }
0xc8: {  	[tilespmem:s22+$0xA000] =	vst v0  }
0xc9: {  	[tilespmem:s22+$0xA010] =	vst v0  }
0xca: {  	s25 =	simm.s32 $0x0;
	s24 =	simm.s32 $0x2;
	s23 =	simm.s32 $0x0;
	[tilespmem:s22+$0xA020] =	vst v0  }
.LBB2_6:
0xcb: {  	p0 =	sne.s32 s24, $0x1F;
	s25 =	smul.u32 $0x5000, s25;
	[tilespmem:s22+$0xA030] =	vst v0  }
0xcc: {  	s23 =	sadd.s32 $0x80, s23;
	[tilespmem:s22+$0xA040] =	vst v0  }
0xcd: {  	s26 =	sand.u32 $0x380, s23;
	s25 =	sshra.s32 s25, $0x2;
	[tilespmem:s22+$0xA050] =	vst v0  }
0xce: {  	[tilespmem:s22+$0xA060] =	vst v0;
	s22 =	sor.u32 s26, s25  }
0xcf: {  	[tilespmem:s22+$0xA070] =	vst v0  }
0xd0: {  	[tilespmem:s22+$0x9000] =	vst v0  }
0xd1: {  	[tilespmem:s22+$0x9010] =	vst v0  }
0xd2: {  	[tilespmem:s22+$0x9020] =	vst v0  }
0xd3: {  	[tilespmem:s22+$0x9030] =	vst v0  }
0xd4: {  	[tilespmem:s22+$0x9040] =	vst v0  }
0xd5: {  	[tilespmem:s22+$0x9050] =	vst v0  }
0xd6: {  	[tilespmem:s22+$0x9060] =	vst v0  }
0xd7: {  	[tilespmem:s22+$0x9070] =	vst v0  }
0xd8: {  	[tilespmem:s22+$0x9400] =	vst v0  }
0xd9: {  	[tilespmem:s22+$0x9410] =	vst v0  }
0xda: {  	[tilespmem:s22+$0x9420] =	vst v0  }
0xdb: {  	[tilespmem:s22+$0x9430] =	vst v0  }
0xdc: {  	[tilespmem:s22+$0x9440] =	vst v0  }
0xdd: {  	[tilespmem:s22+$0x9450] =	vst v0  }
0xde: {  	[tilespmem:s22+$0x9460] =	vst v0  }
0xdf: {  	[tilespmem:s22+$0x9470] =	vst v0  }
0xe0: {  	[tilespmem:s22+$0x9800] =	vst v0  }
0xe1: {  	[tilespmem:s22+$0x9810] =	vst v0  }
0xe2: {  	[tilespmem:s22+$0x9820] =	vst v0  }
0xe3: {  	[tilespmem:s22+$0x9830] =	vst v0  }
0xe4: {  	[tilespmem:s22+$0x9840] =	vst v0  }
0xe5: {  	[tilespmem:s22+$0x9850] =	vst v0  }
0xe6: {  	[tilespmem:s22+$0x9860] =	vst v0  }
0xe7: {  	[tilespmem:s22+$0x9870] =	vst v0  }
0xe8: {  	[tilespmem:s22+$0x9C00] =	vst v0  }
0xe9: {  	[tilespmem:s22+$0x9C10] =	vst v0  }
0xea: {  	[tilespmem:s22+$0x9C20] =	vst v0  }
0xeb: {  	[tilespmem:s22+$0x9C30] =	vst v0  }
0xec: {  	[tilespmem:s22+$0x9C40] =	vst v0  }
0xed: {  	[tilespmem:s22+$0x9C50] =	vst v0  }
.Ltmp2:
0xee: {  	[tilespmem:s22+$0x9C60] =	vst v0;
	(pc) =	sbr.rel @p0 .LBB2_6-.Ltmp2, $4  }
0xef: {  	[tilespmem:s22+$0x9C70] =	vst v0  }
0xf0: {  	[tilespmem:s22+$0xA000] =	vst v0  }
0xf1: {  	[tilespmem:s22+$0xA010] =	vst v0  }
0xf2: {  	s25 =	sshrl.u32 s24, $0x3;
	s24 =	sadd.s32 $0x1, s24;
	[tilespmem:s22+$0xA020] =	vst v0  }
0xf3: {  	s24 =	smul.u32 $0x5000, s25;
	[tilespmem:s22+$0xA030] =	vst v0  }
0xf4: {  	[tilespmem:s22+$0xA040] =	vst v0;
	s23 =	sadd.s32 $0x80, s23  }
0xf5: {  	[tilespmem:s22+$0xA050] =	vst v0;
	s23 =	sand.u32 $0x380, s23;
	s24 =	sshra.s32 s24, $0x2  }
0xf6: {  	[tilespmem:s22+$0xA060] =	vst v0;
	s23 =	sor.u32 s23, s24  }
0xf7: {  	[tilespmem:s23+$0xA070] =	vst v0  }
0xf8: {  	[tilespmem:s23+$0x9000] =	vst v0  }
0xf9: {  	[tilespmem:s23+$0x9010] =	vst v0  }
0xfa: {  	[tilespmem:s23+$0x9020] =	vst v0  }
0xfb: {  	[tilespmem:s23+$0x9030] =	vst v0  }
0xfc: {  	[tilespmem:s23+$0x9040] =	vst v0  }
0xfd: {  	[tilespmem:s23+$0x9050] =	vst v0  }
0xfe: {  	[tilespmem:s23+$0x9060] =	vst v0  }
0xff: {  	[tilespmem:s23+$0x9070] =	vst v0  }
0x100: {  	[tilespmem:s23+$0x9400] =	vst v0  }
0x101: {  	[tilespmem:s23+$0x9410] =	vst v0  }
0x102: {  	[tilespmem:s23+$0x9420] =	vst v0  }
0x103: {  	[tilespmem:s23+$0x9430] =	vst v0  }
0x104: {  	[tilespmem:s23+$0x9440] =	vst v0  }
0x105: {  	[tilespmem:s23+$0x9450] =	vst v0  }
0x106: {  	[tilespmem:s23+$0x9460] =	vst v0  }
0x107: {  	[tilespmem:s23+$0x9470] =	vst v0  }
0x108: {  	[tilespmem:s23+$0x9800] =	vst v0  }
0x109: {  	[tilespmem:s23+$0x9810] =	vst v0  }
0x10a: {  	[tilespmem:s23+$0x9820] =	vst v0  }
0x10b: {  	[tilespmem:s23+$0x9830] =	vst v0  }
0x10c: {  	[tilespmem:s23+$0x9840] =	vst v0  }
0x10d: {  	[tilespmem:s23+$0x9850] =	vst v0  }
0x10e: {  	[tilespmem:s23+$0x9860] =	vst v0  }
0x10f: {  	[tilespmem:s23+$0x9870] =	vst v0  }
0x110: {  	[tilespmem:s23+$0x9C00] =	vst v0  }
0x111: {  	[tilespmem:s23+$0x9C10] =	vst v0  }
0x112: {  	[tilespmem:s23+$0x9C20] =	vst v0  }
0x113: {  	[tilespmem:s23+$0x9C30] =	vst v0  }
0x114: {  	[tilespmem:s23+$0x9C40] =	vst v0  }
0x115: {  	[tilespmem:s23+$0x9C50] =	vst v0  }
0x116: {  	[tilespmem:s23+$0x9C60] =	vst v0  }
0x117: {  	[tilespmem:s23+$0x9C70] =	vst v0  }
0x118: {  	[tilespmem:s23+$0xA000] =	vst v0  }
0x119: {  	[tilespmem:s23+$0xA010] =	vst v0  }
0x11a: {  	[tilespmem:s23+$0xA020] =	vst v0  }
0x11b: {  	[tilespmem:s23+$0xA030] =	vst v0  }
0x11c: {  	[tilespmem:s23+$0xA040] =	vst v0  }
0x11d: {  	[tilespmem:s23+$0xA050] =	vst v0  }
0x11e: {  	s22 =	simm.s32 $0x0;
	[tilespmem:s23+$0xA060] =	vst v0;
	s23 =	simm.s32 $0x0  }
.LBB2_8:
0x11f: {  	s24 =	sand.u32 $0x3800, s21;
	s25 =	sand.u32 $0x380, s22  }
0x120: {  	s24 =	sor.u32 s25, s24  }
0x121: {  	v4 =	vld [tilespmem:s24+$0x20];
	_ =	sdelay $0x4  }
0x122: {  	v5 =	vshll.u32 v4, $0x3  }
0x123: {  	v4 =	vand.u32 $0x7F, v4;
	v5 =	vand.u32 $0xFFFFFC00, v5  }
0x124: {  	v4 =	vor.u32 v4, v5  }
0x125: {  	v4 =	vadd.s32 v2, v4;
	_ =	sdelay $0x2  }
0x126: {  	p0 =	slt.u32 s23, $0x1E  }
0x127: {  	v5 =	vpsel !p0, $0x10000, v1  }
0x128: {  	[tilespmem:v4+s17+$0x0] =	vst.idx.add.s32.msk $0xffff, v5  }
0x129: {  	v4 =	vld [tilespmem:s24+$0x30];
	_ =	sdelay $0x4  }
0x12a: {  	v6 =	vshll.u32 v4, $0x3  }
0x12b: {  	v4 =	vand.u32 $0x7F, v4;
	v6 =	vand.u32 $0xFFFFFC00, v6  }
0x12c: {  	v4 =	vor.u32 v4, v6  }
0x12d: {  	p0 =	sne.s32 s23, $0x3B;
	v4 =	vadd.s32 v3, v4  }
.Ltmp3:
0x12e: {  	_ = 	snop;
	(pc) =	sbr.rel @p0 .LBB2_8-.Ltmp3, $2  }
0x12f: {  	_ =	sdelay $0x2  }
0x130: {  	s22 =	sadd.s32 $0x80, s22;
	s21 =	sadd.s32 $0x100, s21;
	s23 =	sadd.s32 $0x1, s23;
	[tilespmem:v4+s17+$0x0] =	vst.idx.add.s32.msk $0xffff, v5  }
0x131: {  	s21 =	simm.s32 $0x0;
	s22 =	simm.s32 $0x0  }
0x132: {  	[hbm4b:s5+s21] =	stream.linear.scatter [tilespmem:s17], [sflag:$0x2], $0x5000, $0x38;
	[tilespmem:$0xE000] =	vst v63  }
0x133: {  	s22 =	smul.u32 $0x5000, s22  }
0x134: {  	_ =	swait.ge [sflag:s18], $0x5000  }
0x135: {  	s23 =	sand.u32 $0x380, s21;
	[sflag:s18] =	ssyncset.done $0x0;
	s22 =	sshra.s32 s22, $0x2  }
0x136: {  	[sflag:s18] =	ssyncadd.s32 $0xFFFFB000;
	s22 =	sor.u32 s23, s22  }
0x137: {  	[tilespmem:s22+$0x5070] =	vst v0  }
0x138: {  	[tilespmem:s22+$0x4000] =	vst v0  }
0x139: {  	[tilespmem:s22+$0x4010] =	vst v0  }
0x13a: {  	[tilespmem:s22+$0x4020] =	vst v0  }
0x13b: {  	[tilespmem:s22+$0x4030] =	vst v0  }
0x13c: {  	[tilespmem:s22+$0x4040] =	vst v0  }
0x13d: {  	[tilespmem:s22+$0x4050] =	vst v0  }
0x13e: {  	[tilespmem:s22+$0x4060] =	vst v0  }
0x13f: {  	[tilespmem:s22+$0x4070] =	vst v0  }
0x140: {  	[tilespmem:s22+$0x4400] =	vst v0  }
0x141: {  	[tilespmem:s22+$0x4410] =	vst v0  }
0x142: {  	[tilespmem:s22+$0x4420] =	vst v0  }
0x143: {  	[tilespmem:s22+$0x4430] =	vst v0  }
0x144: {  	[tilespmem:s22+$0x4440] =	vst v0  }
0x145: {  	[tilespmem:s22+$0x4450] =	vst v0  }
0x146: {  	[tilespmem:s22+$0x4460] =	vst v0  }
0x147: {  	[tilespmem:s22+$0x4470] =	vst v0  }
0x148: {  	[tilespmem:s22+$0x4800] =	vst v0  }
0x149: {  	[tilespmem:s22+$0x4810] =	vst v0  }
0x14a: {  	[tilespmem:s22+$0x4820] =	vst v0  }
0x14b: {  	[tilespmem:s22+$0x4830] =	vst v0  }
0x14c: {  	[tilespmem:s22+$0x4840] =	vst v0  }
0x14d: {  	[tilespmem:s22+$0x4850] =	vst v0  }
0x14e: {  	[tilespmem:s22+$0x4860] =	vst v0  }
0x14f: {  	[tilespmem:s22+$0x4870] =	vst v0  }
0x150: {  	[tilespmem:s22+$0x4C00] =	vst v0  }
0x151: {  	[tilespmem:s22+$0x4C10] =	vst v0  }
0x152: {  	[tilespmem:s22+$0x4C20] =	vst v0  }
0x153: {  	[tilespmem:s22+$0x4C30] =	vst v0  }
0x154: {  	[tilespmem:s22+$0x4C40] =	vst v0  }
0x155: {  	[tilespmem:s22+$0x4C50] =	vst v0  }
0x156: {  	[tilespmem:s22+$0x4C60] =	vst v0  }
0x157: {  	[tilespmem:s22+$0x4C70] =	vst v0  }
0x158: {  	[tilespmem:s22+$0x5000] =	vst v0  }
0x159: {  	[tilespmem:s22+$0x5010] =	vst v0  }
0x15a: {  	s25 =	simm.s32 $0x0;
	s24 =	simm.s32 $0x2;
	s23 =	simm.s32 $0x0;
	[tilespmem:s22+$0x5020] =	vst v0  }
.LBB2_10:
0x15b: {  	p0 =	sne.s32 s24, $0x1F;
	s25 =	smul.u32 $0x5000, s25;
	[tilespmem:s22+$0x5030] =	vst v0  }
0x15c: {  	s23 =	sadd.s32 $0x80, s23;
	[tilespmem:s22+$0x5040] =	vst v0  }
0x15d: {  	s26 =	sand.u32 $0x380, s23;
	s25 =	sshra.s32 s25, $0x2;
	[tilespmem:s22+$0x5050] =	vst v0  }
0x15e: {  	[tilespmem:s22+$0x5060] =	vst v0;
	s22 =	sor.u32 s26, s25  }
0x15f: {  	[tilespmem:s22+$0x5070] =	vst v0  }
0x160: {  	[tilespmem:s22+$0x4000] =	vst v0  }
0x161: {  	[tilespmem:s22+$0x4010] =	vst v0  }
0x162: {  	[tilespmem:s22+$0x4020] =	vst v0  }
0x163: {  	[tilespmem:s22+$0x4030] =	vst v0  }
0x164: {  	[tilespmem:s22+$0x4040] =	vst v0  }
0x165: {  	[tilespmem:s22+$0x4050] =	vst v0  }
0x166: {  	[tilespmem:s22+$0x4060] =	vst v0  }
0x167: {  	[tilespmem:s22+$0x4070] =	vst v0  }
0x168: {  	[tilespmem:s22+$0x4400] =	vst v0  }
0x169: {  	[tilespmem:s22+$0x4410] =	vst v0  }
0x16a: {  	[tilespmem:s22+$0x4420] =	vst v0  }
0x16b: {  	[tilespmem:s22+$0x4430] =	vst v0  }
0x16c: {  	[tilespmem:s22+$0x4440] =	vst v0  }
0x16d: {  	[tilespmem:s22+$0x4450] =	vst v0  }
0x16e: {  	[tilespmem:s22+$0x4460] =	vst v0  }
0x16f: {  	[tilespmem:s22+$0x4470] =	vst v0  }
0x170: {  	[tilespmem:s22+$0x4800] =	vst v0  }
0x171: {  	[tilespmem:s22+$0x4810] =	vst v0  }
0x172: {  	[tilespmem:s22+$0x4820] =	vst v0  }
0x173: {  	[tilespmem:s22+$0x4830] =	vst v0  }
0x174: {  	[tilespmem:s22+$0x4840] =	vst v0  }
0x175: {  	[tilespmem:s22+$0x4850] =	vst v0  }
0x176: {  	[tilespmem:s22+$0x4860] =	vst v0  }
0x177: {  	[tilespmem:s22+$0x4870] =	vst v0  }
0x178: {  	[tilespmem:s22+$0x4C00] =	vst v0  }
0x179: {  	[tilespmem:s22+$0x4C10] =	vst v0  }
0x17a: {  	[tilespmem:s22+$0x4C20] =	vst v0  }
0x17b: {  	[tilespmem:s22+$0x4C30] =	vst v0  }
0x17c: {  	[tilespmem:s22+$0x4C40] =	vst v0  }
0x17d: {  	[tilespmem:s22+$0x4C50] =	vst v0  }
.Ltmp4:
0x17e: {  	[tilespmem:s22+$0x4C60] =	vst v0;
	(pc) =	sbr.rel @p0 .LBB2_10-.Ltmp4, $4  }
0x17f: {  	[tilespmem:s22+$0x4C70] =	vst v0  }
0x180: {  	[tilespmem:s22+$0x5000] =	vst v0  }
0x181: {  	[tilespmem:s22+$0x5010] =	vst v0  }
0x182: {  	s25 =	sshrl.u32 s24, $0x3;
	s24 =	sadd.s32 $0x1, s24;
	[tilespmem:s22+$0x5020] =	vst v0  }
0x183: {  	s24 =	smul.u32 $0x5000, s25;
	[tilespmem:s22+$0x5030] =	vst v0  }
0x184: {  	[tilespmem:s22+$0x5040] =	vst v0;
	s23 =	sadd.s32 $0x80, s23  }
0x185: {  	[tilespmem:s22+$0x5050] =	vst v0;
	s23 =	sand.u32 $0x380, s23;
	s24 =	sshra.s32 s24, $0x2  }
0x186: {  	[tilespmem:s22+$0x5060] =	vst v0;
	s23 =	sor.u32 s23, s24  }
0x187: {  	[tilespmem:s23+$0x5070] =	vst v0  }
0x188: {  	[tilespmem:s23+$0x4000] =	vst v0  }
0x189: {  	[tilespmem:s23+$0x4010] =	vst v0  }
0x18a: {  	[tilespmem:s23+$0x4020] =	vst v0  }
0x18b: {  	[tilespmem:s23+$0x4030] =	vst v0  }
0x18c: {  	[tilespmem:s23+$0x4040] =	vst v0  }
0x18d: {  	[tilespmem:s23+$0x4050] =	vst v0  }
0x18e: {  	[tilespmem:s23+$0x4060] =	vst v0  }
0x18f: {  	[tilespmem:s23+$0x4070] =	vst v0  }
0x190: {  	[tilespmem:s23+$0x4400] =	vst v0  }
0x191: {  	[tilespmem:s23+$0x4410] =	vst v0  }
0x192: {  	[tilespmem:s23+$0x4420] =	vst v0  }
0x193: {  	[tilespmem:s23+$0x4430] =	vst v0  }
0x194: {  	[tilespmem:s23+$0x4440] =	vst v0  }
0x195: {  	[tilespmem:s23+$0x4450] =	vst v0  }
0x196: {  	[tilespmem:s23+$0x4460] =	vst v0  }
0x197: {  	[tilespmem:s23+$0x4470] =	vst v0  }
0x198: {  	[tilespmem:s23+$0x4800] =	vst v0  }
0x199: {  	[tilespmem:s23+$0x4810] =	vst v0  }
0x19a: {  	[tilespmem:s23+$0x4820] =	vst v0  }
0x19b: {  	[tilespmem:s23+$0x4830] =	vst v0  }
0x19c: {  	[tilespmem:s23+$0x4840] =	vst v0  }
0x19d: {  	[tilespmem:s23+$0x4850] =	vst v0  }
0x19e: {  	[tilespmem:s23+$0x4860] =	vst v0  }
0x19f: {  	[tilespmem:s23+$0x4870] =	vst v0  }
0x1a0: {  	[tilespmem:s23+$0x4C00] =	vst v0  }
0x1a1: {  	[tilespmem:s23+$0x4C10] =	vst v0  }
0x1a2: {  	[tilespmem:s23+$0x4C20] =	vst v0  }
0x1a3: {  	[tilespmem:s23+$0x4C30] =	vst v0  }
0x1a4: {  	[tilespmem:s23+$0x4C40] =	vst v0  }
0x1a5: {  	[tilespmem:s23+$0x4C50] =	vst v0  }
0x1a6: {  	[tilespmem:s23+$0x4C60] =	vst v0  }
0x1a7: {  	[tilespmem:s23+$0x4C70] =	vst v0  }
0x1a8: {  	[tilespmem:s23+$0x5000] =	vst v0  }
0x1a9: {  	[tilespmem:s23+$0x5010] =	vst v0  }
0x1aa: {  	[tilespmem:s23+$0x5020] =	vst v0  }
0x1ab: {  	[tilespmem:s23+$0x5030] =	vst v0  }
0x1ac: {  	[tilespmem:s23+$0x5040] =	vst v0  }
0x1ad: {  	[tilespmem:s23+$0x5050] =	vst v0  }
0x1ae: {  	s22 =	simm.s32 $0x0;
	[tilespmem:s23+$0x5060] =	vst v0;
	s23 =	simm.s32 $0x0  }
.LBB2_12:
0x1af: {  	s24 =	sand.u32 $0x3800, s21;
	s25 =	sand.u32 $0x380, s22  }
0x1b0: {  	s24 =	sor.u32 s25, s24  }
0x1b1: {  	v4 =	vld [tilespmem:s24+$0x40];
	_ =	sdelay $0x4  }
0x1b2: {  	v5 =	vshll.u32 v4, $0x3  }
0x1b3: {  	v4 =	vand.u32 $0x7F, v4;
	v5 =	vand.u32 $0xFFFFFC00, v5  }
0x1b4: {  	v4 =	vor.u32 v4, v5  }
0x1b5: {  	v4 =	vadd.s32 v2, v4;
	_ =	sdelay $0x2  }
0x1b6: {  	p0 =	slt.u32 s23, $0x1E  }
0x1b7: {  	v5 =	vpsel !p0, $0x10000, v1  }
0x1b8: {  	[tilespmem:v4+s16+$0x0] =	vst.idx.add.s32.msk $0xffff, v5  }
0x1b9: {  	v4 =	vld [tilespmem:s24+$0x50];
	_ =	sdelay $0x4  }
0x1ba: {  	v6 =	vshll.u32 v4, $0x3  }
0x1bb: {  	v4 =	vand.u32 $0x7F, v4;
	v6 =	vand.u32 $0xFFFFFC00, v6  }
0x1bc: {  	v4 =	vor.u32 v4, v6  }
0x1bd: {  	p0 =	sne.s32 s23, $0x3B;
	v4 =	vadd.s32 v3, v4  }
.Ltmp5:
0x1be: {  	_ = 	snop;
	(pc) =	sbr.rel @p0 .LBB2_12-.Ltmp5, $2  }
0x1bf: {  	_ =	sdelay $0x2  }
0x1c0: {  	s22 =	sadd.s32 $0x80, s22;
	s21 =	sadd.s32 $0x100, s21;
	s23 =	sadd.s32 $0x1, s23;
	[tilespmem:v4+s16+$0x0] =	vst.idx.add.s32.msk $0xffff, v5  }
0x1c1: {  	s21 =	simm.s32 $0x0;
	s22 =	simm.s32 $0x0  }
0x1c2: {  	[hbm4b:s6+s21] =	stream.linear.scatter [tilespmem:s16], [sflag:$0x1], $0x5000, $0x38;
	[tilespmem:$0xE000] =	vst v63  }
0x1c3: {  	s22 =	smul.u32 $0x5000, s22  }
0x1c4: {  	_ =	swait.ge [sflag:s19], $0x5000  }
0x1c5: {  	s23 =	sand.u32 $0x380, s21;
	[sflag:s19] =	ssyncset.done $0x0;
	s22 =	sshra.s32 s22, $0x2  }
0x1c6: {  	[sflag:s19] =	ssyncadd.s32 $0xFFFFB000;
	s22 =	sor.u32 s23, s22  }
0x1c7: {  	[tilespmem:s22+$0xA070] =	vst v0  }
0x1c8: {  	[tilespmem:s22+$0x9000] =	vst v0  }
0x1c9: {  	[tilespmem:s22+$0x9010] =	vst v0  }
0x1ca: {  	[tilespmem:s22+$0x9020] =	vst v0  }
0x1cb: {  	[tilespmem:s22+$0x9030] =	vst v0  }
0x1cc: {  	[tilespmem:s22+$0x9040] =	vst v0  }
0x1cd: {  	[tilespmem:s22+$0x9050] =	vst v0  }
0x1ce: {  	[tilespmem:s22+$0x9060] =	vst v0  }
0x1cf: {  	[tilespmem:s22+$0x9070] =	vst v0  }
0x1d0: {  	[tilespmem:s22+$0x9400] =	vst v0  }
0x1d1: {  	[tilespmem:s22+$0x9410] =	vst v0  }
0x1d2: {  	[tilespmem:s22+$0x9420] =	vst v0  }
0x1d3: {  	[tilespmem:s22+$0x9430] =	vst v0  }
0x1d4: {  	[tilespmem:s22+$0x9440] =	vst v0  }
0x1d5: {  	[tilespmem:s22+$0x9450] =	vst v0  }
0x1d6: {  	[tilespmem:s22+$0x9460] =	vst v0  }
0x1d7: {  	[tilespmem:s22+$0x9470] =	vst v0  }
0x1d8: {  	[tilespmem:s22+$0x9800] =	vst v0  }
0x1d9: {  	[tilespmem:s22+$0x9810] =	vst v0  }
0x1da: {  	[tilespmem:s22+$0x9820] =	vst v0  }
0x1db: {  	[tilespmem:s22+$0x9830] =	vst v0  }
0x1dc: {  	[tilespmem:s22+$0x9840] =	vst v0  }
0x1dd: {  	[tilespmem:s22+$0x9850] =	vst v0  }
0x1de: {  	[tilespmem:s22+$0x9860] =	vst v0  }
0x1df: {  	[tilespmem:s22+$0x9870] =	vst v0  }
0x1e0: {  	[tilespmem:s22+$0x9C00] =	vst v0  }
0x1e1: {  	[tilespmem:s22+$0x9C10] =	vst v0  }
0x1e2: {  	[tilespmem:s22+$0x9C20] =	vst v0  }
0x1e3: {  	[tilespmem:s22+$0x9C30] =	vst v0  }
0x1e4: {  	[tilespmem:s22+$0x9C40] =	vst v0  }
0x1e5: {  	[tilespmem:s22+$0x9C50] =	vst v0  }
0x1e6: {  	[tilespmem:s22+$0x9C60] =	vst v0  }
0x1e7: {  	[tilespmem:s22+$0x9C70] =	vst v0  }
0x1e8: {  	[tilespmem:s22+$0xA000] =	vst v0  }
0x1e9: {  	[tilespmem:s22+$0xA010] =	vst v0  }
0x1ea: {  	s25 =	simm.s32 $0x0;
	s24 =	simm.s32 $0x2;
	s23 =	simm.s32 $0x0;
	[tilespmem:s22+$0xA020] =	vst v0  }
.LBB2_14:
0x1eb: {  	p0 =	sne.s32 s24, $0x1F;
	s25 =	smul.u32 $0x5000, s25;
	[tilespmem:s22+$0xA030] =	vst v0  }
0x1ec: {  	s23 =	sadd.s32 $0x80, s23;
	[tilespmem:s22+$0xA040] =	vst v0  }
0x1ed: {  	s26 =	sand.u32 $0x380, s23;
	s25 =	sshra.s32 s25, $0x2;
	[tilespmem:s22+$0xA050] =	vst v0  }
0x1ee: {  	[tilespmem:s22+$0xA060] =	vst v0;
	s22 =	sor.u32 s26, s25  }
0x1ef: {  	[tilespmem:s22+$0xA070] =	vst v0  }
0x1f0: {  	[tilespmem:s22+$0x9000] =	vst v0  }
0x1f1: {  	[tilespmem:s22+$0x9010] =	vst v0  }
0x1f2: {  	[tilespmem:s22+$0x9020] =	vst v0  }
0x1f3: {  	[tilespmem:s22+$0x9030] =	vst v0  }
0x1f4: {  	[tilespmem:s22+$0x9040] =	vst v0  }
0x1f5: {  	[tilespmem:s22+$0x9050] =	vst v0  }
0x1f6: {  	[tilespmem:s22+$0x9060] =	vst v0  }
0x1f7: {  	[tilespmem:s22+$0x9070] =	vst v0  }
0x1f8: {  	[tilespmem:s22+$0x9400] =	vst v0  }
0x1f9: {  	[tilespmem:s22+$0x9410] =	vst v0  }
0x1fa: {  	[tilespmem:s22+$0x9420] =	vst v0  }
0x1fb: {  	[tilespmem:s22+$0x9430] =	vst v0  }
0x1fc: {  	[tilespmem:s22+$0x9440] =	vst v0  }
0x1fd: {  	[tilespmem:s22+$0x9450] =	vst v0  }
0x1fe: {  	[tilespmem:s22+$0x9460] =	vst v0  }
0x1ff: {  	[tilespmem:s22+$0x9470] =	vst v0  }
0x200: {  	[tilespmem:s22+$0x9800] =	vst v0  }
0x201: {  	[tilespmem:s22+$0x9810] =	vst v0  }
0x202: {  	[tilespmem:s22+$0x9820] =	vst v0  }
0x203: {  	[tilespmem:s22+$0x9830] =	vst v0  }
0x204: {  	[tilespmem:s22+$0x9840] =	vst v0  }
0x205: {  	[tilespmem:s22+$0x9850] =	vst v0  }
0x206: {  	[tilespmem:s22+$0x9860] =	vst v0  }
0x207: {  	[tilespmem:s22+$0x9870] =	vst v0  }
0x208: {  	[tilespmem:s22+$0x9C00] =	vst v0  }
0x209: {  	[tilespmem:s22+$0x9C10] =	vst v0  }
0x20a: {  	[tilespmem:s22+$0x9C20] =	vst v0  }
0x20b: {  	[tilespmem:s22+$0x9C30] =	vst v0  }
0x20c: {  	[tilespmem:s22+$0x9C40] =	vst v0  }
0x20d: {  	[tilespmem:s22+$0x9C50] =	vst v0  }
.Ltmp6:
0x20e: {  	[tilespmem:s22+$0x9C60] =	vst v0;
	(pc) =	sbr.rel @p0 .LBB2_14-.Ltmp6, $4  }
0x20f: {  	[tilespmem:s22+$0x9C70] =	vst v0  }
0x210: {  	[tilespmem:s22+$0xA000] =	vst v0  }
0x211: {  	[tilespmem:s22+$0xA010] =	vst v0  }
0x212: {  	s25 =	sshrl.u32 s24, $0x3;
	s24 =	sadd.s32 $0x1, s24;
	[tilespmem:s22+$0xA020] =	vst v0  }
0x213: {  	s24 =	smul.u32 $0x5000, s25;
	[tilespmem:s22+$0xA030] =	vst v0  }
0x214: {  	[tilespmem:s22+$0xA040] =	vst v0;
	s23 =	sadd.s32 $0x80, s23  }
0x215: {  	[tilespmem:s22+$0xA050] =	vst v0;
	s23 =	sand.u32 $0x380, s23;
	s24 =	sshra.s32 s24, $0x2  }
0x216: {  	[tilespmem:s22+$0xA060] =	vst v0;
	s23 =	sor.u32 s23, s24  }
0x217: {  	[tilespmem:s23+$0xA070] =	vst v0  }
0x218: {  	[tilespmem:s23+$0x9000] =	vst v0  }
0x219: {  	[tilespmem:s23+$0x9010] =	vst v0  }
0x21a: {  	[tilespmem:s23+$0x9020] =	vst v0  }
0x21b: {  	[tilespmem:s23+$0x9030] =	vst v0  }
0x21c: {  	[tilespmem:s23+$0x9040] =	vst v0  }
0x21d: {  	[tilespmem:s23+$0x9050] =	vst v0  }
0x21e: {  	[tilespmem:s23+$0x9060] =	vst v0  }
0x21f: {  	[tilespmem:s23+$0x9070] =	vst v0  }
0x220: {  	[tilespmem:s23+$0x9400] =	vst v0  }
0x221: {  	[tilespmem:s23+$0x9410] =	vst v0  }
0x222: {  	[tilespmem:s23+$0x9420] =	vst v0  }
0x223: {  	[tilespmem:s23+$0x9430] =	vst v0  }
0x224: {  	[tilespmem:s23+$0x9440] =	vst v0  }
0x225: {  	[tilespmem:s23+$0x9450] =	vst v0  }
0x226: {  	[tilespmem:s23+$0x9460] =	vst v0  }
0x227: {  	[tilespmem:s23+$0x9470] =	vst v0  }
0x228: {  	[tilespmem:s23+$0x9800] =	vst v0  }
0x229: {  	[tilespmem:s23+$0x9810] =	vst v0  }
0x22a: {  	[tilespmem:s23+$0x9820] =	vst v0  }
0x22b: {  	[tilespmem:s23+$0x9830] =	vst v0  }
0x22c: {  	[tilespmem:s23+$0x9840] =	vst v0  }
0x22d: {  	[tilespmem:s23+$0x9850] =	vst v0  }
0x22e: {  	[tilespmem:s23+$0x9860] =	vst v0  }
0x22f: {  	[tilespmem:s23+$0x9870] =	vst v0  }
0x230: {  	[tilespmem:s23+$0x9C00] =	vst v0  }
0x231: {  	[tilespmem:s23+$0x9C10] =	vst v0  }
0x232: {  	[tilespmem:s23+$0x9C20] =	vst v0  }
0x233: {  	[tilespmem:s23+$0x9C30] =	vst v0  }
0x234: {  	[tilespmem:s23+$0x9C40] =	vst v0  }
0x235: {  	[tilespmem:s23+$0x9C50] =	vst v0  }
0x236: {  	[tilespmem:s23+$0x9C60] =	vst v0  }
0x237: {  	[tilespmem:s23+$0x9C70] =	vst v0  }
0x238: {  	[tilespmem:s23+$0xA000] =	vst v0  }
0x239: {  	[tilespmem:s23+$0xA010] =	vst v0  }
0x23a: {  	[tilespmem:s23+$0xA020] =	vst v0  }
0x23b: {  	[tilespmem:s23+$0xA030] =	vst v0  }
0x23c: {  	[tilespmem:s23+$0xA040] =	vst v0  }
0x23d: {  	[tilespmem:s23+$0xA050] =	vst v0  }
0x23e: {  	s22 =	simm.s32 $0x0;
	[tilespmem:s23+$0xA060] =	vst v0;
	s23 =	simm.s32 $0x0  }
.LBB2_16:
0x23f: {  	s24 =	sand.u32 $0x3800, s21;
	s25 =	sand.u32 $0x380, s22  }
0x240: {  	s24 =	sor.u32 s25, s24  }
0x241: {  	v4 =	vld [tilespmem:s24+$0x60];
	_ =	sdelay $0x4  }
0x242: {  	v5 =	vshll.u32 v4, $0x3  }
0x243: {  	v4 =	vand.u32 $0x7F, v4;
	v5 =	vand.u32 $0xFFFFFC00, v5  }
0x244: {  	v4 =	vor.u32 v4, v5  }
0x245: {  	v4 =	vadd.s32 v2, v4;
	_ =	sdelay $0x2  }
0x246: {  	p0 =	slt.u32 s23, $0x1E  }
0x247: {  	v5 =	vpsel !p0, $0x10000, v1  }
0x248: {  	[tilespmem:v4+s17+$0x0] =	vst.idx.add.s32.msk $0xffff, v5  }
0x249: {  	v4 =	vld [tilespmem:s24+$0x70];
	_ =	sdelay $0x4  }
0x24a: {  	v6 =	vshll.u32 v4, $0x3  }
0x24b: {  	v4 =	vand.u32 $0x7F, v4;
	v6 =	vand.u32 $0xFFFFFC00, v6  }
0x24c: {  	v4 =	vor.u32 v4, v6  }
0x24d: {  	p0 =	sne.s32 s23, $0x3B;
	v4 =	vadd.s32 v3, v4  }
.Ltmp7:
0x24e: {  	_ = 	snop;
	(pc) =	sbr.rel @p0 .LBB2_16-.Ltmp7, $2  }
0x24f: {  	_ =	sdelay $0x2  }
0x250: {  	s22 =	sadd.s32 $0x80, s22;
	s21 =	sadd.s32 $0x100, s21;
	s23 =	sadd.s32 $0x1, s23;
	[tilespmem:v4+s17+$0x0] =	vst.idx.add.s32.msk $0xffff, v5  }
0x251: {  	s21 =	simm.s32 $0x0;
	s22 =	simm.s32 $0x0  }
0x252: {  	[hbm4b:s7+s21] =	stream.linear.scatter [tilespmem:s17], [sflag:$0x2], $0x5000, $0x38;
	[tilespmem:$0xE000] =	vst v63  }
0x253: {  	s22 =	smul.u32 $0x5000, s22  }
0x254: {  	_ =	swait.ge [sflag:s18], $0x5000  }
0x255: {  	s23 =	sand.u32 $0x380, s21;
	[sflag:s18] =	ssyncset.done $0x0;
	s22 =	sshra.s32 s22, $0x2  }
0x256: {  	[sflag:s18] =	ssyncadd.s32 $0xFFFFB000;
	s22 =	sor.u32 s23, s22  }
0x257: {  	[tilespmem:s22+$0x5070] =	vst v0  }
0x258: {  	[tilespmem:s22+$0x4000] =	vst v0  }
0x259: {  	[tilespmem:s22+$0x4010] =	vst v0  }
0x25a: {  	[tilespmem:s22+$0x4020] =	vst v0  }
0x25b: {  	[tilespmem:s22+$0x4030] =	vst v0  }
0x25c: {  	[tilespmem:s22+$0x4040] =	vst v0  }
0x25d: {  	[tilespmem:s22+$0x4050] =	vst v0  }
0x25e: {  	[tilespmem:s22+$0x4060] =	vst v0  }
0x25f: {  	[tilespmem:s22+$0x4070] =	vst v0  }
0x260: {  	[tilespmem:s22+$0x4400] =	vst v0  }
0x261: {  	[tilespmem:s22+$0x4410] =	vst v0  }
0x262: {  	[tilespmem:s22+$0x4420] =	vst v0  }
0x263: {  	[tilespmem:s22+$0x4430] =	vst v0  }
0x264: {  	[tilespmem:s22+$0x4440] =	vst v0  }
0x265: {  	[tilespmem:s22+$0x4450] =	vst v0  }
0x266: {  	[tilespmem:s22+$0x4460] =	vst v0  }
0x267: {  	[tilespmem:s22+$0x4470] =	vst v0  }
0x268: {  	[tilespmem:s22+$0x4800] =	vst v0  }
0x269: {  	[tilespmem:s22+$0x4810] =	vst v0  }
0x26a: {  	[tilespmem:s22+$0x4820] =	vst v0  }
0x26b: {  	[tilespmem:s22+$0x4830] =	vst v0  }
0x26c: {  	[tilespmem:s22+$0x4840] =	vst v0  }
0x26d: {  	[tilespmem:s22+$0x4850] =	vst v0  }
0x26e: {  	[tilespmem:s22+$0x4860] =	vst v0  }
0x26f: {  	[tilespmem:s22+$0x4870] =	vst v0  }
0x270: {  	[tilespmem:s22+$0x4C00] =	vst v0  }
0x271: {  	[tilespmem:s22+$0x4C10] =	vst v0  }
0x272: {  	[tilespmem:s22+$0x4C20] =	vst v0  }
0x273: {  	[tilespmem:s22+$0x4C30] =	vst v0  }
0x274: {  	[tilespmem:s22+$0x4C40] =	vst v0  }
0x275: {  	[tilespmem:s22+$0x4C50] =	vst v0  }
0x276: {  	[tilespmem:s22+$0x4C60] =	vst v0  }
0x277: {  	[tilespmem:s22+$0x4C70] =	vst v0  }
0x278: {  	[tilespmem:s22+$0x5000] =	vst v0  }
0x279: {  	[tilespmem:s22+$0x5010] =	vst v0  }
0x27a: {  	s25 =	simm.s32 $0x0;
	s24 =	simm.s32 $0x2;
	s23 =	simm.s32 $0x0;
	[tilespmem:s22+$0x5020] =	vst v0  }
.LBB2_18:
0x27b: {  	p0 =	sne.s32 s24, $0x1F;
	s25 =	smul.u32 $0x5000, s25;
	[tilespmem:s22+$0x5030] =	vst v0  }
0x27c: {  	s23 =	sadd.s32 $0x80, s23;
	[tilespmem:s22+$0x5040] =	vst v0  }
0x27d: {  	s26 =	sand.u32 $0x380, s23;
	s25 =	sshra.s32 s25, $0x2;
	[tilespmem:s22+$0x5050] =	vst v0  }
0x27e: {  	[tilespmem:s22+$0x5060] =	vst v0;
	s22 =	sor.u32 s26, s25  }
0x27f: {  	[tilespmem:s22+$0x5070] =	vst v0  }
0x280: {  	[tilespmem:s22+$0x4000] =	vst v0  }
0x281: {  	[tilespmem:s22+$0x4010] =	vst v0  }
0x282: {  	[tilespmem:s22+$0x4020] =	vst v0  }
0x283: {  	[tilespmem:s22+$0x4030] =	vst v0  }
0x284: {  	[tilespmem:s22+$0x4040] =	vst v0  }
0x285: {  	[tilespmem:s22+$0x4050] =	vst v0  }
0x286: {  	[tilespmem:s22+$0x4060] =	vst v0  }
0x287: {  	[tilespmem:s22+$0x4070] =	vst v0  }
0x288: {  	[tilespmem:s22+$0x4400] =	vst v0  }
0x289: {  	[tilespmem:s22+$0x4410] =	vst v0  }
0x28a: {  	[tilespmem:s22+$0x4420] =	vst v0  }
0x28b: {  	[tilespmem:s22+$0x4430] =	vst v0  }
0x28c: {  	[tilespmem:s22+$0x4440] =	vst v0  }
0x28d: {  	[tilespmem:s22+$0x4450] =	vst v0  }
0x28e: {  	[tilespmem:s22+$0x4460] =	vst v0  }
0x28f: {  	[tilespmem:s22+$0x4470] =	vst v0  }
0x290: {  	[tilespmem:s22+$0x4800] =	vst v0  }
0x291: {  	[tilespmem:s22+$0x4810] =	vst v0  }
0x292: {  	[tilespmem:s22+$0x4820] =	vst v0  }
0x293: {  	[tilespmem:s22+$0x4830] =	vst v0  }
0x294: {  	[tilespmem:s22+$0x4840] =	vst v0  }
0x295: {  	[tilespmem:s22+$0x4850] =	vst v0  }
0x296: {  	[tilespmem:s22+$0x4860] =	vst v0  }
0x297: {  	[tilespmem:s22+$0x4870] =	vst v0  }
0x298: {  	[tilespmem:s22+$0x4C00] =	vst v0  }
0x299: {  	[tilespmem:s22+$0x4C10] =	vst v0  }
0x29a: {  	[tilespmem:s22+$0x4C20] =	vst v0  }
0x29b: {  	[tilespmem:s22+$0x4C30] =	vst v0  }
0x29c: {  	[tilespmem:s22+$0x4C40] =	vst v0  }
0x29d: {  	[tilespmem:s22+$0x4C50] =	vst v0  }
.Ltmp8:
0x29e: {  	[tilespmem:s22+$0x4C60] =	vst v0;
	(pc) =	sbr.rel @p0 .LBB2_18-.Ltmp8, $4  }
0x29f: {  	[tilespmem:s22+$0x4C70] =	vst v0  }
0x2a0: {  	[tilespmem:s22+$0x5000] =	vst v0  }
0x2a1: {  	[tilespmem:s22+$0x5010] =	vst v0  }
0x2a2: {  	s25 =	sshrl.u32 s24, $0x3;
	s24 =	sadd.s32 $0x1, s24;
	[tilespmem:s22+$0x5020] =	vst v0  }
0x2a3: {  	s24 =	smul.u32 $0x5000, s25;
	[tilespmem:s22+$0x5030] =	vst v0  }
0x2a4: {  	[tilespmem:s22+$0x5040] =	vst v0;
	s23 =	sadd.s32 $0x80, s23  }
0x2a5: {  	[tilespmem:s22+$0x5050] =	vst v0;
	s23 =	sand.u32 $0x380, s23;
	s24 =	sshra.s32 s24, $0x2  }
0x2a6: {  	[tilespmem:s22+$0x5060] =	vst v0;
	s23 =	sor.u32 s23, s24  }
0x2a7: {  	[tilespmem:s23+$0x5070] =	vst v0  }
0x2a8: {  	[tilespmem:s23+$0x4000] =	vst v0  }
0x2a9: {  	[tilespmem:s23+$0x4010] =	vst v0  }
0x2aa: {  	[tilespmem:s23+$0x4020] =	vst v0  }
0x2ab: {  	[tilespmem:s23+$0x4030] =	vst v0  }
0x2ac: {  	[tilespmem:s23+$0x4040] =	vst v0  }
0x2ad: {  	[tilespmem:s23+$0x4050] =	vst v0  }
0x2ae: {  	[tilespmem:s23+$0x4060] =	vst v0  }
0x2af: {  	[tilespmem:s23+$0x4070] =	vst v0  }
0x2b0: {  	[tilespmem:s23+$0x4400] =	vst v0  }
0x2b1: {  	[tilespmem:s23+$0x4410] =	vst v0  }
0x2b2: {  	[tilespmem:s23+$0x4420] =	vst v0  }
0x2b3: {  	[tilespmem:s23+$0x4430] =	vst v0  }
0x2b4: {  	[tilespmem:s23+$0x4440] =	vst v0  }
0x2b5: {  	[tilespmem:s23+$0x4450] =	vst v0  }
0x2b6: {  	[tilespmem:s23+$0x4460] =	vst v0  }
0x2b7: {  	[tilespmem:s23+$0x4470] =	vst v0  }
0x2b8: {  	[tilespmem:s23+$0x4800] =	vst v0  }
0x2b9: {  	[tilespmem:s23+$0x4810] =	vst v0  }
0x2ba: {  	[tilespmem:s23+$0x4820] =	vst v0  }
0x2bb: {  	[tilespmem:s23+$0x4830] =	vst v0  }
0x2bc: {  	[tilespmem:s23+$0x4840] =	vst v0  }
0x2bd: {  	[tilespmem:s23+$0x4850] =	vst v0  }
0x2be: {  	[tilespmem:s23+$0x4860] =	vst v0  }
0x2bf: {  	[tilespmem:s23+$0x4870] =	vst v0  }
0x2c0: {  	[tilespmem:s23+$0x4C00] =	vst v0  }
0x2c1: {  	[tilespmem:s23+$0x4C10] =	vst v0  }
0x2c2: {  	[tilespmem:s23+$0x4C20] =	vst v0  }
0x2c3: {  	[tilespmem:s23+$0x4C30] =	vst v0  }
0x2c4: {  	[tilespmem:s23+$0x4C40] =	vst v0  }
0x2c5: {  	[tilespmem:s23+$0x4C50] =	vst v0  }
0x2c6: {  	[tilespmem:s23+$0x4C60] =	vst v0  }
0x2c7: {  	[tilespmem:s23+$0x4C70] =	vst v0  }
0x2c8: {  	[tilespmem:s23+$0x5000] =	vst v0  }
0x2c9: {  	[tilespmem:s23+$0x5010] =	vst v0  }
0x2ca: {  	[tilespmem:s23+$0x5020] =	vst v0  }
0x2cb: {  	[tilespmem:s23+$0x5030] =	vst v0  }
0x2cc: {  	[tilespmem:s23+$0x5040] =	vst v0  }
0x2cd: {  	[tilespmem:s23+$0x5050] =	vst v0  }
0x2ce: {  	s22 =	simm.s32 $0x0;
	[tilespmem:s23+$0x5060] =	vst v0;
	s23 =	simm.s32 $0x0  }
.LBB2_20:
0x2cf: {  	s24 =	sand.u32 $0x3800, s21;
	s25 =	sand.u32 $0x380, s22  }
0x2d0: {  	s24 =	sor.u32 s25, s24  }
0x2d1: {  	v4 =	vld [tilespmem:s24+$0x400];
	_ =	sdelay $0x4  }
0x2d2: {  	v5 =	vshll.u32 v4, $0x3  }
0x2d3: {  	v4 =	vand.u32 $0x7F, v4;
	v5 =	vand.u32 $0xFFFFFC00, v5  }
0x2d4: {  	v4 =	vor.u32 v4, v5  }
0x2d5: {  	v4 =	vadd.s32 v2, v4;
	_ =	sdelay $0x2  }
0x2d6: {  	p0 =	slt.u32 s23, $0x1E  }
0x2d7: {  	v5 =	vpsel !p0, $0x10000, v1  }
0x2d8: {  	[tilespmem:v4+s16+$0x0] =	vst.idx.add.s32.msk $0xffff, v5  }
0x2d9: {  	v4 =	vld [tilespmem:s24+$0x410];
	_ =	sdelay $0x4  }
0x2da: {  	v6 =	vshll.u32 v4, $0x3  }
0x2db: {  	v4 =	vand.u32 $0x7F, v4;
	v6 =	vand.u32 $0xFFFFFC00, v6  }
0x2dc: {  	v4 =	vor.u32 v4, v6  }
0x2dd: {  	p0 =	sne.s32 s23, $0x3B;
	v4 =	vadd.s32 v3, v4  }
.Ltmp9:
0x2de: {  	_ = 	snop;
	(pc) =	sbr.rel @p0 .LBB2_20-.Ltmp9, $2  }
0x2df: {  	_ =	sdelay $0x2  }
0x2e0: {  	s22 =	sadd.s32 $0x80, s22;
	s21 =	sadd.s32 $0x100, s21;
	s23 =	sadd.s32 $0x1, s23;
	[tilespmem:v4+s16+$0x0] =	vst.idx.add.s32.msk $0xffff, v5  }
0x2e1: {  	s21 =	simm.s32 $0x0;
	s22 =	simm.s32 $0x0  }
0x2e2: {  	[hbm4b:s8+s21] =	stream.linear.scatter [tilespmem:s16], [sflag:$0x1], $0x5000, $0x38;
	[tilespmem:$0xE000] =	vst v63  }
0x2e3: {  	s22 =	smul.u32 $0x5000, s22  }
0x2e4: {  	_ =	swait.ge [sflag:s19], $0x5000  }
0x2e5: {  	s23 =	sand.u32 $0x380, s21;
	[sflag:s19] =	ssyncset.done $0x0;
	s22 =	sshra.s32 s22, $0x2  }
0x2e6: {  	[sflag:s19] =	ssyncadd.s32 $0xFFFFB000;
	s22 =	sor.u32 s23, s22  }
0x2e7: {  	[tilespmem:s22+$0xA070] =	vst v0  }
0x2e8: {  	[tilespmem:s22+$0x9000] =	vst v0  }
0x2e9: {  	[tilespmem:s22+$0x9010] =	vst v0  }
0x2ea: {  	[tilespmem:s22+$0x9020] =	vst v0  }
0x2eb: {  	[tilespmem:s22+$0x9030] =	vst v0  }
0x2ec: {  	[tilespmem:s22+$0x9040] =	vst v0  }
0x2ed: {  	[tilespmem:s22+$0x9050] =	vst v0  }
0x2ee: {  	[tilespmem:s22+$0x9060] =	vst v0  }
0x2ef: {  	[tilespmem:s22+$0x9070] =	vst v0  }
0x2f0: {  	[tilespmem:s22+$0x9400] =	vst v0  }
0x2f1: {  	[tilespmem:s22+$0x9410] =	vst v0  }
0x2f2: {  	[tilespmem:s22+$0x9420] =	vst v0  }
0x2f3: {  	[tilespmem:s22+$0x9430] =	vst v0  }
0x2f4: {  	[tilespmem:s22+$0x9440] =	vst v0  }
0x2f5: {  	[tilespmem:s22+$0x9450] =	vst v0  }
0x2f6: {  	[tilespmem:s22+$0x9460] =	vst v0  }
0x2f7: {  	[tilespmem:s22+$0x9470] =	vst v0  }
0x2f8: {  	[tilespmem:s22+$0x9800] =	vst v0  }
0x2f9: {  	[tilespmem:s22+$0x9810] =	vst v0  }
0x2fa: {  	[tilespmem:s22+$0x9820] =	vst v0  }
0x2fb: {  	[tilespmem:s22+$0x9830] =	vst v0  }
0x2fc: {  	[tilespmem:s22+$0x9840] =	vst v0  }
0x2fd: {  	[tilespmem:s22+$0x9850] =	vst v0  }
0x2fe: {  	[tilespmem:s22+$0x9860] =	vst v0  }
0x2ff: {  	[tilespmem:s22+$0x9870] =	vst v0  }
0x300: {  	[tilespmem:s22+$0x9C00] =	vst v0  }
0x301: {  	[tilespmem:s22+$0x9C10] =	vst v0  }
0x302: {  	[tilespmem:s22+$0x9C20] =	vst v0  }
0x303: {  	[tilespmem:s22+$0x9C30] =	vst v0  }
0x304: {  	[tilespmem:s22+$0x9C40] =	vst v0  }
0x305: {  	[tilespmem:s22+$0x9C50] =	vst v0  }
0x306: {  	[tilespmem:s22+$0x9C60] =	vst v0  }
0x307: {  	[tilespmem:s22+$0x9C70] =	vst v0  }
0x308: {  	[tilespmem:s22+$0xA000] =	vst v0  }
0x309: {  	[tilespmem:s22+$0xA010] =	vst v0  }
0x30a: {  	s25 =	simm.s32 $0x0;
	s24 =	simm.s32 $0x2;
	s23 =	simm.s32 $0x0;
	[tilespmem:s22+$0xA020] =	vst v0  }
.LBB2_22:
0x30b: {  	p0 =	sne.s32 s24, $0x1F;
	s25 =	smul.u32 $0x5000, s25;
	[tilespmem:s22+$0xA030] =	vst v0  }
0x30c: {  	s23 =	sadd.s32 $0x80, s23;
	[tilespmem:s22+$0xA040] =	vst v0  }
0x30d: {  	s26 =	sand.u32 $0x380, s23;
	s25 =	sshra.s32 s25, $0x2;
	[tilespmem:s22+$0xA050] =	vst v0  }
0x30e: {  	[tilespmem:s22+$0xA060] =	vst v0;
	s22 =	sor.u32 s26, s25  }
0x30f: {  	[tilespmem:s22+$0xA070] =	vst v0  }
0x310: {  	[tilespmem:s22+$0x9000] =	vst v0  }
0x311: {  	[tilespmem:s22+$0x9010] =	vst v0  }
0x312: {  	[tilespmem:s22+$0x9020] =	vst v0  }
0x313: {  	[tilespmem:s22+$0x9030] =	vst v0  }
0x314: {  	[tilespmem:s22+$0x9040] =	vst v0  }
0x315: {  	[tilespmem:s22+$0x9050] =	vst v0  }
0x316: {  	[tilespmem:s22+$0x9060] =	vst v0  }
0x317: {  	[tilespmem:s22+$0x9070] =	vst v0  }
0x318: {  	[tilespmem:s22+$0x9400] =	vst v0  }
0x319: {  	[tilespmem:s22+$0x9410] =	vst v0  }
0x31a: {  	[tilespmem:s22+$0x9420] =	vst v0  }
0x31b: {  	[tilespmem:s22+$0x9430] =	vst v0  }
0x31c: {  	[tilespmem:s22+$0x9440] =	vst v0  }
0x31d: {  	[tilespmem:s22+$0x9450] =	vst v0  }
0x31e: {  	[tilespmem:s22+$0x9460] =	vst v0  }
0x31f: {  	[tilespmem:s22+$0x9470] =	vst v0  }
0x320: {  	[tilespmem:s22+$0x9800] =	vst v0  }
0x321: {  	[tilespmem:s22+$0x9810] =	vst v0  }
0x322: {  	[tilespmem:s22+$0x9820] =	vst v0  }
0x323: {  	[tilespmem:s22+$0x9830] =	vst v0  }
0x324: {  	[tilespmem:s22+$0x9840] =	vst v0  }
0x325: {  	[tilespmem:s22+$0x9850] =	vst v0  }
0x326: {  	[tilespmem:s22+$0x9860] =	vst v0  }
0x327: {  	[tilespmem:s22+$0x9870] =	vst v0  }
0x328: {  	[tilespmem:s22+$0x9C00] =	vst v0  }
0x329: {  	[tilespmem:s22+$0x9C10] =	vst v0  }
0x32a: {  	[tilespmem:s22+$0x9C20] =	vst v0  }
0x32b: {  	[tilespmem:s22+$0x9C30] =	vst v0  }
0x32c: {  	[tilespmem:s22+$0x9C40] =	vst v0  }
0x32d: {  	[tilespmem:s22+$0x9C50] =	vst v0  }
.Ltmp10:
0x32e: {  	[tilespmem:s22+$0x9C60] =	vst v0;
	(pc) =	sbr.rel @p0 .LBB2_22-.Ltmp10, $4  }
0x32f: {  	[tilespmem:s22+$0x9C70] =	vst v0  }
0x330: {  	[tilespmem:s22+$0xA000] =	vst v0  }
0x331: {  	[tilespmem:s22+$0xA010] =	vst v0  }
0x332: {  	s25 =	sshrl.u32 s24, $0x3;
	s24 =	sadd.s32 $0x1, s24;
	[tilespmem:s22+$0xA020] =	vst v0  }
0x333: {  	s24 =	smul.u32 $0x5000, s25;
	[tilespmem:s22+$0xA030] =	vst v0  }
0x334: {  	[tilespmem:s22+$0xA040] =	vst v0;
	s23 =	sadd.s32 $0x80, s23  }
0x335: {  	[tilespmem:s22+$0xA050] =	vst v0;
	s23 =	sand.u32 $0x380, s23;
	s24 =	sshra.s32 s24, $0x2  }
0x336: {  	[tilespmem:s22+$0xA060] =	vst v0;
	s23 =	sor.u32 s23, s24  }
0x337: {  	[tilespmem:s23+$0xA070] =	vst v0  }
0x338: {  	[tilespmem:s23+$0x9000] =	vst v0  }
0x339: {  	[tilespmem:s23+$0x9010] =	vst v0  }
0x33a: {  	[tilespmem:s23+$0x9020] =	vst v0  }
0x33b: {  	[tilespmem:s23+$0x9030] =	vst v0  }
0x33c: {  	[tilespmem:s23+$0x9040] =	vst v0  }
0x33d: {  	[tilespmem:s23+$0x9050] =	vst v0  }
0x33e: {  	[tilespmem:s23+$0x9060] =	vst v0  }
0x33f: {  	[tilespmem:s23+$0x9070] =	vst v0  }
0x340: {  	[tilespmem:s23+$0x9400] =	vst v0  }
0x341: {  	[tilespmem:s23+$0x9410] =	vst v0  }
0x342: {  	[tilespmem:s23+$0x9420] =	vst v0  }
0x343: {  	[tilespmem:s23+$0x9430] =	vst v0  }
0x344: {  	[tilespmem:s23+$0x9440] =	vst v0  }
0x345: {  	[tilespmem:s23+$0x9450] =	vst v0  }
0x346: {  	[tilespmem:s23+$0x9460] =	vst v0  }
0x347: {  	[tilespmem:s23+$0x9470] =	vst v0  }
0x348: {  	[tilespmem:s23+$0x9800] =	vst v0  }
0x349: {  	[tilespmem:s23+$0x9810] =	vst v0  }
0x34a: {  	[tilespmem:s23+$0x9820] =	vst v0  }
0x34b: {  	[tilespmem:s23+$0x9830] =	vst v0  }
0x34c: {  	[tilespmem:s23+$0x9840] =	vst v0  }
0x34d: {  	[tilespmem:s23+$0x9850] =	vst v0  }
0x34e: {  	[tilespmem:s23+$0x9860] =	vst v0  }
0x34f: {  	[tilespmem:s23+$0x9870] =	vst v0  }
0x350: {  	[tilespmem:s23+$0x9C00] =	vst v0  }
0x351: {  	[tilespmem:s23+$0x9C10] =	vst v0  }
0x352: {  	[tilespmem:s23+$0x9C20] =	vst v0  }
0x353: {  	[tilespmem:s23+$0x9C30] =	vst v0  }
0x354: {  	[tilespmem:s23+$0x9C40] =	vst v0  }
0x355: {  	[tilespmem:s23+$0x9C50] =	vst v0  }
0x356: {  	[tilespmem:s23+$0x9C60] =	vst v0  }
0x357: {  	[tilespmem:s23+$0x9C70] =	vst v0  }
0x358: {  	[tilespmem:s23+$0xA000] =	vst v0  }
0x359: {  	[tilespmem:s23+$0xA010] =	vst v0  }
0x35a: {  	[tilespmem:s23+$0xA020] =	vst v0  }
0x35b: {  	[tilespmem:s23+$0xA030] =	vst v0  }
0x35c: {  	[tilespmem:s23+$0xA040] =	vst v0  }
0x35d: {  	[tilespmem:s23+$0xA050] =	vst v0  }
0x35e: {  	s22 =	simm.s32 $0x0;
	[tilespmem:s23+$0xA060] =	vst v0;
	s23 =	simm.s32 $0x0  }
.LBB2_24:
0x35f: {  	s24 =	sand.u32 $0x3800, s21;
	s25 =	sand.u32 $0x380, s22  }
0x360: {  	s24 =	sor.u32 s25, s24  }
0x361: {  	v4 =	vld [tilespmem:s24+$0x420];
	_ =	sdelay $0x4  }
0x362: {  	v5 =	vshll.u32 v4, $0x3  }
0x363: {  	v4 =	vand.u32 $0x7F, v4;
	v5 =	vand.u32 $0xFFFFFC00, v5  }
0x364: {  	v4 =	vor.u32 v4, v5  }
0x365: {  	v4 =	vadd.s32 v2, v4;
	_ =	sdelay $0x2  }
0x366: {  	p0 =	slt.u32 s23, $0x1E  }
0x367: {  	v5 =	vpsel !p0, $0x10000, v1  }
0x368: {  	[tilespmem:v4+s17+$0x0] =	vst.idx.add.s32.msk $0xffff, v5  }
0x369: {  	v4 =	vld [tilespmem:s24+$0x430];
	_ =	sdelay $0x4  }
0x36a: {  	v6 =	vshll.u32 v4, $0x3  }
0x36b: {  	v4 =	vand.u32 $0x7F, v4;
	v6 =	vand.u32 $0xFFFFFC00, v6  }
0x36c: {  	v4 =	vor.u32 v4, v6  }
0x36d: {  	p0 =	sne.s32 s23, $0x3B;
	v4 =	vadd.s32 v3, v4  }
.Ltmp11:
0x36e: {  	_ = 	snop;
	(pc) =	sbr.rel @p0 .LBB2_24-.Ltmp11, $2  }
0x36f: {  	_ =	sdelay $0x2  }
0x370: {  	s22 =	sadd.s32 $0x80, s22;
	s21 =	sadd.s32 $0x100, s21;
	s23 =	sadd.s32 $0x1, s23;
	[tilespmem:v4+s17+$0x0] =	vst.idx.add.s32.msk $0xffff, v5  }
0x371: {  	s21 =	simm.s32 $0x0;
	s22 =	simm.s32 $0x0  }
0x372: {  	[hbm4b:s9+s21] =	stream.linear.scatter [tilespmem:s17], [sflag:$0x2], $0x5000, $0x38;
	[tilespmem:$0xE000] =	vst v63  }
0x373: {  	s22 =	smul.u32 $0x5000, s22  }
0x374: {  	_ =	swait.ge [sflag:s18], $0x5000  }
0x375: {  	s23 =	sand.u32 $0x380, s21;
	[sflag:s18] =	ssyncset.done $0x0;
	s22 =	sshra.s32 s22, $0x2  }
0x376: {  	[sflag:s18] =	ssyncadd.s32 $0xFFFFB000;
	s22 =	sor.u32 s23, s22  }
0x377: {  	[tilespmem:s22+$0x5070] =	vst v0  }
0x378: {  	[tilespmem:s22+$0x4000] =	vst v0  }
0x379: {  	[tilespmem:s22+$0x4010] =	vst v0  }
0x37a: {  	[tilespmem:s22+$0x4020] =	vst v0  }
0x37b: {  	[tilespmem:s22+$0x4030] =	vst v0  }
0x37c: {  	[tilespmem:s22+$0x4040] =	vst v0  }
0x37d: {  	[tilespmem:s22+$0x4050] =	vst v0  }
0x37e: {  	[tilespmem:s22+$0x4060] =	vst v0  }
0x37f: {  	[tilespmem:s22+$0x4070] =	vst v0  }
0x380: {  	[tilespmem:s22+$0x4400] =	vst v0  }
0x381: {  	[tilespmem:s22+$0x4410] =	vst v0  }
0x382: {  	[tilespmem:s22+$0x4420] =	vst v0  }
0x383: {  	[tilespmem:s22+$0x4430] =	vst v0  }
0x384: {  	[tilespmem:s22+$0x4440] =	vst v0  }
0x385: {  	[tilespmem:s22+$0x4450] =	vst v0  }
0x386: {  	[tilespmem:s22+$0x4460] =	vst v0  }
0x387: {  	[tilespmem:s22+$0x4470] =	vst v0  }
0x388: {  	[tilespmem:s22+$0x4800] =	vst v0  }
0x389: {  	[tilespmem:s22+$0x4810] =	vst v0  }
0x38a: {  	[tilespmem:s22+$0x4820] =	vst v0  }
0x38b: {  	[tilespmem:s22+$0x4830] =	vst v0  }
0x38c: {  	[tilespmem:s22+$0x4840] =	vst v0  }
0x38d: {  	[tilespmem:s22+$0x4850] =	vst v0  }
0x38e: {  	[tilespmem:s22+$0x4860] =	vst v0  }
0x38f: {  	[tilespmem:s22+$0x4870] =	vst v0  }
0x390: {  	[tilespmem:s22+$0x4C00] =	vst v0  }
0x391: {  	[tilespmem:s22+$0x4C10] =	vst v0  }
0x392: {  	[tilespmem:s22+$0x4C20] =	vst v0  }
0x393: {  	[tilespmem:s22+$0x4C30] =	vst v0  }
0x394: {  	[tilespmem:s22+$0x4C40] =	vst v0  }
0x395: {  	[tilespmem:s22+$0x4C50] =	vst v0  }
0x396: {  	[tilespmem:s22+$0x4C60] =	vst v0  }
0x397: {  	[tilespmem:s22+$0x4C70] =	vst v0  }
0x398: {  	[tilespmem:s22+$0x5000] =	vst v0  }
0x399: {  	[tilespmem:s22+$0x5010] =	vst v0  }
0x39a: {  	s25 =	simm.s32 $0x0;
	s24 =	simm.s32 $0x2;
	s23 =	simm.s32 $0x0;
	[tilespmem:s22+$0x5020] =	vst v0  }
.LBB2_26:
0x39b: {  	p0 =	sne.s32 s24, $0x1F;
	s25 =	smul.u32 $0x5000, s25;
	[tilespmem:s22+$0x5030] =	vst v0  }
0x39c: {  	s23 =	sadd.s32 $0x80, s23;
	[tilespmem:s22+$0x5040] =	vst v0  }
0x39d: {  	s26 =	sand.u32 $0x380, s23;
	s25 =	sshra.s32 s25, $0x2;
	[tilespmem:s22+$0x5050] =	vst v0  }
0x39e: {  	[tilespmem:s22+$0x5060] =	vst v0;
	s22 =	sor.u32 s26, s25  }
0x39f: {  	[tilespmem:s22+$0x5070] =	vst v0  }
0x3a0: {  	[tilespmem:s22+$0x4000] =	vst v0  }
0x3a1: {  	[tilespmem:s22+$0x4010] =	vst v0  }
0x3a2: {  	[tilespmem:s22+$0x4020] =	vst v0  }
0x3a3: {  	[tilespmem:s22+$0x4030] =	vst v0  }
0x3a4: {  	[tilespmem:s22+$0x4040] =	vst v0  }
0x3a5: {  	[tilespmem:s22+$0x4050] =	vst v0  }
0x3a6: {  	[tilespmem:s22+$0x4060] =	vst v0  }
0x3a7: {  	[tilespmem:s22+$0x4070] =	vst v0  }
0x3a8: {  	[tilespmem:s22+$0x4400] =	vst v0  }
0x3a9: {  	[tilespmem:s22+$0x4410] =	vst v0  }
0x3aa: {  	[tilespmem:s22+$0x4420] =	vst v0  }
0x3ab: {  	[tilespmem:s22+$0x4430] =	vst v0  }
0x3ac: {  	[tilespmem:s22+$0x4440] =	vst v0  }
0x3ad: {  	[tilespmem:s22+$0x4450] =	vst v0  }
0x3ae: {  	[tilespmem:s22+$0x4460] =	vst v0  }
0x3af: {  	[tilespmem:s22+$0x4470] =	vst v0  }
0x3b0: {  	[tilespmem:s22+$0x4800] =	vst v0  }
0x3b1: {  	[tilespmem:s22+$0x4810] =	vst v0  }
0x3b2: {  	[tilespmem:s22+$0x4820] =	vst v0  }
0x3b3: {  	[tilespmem:s22+$0x4830] =	vst v0  }
0x3b4: {  	[tilespmem:s22+$0x4840] =	vst v0  }
0x3b5: {  	[tilespmem:s22+$0x4850] =	vst v0  }
0x3b6: {  	[tilespmem:s22+$0x4860] =	vst v0  }
0x3b7: {  	[tilespmem:s22+$0x4870] =	vst v0  }
0x3b8: {  	[tilespmem:s22+$0x4C00] =	vst v0  }
0x3b9: {  	[tilespmem:s22+$0x4C10] =	vst v0  }
0x3ba: {  	[tilespmem:s22+$0x4C20] =	vst v0  }
0x3bb: {  	[tilespmem:s22+$0x4C30] =	vst v0  }
0x3bc: {  	[tilespmem:s22+$0x4C40] =	vst v0  }
0x3bd: {  	[tilespmem:s22+$0x4C50] =	vst v0  }
.Ltmp12:
0x3be: {  	[tilespmem:s22+$0x4C60] =	vst v0;
	(pc) =	sbr.rel @p0 .LBB2_26-.Ltmp12, $4  }
0x3bf: {  	[tilespmem:s22+$0x4C70] =	vst v0  }
0x3c0: {  	[tilespmem:s22+$0x5000] =	vst v0  }
0x3c1: {  	[tilespmem:s22+$0x5010] =	vst v0  }
0x3c2: {  	s25 =	sshrl.u32 s24, $0x3;
	s24 =	sadd.s32 $0x1, s24;
	[tilespmem:s22+$0x5020] =	vst v0  }
0x3c3: {  	s24 =	smul.u32 $0x5000, s25;
	[tilespmem:s22+$0x5030] =	vst v0  }
0x3c4: {  	[tilespmem:s22+$0x5040] =	vst v0;
	s23 =	sadd.s32 $0x80, s23  }
0x3c5: {  	[tilespmem:s22+$0x5050] =	vst v0;
	s23 =	sand.u32 $0x380, s23;
	s24 =	sshra.s32 s24, $0x2  }
0x3c6: {  	[tilespmem:s22+$0x5060] =	vst v0;
	s23 =	sor.u32 s23, s24  }
0x3c7: {  	[tilespmem:s23+$0x5070] =	vst v0  }
0x3c8: {  	[tilespmem:s23+$0x4000] =	vst v0  }
0x3c9: {  	[tilespmem:s23+$0x4010] =	vst v0  }
0x3ca: {  	[tilespmem:s23+$0x4020] =	vst v0  }
0x3cb: {  	[tilespmem:s23+$0x4030] =	vst v0  }
0x3cc: {  	[tilespmem:s23+$0x4040] =	vst v0  }
0x3cd: {  	[tilespmem:s23+$0x4050] =	vst v0  }
0x3ce: {  	[tilespmem:s23+$0x4060] =	vst v0  }
0x3cf: {  	[tilespmem:s23+$0x4070] =	vst v0  }
0x3d0: {  	[tilespmem:s23+$0x4400] =	vst v0  }
0x3d1: {  	[tilespmem:s23+$0x4410] =	vst v0  }
0x3d2: {  	[tilespmem:s23+$0x4420] =	vst v0  }
0x3d3: {  	[tilespmem:s23+$0x4430] =	vst v0  }
0x3d4: {  	[tilespmem:s23+$0x4440] =	vst v0  }
0x3d5: {  	[tilespmem:s23+$0x4450] =	vst v0  }
0x3d6: {  	[tilespmem:s23+$0x4460] =	vst v0  }
0x3d7: {  	[tilespmem:s23+$0x4470] =	vst v0  }
0x3d8: {  	[tilespmem:s23+$0x4800] =	vst v0  }
0x3d9: {  	[tilespmem:s23+$0x4810] =	vst v0  }
0x3da: {  	[tilespmem:s23+$0x4820] =	vst v0  }
0x3db: {  	[tilespmem:s23+$0x4830] =	vst v0  }
0x3dc: {  	[tilespmem:s23+$0x4840] =	vst v0  }
0x3dd: {  	[tilespmem:s23+$0x4850] =	vst v0  }
0x3de: {  	[tilespmem:s23+$0x4860] =	vst v0  }
0x3df: {  	[tilespmem:s23+$0x4870] =	vst v0  }
0x3e0: {  	[tilespmem:s23+$0x4C00] =	vst v0  }
0x3e1: {  	[tilespmem:s23+$0x4C10] =	vst v0  }
0x3e2: {  	[tilespmem:s23+$0x4C20] =	vst v0  }
0x3e3: {  	[tilespmem:s23+$0x4C30] =	vst v0  }
0x3e4: {  	[tilespmem:s23+$0x4C40] =	vst v0  }
0x3e5: {  	[tilespmem:s23+$0x4C50] =	vst v0  }
0x3e6: {  	[tilespmem:s23+$0x4C60] =	vst v0  }
0x3e7: {  	[tilespmem:s23+$0x4C70] =	vst v0  }
0x3e8: {  	[tilespmem:s23+$0x5000] =	vst v0  }
0x3e9: {  	[tilespmem:s23+$0x5010] =	vst v0  }
0x3ea: {  	[tilespmem:s23+$0x5020] =	vst v0  }
0x3eb: {  	[tilespmem:s23+$0x5030] =	vst v0  }
0x3ec: {  	[tilespmem:s23+$0x5040] =	vst v0  }
0x3ed: {  	[tilespmem:s23+$0x5050] =	vst v0  }
0x3ee: {  	s22 =	simm.s32 $0x0;
	[tilespmem:s23+$0x5060] =	vst v0;
	s23 =	simm.s32 $0x0  }
.LBB2_28:
0x3ef: {  	s24 =	sand.u32 $0x3800, s21;
	s25 =	sand.u32 $0x380, s22  }
0x3f0: {  	s24 =	sor.u32 s25, s24  }
0x3f1: {  	v4 =	vld [tilespmem:s24+$0x440];
	_ =	sdelay $0x4  }
0x3f2: {  	v5 =	vshll.u32 v4, $0x3  }
0x3f3: {  	v4 =	vand.u32 $0x7F, v4;
	v5 =	vand.u32 $0xFFFFFC00, v5  }
0x3f4: {  	v4 =	vor.u32 v4, v5  }
0x3f5: {  	v4 =	vadd.s32 v2, v4;
	_ =	sdelay $0x2  }
0x3f6: {  	p0 =	slt.u32 s23, $0x1E  }
0x3f7: {  	v5 =	vpsel !p0, $0x10000, v1  }
0x3f8: {  	[tilespmem:v4+s16+$0x0] =	vst.idx.add.s32.msk $0xffff, v5  }
0x3f9: {  	v4 =	vld [tilespmem:s24+$0x450];
	_ =	sdelay $0x4  }
0x3fa: {  	v6 =	vshll.u32 v4, $0x3  }
0x3fb: {  	v4 =	vand.u32 $0x7F, v4;
	v6 =	vand.u32 $0xFFFFFC00, v6  }
0x3fc: {  	v4 =	vor.u32 v4, v6  }
0x3fd: {  	p0 =	sne.s32 s23, $0x3B;
	v4 =	vadd.s32 v3, v4  }
.Ltmp13:
0x3fe: {  	_ = 	snop;
	(pc) =	sbr.rel @p0 .LBB2_28-.Ltmp13, $2  }
0x3ff: {  	_ =	sdelay $0x2  }
0x400: {  	s22 =	sadd.s32 $0x80, s22;
	s21 =	sadd.s32 $0x100, s21;
	s23 =	sadd.s32 $0x1, s23;
	[tilespmem:v4+s16+$0x0] =	vst.idx.add.s32.msk $0xffff, v5  }
0x401: {  	s21 =	simm.s32 $0x0;
	s22 =	simm.s32 $0x0  }
0x402: {  	[hbm4b:s10+s21] =	stream.linear.scatter [tilespmem:s16], [sflag:$0x1], $0x5000, $0x38;
	[tilespmem:$0xE000] =	vst v63  }
0x403: {  	s22 =	smul.u32 $0x5000, s22  }
0x404: {  	_ =	swait.ge [sflag:s19], $0x5000  }
0x405: {  	s23 =	sand.u32 $0x380, s21;
	[sflag:s19] =	ssyncset.done $0x0;
	s22 =	sshra.s32 s22, $0x2  }
0x406: {  	[sflag:s19] =	ssyncadd.s32 $0xFFFFB000;
	s22 =	sor.u32 s23, s22  }
0x407: {  	[tilespmem:s22+$0xA070] =	vst v0  }
0x408: {  	[tilespmem:s22+$0x9000] =	vst v0  }
0x409: {  	[tilespmem:s22+$0x9010] =	vst v0  }
0x40a: {  	[tilespmem:s22+$0x9020] =	vst v0  }
0x40b: {  	[tilespmem:s22+$0x9030] =	vst v0  }
0x40c: {  	[tilespmem:s22+$0x9040] =	vst v0  }
0x40d: {  	[tilespmem:s22+$0x9050] =	vst v0  }
0x40e: {  	[tilespmem:s22+$0x9060] =	vst v0  }
0x40f: {  	[tilespmem:s22+$0x9070] =	vst v0  }
0x410: {  	[tilespmem:s22+$0x9400] =	vst v0  }
0x411: {  	[tilespmem:s22+$0x9410] =	vst v0  }
0x412: {  	[tilespmem:s22+$0x9420] =	vst v0  }
0x413: {  	[tilespmem:s22+$0x9430] =	vst v0  }
0x414: {  	[tilespmem:s22+$0x9440] =	vst v0  }
0x415: {  	[tilespmem:s22+$0x9450] =	vst v0  }
0x416: {  	[tilespmem:s22+$0x9460] =	vst v0  }
0x417: {  	[tilespmem:s22+$0x9470] =	vst v0  }
0x418: {  	[tilespmem:s22+$0x9800] =	vst v0  }
0x419: {  	[tilespmem:s22+$0x9810] =	vst v0  }
0x41a: {  	[tilespmem:s22+$0x9820] =	vst v0  }
0x41b: {  	[tilespmem:s22+$0x9830] =	vst v0  }
0x41c: {  	[tilespmem:s22+$0x9840] =	vst v0  }
0x41d: {  	[tilespmem:s22+$0x9850] =	vst v0  }
0x41e: {  	[tilespmem:s22+$0x9860] =	vst v0  }
0x41f: {  	[tilespmem:s22+$0x9870] =	vst v0  }
0x420: {  	[tilespmem:s22+$0x9C00] =	vst v0  }
0x421: {  	[tilespmem:s22+$0x9C10] =	vst v0  }
0x422: {  	[tilespmem:s22+$0x9C20] =	vst v0  }
0x423: {  	[tilespmem:s22+$0x9C30] =	vst v0  }
0x424: {  	[tilespmem:s22+$0x9C40] =	vst v0  }
0x425: {  	[tilespmem:s22+$0x9C50] =	vst v0  }
0x426: {  	[tilespmem:s22+$0x9C60] =	vst v0  }
0x427: {  	[tilespmem:s22+$0x9C70] =	vst v0  }
0x428: {  	[tilespmem:s22+$0xA000] =	vst v0  }
0x429: {  	[tilespmem:s22+$0xA010] =	vst v0  }
0x42a: {  	s25 =	simm.s32 $0x0;
	s24 =	simm.s32 $0x2;
	s23 =	simm.s32 $0x0;
	[tilespmem:s22+$0xA020] =	vst v0  }
.LBB2_30:
0x42b: {  	p0 =	sne.s32 s24, $0x1F;
	s25 =	smul.u32 $0x5000, s25;
	[tilespmem:s22+$0xA030] =	vst v0  }
0x42c: {  	s23 =	sadd.s32 $0x80, s23;
	[tilespmem:s22+$0xA040] =	vst v0  }
0x42d: {  	s26 =	sand.u32 $0x380, s23;
	s25 =	sshra.s32 s25, $0x2;
	[tilespmem:s22+$0xA050] =	vst v0  }
0x42e: {  	[tilespmem:s22+$0xA060] =	vst v0;
	s22 =	sor.u32 s26, s25  }
0x42f: {  	[tilespmem:s22+$0xA070] =	vst v0  }
0x430: {  	[tilespmem:s22+$0x9000] =	vst v0  }
0x431: {  	[tilespmem:s22+$0x9010] =	vst v0  }
0x432: {  	[tilespmem:s22+$0x9020] =	vst v0  }
0x433: {  	[tilespmem:s22+$0x9030] =	vst v0  }
0x434: {  	[tilespmem:s22+$0x9040] =	vst v0  }
0x435: {  	[tilespmem:s22+$0x9050] =	vst v0  }
0x436: {  	[tilespmem:s22+$0x9060] =	vst v0  }
0x437: {  	[tilespmem:s22+$0x9070] =	vst v0  }
0x438: {  	[tilespmem:s22+$0x9400] =	vst v0  }
0x439: {  	[tilespmem:s22+$0x9410] =	vst v0  }
0x43a: {  	[tilespmem:s22+$0x9420] =	vst v0  }
0x43b: {  	[tilespmem:s22+$0x9430] =	vst v0  }
0x43c: {  	[tilespmem:s22+$0x9440] =	vst v0  }
0x43d: {  	[tilespmem:s22+$0x9450] =	vst v0  }
0x43e: {  	[tilespmem:s22+$0x9460] =	vst v0  }
0x43f: {  	[tilespmem:s22+$0x9470] =	vst v0  }
0x440: {  	[tilespmem:s22+$0x9800] =	vst v0  }
0x441: {  	[tilespmem:s22+$0x9810] =	vst v0  }
0x442: {  	[tilespmem:s22+$0x9820] =	vst v0  }
0x443: {  	[tilespmem:s22+$0x9830] =	vst v0  }
0x444: {  	[tilespmem:s22+$0x9840] =	vst v0  }
0x445: {  	[tilespmem:s22+$0x9850] =	vst v0  }
0x446: {  	[tilespmem:s22+$0x9860] =	vst v0  }
0x447: {  	[tilespmem:s22+$0x9870] =	vst v0  }
0x448: {  	[tilespmem:s22+$0x9C00] =	vst v0  }
0x449: {  	[tilespmem:s22+$0x9C10] =	vst v0  }
0x44a: {  	[tilespmem:s22+$0x9C20] =	vst v0  }
0x44b: {  	[tilespmem:s22+$0x9C30] =	vst v0  }
0x44c: {  	[tilespmem:s22+$0x9C40] =	vst v0  }
0x44d: {  	[tilespmem:s22+$0x9C50] =	vst v0  }
.Ltmp14:
0x44e: {  	[tilespmem:s22+$0x9C60] =	vst v0;
	(pc) =	sbr.rel @p0 .LBB2_30-.Ltmp14, $4  }
0x44f: {  	[tilespmem:s22+$0x9C70] =	vst v0  }
0x450: {  	[tilespmem:s22+$0xA000] =	vst v0  }
0x451: {  	[tilespmem:s22+$0xA010] =	vst v0  }
0x452: {  	s25 =	sshrl.u32 s24, $0x3;
	s24 =	sadd.s32 $0x1, s24;
	[tilespmem:s22+$0xA020] =	vst v0  }
0x453: {  	s24 =	smul.u32 $0x5000, s25;
	[tilespmem:s22+$0xA030] =	vst v0  }
0x454: {  	[tilespmem:s22+$0xA040] =	vst v0;
	s23 =	sadd.s32 $0x80, s23  }
0x455: {  	[tilespmem:s22+$0xA050] =	vst v0;
	s23 =	sand.u32 $0x380, s23;
	s24 =	sshra.s32 s24, $0x2  }
0x456: {  	[tilespmem:s22+$0xA060] =	vst v0;
	s23 =	sor.u32 s23, s24  }
0x457: {  	[tilespmem:s23+$0xA070] =	vst v0  }
0x458: {  	[tilespmem:s23+$0x9000] =	vst v0  }
0x459: {  	[tilespmem:s23+$0x9010] =	vst v0  }
0x45a: {  	[tilespmem:s23+$0x9020] =	vst v0  }
0x45b: {  	[tilespmem:s23+$0x9030] =	vst v0  }
0x45c: {  	[tilespmem:s23+$0x9040] =	vst v0  }
0x45d: {  	[tilespmem:s23+$0x9050] =	vst v0  }
0x45e: {  	[tilespmem:s23+$0x9060] =	vst v0  }
0x45f: {  	[tilespmem:s23+$0x9070] =	vst v0  }
0x460: {  	[tilespmem:s23+$0x9400] =	vst v0  }
0x461: {  	[tilespmem:s23+$0x9410] =	vst v0  }
0x462: {  	[tilespmem:s23+$0x9420] =	vst v0  }
0x463: {  	[tilespmem:s23+$0x9430] =	vst v0  }
0x464: {  	[tilespmem:s23+$0x9440] =	vst v0  }
0x465: {  	[tilespmem:s23+$0x9450] =	vst v0  }
0x466: {  	[tilespmem:s23+$0x9460] =	vst v0  }
0x467: {  	[tilespmem:s23+$0x9470] =	vst v0  }
0x468: {  	[tilespmem:s23+$0x9800] =	vst v0  }
0x469: {  	[tilespmem:s23+$0x9810] =	vst v0  }
0x46a: {  	[tilespmem:s23+$0x9820] =	vst v0  }
0x46b: {  	[tilespmem:s23+$0x9830] =	vst v0  }
0x46c: {  	[tilespmem:s23+$0x9840] =	vst v0  }
0x46d: {  	[tilespmem:s23+$0x9850] =	vst v0  }
0x46e: {  	[tilespmem:s23+$0x9860] =	vst v0  }
0x46f: {  	[tilespmem:s23+$0x9870] =	vst v0  }
0x470: {  	[tilespmem:s23+$0x9C00] =	vst v0  }
0x471: {  	[tilespmem:s23+$0x9C10] =	vst v0  }
0x472: {  	[tilespmem:s23+$0x9C20] =	vst v0  }
0x473: {  	[tilespmem:s23+$0x9C30] =	vst v0  }
0x474: {  	[tilespmem:s23+$0x9C40] =	vst v0  }
0x475: {  	[tilespmem:s23+$0x9C50] =	vst v0  }
0x476: {  	[tilespmem:s23+$0x9C60] =	vst v0  }
0x477: {  	[tilespmem:s23+$0x9C70] =	vst v0  }
0x478: {  	[tilespmem:s23+$0xA000] =	vst v0  }
0x479: {  	[tilespmem:s23+$0xA010] =	vst v0  }
0x47a: {  	[tilespmem:s23+$0xA020] =	vst v0  }
0x47b: {  	[tilespmem:s23+$0xA030] =	vst v0  }
0x47c: {  	[tilespmem:s23+$0xA040] =	vst v0  }
0x47d: {  	[tilespmem:s23+$0xA050] =	vst v0  }
0x47e: {  	s22 =	simm.s32 $0x0;
	[tilespmem:s23+$0xA060] =	vst v0;
	s23 =	simm.s32 $0x0  }
.LBB2_32:
0x47f: {  	s24 =	sand.u32 $0x3800, s21;
	s25 =	sand.u32 $0x380, s22  }
0x480: {  	s24 =	sor.u32 s25, s24  }
0x481: {  	v4 =	vld [tilespmem:s24+$0x460];
	_ =	sdelay $0x4  }
0x482: {  	v5 =	vshll.u32 v4, $0x3  }
0x483: {  	v4 =	vand.u32 $0x7F, v4;
	v5 =	vand.u32 $0xFFFFFC00, v5  }
0x484: {  	v4 =	vor.u32 v4, v5  }
0x485: {  	v4 =	vadd.s32 v2, v4;
	_ =	sdelay $0x2  }
0x486: {  	p0 =	slt.u32 s23, $0x1E  }
0x487: {  	v5 =	vpsel !p0, $0x10000, v1  }
0x488: {  	[tilespmem:v4+s17+$0x0] =	vst.idx.add.s32.msk $0xffff, v5  }
0x489: {  	v4 =	vld [tilespmem:s24+$0x470];
	_ =	sdelay $0x4  }
0x48a: {  	v6 =	vshll.u32 v4, $0x3  }
0x48b: {  	v4 =	vand.u32 $0x7F, v4;
	v6 =	vand.u32 $0xFFFFFC00, v6  }
0x48c: {  	v4 =	vor.u32 v4, v6  }
0x48d: {  	p0 =	sne.s32 s23, $0x3B;
	v4 =	vadd.s32 v3, v4  }
.Ltmp15:
0x48e: {  	_ = 	snop;
	(pc) =	sbr.rel @p0 .LBB2_32-.Ltmp15, $2  }
0x48f: {  	_ =	sdelay $0x2  }
0x490: {  	s22 =	sadd.s32 $0x80, s22;
	s21 =	sadd.s32 $0x100, s21;
	s23 =	sadd.s32 $0x1, s23;
	[tilespmem:v4+s17+$0x0] =	vst.idx.add.s32.msk $0xffff, v5  }
0x491: {  	[hbm4b:s11+s2] =	stream.linear.scatter [tilespmem:s17], [sflag:$0x2], $0x5000, $0x38;
	[tilespmem:$0xE000] =	vst v63  }
0x492: {  	s20 =	sadd.s32 $0x1, s20  }
0x493: {  	_ =	swait.ge [sflag:s18], $0x5000;
	p0 =	sne.s32 s20, s12  }
.Ltmp16:
0x494: {  	[sflag:s18] =	ssyncset.done $0x0;
	(pc) =	sbr.rel @p0 .LBB2_1-.Ltmp16, $4  }
0x495: {  	[sflag:s18] =	ssyncadd.s32 $0xFFFFB000  }
0x496: {  	_ =	swait.ge [sflag:s19], $0x5000  }
0x497: {  	[sflag:s19] =	ssyncset.done $0x0  }
0x498: {  	[sflag:s19] =	ssyncadd.s32 $0xFFFFB000  }
0x499: {  	_ =	sfence.sel $0x180000  }
0x49a: {  	[bflag:$0x0] =	sbarrier.arrive $0xFFFF  }
0x49b: {  	p0 =	sne.s32 s0, $0x0;
	_ =	strace $0x90000047  }
0x49c: {  	s0 =	sadd.s32 @!p0 $0x100000, s1;
	[bflag:$0x2] =	sbarrier.arrive $0xFFFF  }
0x49d: {  	[sflag:s0] =	ssyncadd.tile.s32 @!p0 $0x1;
	_ =	shalt  }
.Lfunc_end2:
_tile_overlayer_lowered:
.L_overlay_start_2:
0x49e: {  	(tag) =	ssettag $0x2  }
0x49f: {  	s0 =	rddreg [dreg:$0x0];
	s2 =	stileid.u32  }
0x4a0: {  	s1 =	rddreg [dreg:$0x1];
	p0 =	sne.s32 s2, $0x0  }
0x4a1: {  	s3 =	rddreg [dreg:$0x2];
	[bflag:$0x3] =	sbarrier.arrive $0xFFFF;
	s2 =	simm.s32 @!p0 $0x1C03  }
0x4a2: {  	[timem:s3], [sflag:s2] =	dma.local @!p0 [hbm:s0], s1  }
0x4a3: {  	s0 =	simm.s32 @!p0 $0x3  }
0x4a4: {  	_ =	swait.ge @!p0 [sflag:s0], s1  }
0x4a5: {  	s1 =	ssub.s32 @!p0 $0x0, s1;
	[sflag:s0] =	ssyncset.done @!p0 $0x0  }
0x4a6: {  	[sflag:s0] =	ssyncadd.s32 @!p0 s1  }
0x4a7: {  	[bflag:$0x3] =	sbarrier.arrive $0xFFFF  }
0x4a8: {  	_ =	shalt  }

</sc_bundles>
